<compile_context>
chip_gen: v7x
topology: tpu7x:2x2x1
jax: 0.10.2.dev20260603
libtpu: 0.0.44.dev20260713+nightly
codegen_flags: <defaults>
</compile_context>

<pallas_src>
import functools

import jax
import jax.numpy as jnp
from jax import lax
from jax.experimental import pallas as pl
from jax.experimental.pallas import tpu as pltpu
from jax.experimental.pallas import tpu_sc as plsc

NC, NS, LANES = 2, 16, 16
NW = NC * NS
CH = 1024
CHB = 256
BLK = 2048


def _cdiv(a, b):
    return (a + b - 1) // b


def _mesh():
    return plsc.VectorSubcoreMesh(
        core_axis_name="c", subcore_axis_name="s",
        num_cores=NC, num_subcores=NS)



def _tc1(x_p, w1, as1, ad1, np_, blk):
    def body(x_ref, w1_ref, as_ref, ad_ref, ts_ref, td_ref):
        h = jnp.dot(x_ref[...], w1_ref[...],
                    preferred_element_type=jnp.float32)
        ri = lax.broadcasted_iota(jnp.int32, (64, 8), 0)
        ci = lax.broadcasted_iota(jnp.int32, (64, 8), 1)
        msk = (ci == (ri >> 3)).astype(jnp.float32)
        ts_ref[...] = jnp.dot(h, as_ref[...] * msk,
                              preferred_element_type=jnp.float32)
        td_ref[...] = jnp.dot(h, ad_ref[...] * msk,
                              preferred_element_type=jnp.float32)

    grid = (np_ // blk,)
    return pl.pallas_call(
        body,
        grid=grid,
        in_specs=[
            pl.BlockSpec((blk, 2), lambda i: (i, 0)),
            pl.BlockSpec((2, 64), lambda i: (0, 0)),
            pl.BlockSpec((64, 1), lambda i: (0, 0)),
            pl.BlockSpec((64, 1), lambda i: (0, 0)),
        ],
        out_specs=[
            pl.BlockSpec((blk, 8), lambda i: (i, 0)),
            pl.BlockSpec((blk, 8), lambda i: (i, 0)),
        ],
        out_shape=[
            jax.ShapeDtypeStruct((np_, 8), jnp.float32),
            jax.ShapeDtypeStruct((np_, 8), jnp.float32),
        ],
    )(x_p, w1, as1, ad1)


def _tc2(den_p, n, np_, blk):
    def body(dp_ref, rd_ref):
        i = pl.program_id(0)
        d = dp_ref[0] + dp_ref[1]
        rows = i * blk + lax.broadcasted_iota(jnp.int32, (blk, 8), 0)
        rd_ref[...] = jnp.where(rows < n, 1.0 / (d + 1e-16), 0.0)

    return pl.pallas_call(
        body,
        grid=(np_ // blk,),
        in_specs=[pl.BlockSpec((2, blk, 8), lambda i: (0, i, 0))],
        out_specs=pl.BlockSpec((blk, 8), lambda i: (i, 0)),
        out_shape=jax.ShapeDtypeStruct((np_, 8), jnp.float32),
    )(den_p)


def _tc3(g_p, rden, w1, b1r, w2, as2, ad2, np_, blk):
    def body(gp_ref, rd_ref, w1_ref, b1_ref, w2_ref, as2_ref, ad2_ref,
             t2_ref):
        g = gp_ref[0] + gp_ref[1]
        rd = rd_ref[...]
        gn0 = g[:, 0:8] * rd
        gn1 = g[:, 8:16] * rd
        ri = lax.broadcasted_iota(jnp.int32, (8, 64), 0)
        ci = lax.broadcasted_iota(jnp.int32, (8, 64), 1)
        e8 = (ri == (ci >> 3)).astype(jnp.float32)
        h1 = (jnp.dot(gn0, e8 * w1_ref[0:1, :],
                      preferred_element_type=jnp.float32)
              + jnp.dot(gn1, e8 * w1_ref[1:2, :],
                        preferred_element_type=jnp.float32)
              + b1_ref[...])
        h1 = jnp.where(h1 > 0, h1, jnp.exp(jnp.minimum(h1, 0.0)) - 1.0)
        h2p = jnp.dot(h1, w2_ref[...], preferred_element_type=jnp.float32)
        a2s = jnp.sum(h2p * as2_ref[...], axis=1, keepdims=True)
        a2d = jnp.sum(h2p * ad2_ref[...], axis=1, keepdims=True)
        t2_ref[...] = jnp.concatenate(
            [a2s, a2d, h2p, jnp.zeros_like(h2p), jnp.zeros_like(h2p)],
            axis=1)

    return pl.pallas_call(
        body,
        grid=(np_ // blk,),
        in_specs=[
            pl.BlockSpec((2, blk, 16), lambda i: (0, i, 0)),
            pl.BlockSpec((blk, 8), lambda i: (i, 0)),
            pl.BlockSpec((2, 64), lambda i: (0, 0)),
            pl.BlockSpec((1, 64), lambda i: (0, 0)),
            pl.BlockSpec((64, 2), lambda i: (0, 0)),
            pl.BlockSpec((1, 2), lambda i: (0, 0)),
            pl.BlockSpec((1, 2), lambda i: (0, 0)),
        ],
        out_specs=pl.BlockSpec((blk, 8), lambda i: (i, 0)),
        out_shape=jax.ShapeDtypeStruct((np_, 8), jnp.float32),
    )(g_p, rden, w1, b1r, w2, as2, ad2)


def _tc4(acc2_p, b2r, n, np_, blk):
    def body(ap_ref, b2_ref, h2_ref, rdt_ref):
        i = pl.program_id(0)
        a = ap_ref[0] + ap_ref[1]
        rows = i * blk + lax.broadcasted_iota(jnp.int32, (blk, 1), 0)
        rd2 = jnp.where(rows < n, 1.0 / (a[:, 0:1] + 1e-16), 0.0)
        h2_ref[...] = a[:, 1:3] * rd2 + b2_ref[...]
        rdt_ref[...] = jnp.broadcast_to(rd2, (blk, 8))

    return pl.pallas_call(
        body,
        grid=(np_ // blk,),
        in_specs=[
            pl.BlockSpec((2, blk, 8), lambda i: (0, i, 0)),
            pl.BlockSpec((1, 2), lambda i: (0, 0)),
        ],
        out_specs=[
            pl.BlockSpec((blk, 2), lambda i: (i, 0)),
            pl.BlockSpec((blk, 8), lambda i: (i, 0)),
        ],
        out_shape=[
            jax.ShapeDtypeStruct((np_, 2), jnp.float32),
            jax.ShapeDtypeStruct((np_, 8), jnp.float32),
        ],
    )(acc2_p, b2r)



def _sca(src, dst, t1s, t1d, z8, np_, cpw):
    ep = src.shape[0]
    npt = np_ // NS
    zr = z8.shape[0]
    nz = npt // zr

    @functools.partial(
        pl.kernel,
        out_type=(jax.ShapeDtypeStruct((ep, 8), jnp.float32),
                  jax.ShapeDtypeStruct((NC, np_, 8), jnp.float32)),
        mesh=_mesh(),
        compiler_params=pltpu.CompilerParams(needs_layout_passes=False, use_tc_tiling_on_sc=False),
        scratch_types=[
            pltpu.VMEM((CH,), jnp.int32), pltpu.VMEM((CH,), jnp.int32),
            pltpu.VMEM((CH, 8), jnp.float32), pltpu.VMEM((CH, 8), jnp.float32),
            pltpu.VMEM((CH, 8), jnp.float32), pltpu.VMEM((zr, 8), jnp.float32),
            pltpu.VMEM_SHARED((np_, 8), jnp.float32),
            pltpu.SemaphoreType.DMA, pltpu.SemaphoreType.DMA,
        ],
    )
    def k(src_h, dst_h, t1s_h, t1d_h, z8_h, s_out_h, den_out_h,
          src_v, dst_v, gs_v, gd_v, s_v, zb_v, den_sh, sem1, sem2):
        c = lax.axis_index("c")
        t = lax.axis_index("s")
        wid = t * NC + c
        lane = lax.iota(jnp.int32, 16)

        pltpu.sync_copy(z8_h, zb_v)

        def zloop(r, u):
            pltpu.sync_copy(zb_v, den_sh.at[pl.ds(t * npt + r * zr, zr), :])
            return u
        lax.fori_loop(0, nz, zloop, 0)
        plsc.subcore_barrier()

        def chunk(kk, u):
            base = (wid * cpw + kk) * CH
            pltpu.sync_copy(src_h.at[pl.ds(base, CH)], src_v)
            pltpu.sync_copy(dst_h.at[pl.ds(base, CH)], dst_v)
            cp1 = pltpu.make_async_copy(t1s_h.at[src_v], gs_v, sem1)
            cp1.start()
            cp2 = pltpu.make_async_copy(t1d_h.at[dst_v], gd_v, sem2)
            cp2.start()
            cp1.wait()
            cp2.wait()

            def inner(i, v):
                e16 = 2 * i + (lane >> 3)
                h16 = lane & 7
                a = (plsc.load_gather(gs_v, [e16, h16])
                     + plsc.load_gather(gd_v, [e16, h16]))
                sv = jnp.exp(jnp.maximum(a, 0.2 * a))
                plsc.store_scatter(s_v, [e16, h16], sv)
                return v
            lax.fori_loop(0, CH * 8 // 16, inner, 0, unroll=4)

            pltpu.sync_copy(s_v, s_out_h.at[pl.ds(base, CH), :])
            pltpu.sync_copy(s_v, den_sh.at[dst_v], add=True)
            return u
        lax.fori_loop(0, cpw, chunk, 0)
        plsc.subcore_barrier()

        def rloop(r, u):
            sl = pl.ds(t * npt + r * zr, zr)
            pltpu.sync_copy(den_sh.at[sl, :], zb_v)
            pltpu.sync_copy(zb_v, den_out_h.at[c, sl, :])
            return u
        lax.fori_loop(0, nz, rloop, 0)

    return k(src, dst, t1s, t1d, z8)


def _scb(src, dst, s_in, rden, x_p, z16, np_, cpw, etot):
    ep = src.shape[0]
    npt = np_ // NS
    zr = z16.shape[0]
    nz = npt // zr
    tail = etot % CHB

    @functools.partial(
        pl.kernel,
        out_type=(jax.ShapeDtypeStruct((etot * 8,), jnp.float32),
                  jax.ShapeDtypeStruct((NC, np_, 16), jnp.float32)),
        mesh=_mesh(),
        compiler_params=pltpu.CompilerParams(needs_layout_passes=False, use_tc_tiling_on_sc=False),
        scratch_types=[
            pltpu.VMEM((CHB,), jnp.int32), pltpu.VMEM((CHB,), jnp.int32),
            pltpu.VMEM((CHB, 8), jnp.float32), pltpu.VMEM((CHB, 8), jnp.float32),
            pltpu.VMEM((CHB * 8,), jnp.float32), pltpu.VMEM((CHB, 8), jnp.float32),
            pltpu.VMEM((CHB, 16), jnp.float32),
            pltpu.VMEM((zr, 16), jnp.float32),
            pltpu.VMEM_SHARED((np_, 16), jnp.float32),
            pltpu.SemaphoreType.DMA, pltpu.SemaphoreType.DMA,
        ],
    )
    def k(src_h, dst_h, s_in_h, rden_h, x_h, z16_h, attn_h, g_out_h,
          src_v, dst_v, s_v, rd_v, at_v, x_v, p_v, zb_v,
          g_sh, sem1, sem2):
        c = lax.axis_index("c")
        t = lax.axis_index("s")
        wid = t * NC + c
        lane = lax.iota(jnp.int32, 16)

        pltpu.sync_copy(z16_h, zb_v)

        def zloop(r, u):
            pltpu.sync_copy(zb_v, g_sh.at[pl.ds(t * npt + r * zr, zr), :])
            return u
        lax.fori_loop(0, nz, zloop, 0)
        plsc.subcore_barrier()

        def chunk(kk, u):
            base = (wid * cpw + kk) * CHB
            pltpu.sync_copy(src_h.at[pl.ds(base, CHB)], src_v)
            pltpu.sync_copy(dst_h.at[pl.ds(base, CHB)], dst_v)
            pltpu.sync_copy(s_in_h.at[pl.ds(base, CHB), :], s_v)
            cp1 = pltpu.make_async_copy(rden_h.at[dst_v], rd_v, sem1)
            cp1.start()
            cp2 = pltpu.make_async_copy(x_h.at[src_v], x_v, sem2)
            cp2.start()
            cp1.wait()
            cp2.wait()

            def inner1(i, v):
                e16 = 2 * i + (lane >> 3)
                h16 = lane & 7
                at = (plsc.load_gather(s_v, [e16, h16])
                      * plsc.load_gather(rd_v, [e16, h16]))
                at_v[pl.ds(16 * i, 16)] = at
                return v
            lax.fori_loop(0, CHB * 8 // 16, inner1, 0, unroll=4)

            def inner2(e, v):
                eb = lane * 0 + e
                p = (plsc.load_gather(s_v, [eb, lane & 7])
                     * plsc.load_gather(x_v, [eb, lane >> 3]))
                plsc.store_scatter(p_v, [eb, lane], p)
                return v
            lax.fori_loop(0, CHB, inner2, 0, unroll=4)

            @pl.when(base + CHB <= etot)
            def _():
                pltpu.sync_copy(at_v, attn_h.at[pl.ds(base * 8, CHB * 8)])

            if tail:
                @pl.when(base + CHB - etot == CHB - tail)
                def _():
                    pltpu.sync_copy(
                        at_v.at[pl.ds(0, tail * 8)],
                        attn_h.at[pl.ds((etot - tail) * 8, tail * 8)])
            pltpu.sync_copy(p_v, g_sh.at[dst_v], add=True)
            return u
        lax.fori_loop(0, cpw, chunk, 0)
        plsc.subcore_barrier()

        def rloop(r, u):
            sl = pl.ds(t * npt + r * zr, zr)
            pltpu.sync_copy(g_sh.at[sl, :], zb_v)
            pltpu.sync_copy(zb_v, g_out_h.at[c, sl, :])
            return u
        lax.fori_loop(0, nz, rloop, 0)

    return k(src, dst, s_in, rden, x_p, z16)


def _l2a(src, dst, t2, z8, np_, cpw):
    ep = src.shape[0]
    npt = np_ // NS
    zr = z8.shape[0]
    nz = npt // zr

    @functools.partial(
        pl.kernel,
        out_type=(jax.ShapeDtypeStruct((ep,), jnp.float32),
                  jax.ShapeDtypeStruct((NC, np_, 8), jnp.float32)),
        mesh=_mesh(),
        compiler_params=pltpu.CompilerParams(needs_layout_passes=False, use_tc_tiling_on_sc=False),
        scratch_types=[
            pltpu.VMEM((CHB,), jnp.int32), pltpu.VMEM((CHB,), jnp.int32),
            pltpu.VMEM((CHB, 8), jnp.float32), pltpu.VMEM((CHB, 8), jnp.float32),
            pltpu.VMEM((CHB,), jnp.float32), pltpu.VMEM((CHB, 8), jnp.float32),
            pltpu.VMEM((zr, 8), jnp.float32),
            pltpu.VMEM_SHARED((np_, 8), jnp.float32),
            pltpu.VMEM_SHARED((np_, 8), jnp.float32),
            pltpu.SemaphoreType.DMA, pltpu.SemaphoreType.DMA,
        ],
    )
    def k(src_h, dst_h, t2_h, z8_h, s2_out_h, acc_out_h,
          src_v, dst_v, g2s_v, g2d_v, s2_v, p2_v, zb_v,
          t2_sh, acc_sh, sem1, sem2):
        c = lax.axis_index("c")
        t = lax.axis_index("s")
        wid = t * NC + c
        lane = lax.iota(jnp.int32, 16)

        pltpu.sync_copy(z8_h, zb_v)

        def zloop(r, u):
            pltpu.sync_copy(zb_v, acc_sh.at[pl.ds(t * npt + r * zr, zr), :])
            return u
        lax.fori_loop(0, nz, zloop, 0)

        def sloop(r, u):
            sl = pl.ds(t * npt + r * zr, zr)
            pltpu.sync_copy(t2_h.at[sl, :], zb_v)
            pltpu.sync_copy(zb_v, t2_sh.at[sl, :])
            return u
        lax.fori_loop(0, nz, sloop, 0)
        plsc.subcore_barrier()

        def chunk(kk, u):
            base = (wid * cpw + kk) * CHB
            pltpu.sync_copy(src_h.at[pl.ds(base, CHB)], src_v)
            pltpu.sync_copy(dst_h.at[pl.ds(base, CHB)], dst_v)
            cp1 = pltpu.make_async_copy(t2_sh.at[src_v], g2s_v, sem1)
            cp1.start()
            cp2 = pltpu.make_async_copy(t2_sh.at[dst_v], g2d_v, sem2)
            cp2.start()
            cp1.wait()
            cp2.wait()

            def inner1(i, v):
                e16 = 16 * i + lane
                a = (plsc.load_gather(g2s_v, [e16, lane * 0])
                     + plsc.load_gather(g2d_v, [e16, lane * 0 + 1]))
                s2 = jnp.exp(jnp.maximum(a, 0.2 * a))
                s2_v[pl.ds(16 * i, 16)] = s2
                return v
            lax.fori_loop(0, CHB // 16, inner1, 0, unroll=4)

            def inner2(i, v):
                er = 2 * i + (lane >> 3)
                col = lane & 7
                s2g = plsc.load_gather(s2_v, [er])
                hv = plsc.load_gather(g2s_v, [er, jnp.minimum(col + 1, 7)])
                p2 = jnp.where(col == 0, s2g, s2g * hv)
                plsc.store_scatter(p2_v, [er, col], p2)
                return v
            lax.fori_loop(0, CHB // 2, inner2, 0, unroll=4)

            pltpu.sync_copy(s2_v, s2_out_h.at[pl.ds(base, CHB)])
            pltpu.sync_copy(p2_v, acc_sh.at[dst_v], add=True)
            return u
        lax.fori_loop(0, cpw, chunk, 0)
        plsc.subcore_barrier()

        def rloop(r, u):
            sl = pl.ds(t * npt + r * zr, zr)
            pltpu.sync_copy(acc_sh.at[sl, :], zb_v)
            pltpu.sync_copy(zb_v, acc_out_h.at[c, sl, :])
            return u
        lax.fori_loop(0, nz, rloop, 0)

    return k(src, dst, t2, z8)


def _l2b(dst, s2, rdt, np_, cpw, etot):
    ep = dst.shape[0]
    npt = np_ // NS
    zr = npt // 4
    nz = 4
    tail = etot % CH

    @functools.partial(
        pl.kernel,
        out_type=jax.ShapeDtypeStruct((etot,), jnp.float32),
        mesh=_mesh(),
        compiler_params=pltpu.CompilerParams(needs_layout_passes=False, use_tc_tiling_on_sc=False),
        scratch_types=[
            pltpu.VMEM((CH,), jnp.int32), pltpu.VMEM((CH,), jnp.float32),
            pltpu.VMEM((CH, 8), jnp.float32), pltpu.VMEM((CH,), jnp.float32),
            pltpu.VMEM((zr, 8), jnp.float32),
            pltpu.VMEM_SHARED((np_, 8), jnp.float32),
            pltpu.SemaphoreType.DMA,
        ],
    )
    def k(dst_h, s2_h, rdt_h, attn_h,
          dst_v, s2_v, rg_v, at_v, zb_v, rd_sh, sem1):
        c = lax.axis_index("c")
        t = lax.axis_index("s")
        wid = t * NC + c
        lane = lax.iota(jnp.int32, 16)

        def sloop(r, u):
            sl = pl.ds(t * npt + r * zr, zr)
            pltpu.sync_copy(rdt_h.at[sl, :], zb_v)
            pltpu.sync_copy(zb_v, rd_sh.at[sl, :])
            return u
        lax.fori_loop(0, nz, sloop, 0)
        plsc.subcore_barrier()

        def chunk(kk, u):
            base = (wid * cpw + kk) * CH
            pltpu.sync_copy(dst_h.at[pl.ds(base, CH)], dst_v)
            pltpu.sync_copy(s2_h.at[pl.ds(base, CH)], s2_v)
            pltpu.make_async_copy(rd_sh.at[dst_v], rg_v, sem1).start()
            pltpu.make_async_copy(rd_sh.at[dst_v], rg_v, sem1).wait()

            def inner(i, v):
                e16 = 16 * i + lane
                rv = plsc.load_gather(rg_v, [e16, lane * 0])
                at_v[pl.ds(16 * i, 16)] = s2_v[pl.ds(16 * i, 16)] * rv
                return v
            lax.fori_loop(0, CH // 16, inner, 0, unroll=4)

            @pl.when(base + CH <= etot)
            def _():
                pltpu.sync_copy(at_v, attn_h.at[pl.ds(base, CH)])

            if tail:
                @pl.when(base + CH - etot == CH - tail)
                def _():
                    pltpu.sync_copy(at_v.at[pl.ds(0, tail)],
                                    attn_h.at[pl.ds(etot - tail, tail)])
            return u
        lax.fori_loop(0, cpw, chunk, 0)

    return k(dst, s2, rdt)



def kernel(x, edge_index, W1, att_src1, att_dst1, b1,
           W2, att_src2, att_dst2, b2):
    n = x.shape[0]
    e = edge_index.shape[1]
    etot = e + n

    cpw = _cdiv(etot, NW * CH)
    ep = NW * cpw * CH
    np_ = BLK * _cdiv(n + 1, BLK)
    npt = np_ // NS
    zr = npt // 4

    loop = jnp.arange(n, dtype=jnp.int32)
    src = jnp.concatenate([edge_index[0].astype(jnp.int32), loop,
                           jnp.zeros((ep - etot,), jnp.int32)])
    dst = jnp.concatenate([edge_index[1].astype(jnp.int32), loop,
                           jnp.full((ep - etot,), n, jnp.int32)])
    x_p = jnp.zeros((np_, 2), jnp.float32).at[:n].set(x)
    x8_p = jnp.zeros((np_, 8), jnp.float32).at[:n, 0:2].set(x)
    z8 = jnp.zeros((zr, 8), jnp.float32)
    z16 = jnp.zeros((npt // 16, 16), jnp.float32)
    as1 = att_src1.reshape(64, 1)
    ad1 = att_dst1.reshape(64, 1)
    b1r = b1.reshape(1, 64)
    b2r = b2.reshape(1, 2)
    as2 = att_src2.reshape(1, 2)
    ad2 = att_dst2.reshape(1, 2)

    t1s, t1d = _tc1(x_p, W1, as1, ad1, np_, BLK)
    s1, den_p = _sca(src, dst, t1s, t1d, z8, np_, cpw)
    rden = _tc2(den_p, n, np_, BLK)
    attn1f, g_p = _scb(src, dst, s1, rden, x8_p, z16, np_,
                       cpw * (CH // CHB), etot)
    t2 = _tc3(g_p, rden, W1, b1r, W2, as2, ad2, np_, BLK)
    s2, acc2_p = _l2a(src, dst, t2, z8, np_, cpw * (CH // CHB))
    h2_p, rdt = _tc4(acc2_p, b2r, n, np_, BLK)
    attn2f = _l2b(dst, s2, rdt, np_, cpw, etot)

    return (h2_p[:n],
            (attn1f.reshape(etot, 8), attn2f.reshape(etot, 1)))

# --- scband reference (transcript-rebuilt; emitter-appended) ---
"""Pipeline reference for scband-gatnet-81415400063709 (READ-ONLY COPY).

The authoritative reference and input builder live on the scoring server;
editing this copy changes nothing except your own understanding.
"""

import jax, jax.numpy as jnp
import numpy as np

N = 100000
E = 1600000

def gat_conv(x, edge_index, W, att_src, att_dst, bias, heads, out_ch, concat):
    n = x.shape[0]
    loop = jnp.arange(n, dtype=edge_index.dtype)
    src = jnp.concatenate([edge_index[0], loop])
    dst = jnp.concatenate([edge_index[1], loop])
    h = (x @ W).reshape(n, heads, out_ch)
    a_src = (h * att_src[None]).sum(-1)
    a_dst = (h * att_dst[None]).sum(-1)
    alpha = a_src[src] + a_dst[dst]
    alpha = jax.nn.leaky_relu(alpha, 0.2)
    amax = jax.ops.segment_max(alpha, dst, num_segments=n)
    amax = jnp.where(jnp.isfinite(amax), amax, 0.0)
    ex = jnp.exp(alpha - amax[dst])
    denom = jax.ops.segment_sum(ex, dst, num_segments=n)
    alpha = ex / (denom[dst] + 1e-16)
    out = jax.ops.segment_sum(h[src] * alpha[:, :, None], dst, num_segments=n)
    if concat:
        out = out.reshape(n, heads * out_ch)
    else:
        out = out.mean(axis=1)
    return out + bias, alpha

def setup_inputs(seed: int = 0):
    key = jax.random.key(seed)
    ks = jax.random.split(key, 10)
    x = jax.random.normal(ks[0], (N, 2), dtype=jnp.float32)
    edge_index = jax.random.randint(ks[1], (2, E), 0, N, dtype=jnp.int32)
    W1 = jax.random.normal(ks[2], (2, 64), dtype=jnp.float32) * 0.5
    att_src1 = jax.random.normal(ks[3], (8, 8), dtype=jnp.float32) * 0.3
    att_dst1 = jax.random.normal(ks[4], (8, 8), dtype=jnp.float32) * 0.3
    b1 = jnp.zeros((64,), jnp.float32)
    W2 = jax.random.normal(ks[5], (64, 2), dtype=jnp.float32) * 0.125
    att_src2 = jax.random.normal(ks[6], (1, 2), dtype=jnp.float32) * 0.3
    att_dst2 = jax.random.normal(ks[7], (1, 2), dtype=jnp.float32) * 0.3
    b2 = jnp.zeros((2,), jnp.float32)
    return {"x": x, "edge_index": edge_index, "W1": W1, "att_src1": att_src1, "att_dst1": att_dst1, "b1": b1, "W2": W2, "att_src2": att_src2, "att_dst2": att_dst2, "b2": b2}

def reference(x, edge_index, W1, att_src1, att_dst1, b1, W2, att_src2, att_dst2, b2):
    h1, attn1 = gat_conv(x, edge_index, W1, att_src1, att_dst1, b1, 8, 8, True)
    h1 = jax.nn.elu(h1)
    h2, attn2 = gat_conv(h1, edge_index, W2, att_src2, att_dst2, b2, 1, 2, False)
    return (h2, (attn1, attn2))

if __name__ == "__main__":
    import jax
    _d = setup_inputs()
    print(jax.jit(kernel)(*tuple(_d.values())))

</pallas_src>

<mosaic_0001>
#map = affine_map<(d0, d1) -> (0)>
#map1 = affine_map<(d0, d1) -> (0, 0)>
module attributes {stable_mosaic.version = 14 : i64} {
  func.func @k(%arg0: i32, %arg1: i32, %arg2: memref<1703936xi32, #tpu.memory_space<hbm>>, %arg3: memref<1703936xf32, #tpu.memory_space<hbm>>, %arg4: memref<100352x8xf32, #tpu.memory_space<hbm>>, %arg5: memref<1700000xf32, #tpu.memory_space<hbm>>, %arg6: memref<1024xi32, #tpu.memory_space<vmem>>, %arg7: memref<1024xf32, #tpu.memory_space<vmem>>, %arg8: memref<1024x8xf32, #tpu.memory_space<vmem>>, %arg9: memref<1024xf32, #tpu.memory_space<vmem>>, %arg10: memref<1568x8xf32, #tpu.memory_space<vmem>>, %arg11: memref<100352x8xf32, #tpu.memory_space<vmem_shared>>, %arg12: memref<!tpu.dma_semaphore, #tpu.memory_space<semaphore_mem>>) attributes {dimension_semantics = [#tpu.dimension_semantics<core_parallel>, #tpu.dimension_semantics<subcore_parallel>], iteration_bounds = array<i64: 2, 16>, scalar_prefetch = 0 : i64, scratch_operands = 7 : i64, tpu.core_type = #tpu.core_type<sc_vector_subcore>, window_params = [{transform_indices = #map}, {transform_indices = #map}, {transform_indices = #map1}, {transform_indices = #map}]} {
    %mul3A = arith.constant 2 : i32
    %mul3A_0 = arith.muli %arg1, %mul3A : i32
    %add3A = arith.addi %mul3A_0, %arg0 : i32
    %iota3A = tpu.iota {dimensions = array<i32: 0>} : vector<16xi32>
    %scan3A = arith.constant 0 : i32
    %scan3A_1 = arith.constant 0 : i32
    %scan3A_2 = arith.constant 4 : i32
    %scan3A_3 = arith.addi %scan3A_1, %scan3A_2 : i32
    %scan3A_4 = arith.constant 1 : i32
    scf.for %scan3A_12 = %scan3A_1 to %scan3A_3 step %scan3A_4  : i32 {
      %mul3A_13 = arith.constant 6272 : i32
      %mul3A_14 = arith.muli %arg1, %mul3A_13 : i32
      %mul3A_15 = arith.constant 1568 : i32
      %mul3A_16 = arith.muli %scan3A_12, %mul3A_15 : i32
      %add3A_17 = arith.addi %mul3A_14, %mul3A_16 : i32
      "tpu.region"() ({
        %run_scoped3A = tpu.sem_alloc : memref<!tpu.dma_semaphore, #tpu.memory_space<semaphore_mem>>
        %dma_start3A = arith.constant 0 : i32
        %dma_start3A_18 = tpu.memref_slice %arg4[%add3A_17, %dma_start3A] : memref<100352x8xf32, #tpu.memory_space<hbm>> -> memref<1568x8xf32, #tpu.memory_space<hbm>>
        %dma_start3A_19 = arith.constant 0 : i32
        %dma_start3A_20 = tpu.memref_slice %arg4[%add3A_17, %dma_start3A_19] : memref<100352x8xf32, #tpu.memory_space<hbm>> -> memref<1568x8xf32, #tpu.memory_space<hbm>>
        tpu.enqueue_dma source(%dma_start3A_20 : memref<1568x8xf32, #tpu.memory_space<hbm>>) target(%arg10 : memref<1568x8xf32, #tpu.memory_space<vmem>>) target_semaphore(%run_scoped3A : memref<!tpu.dma_semaphore, #tpu.memory_space<semaphore_mem>>)
        %dma_wait3A = arith.constant 0 : i32
        %dma_wait3A_21 = tpu.memref_slice %arg4[%add3A_17, %dma_wait3A] : memref<100352x8xf32, #tpu.memory_space<hbm>> -> memref<1568x8xf32, #tpu.memory_space<hbm>>
        %dma_wait3A_22 = arith.constant 0 : i32
        %dma_wait3A_23 = tpu.memref_slice %arg4[%add3A_17, %dma_wait3A_22] : memref<100352x8xf32, #tpu.memory_space<hbm>> -> memref<1568x8xf32, #tpu.memory_space<hbm>>
        tpu.wait_dma2 semaphore(%run_scoped3A : memref<!tpu.dma_semaphore, #tpu.memory_space<semaphore_mem>>) src(%dma_wait3A_23 : memref<1568x8xf32, #tpu.memory_space<hbm>>) dst(%arg10 : memref<1568x8xf32, #tpu.memory_space<vmem>>)
        tpu.yield
      }) : () -> ()
      "tpu.region"() ({
        %run_scoped3A = tpu.sem_alloc : memref<!tpu.dma_semaphore, #tpu.memory_space<semaphore_mem>>
        %dma_start3A = arith.constant 0 : i32
        %dma_start3A_18 = tpu.memref_slice %arg11[%add3A_17, %dma_start3A] : memref<100352x8xf32, #tpu.memory_space<vmem_shared>> -> memref<1568x8xf32, #tpu.memory_space<vmem_shared>>
        %dma_start3A_19 = arith.constant 0 : i32
        %dma_start3A_20 = tpu.memref_slice %arg11[%add3A_17, %dma_start3A_19] : memref<100352x8xf32, #tpu.memory_space<vmem_shared>> -> memref<1568x8xf32, #tpu.memory_space<vmem_shared>>
        tpu.enqueue_dma source(%arg10 : memref<1568x8xf32, #tpu.memory_space<vmem>>) target(%dma_start3A_20 : memref<1568x8xf32, #tpu.memory_space<vmem_shared>>) target_semaphore(%run_scoped3A : memref<!tpu.dma_semaphore, #tpu.memory_space<semaphore_mem>>)
        %dma_wait3A = arith.constant 0 : i32
        %dma_wait3A_21 = tpu.memref_slice %arg11[%add3A_17, %dma_wait3A] : memref<100352x8xf32, #tpu.memory_space<vmem_shared>> -> memref<1568x8xf32, #tpu.memory_space<vmem_shared>>
        %dma_wait3A_22 = arith.constant 0 : i32
        %dma_wait3A_23 = tpu.memref_slice %arg11[%add3A_17, %dma_wait3A_22] : memref<100352x8xf32, #tpu.memory_space<vmem_shared>> -> memref<1568x8xf32, #tpu.memory_space<vmem_shared>>
        tpu.wait_dma2 semaphore(%run_scoped3A : memref<!tpu.dma_semaphore, #tpu.memory_space<semaphore_mem>>) src(%arg10 : memref<1568x8xf32, #tpu.memory_space<vmem>>) dst(%dma_wait3A_23 : memref<1568x8xf32, #tpu.memory_space<vmem_shared>>)
        tpu.yield
      }) : () -> ()
    }
    %scan3A_5 = arith.constant 4 : i32
    %barrier3A = arith.constant 0 : index
    tpu.barrier barrier_id(%barrier3A)
    %scan3A_6 = arith.constant 0 : i32
    %scan3A_7 = arith.constant 0 : i32
    %scan3A_8 = arith.constant 52 : i32
    %scan3A_9 = arith.addi %scan3A_7, %scan3A_8 : i32
    %scan3A_10 = arith.constant 1 : i32
    scf.for %scan3A_12 = %scan3A_7 to %scan3A_9 step %scan3A_10  : i32 {
      %mul3A_13 = arith.constant 52 : i32
      %mul3A_14 = arith.muli %add3A, %mul3A_13 : i32
      %add3A_15 = arith.addi %mul3A_14, %scan3A_12 : i32
      %mul3A_16 = arith.constant 1024 : i32
      %mul3A_17 = arith.muli %add3A_15, %mul3A_16 : i32
      "tpu.region"() ({
        %run_scoped3A = tpu.sem_alloc : memref<!tpu.dma_semaphore, #tpu.memory_space<semaphore_mem>>
        %dma_start3A_39 = tpu.memref_slice %arg2[%mul3A_17] : memref<1703936xi32, #tpu.memory_space<hbm>> -> memref<1024xi32, #tpu.memory_space<hbm>>
        %dma_start3A_40 = tpu.memref_slice %arg2[%mul3A_17] : memref<1703936xi32, #tpu.memory_space<hbm>> -> memref<1024xi32, #tpu.memory_space<hbm>>
        tpu.enqueue_dma source(%dma_start3A_40 : memref<1024xi32, #tpu.memory_space<hbm>>) target(%arg6 : memref<1024xi32, #tpu.memory_space<vmem>>) target_semaphore(%run_scoped3A : memref<!tpu.dma_semaphore, #tpu.memory_space<semaphore_mem>>)
        %dma_wait3A_41 = tpu.memref_slice %arg2[%mul3A_17] : memref<1703936xi32, #tpu.memory_space<hbm>> -> memref<1024xi32, #tpu.memory_space<hbm>>
        %dma_wait3A_42 = tpu.memref_slice %arg2[%mul3A_17] : memref<1703936xi32, #tpu.memory_space<hbm>> -> memref<1024xi32, #tpu.memory_space<hbm>>
        tpu.wait_dma2 semaphore(%run_scoped3A : memref<!tpu.dma_semaphore, #tpu.memory_space<semaphore_mem>>) src(%dma_wait3A_42 : memref<1024xi32, #tpu.memory_space<hbm>>) dst(%arg6 : memref<1024xi32, #tpu.memory_space<vmem>>)
        tpu.yield
      }) : () -> ()
      "tpu.region"() ({
        %run_scoped3A = tpu.sem_alloc : memref<!tpu.dma_semaphore, #tpu.memory_space<semaphore_mem>>
        %dma_start3A_39 = tpu.memref_slice %arg3[%mul3A_17] : memref<1703936xf32, #tpu.memory_space<hbm>> -> memref<1024xf32, #tpu.memory_space<hbm>>
        %dma_start3A_40 = tpu.memref_slice %arg3[%mul3A_17] : memref<1703936xf32, #tpu.memory_space<hbm>> -> memref<1024xf32, #tpu.memory_space<hbm>>
        tpu.enqueue_dma source(%dma_start3A_40 : memref<1024xf32, #tpu.memory_space<hbm>>) target(%arg7 : memref<1024xf32, #tpu.memory_space<vmem>>) target_semaphore(%run_scoped3A : memref<!tpu.dma_semaphore, #tpu.memory_space<semaphore_mem>>)
        %dma_wait3A_41 = tpu.memref_slice %arg3[%mul3A_17] : memref<1703936xf32, #tpu.memory_space<hbm>> -> memref<1024xf32, #tpu.memory_space<hbm>>
        %dma_wait3A_42 = tpu.memref_slice %arg3[%mul3A_17] : memref<1703936xf32, #tpu.memory_space<hbm>> -> memref<1024xf32, #tpu.memory_space<hbm>>
        tpu.wait_dma2 semaphore(%run_scoped3A : memref<!tpu.dma_semaphore, #tpu.memory_space<semaphore_mem>>) src(%dma_wait3A_42 : memref<1024xf32, #tpu.memory_space<hbm>>) dst(%arg7 : memref<1024xf32, #tpu.memory_space<vmem>>)
        tpu.yield
      }) : () -> ()
      %dma_start3A = arith.constant 0 : i32
      %dma_start3A_18 = arith.constant 0 : i32
      %dma_start3A_19 = tpu.memref_slice %arg11[%dma_start3A, %dma_start3A_18] : memref<100352x8xf32, #tpu.memory_space<vmem_shared>> -> memref<100352x8xf32, #tpu.memory_space<vmem_shared>>
      tpu.enqueue_indirect_dma source(%dma_start3A_19 : memref<100352x8xf32, #tpu.memory_space<vmem_shared>>) target(%arg8 : memref<1024x8xf32, #tpu.memory_space<vmem>>) offsets(%arg6 : memref<1024xi32, #tpu.memory_space<vmem>>) semaphore(%arg12 : memref<!tpu.dma_semaphore, #tpu.memory_space<semaphore_mem>>)
      %dma_wait3A = arith.constant 0 : i32
      %dma_wait3A_20 = arith.constant 0 : i32
      %dma_wait3A_21 = tpu.memref_slice %arg11[%dma_wait3A, %dma_wait3A_20] : memref<100352x8xf32, #tpu.memory_space<vmem_shared>> -> memref<100352x8xf32, #tpu.memory_space<vmem_shared>>
      tpu.wait_indirect_dma semaphore(%arg12 : memref<!tpu.dma_semaphore, #tpu.memory_space<semaphore_mem>>) src(%dma_wait3A_21 : memref<100352x8xf32, #tpu.memory_space<vmem_shared>>) dst(%arg8 : memref<1024x8xf32, #tpu.memory_space<vmem>>)
      %scan3A_22 = arith.constant 0 : i32
      %scan3A_23 = arith.constant 0 : i32
      %scan3A_24 = arith.constant 64 : i32
      %scan3A_25 = arith.addi %scan3A_23, %scan3A_24 : i32
      %scan3A_26 = arith.constant 4 : i32
      scf.for %scan3A_39 = %scan3A_23 to %scan3A_25 step %scan3A_26  : i32 {
        %mul3A_40 = arith.constant 16 : i32
        %mul3A_41 = arith.muli %mul3A_40, %scan3A_39 : i32
        %add3A_42 = vector.broadcast %mul3A_41 : i32 to vector<16xi32>
        %add3A_43 = arith.addi %add3A_42, %iota3A : vector<16xi32>
        %mul3A_44 = arith.constant 0 : i32
        %mul3A_45 = vector.broadcast %mul3A_44 : i32 to vector<16xi32>
        %mul3A_46 = arith.muli %iota3A, %mul3A_45 : vector<16xi32>
        %gather3A = tpu.vector_load_idx %arg8[%add3A_43, %mul3A_46] : memref<1024x8xf32, #tpu.memory_space<vmem>>[vector<16xi32>, vector<16xi32>], vector<16xf32>,
        %mul3A_47 = arith.constant 16 : i32
        %mul3A_48 = arith.muli %mul3A_47, %scan3A_39 : i32
        %get3A = arith.index_cast %mul3A_48 : i32 to index
        %get3A_49 = tpu.vector_load %arg7[%get3A] {strides = array<i32>} : memref<1024xf32, #tpu.memory_space<vmem>>, vector<16xf32>,
        %mul3A_50 = arith.mulf %get3A_49, %gather3A : vector<16xf32>
        %mul3A_51 = arith.constant 16 : i32
        %mul3A_52 = arith.muli %mul3A_51, %scan3A_39 : i32
        %swap3A = arith.index_cast %mul3A_52 : i32 to index
        %swap3A_53 = tpu.vector_load %arg9[%swap3A] {strides = array<i32>} : memref<1024xf32, #tpu.memory_space<vmem>>, vector<16xf32>,
        tpu.vector_store %arg9[%swap3A], %mul3A_50 {strides = array<i32>} : memref<1024xf32, #tpu.memory_space<vmem>>, vector<16xf32>,
        %scan3A_54 = arith.constant 1 : i32
        %scan3A_55 = arith.addi %scan3A_39, %scan3A_54 : i32
        %mul3A_56 = arith.constant 16 : i32
        %mul3A_57 = arith.muli %mul3A_56, %scan3A_55 : i32
        %add3A_58 = vector.broadcast %mul3A_57 : i32 to vector<16xi32>
        %add3A_59 = arith.addi %add3A_58, %iota3A : vector<16xi32>
        %mul3A_60 = arith.constant 0 : i32
        %mul3A_61 = vector.broadcast %mul3A_60 : i32 to vector<16xi32>
        %mul3A_62 = arith.muli %iota3A, %mul3A_61 : vector<16xi32>
        %gather3A_63 = tpu.vector_load_idx %arg8[%add3A_59, %mul3A_62] : memref<1024x8xf32, #tpu.memory_space<vmem>>[vector<16xi32>, vector<16xi32>], vector<16xf32>,
        %mul3A_64 = arith.constant 16 : i32
        %mul3A_65 = arith.muli %mul3A_64, %scan3A_55 : i32
        %get3A_66 = arith.index_cast %mul3A_65 : i32 to index
        %get3A_67 = tpu.vector_load %arg7[%get3A_66] {strides = array<i32>} : memref<1024xf32, #tpu.memory_space<vmem>>, vector<16xf32>,
        %mul3A_68 = arith.mulf %get3A_67, %gather3A_63 : vector<16xf32>
        %mul3A_69 = arith.constant 16 : i32
        %mul3A_70 = arith.muli %mul3A_69, %scan3A_55 : i32
        %swap3A_71 = arith.index_cast %mul3A_70 : i32 to index
        %swap3A_72 = tpu.vector_load %arg9[%swap3A_71] {strides = array<i32>} : memref<1024xf32, #tpu.memory_space<vmem>>, vector<16xf32>,
        tpu.vector_store %arg9[%swap3A_71], %mul3A_68 {strides = array<i32>} : memref<1024xf32, #tpu.memory_space<vmem>>, vector<16xf32>,
        %scan3A_73 = arith.constant 2 : i32
        %scan3A_74 = arith.addi %scan3A_39, %scan3A_73 : i32
        %mul3A_75 = arith.constant 16 : i32
        %mul3A_76 = arith.muli %mul3A_75, %scan3A_74 : i32
        %add3A_77 = vector.broadcast %mul3A_76 : i32 to vector<16xi32>
        %add3A_78 = arith.addi %add3A_77, %iota3A : vector<16xi32>
        %mul3A_79 = arith.constant 0 : i32
        %mul3A_80 = vector.broadcast %mul3A_79 : i32 to vector<16xi32>
        %mul3A_81 = arith.muli %iota3A, %mul3A_80 : vector<16xi32>
        %gather3A_82 = tpu.vector_load_idx %arg8[%add3A_78, %mul3A_81] : memref<1024x8xf32, #tpu.memory_space<vmem>>[vector<16xi32>, vector<16xi32>], vector<16xf32>,
        %mul3A_83 = arith.constant 16 : i32
        %mul3A_84 = arith.muli %mul3A_83, %scan3A_74 : i32
        %get3A_85 = arith.index_cast %mul3A_84 : i32 to index
        %get3A_86 = tpu.vector_load %arg7[%get3A_85] {strides = array<i32>} : memref<1024xf32, #tpu.memory_space<vmem>>, vector<16xf32>,
        %mul3A_87 = arith.mulf %get3A_86, %gather3A_82 : vector<16xf32>
        %mul3A_88 = arith.constant 16 : i32
        %mul3A_89 = arith.muli %mul3A_88, %scan3A_74 : i32
        %swap3A_90 = arith.index_cast %mul3A_89 : i32 to index
        %swap3A_91 = tpu.vector_load %arg9[%swap3A_90] {strides = array<i32>} : memref<1024xf32, #tpu.memory_space<vmem>>, vector<16xf32>,
        tpu.vector_store %arg9[%swap3A_90], %mul3A_87 {strides = array<i32>} : memref<1024xf32, #tpu.memory_space<vmem>>, vector<16xf32>,
        %scan3A_92 = arith.constant 3 : i32
        %scan3A_93 = arith.addi %scan3A_39, %scan3A_92 : i32
        %mul3A_94 = arith.constant 16 : i32
        %mul3A_95 = arith.muli %mul3A_94, %scan3A_93 : i32
        %add3A_96 = vector.broadcast %mul3A_95 : i32 to vector<16xi32>
        %add3A_97 = arith.addi %add3A_96, %iota3A : vector<16xi32>
        %mul3A_98 = arith.constant 0 : i32
        %mul3A_99 = vector.broadcast %mul3A_98 : i32 to vector<16xi32>
        %mul3A_100 = arith.muli %iota3A, %mul3A_99 : vector<16xi32>
        %gather3A_101 = tpu.vector_load_idx %arg8[%add3A_97, %mul3A_100] : memref<1024x8xf32, #tpu.memory_space<vmem>>[vector<16xi32>, vector<16xi32>], vector<16xf32>,
        %mul3A_102 = arith.constant 16 : i32
        %mul3A_103 = arith.muli %mul3A_102, %scan3A_93 : i32
        %get3A_104 = arith.index_cast %mul3A_103 : i32 to index
        %get3A_105 = tpu.vector_load %arg7[%get3A_104] {strides = array<i32>} : memref<1024xf32, #tpu.memory_space<vmem>>, vector<16xf32>,
        %mul3A_106 = arith.mulf %get3A_105, %gather3A_101 : vector<16xf32>
        %mul3A_107 = arith.constant 16 : i32
        %mul3A_108 = arith.muli %mul3A_107, %scan3A_93 : i32
        %swap3A_109 = arith.index_cast %mul3A_108 : i32 to index
        %swap3A_110 = tpu.vector_load %arg9[%swap3A_109] {strides = array<i32>} : memref<1024xf32, #tpu.memory_space<vmem>>, vector<16xf32>,
        tpu.vector_store %arg9[%swap3A_109], %mul3A_106 {strides = array<i32>} : memref<1024xf32, #tpu.memory_space<vmem>>, vector<16xf32>,
      }
      %scan3A_27 = arith.constant 64 : i32
      %add3A_28 = arith.constant 1024 : i32
      %add3A_29 = arith.addi %mul3A_17, %add3A_28 : i32
      %le3A = arith.constant 1700000 : i32
      %le3A_30 = arith.cmpi sle, %add3A_29, %le3A : i32
      %convert_element_type3A = arith.extui %le3A_30 : i1 to i32
      %cond3A = arith.constant 0 : i32
      %cond3A_31 = arith.cmpi ne, %convert_element_type3A, %cond3A : i32
      scf.if %cond3A_31 {
        "tpu.region"() ({
          %run_scoped3A = tpu.sem_alloc : memref<!tpu.dma_semaphore, #tpu.memory_space<semaphore_mem>>
          %dma_start3A_39 = tpu.memref_slice %arg5[%mul3A_17] : memref<1700000xf32, #tpu.memory_space<hbm>> -> memref<1024xf32, #tpu.memory_space<hbm>>
          %dma_start3A_40 = tpu.memref_slice %arg5[%mul3A_17] : memref<1700000xf32, #tpu.memory_space<hbm>> -> memref<1024xf32, #tpu.memory_space<hbm>>
          tpu.enqueue_dma source(%arg9 : memref<1024xf32, #tpu.memory_space<vmem>>) target(%dma_start3A_40 : memref<1024xf32, #tpu.memory_space<hbm>>) target_semaphore(%run_scoped3A : memref<!tpu.dma_semaphore, #tpu.memory_space<semaphore_mem>>)
          %dma_wait3A_41 = tpu.memref_slice %arg5[%mul3A_17] : memref<1700000xf32, #tpu.memory_space<hbm>> -> memref<1024xf32, #tpu.memory_space<hbm>>
          %dma_wait3A_42 = tpu.memref_slice %arg5[%mul3A_17] : memref<1700000xf32, #tpu.memory_space<hbm>> -> memref<1024xf32, #tpu.memory_space<hbm>>
          tpu.wait_dma2 semaphore(%run_scoped3A : memref<!tpu.dma_semaphore, #tpu.memory_space<semaphore_mem>>) src(%arg9 : memref<1024xf32, #tpu.memory_space<vmem>>) dst(%dma_wait3A_42 : memref<1024xf32, #tpu.memory_space<hbm>>)
          tpu.yield
        }) : () -> ()
      } else {
      }
      %add3A_32 = arith.constant 1024 : i32
      %add3A_33 = arith.addi %mul3A_17, %add3A_32 : i32
      %sub3A = arith.constant 1700000 : i32
      %sub3A_34 = arith.subi %add3A_33, %sub3A : i32
      %eq3A = arith.constant 864 : i32
      %eq3A_35 = arith.cmpi eq, %sub3A_34, %eq3A : i32
      %convert_element_type3A_36 = arith.extui %eq3A_35 : i1 to i32
      %cond3A_37 = arith.constant 0 : i32
      %cond3A_38 = arith.cmpi ne, %convert_element_type3A_36, %cond3A_37 : i32
      scf.if %cond3A_38 {
        "tpu.region"() ({
          %run_scoped3A = tpu.sem_alloc : memref<!tpu.dma_semaphore, #tpu.memory_space<semaphore_mem>>
          %dma_start3A_39 = arith.constant 0 : i32
          %dma_start3A_40 = tpu.memref_slice %arg9[%dma_start3A_39] : memref<1024xf32, #tpu.memory_space<vmem>> -> memref<160xf32, #tpu.memory_space<vmem>>
          %dma_start3A_41 = arith.constant 1699840 : i32
          %dma_start3A_42 = tpu.memref_slice %arg5[%dma_start3A_41] : memref<1700000xf32, #tpu.memory_space<hbm>> -> memref<160xf32, #tpu.memory_space<hbm>>
          %dma_start3A_43 = arith.constant 1699840 : i32
          %dma_start3A_44 = tpu.memref_slice %arg5[%dma_start3A_43] : memref<1700000xf32, #tpu.memory_space<hbm>> -> memref<160xf32, #tpu.memory_space<hbm>>
          %dma_start3A_45 = arith.constant 0 : i32
          %dma_start3A_46 = tpu.memref_slice %arg9[%dma_start3A_45] : memref<1024xf32, #tpu.memory_space<vmem>> -> memref<160xf32, #tpu.memory_space<vmem>>
          tpu.enqueue_dma source(%dma_start3A_46 : memref<160xf32, #tpu.memory_space<vmem>>) target(%dma_start3A_44 : memref<160xf32, #tpu.memory_space<hbm>>) target_semaphore(%run_scoped3A : memref<!tpu.dma_semaphore, #tpu.memory_space<semaphore_mem>>)
          %dma_wait3A_47 = arith.constant 0 : i32
          %dma_wait3A_48 = tpu.memref_slice %arg9[%dma_wait3A_47] : memref<1024xf32, #tpu.memory_space<vmem>> -> memref<160xf32, #tpu.memory_space<vmem>>
          %dma_wait3A_49 = arith.constant 1699840 : i32
          %dma_wait3A_50 = tpu.memref_slice %arg5[%dma_wait3A_49] : memref<1700000xf32, #tpu.memory_space<hbm>> -> memref<160xf32, #tpu.memory_space<hbm>>
          %dma_wait3A_51 = arith.constant 1699840 : i32
          %dma_wait3A_52 = tpu.memref_slice %arg5[%dma_wait3A_51] : memref<1700000xf32, #tpu.memory_space<hbm>> -> memref<160xf32, #tpu.memory_space<hbm>>
          %dma_wait3A_53 = arith.constant 0 : i32
          %dma_wait3A_54 = tpu.memref_slice %arg9[%dma_wait3A_53] : memref<1024xf32, #tpu.memory_space<vmem>> -> memref<160xf32, #tpu.memory_space<vmem>>
          tpu.wait_dma2 semaphore(%run_scoped3A : memref<!tpu.dma_semaphore, #tpu.memory_space<semaphore_mem>>) src(%dma_wait3A_54 : memref<160xf32, #tpu.memory_space<vmem>>) dst(%dma_wait3A_52 : memref<160xf32, #tpu.memory_space<hbm>>)
          tpu.yield
        }) : () -> ()
      } else {
      }
    }
    %scan3A_11 = arith.constant 52 : i32
    return
  }
}

#map = affine_map<(d0, d1) -> (0)>
#map1 = affine_map<(d0, d1) -> (0, 0)>
#map2 = affine_map<(d0, d1) -> (0, 0, 0)>
module attributes {stable_mosaic.version = 14 : i64} {
  func.func @k(%arg0: i32, %arg1: i32, %arg2: memref<1703936xi32, #tpu.memory_space<hbm>>, %arg3: memref<1703936xi32, #tpu.memory_space<hbm>>, %arg4: memref<100352x8xf32, #tpu.memory_space<hbm>>, %arg5: memref<1568x8xf32, #tpu.memory_space<hbm>>, %arg6: memref<1703936xf32, #tpu.memory_space<hbm>>, %arg7: memref<2x100352x8xf32, #tpu.memory_space<hbm>>, %arg8: memref<256xi32, #tpu.memory_space<vmem>>, %arg9: memref<256xi32, #tpu.memory_space<vmem>>, %arg10: memref<256x8xf32, #tpu.memory_space<vmem>>, %arg11: memref<256x8xf32, #tpu.memory_space<vmem>>, %arg12: memref<256xf32, #tpu.memory_space<vmem>>, %arg13: memref<256x8xf32, #tpu.memory_space<vmem>>, %arg14: memref<1568x8xf32, #tpu.memory_space<vmem>>, %arg15: memref<100352x8xf32, #tpu.memory_space<vmem_shared>>, %arg16: memref<100352x8xf32, #tpu.memory_space<vmem_shared>>, %arg17: memref<!tpu.dma_semaphore, #tpu.memory_space<semaphore_mem>>, %arg18: memref<!tpu.dma_semaphore, #tpu.memory_space<semaphore_mem>>) attributes {dimension_semantics = [#tpu.dimension_semantics<core_parallel>, #tpu.dimension_semantics<subcore_parallel>], iteration_bounds = array<i64: 2, 16>, scalar_prefetch = 0 : i64, scratch_operands = 11 : i64, tpu.core_type = #tpu.core_type<sc_vector_subcore>, window_params = [{transform_indices = #map}, {transform_indices = #map}, {transform_indices = #map1}, {transform_indices = #map1}, {transform_indices = #map}, {transform_indices = #map2}]} {
    %mul3A = arith.constant 2 : i32
    %mul3A_0 = arith.muli %arg1, %mul3A : i32
    %add3A = arith.addi %mul3A_0, %arg0 : i32
    %iota3A = tpu.iota {dimensions = array<i32: 0>} : vector<16xi32>
    "tpu.region"() ({
      %run_scoped3A = tpu.sem_alloc : memref<!tpu.dma_semaphore, #tpu.memory_space<semaphore_mem>>
      tpu.enqueue_dma source(%arg5 : memref<1568x8xf32, #tpu.memory_space<hbm>>) target(%arg14 : memref<1568x8xf32, #tpu.memory_space<vmem>>) target_semaphore(%run_scoped3A : memref<!tpu.dma_semaphore, #tpu.memory_space<semaphore_mem>>)
      tpu.wait_dma2 semaphore(%run_scoped3A : memref<!tpu.dma_semaphore, #tpu.memory_space<semaphore_mem>>) src(%arg5 : memref<1568x8xf32, #tpu.memory_space<hbm>>) dst(%arg14 : memref<1568x8xf32, #tpu.memory_space<vmem>>)
      tpu.yield
    }) : () -> ()
    %scan3A = arith.constant 0 : i32
    %scan3A_1 = arith.constant 0 : i32
    %scan3A_2 = arith.constant 4 : i32
    %scan3A_3 = arith.addi %scan3A_1, %scan3A_2 : i32
    %scan3A_4 = arith.constant 1 : i32
    scf.for %scan3A_25 = %scan3A_1 to %scan3A_3 step %scan3A_4  : i32 {
      %mul3A_26 = arith.constant 6272 : i32
      %mul3A_27 = arith.muli %arg1, %mul3A_26 : i32
      %mul3A_28 = arith.constant 1568 : i32
      %mul3A_29 = arith.muli %scan3A_25, %mul3A_28 : i32
      %add3A_30 = arith.addi %mul3A_27, %mul3A_29 : i32
      "tpu.region"() ({
        %run_scoped3A = tpu.sem_alloc : memref<!tpu.dma_semaphore, #tpu.memory_space<semaphore_mem>>
        %dma_start3A = arith.constant 0 : i32
        %dma_start3A_31 = tpu.memref_slice %arg16[%add3A_30, %dma_start3A] : memref<100352x8xf32, #tpu.memory_space<vmem_shared>> -> memref<1568x8xf32, #tpu.memory_space<vmem_shared>>
        %dma_start3A_32 = arith.constant 0 : i32
        %dma_start3A_33 = tpu.memref_slice %arg16[%add3A_30, %dma_start3A_32] : memref<100352x8xf32, #tpu.memory_space<vmem_shared>> -> memref<1568x8xf32, #tpu.memory_space<vmem_shared>>
        tpu.enqueue_dma source(%arg14 : memref<1568x8xf32, #tpu.memory_space<vmem>>) target(%dma_start3A_33 : memref<1568x8xf32, #tpu.memory_space<vmem_shared>>) target_semaphore(%run_scoped3A : memref<!tpu.dma_semaphore, #tpu.memory_space<semaphore_mem>>)
        %dma_wait3A = arith.constant 0 : i32
        %dma_wait3A_34 = tpu.memref_slice %arg16[%add3A_30, %dma_wait3A] : memref<100352x8xf32, #tpu.memory_space<vmem_shared>> -> memref<1568x8xf32, #tpu.memory_space<vmem_shared>>
        %dma_wait3A_35 = arith.constant 0 : i32
        %dma_wait3A_36 = tpu.memref_slice %arg16[%add3A_30, %dma_wait3A_35] : memref<100352x8xf32, #tpu.memory_space<vmem_shared>> -> memref<1568x8xf32, #tpu.memory_space<vmem_shared>>
        tpu.wait_dma2 semaphore(%run_scoped3A : memref<!tpu.dma_semaphore, #tpu.memory_space<semaphore_mem>>) src(%arg14 : memref<1568x8xf32, #tpu.memory_space<vmem>>) dst(%dma_wait3A_36 : memref<1568x8xf32, #tpu.memory_space<vmem_shared>>)
        tpu.yield
      }) : () -> ()
    }
    %scan3A_5 = arith.constant 4 : i32
    %scan3A_6 = arith.constant 0 : i32
    %scan3A_7 = arith.constant 0 : i32
    %scan3A_8 = arith.constant 4 : i32
    %scan3A_9 = arith.addi %scan3A_7, %scan3A_8 : i32
    %scan3A_10 = arith.constant 1 : i32
    scf.for %scan3A_25 = %scan3A_7 to %scan3A_9 step %scan3A_10  : i32 {
      %mul3A_26 = arith.constant 6272 : i32
      %mul3A_27 = arith.muli %arg1, %mul3A_26 : i32
      %mul3A_28 = arith.constant 1568 : i32
      %mul3A_29 = arith.muli %scan3A_25, %mul3A_28 : i32
      %add3A_30 = arith.addi %mul3A_27, %mul3A_29 : i32
      "tpu.region"() ({
        %run_scoped3A = tpu.sem_alloc : memref<!tpu.dma_semaphore, #tpu.memory_space<semaphore_mem>>
        %dma_start3A = arith.constant 0 : i32
        %dma_start3A_31 = tpu.memref_slice %arg4[%add3A_30, %dma_start3A] : memref<100352x8xf32, #tpu.memory_space<hbm>> -> memref<1568x8xf32, #tpu.memory_space<hbm>>
        %dma_start3A_32 = arith.constant 0 : i32
        %dma_start3A_33 = tpu.memref_slice %arg4[%add3A_30, %dma_start3A_32] : memref<100352x8xf32, #tpu.memory_space<hbm>> -> memref<1568x8xf32, #tpu.memory_space<hbm>>
        tpu.enqueue_dma source(%dma_start3A_33 : memref<1568x8xf32, #tpu.memory_space<hbm>>) target(%arg14 : memref<1568x8xf32, #tpu.memory_space<vmem>>) target_semaphore(%run_scoped3A : memref<!tpu.dma_semaphore, #tpu.memory_space<semaphore_mem>>)
        %dma_wait3A = arith.constant 0 : i32
        %dma_wait3A_34 = tpu.memref_slice %arg4[%add3A_30, %dma_wait3A] : memref<100352x8xf32, #tpu.memory_space<hbm>> -> memref<1568x8xf32, #tpu.memory_space<hbm>>
        %dma_wait3A_35 = arith.constant 0 : i32
        %dma_wait3A_36 = tpu.memref_slice %arg4[%add3A_30, %dma_wait3A_35] : memref<100352x8xf32, #tpu.memory_space<hbm>> -> memref<1568x8xf32, #tpu.memory_space<hbm>>
        tpu.wait_dma2 semaphore(%run_scoped3A : memref<!tpu.dma_semaphore, #tpu.memory_space<semaphore_mem>>) src(%dma_wait3A_36 : memref<1568x8xf32, #tpu.memory_space<hbm>>) dst(%arg14 : memref<1568x8xf32, #tpu.memory_space<vmem>>)
        tpu.yield
      }) : () -> ()
      "tpu.region"() ({
        %run_scoped3A = tpu.sem_alloc : memref<!tpu.dma_semaphore, #tpu.memory_space<semaphore_mem>>
        %dma_start3A = arith.constant 0 : i32
        %dma_start3A_31 = tpu.memref_slice %arg15[%add3A_30, %dma_start3A] : memref<100352x8xf32, #tpu.memory_space<vmem_shared>> -> memref<1568x8xf32, #tpu.memory_space<vmem_shared>>
        %dma_start3A_32 = arith.constant 0 : i32
        %dma_start3A_33 = tpu.memref_slice %arg15[%add3A_30, %dma_start3A_32] : memref<100352x8xf32, #tpu.memory_space<vmem_shared>> -> memref<1568x8xf32, #tpu.memory_space<vmem_shared>>
        tpu.enqueue_dma source(%arg14 : memref<1568x8xf32, #tpu.memory_space<vmem>>) target(%dma_start3A_33 : memref<1568x8xf32, #tpu.memory_space<vmem_shared>>) target_semaphore(%run_scoped3A : memref<!tpu.dma_semaphore, #tpu.memory_space<semaphore_mem>>)
        %dma_wait3A = arith.constant 0 : i32
        %dma_wait3A_34 = tpu.memref_slice %arg15[%add3A_30, %dma_wait3A] : memref<100352x8xf32, #tpu.memory_space<vmem_shared>> -> memref<1568x8xf32, #tpu.memory_space<vmem_shared>>
        %dma_wait3A_35 = arith.constant 0 : i32
        %dma_wait3A_36 = tpu.memref_slice %arg15[%add3A_30, %dma_wait3A_35] : memref<100352x8xf32, #tpu.memory_space<vmem_shared>> -> memref<1568x8xf32, #tpu.memory_space<vmem_shared>>
        tpu.wait_dma2 semaphore(%run_scoped3A : memref<!tpu.dma_semaphore, #tpu.memory_space<semaphore_mem>>) src(%arg14 : memref<1568x8xf32, #tpu.memory_space<vmem>>) dst(%dma_wait3A_36 : memref<1568x8xf32, #tpu.memory_space<vmem_shared>>)
        tpu.yield
      }) : () -> ()
    }
    %scan3A_11 = arith.constant 4 : i32
    %barrier3A = arith.constant 0 : index
    tpu.barrier barrier_id(%barrier3A)
    %scan3A_12 = arith.constant 0 : i32
    %scan3A_13 = arith.constant 0 : i32
    %scan3A_14 = arith.constant 208 : i32
    %scan3A_15 = arith.addi %scan3A_13, %scan3A_14 : i32
    %scan3A_16 = arith.constant 1 : i32
    scf.for %scan3A_25 = %scan3A_13 to %scan3A_15 step %scan3A_16  : i32 {
      %mul3A_26 = arith.constant 208 : i32
      %mul3A_27 = arith.muli %add3A, %mul3A_26 : i32
      %add3A_28 = arith.addi %mul3A_27, %scan3A_25 : i32
      %mul3A_29 = arith.constant 256 : i32
      %mul3A_30 = arith.muli %add3A_28, %mul3A_29 : i32
      "tpu.region"() ({
        %run_scoped3A = tpu.sem_alloc : memref<!tpu.dma_semaphore, #tpu.memory_space<semaphore_mem>>
        %dma_start3A_53 = tpu.memref_slice %arg2[%mul3A_30] : memref<1703936xi32, #tpu.memory_space<hbm>> -> memref<256xi32, #tpu.memory_space<hbm>>
        %dma_start3A_54 = tpu.memref_slice %arg2[%mul3A_30] : memref<1703936xi32, #tpu.memory_space<hbm>> -> memref<256xi32, #tpu.memory_space<hbm>>
        tpu.enqueue_dma source(%dma_start3A_54 : memref<256xi32, #tpu.memory_space<hbm>>) target(%arg8 : memref<256xi32, #tpu.memory_space<vmem>>) target_semaphore(%run_scoped3A : memref<!tpu.dma_semaphore, #tpu.memory_space<semaphore_mem>>)
        %dma_wait3A_55 = tpu.memref_slice %arg2[%mul3A_30] : memref<1703936xi32, #tpu.memory_space<hbm>> -> memref<256xi32, #tpu.memory_space<hbm>>
        %dma_wait3A_56 = tpu.memref_slice %arg2[%mul3A_30] : memref<1703936xi32, #tpu.memory_space<hbm>> -> memref<256xi32, #tpu.memory_space<hbm>>
        tpu.wait_dma2 semaphore(%run_scoped3A : memref<!tpu.dma_semaphore, #tpu.memory_space<semaphore_mem>>) src(%dma_wait3A_56 : memref<256xi32, #tpu.memory_space<hbm>>) dst(%arg8 : memref<256xi32, #tpu.memory_space<vmem>>)
        tpu.yield
      }) : () -> ()
      "tpu.region"() ({
        %run_scoped3A = tpu.sem_alloc : memref<!tpu.dma_semaphore, #tpu.memory_space<semaphore_mem>>
        %dma_start3A_53 = tpu.memref_slice %arg3[%mul3A_30] : memref<1703936xi32, #tpu.memory_space<hbm>> -> memref<256xi32, #tpu.memory_space<hbm>>
        %dma_start3A_54 = tpu.memref_slice %arg3[%mul3A_30] : memref<1703936xi32, #tpu.memory_space<hbm>> -> memref<256xi32, #tpu.memory_space<hbm>>
        tpu.enqueue_dma source(%dma_start3A_54 : memref<256xi32, #tpu.memory_space<hbm>>) target(%arg9 : memref<256xi32, #tpu.memory_space<vmem>>) target_semaphore(%run_scoped3A : memref<!tpu.dma_semaphore, #tpu.memory_space<semaphore_mem>>)
        %dma_wait3A_55 = tpu.memref_slice %arg3[%mul3A_30] : memref<1703936xi32, #tpu.memory_space<hbm>> -> memref<256xi32, #tpu.memory_space<hbm>>
        %dma_wait3A_56 = tpu.memref_slice %arg3[%mul3A_30] : memref<1703936xi32, #tpu.memory_space<hbm>> -> memref<256xi32, #tpu.memory_space<hbm>>
        tpu.wait_dma2 semaphore(%run_scoped3A : memref<!tpu.dma_semaphore, #tpu.memory_space<semaphore_mem>>) src(%dma_wait3A_56 : memref<256xi32, #tpu.memory_space<hbm>>) dst(%arg9 : memref<256xi32, #tpu.memory_space<vmem>>)
        tpu.yield
      }) : () -> ()
      %dma_start3A = arith.constant 0 : i32
      %dma_start3A_31 = arith.constant 0 : i32
      %dma_start3A_32 = tpu.memref_slice %arg15[%dma_start3A, %dma_start3A_31] : memref<100352x8xf32, #tpu.memory_space<vmem_shared>> -> memref<100352x8xf32, #tpu.memory_space<vmem_shared>>
      tpu.enqueue_indirect_dma source(%dma_start3A_32 : memref<100352x8xf32, #tpu.memory_space<vmem_shared>>) target(%arg10 : memref<256x8xf32, #tpu.memory_space<vmem>>) offsets(%arg8 : memref<256xi32, #tpu.memory_space<vmem>>) semaphore(%arg17 : memref<!tpu.dma_semaphore, #tpu.memory_space<semaphore_mem>>)
      %dma_start3A_33 = arith.constant 0 : i32
      %dma_start3A_34 = arith.constant 0 : i32
      %dma_start3A_35 = tpu.memref_slice %arg15[%dma_start3A_33, %dma_start3A_34] : memref<100352x8xf32, #tpu.memory_space<vmem_shared>> -> memref<100352x8xf32, #tpu.memory_space<vmem_shared>>
      tpu.enqueue_indirect_dma source(%dma_start3A_35 : memref<100352x8xf32, #tpu.memory_space<vmem_shared>>) target(%arg11 : memref<256x8xf32, #tpu.memory_space<vmem>>) offsets(%arg9 : memref<256xi32, #tpu.memory_space<vmem>>) semaphore(%arg18 : memref<!tpu.dma_semaphore, #tpu.memory_space<semaphore_mem>>)
      %dma_wait3A = arith.constant 0 : i32
      %dma_wait3A_36 = arith.constant 0 : i32
      %dma_wait3A_37 = tpu.memref_slice %arg15[%dma_wait3A, %dma_wait3A_36] : memref<100352x8xf32, #tpu.memory_space<vmem_shared>> -> memref<100352x8xf32, #tpu.memory_space<vmem_shared>>
      tpu.wait_indirect_dma semaphore(%arg17 : memref<!tpu.dma_semaphore, #tpu.memory_space<semaphore_mem>>) src(%dma_wait3A_37 : memref<100352x8xf32, #tpu.memory_space<vmem_shared>>) dst(%arg10 : memref<256x8xf32, #tpu.memory_space<vmem>>)
      %dma_wait3A_38 = arith.constant 0 : i32
      %dma_wait3A_39 = arith.constant 0 : i32
      %dma_wait3A_40 = tpu.memref_slice %arg15[%dma_wait3A_38, %dma_wait3A_39] : memref<100352x8xf32, #tpu.memory_space<vmem_shared>> -> memref<100352x8xf32, #tpu.memory_space<vmem_shared>>
      tpu.wait_indirect_dma semaphore(%arg18 : memref<!tpu.dma_semaphore, #tpu.memory_space<semaphore_mem>>) src(%dma_wait3A_40 : memref<100352x8xf32, #tpu.memory_space<vmem_shared>>) dst(%arg11 : memref<256x8xf32, #tpu.memory_space<vmem>>)
      %scan3A_41 = arith.constant 0 : i32
      %scan3A_42 = arith.constant 0 : i32
      %scan3A_43 = arith.constant 16 : i32
      %scan3A_44 = arith.addi %scan3A_42, %scan3A_43 : i32
      %scan3A_45 = arith.constant 4 : i32
      scf.for %scan3A_53 = %scan3A_42 to %scan3A_44 step %scan3A_45  : i32 {
        %mul3A_54 = arith.constant 16 : i32
        %mul3A_55 = arith.muli %mul3A_54, %scan3A_53 : i32
        %add3A_56 = vector.broadcast %mul3A_55 : i32 to vector<16xi32>
        %add3A_57 = arith.addi %add3A_56, %iota3A : vector<16xi32>
        %mul3A_58 = arith.constant 0 : i32
        %mul3A_59 = vector.broadcast %mul3A_58 : i32 to vector<16xi32>
        %mul3A_60 = arith.muli %iota3A, %mul3A_59 : vector<16xi32>
        %gather3A = tpu.vector_load_idx %arg10[%add3A_57, %mul3A_60] : memref<256x8xf32, #tpu.memory_space<vmem>>[vector<16xi32>, vector<16xi32>], vector<16xf32>,
        %mul3A_61 = arith.constant 0 : i32
        %mul3A_62 = vector.broadcast %mul3A_61 : i32 to vector<16xi32>
        %mul3A_63 = arith.muli %iota3A, %mul3A_62 : vector<16xi32>
        %add3A_64 = arith.constant 1 : i32
        %add3A_65 = vector.broadcast %add3A_64 : i32 to vector<16xi32>
        %add3A_66 = arith.addi %mul3A_63, %add3A_65 : vector<16xi32>
        %gather3A_67 = tpu.vector_load_idx %arg11[%add3A_57, %add3A_66] : memref<256x8xf32, #tpu.memory_space<vmem>>[vector<16xi32>, vector<16xi32>], vector<16xf32>,
        %add3A_68 = arith.addf %gather3A, %gather3A_67 : vector<16xf32>
        %mul3A_69 = arith.constant 2.000000e-01 : f32
        %mul3A_70 = vector.broadcast %mul3A_69 : f32 to vector<16xf32>
        %mul3A_71 = arith.mulf %mul3A_70, %add3A_68 : vector<16xf32>
        %max3A = arith.maximumf %add3A_68, %mul3A_71 : vector<16xf32>
        %exp3A = math.exp %max3A : vector<16xf32>
        %mul3A_72 = arith.constant 16 : i32
        %mul3A_73 = arith.muli %mul3A_72, %scan3A_53 : i32
        %swap3A = arith.index_cast %mul3A_73 : i32 to index
        %swap3A_74 = tpu.vector_load %arg12[%swap3A] {strides = array<i32>} : memref<256xf32, #tpu.memory_space<vmem>>, vector<16xf32>,
        tpu.vector_store %arg12[%swap3A], %exp3A {strides = array<i32>} : memref<256xf32, #tpu.memory_space<vmem>>, vector<16xf32>,
        %scan3A_75 = arith.constant 1 : i32
        %scan3A_76 = arith.addi %scan3A_53, %scan3A_75 : i32
        %mul3A_77 = arith.constant 16 : i32
        %mul3A_78 = arith.muli %mul3A_77, %scan3A_76 : i32
        %add3A_79 = vector.broadcast %mul3A_78 : i32 to vector<16xi32>
        %add3A_80 = arith.addi %add3A_79, %iota3A : vector<16xi32>
        %mul3A_81 = arith.constant 0 : i32
        %mul3A_82 = vector.broadcast %mul3A_81 : i32 to vector<16xi32>
        %mul3A_83 = arith.muli %iota3A, %mul3A_82 : vector<16xi32>
        %gather3A_84 = tpu.vector_load_idx %arg10[%add3A_80, %mul3A_83] : memref<256x8xf32, #tpu.memory_space<vmem>>[vector<16xi32>, vector<16xi32>], vector<16xf32>,
        %mul3A_85 = arith.constant 0 : i32
        %mul3A_86 = vector.broadcast %mul3A_85 : i32 to vector<16xi32>
        %mul3A_87 = arith.muli %iota3A, %mul3A_86 : vector<16xi32>
        %add3A_88 = arith.constant 1 : i32
        %add3A_89 = vector.broadcast %add3A_88 : i32 to vector<16xi32>
        %add3A_90 = arith.addi %mul3A_87, %add3A_89 : vector<16xi32>
        %gather3A_91 = tpu.vector_load_idx %arg11[%add3A_80, %add3A_90] : memref<256x8xf32, #tpu.memory_space<vmem>>[vector<16xi32>, vector<16xi32>], vector<16xf32>,
        %add3A_92 = arith.addf %gather3A_84, %gather3A_91 : vector<16xf32>
        %mul3A_93 = arith.constant 2.000000e-01 : f32
        %mul3A_94 = vector.broadcast %mul3A_93 : f32 to vector<16xf32>
        %mul3A_95 = arith.mulf %mul3A_94, %add3A_92 : vector<16xf32>
        %max3A_96 = arith.maximumf %add3A_92, %mul3A_95 : vector<16xf32>
        %exp3A_97 = math.exp %max3A_96 : vector<16xf32>
        %mul3A_98 = arith.constant 16 : i32
        %mul3A_99 = arith.muli %mul3A_98, %scan3A_76 : i32
        %swap3A_100 = arith.index_cast %mul3A_99 : i32 to index
        %swap3A_101 = tpu.vector_load %arg12[%swap3A_100] {strides = array<i32>} : memref<256xf32, #tpu.memory_space<vmem>>, vector<16xf32>,
        tpu.vector_store %arg12[%swap3A_100], %exp3A_97 {strides = array<i32>} : memref<256xf32, #tpu.memory_space<vmem>>, vector<16xf32>,
        %scan3A_102 = arith.constant 2 : i32
        %scan3A_103 = arith.addi %scan3A_53, %scan3A_102 : i32
        %mul3A_104 = arith.constant 16 : i32
        %mul3A_105 = arith.muli %mul3A_104, %scan3A_103 : i32
        %add3A_106 = vector.broadcast %mul3A_105 : i32 to vector<16xi32>
        %add3A_107 = arith.addi %add3A_106, %iota3A : vector<16xi32>
        %mul3A_108 = arith.constant 0 : i32
        %mul3A_109 = vector.broadcast %mul3A_108 : i32 to vector<16xi32>
        %mul3A_110 = arith.muli %iota3A, %mul3A_109 : vector<16xi32>
        %gather3A_111 = tpu.vector_load_idx %arg10[%add3A_107, %mul3A_110] : memref<256x8xf32, #tpu.memory_space<vmem>>[vector<16xi32>, vector<16xi32>], vector<16xf32>,
        %mul3A_112 = arith.constant 0 : i32
        %mul3A_113 = vector.broadcast %mul3A_112 : i32 to vector<16xi32>
        %mul3A_114 = arith.muli %iota3A, %mul3A_113 : vector<16xi32>
        %add3A_115 = arith.constant 1 : i32
        %add3A_116 = vector.broadcast %add3A_115 : i32 to vector<16xi32>
        %add3A_117 = arith.addi %mul3A_114, %add3A_116 : vector<16xi32>
        %gather3A_118 = tpu.vector_load_idx %arg11[%add3A_107, %add3A_117] : memref<256x8xf32, #tpu.memory_space<vmem>>[vector<16xi32>, vector<16xi32>], vector<16xf32>,
        %add3A_119 = arith.addf %gather3A_111, %gather3A_118 : vector<16xf32>
        %mul3A_120 = arith.constant 2.000000e-01 : f32
        %mul3A_121 = vector.broadcast %mul3A_120 : f32 to vector<16xf32>
        %mul3A_122 = arith.mulf %mul3A_121, %add3A_119 : vector<16xf32>
        %max3A_123 = arith.maximumf %add3A_119, %mul3A_122 : vector<16xf32>
        %exp3A_124 = math.exp %max3A_123 : vector<16xf32>
        %mul3A_125 = arith.constant 16 : i32
        %mul3A_126 = arith.muli %mul3A_125, %scan3A_103 : i32
        %swap3A_127 = arith.index_cast %mul3A_126 : i32 to index
        %swap3A_128 = tpu.vector_load %arg12[%swap3A_127] {strides = array<i32>} : memref<256xf32, #tpu.memory_space<vmem>>, vector<16xf32>,
        tpu.vector_store %arg12[%swap3A_127], %exp3A_124 {strides = array<i32>} : memref<256xf32, #tpu.memory_space<vmem>>, vector<16xf32>,
        %scan3A_129 = arith.constant 3 : i32
        %scan3A_130 = arith.addi %scan3A_53, %scan3A_129 : i32
        %mul3A_131 = arith.constant 16 : i32
        %mul3A_132 = arith.muli %mul3A_131, %scan3A_130 : i32
        %add3A_133 = vector.broadcast %mul3A_132 : i32 to vector<16xi32>
        %add3A_134 = arith.addi %add3A_133, %iota3A : vector<16xi32>
        %mul3A_135 = arith.constant 0 : i32
        %mul3A_136 = vector.broadcast %mul3A_135 : i32 to vector<16xi32>
        %mul3A_137 = arith.muli %iota3A, %mul3A_136 : vector<16xi32>
        %gather3A_138 = tpu.vector_load_idx %arg10[%add3A_134, %mul3A_137] : memref<256x8xf32, #tpu.memory_space<vmem>>[vector<16xi32>, vector<16xi32>], vector<16xf32>,
        %mul3A_139 = arith.constant 0 : i32
        %mul3A_140 = vector.broadcast %mul3A_139 : i32 to vector<16xi32>
        %mul3A_141 = arith.muli %iota3A, %mul3A_140 : vector<16xi32>
        %add3A_142 = arith.constant 1 : i32
        %add3A_143 = vector.broadcast %add3A_142 : i32 to vector<16xi32>
        %add3A_144 = arith.addi %mul3A_141, %add3A_143 : vector<16xi32>
        %gather3A_145 = tpu.vector_load_idx %arg11[%add3A_134, %add3A_144] : memref<256x8xf32, #tpu.memory_space<vmem>>[vector<16xi32>, vector<16xi32>], vector<16xf32>,
        %add3A_146 = arith.addf %gather3A_138, %gather3A_145 : vector<16xf32>
        %mul3A_147 = arith.constant 2.000000e-01 : f32
        %mul3A_148 = vector.broadcast %mul3A_147 : f32 to vector<16xf32>
        %mul3A_149 = arith.mulf %mul3A_148, %add3A_146 : vector<16xf32>
        %max3A_150 = arith.maximumf %add3A_146, %mul3A_149 : vector<16xf32>
        %exp3A_151 = math.exp %max3A_150 : vector<16xf32>
        %mul3A_152 = arith.constant 16 : i32
        %mul3A_153 = arith.muli %mul3A_152, %scan3A_130 : i32
        %swap3A_154 = arith.index_cast %mul3A_153 : i32 to index
        %swap3A_155 = tpu.vector_load %arg12[%swap3A_154] {strides = array<i32>} : memref<256xf32, #tpu.memory_space<vmem>>, vector<16xf32>,
        tpu.vector_store %arg12[%swap3A_154], %exp3A_151 {strides = array<i32>} : memref<256xf32, #tpu.memory_space<vmem>>, vector<16xf32>,
      }
      %scan3A_46 = arith.constant 16 : i32
      %scan3A_47 = arith.constant 0 : i32
      %scan3A_48 = arith.constant 0 : i32
      %scan3A_49 = arith.constant 128 : i32
      %scan3A_50 = arith.addi %scan3A_48, %scan3A_49 : i32
      %scan3A_51 = arith.constant 4 : i32
      scf.for %scan3A_53 = %scan3A_48 to %scan3A_50 step %scan3A_51  : i32 {
        %mul3A_54 = arith.constant 2 : i32
        %mul3A_55 = arith.muli %mul3A_54, %scan3A_53 : i32
        %shift_right_arithmetic3A = arith.constant 3 : i32
        %shift_right_arithmetic3A_56 = vector.broadcast %shift_right_arithmetic3A : i32 to vector<16xi32>
        %shift_right_arithmetic3A_57 = arith.shrsi %iota3A, %shift_right_arithmetic3A_56 : vector<16xi32>
        %add3A_58 = vector.broadcast %mul3A_55 : i32 to vector<16xi32>
        %add3A_59 = arith.addi %add3A_58, %shift_right_arithmetic3A_57 : vector<16xi32>
        %and3A = arith.constant 7 : i32
        %and3A_60 = vector.broadcast %and3A : i32 to vector<16xi32>
        %and3A_61 = arith.andi %iota3A, %and3A_60 : vector<16xi32>
        %gather3A = tpu.vector_load_idx %arg12[%add3A_59] : memref<256xf32, #tpu.memory_space<vmem>>[vector<16xi32>], vector<16xf32>,
        %add3A_62 = arith.constant 1 : i32
        %add3A_63 = vector.broadcast %add3A_62 : i32 to vector<16xi32>
        %add3A_64 = arith.addi %and3A_61, %add3A_63 : vector<16xi32>
        %min3A = arith.constant 7 : i32
        %min3A_65 = vector.broadcast %min3A : i32 to vector<16xi32>
        %min3A_66 = arith.minsi %add3A_64, %min3A_65 : vector<16xi32>
        %gather3A_67 = tpu.vector_load_idx %arg10[%add3A_59, %min3A_66] : memref<256x8xf32, #tpu.memory_space<vmem>>[vector<16xi32>, vector<16xi32>], vector<16xf32>,
        %eq3A = arith.constant 0 : i32
        %eq3A_68 = vector.broadcast %eq3A : i32 to vector<16xi32>
        %eq3A_69 = arith.cmpi eq, %and3A_61, %eq3A_68 : vector<16xi32>
        %mul3A_70 = arith.mulf %gather3A, %gather3A_67 : vector<16xf32>
        %select_n3A = arith.select %eq3A_69, %gather3A, %mul3A_70 : vector<16xi1>, vector<16xf32>
        tpu.vector_store_idx %arg13[%add3A_59, %and3A_61], %select_n3A : memref<256x8xf32, #tpu.memory_space<vmem>>[vector<16xi32>, vector<16xi32>], vector<16xf32>,
        %scan3A_71 = arith.constant 1 : i32
        %scan3A_72 = arith.addi %scan3A_53, %scan3A_71 : i32
        %mul3A_73 = arith.constant 2 : i32
        %mul3A_74 = arith.muli %mul3A_73, %scan3A_72 : i32
        %shift_right_arithmetic3A_75 = arith.constant 3 : i32
        %shift_right_arithmetic3A_76 = vector.broadcast %shift_right_arithmetic3A_75 : i32 to vector<16xi32>
        %shift_right_arithmetic3A_77 = arith.shrsi %iota3A, %shift_right_arithmetic3A_76 : vector<16xi32>
        %add3A_78 = vector.broadcast %mul3A_74 : i32 to vector<16xi32>
        %add3A_79 = arith.addi %add3A_78, %shift_right_arithmetic3A_77 : vector<16xi32>
        %and3A_80 = arith.constant 7 : i32
        %and3A_81 = vector.broadcast %and3A_80 : i32 to vector<16xi32>
        %and3A_82 = arith.andi %iota3A, %and3A_81 : vector<16xi32>
        %gather3A_83 = tpu.vector_load_idx %arg12[%add3A_79] : memref<256xf32, #tpu.memory_space<vmem>>[vector<16xi32>], vector<16xf32>,
        %add3A_84 = arith.constant 1 : i32
        %add3A_85 = vector.broadcast %add3A_84 : i32 to vector<16xi32>
        %add3A_86 = arith.addi %and3A_82, %add3A_85 : vector<16xi32>
        %min3A_87 = arith.constant 7 : i32
        %min3A_88 = vector.broadcast %min3A_87 : i32 to vector<16xi32>
        %min3A_89 = arith.minsi %add3A_86, %min3A_88 : vector<16xi32>
        %gather3A_90 = tpu.vector_load_idx %arg10[%add3A_79, %min3A_89] : memref<256x8xf32, #tpu.memory_space<vmem>>[vector<16xi32>, vector<16xi32>], vector<16xf32>,
        %eq3A_91 = arith.constant 0 : i32
        %eq3A_92 = vector.broadcast %eq3A_91 : i32 to vector<16xi32>
        %eq3A_93 = arith.cmpi eq, %and3A_82, %eq3A_92 : vector<16xi32>
        %mul3A_94 = arith.mulf %gather3A_83, %gather3A_90 : vector<16xf32>
        %select_n3A_95 = arith.select %eq3A_93, %gather3A_83, %mul3A_94 : vector<16xi1>, vector<16xf32>
        tpu.vector_store_idx %arg13[%add3A_79, %and3A_82], %select_n3A_95 : memref<256x8xf32, #tpu.memory_space<vmem>>[vector<16xi32>, vector<16xi32>], vector<16xf32>,
        %scan3A_96 = arith.constant 2 : i32
        %scan3A_97 = arith.addi %scan3A_53, %scan3A_96 : i32
        %mul3A_98 = arith.constant 2 : i32
        %mul3A_99 = arith.muli %mul3A_98, %scan3A_97 : i32
        %shift_right_arithmetic3A_100 = arith.constant 3 : i32
        %shift_right_arithmetic3A_101 = vector.broadcast %shift_right_arithmetic3A_100 : i32 to vector<16xi32>
        %shift_right_arithmetic3A_102 = arith.shrsi %iota3A, %shift_right_arithmetic3A_101 : vector<16xi32>
        %add3A_103 = vector.broadcast %mul3A_99 : i32 to vector<16xi32>
        %add3A_104 = arith.addi %add3A_103, %shift_right_arithmetic3A_102 : vector<16xi32>
        %and3A_105 = arith.constant 7 : i32
        %and3A_106 = vector.broadcast %and3A_105 : i32 to vector<16xi32>
        %and3A_107 = arith.andi %iota3A, %and3A_106 : vector<16xi32>
        %gather3A_108 = tpu.vector_load_idx %arg12[%add3A_104] : memref<256xf32, #tpu.memory_space<vmem>>[vector<16xi32>], vector<16xf32>,
        %add3A_109 = arith.constant 1 : i32
        %add3A_110 = vector.broadcast %add3A_109 : i32 to vector<16xi32>
        %add3A_111 = arith.addi %and3A_107, %add3A_110 : vector<16xi32>
        %min3A_112 = arith.constant 7 : i32
        %min3A_113 = vector.broadcast %min3A_112 : i32 to vector<16xi32>
        %min3A_114 = arith.minsi %add3A_111, %min3A_113 : vector<16xi32>
        %gather3A_115 = tpu.vector_load_idx %arg10[%add3A_104, %min3A_114] : memref<256x8xf32, #tpu.memory_space<vmem>>[vector<16xi32>, vector<16xi32>], vector<16xf32>,
        %eq3A_116 = arith.constant 0 : i32
        %eq3A_117 = vector.broadcast %eq3A_116 : i32 to vector<16xi32>
        %eq3A_118 = arith.cmpi eq, %and3A_107, %eq3A_117 : vector<16xi32>
        %mul3A_119 = arith.mulf %gather3A_108, %gather3A_115 : vector<16xf32>
        %select_n3A_120 = arith.select %eq3A_118, %gather3A_108, %mul3A_119 : vector<16xi1>, vector<16xf32>
        tpu.vector_store_idx %arg13[%add3A_104, %and3A_107], %select_n3A_120 : memref<256x8xf32, #tpu.memory_space<vmem>>[vector<16xi32>, vector<16xi32>], vector<16xf32>,
        %scan3A_121 = arith.constant 3 : i32
        %scan3A_122 = arith.addi %scan3A_53, %scan3A_121 : i32
        %mul3A_123 = arith.constant 2 : i32
        %mul3A_124 = arith.muli %mul3A_123, %scan3A_122 : i32
        %shift_right_arithmetic3A_125 = arith.constant 3 : i32
        %shift_right_arithmetic3A_126 = vector.broadcast %shift_right_arithmetic3A_125 : i32 to vector<16xi32>
        %shift_right_arithmetic3A_127 = arith.shrsi %iota3A, %shift_right_arithmetic3A_126 : vector<16xi32>
        %add3A_128 = vector.broadcast %mul3A_124 : i32 to vector<16xi32>
        %add3A_129 = arith.addi %add3A_128, %shift_right_arithmetic3A_127 : vector<16xi32>
        %and3A_130 = arith.constant 7 : i32
        %and3A_131 = vector.broadcast %and3A_130 : i32 to vector<16xi32>
        %and3A_132 = arith.andi %iota3A, %and3A_131 : vector<16xi32>
        %gather3A_133 = tpu.vector_load_idx %arg12[%add3A_129] : memref<256xf32, #tpu.memory_space<vmem>>[vector<16xi32>], vector<16xf32>,
        %add3A_134 = arith.constant 1 : i32
        %add3A_135 = vector.broadcast %add3A_134 : i32 to vector<16xi32>
        %add3A_136 = arith.addi %and3A_132, %add3A_135 : vector<16xi32>
        %min3A_137 = arith.constant 7 : i32
        %min3A_138 = vector.broadcast %min3A_137 : i32 to vector<16xi32>
        %min3A_139 = arith.minsi %add3A_136, %min3A_138 : vector<16xi32>
        %gather3A_140 = tpu.vector_load_idx %arg10[%add3A_129, %min3A_139] : memref<256x8xf32, #tpu.memory_space<vmem>>[vector<16xi32>, vector<16xi32>], vector<16xf32>,
        %eq3A_141 = arith.constant 0 : i32
        %eq3A_142 = vector.broadcast %eq3A_141 : i32 to vector<16xi32>
        %eq3A_143 = arith.cmpi eq, %and3A_132, %eq3A_142 : vector<16xi32>
        %mul3A_144 = arith.mulf %gather3A_133, %gather3A_140 : vector<16xf32>
        %select_n3A_145 = arith.select %eq3A_143, %gather3A_133, %mul3A_144 : vector<16xi1>, vector<16xf32>
        tpu.vector_store_idx %arg13[%add3A_129, %and3A_132], %select_n3A_145 : memref<256x8xf32, #tpu.memory_space<vmem>>[vector<16xi32>, vector<16xi32>], vector<16xf32>,
      }
      %scan3A_52 = arith.constant 128 : i32
      "tpu.region"() ({
        %run_scoped3A = tpu.sem_alloc : memref<!tpu.dma_semaphore, #tpu.memory_space<semaphore_mem>>
        %dma_start3A_53 = tpu.memref_slice %arg6[%mul3A_30] : memref<1703936xf32, #tpu.memory_space<hbm>> -> memref<256xf32, #tpu.memory_space<hbm>>
        %dma_start3A_54 = tpu.memref_slice %arg6[%mul3A_30] : memref<1703936xf32, #tpu.memory_space<hbm>> -> memref<256xf32, #tpu.memory_space<hbm>>
        tpu.enqueue_dma source(%arg12 : memref<256xf32, #tpu.memory_space<vmem>>) target(%dma_start3A_54 : memref<256xf32, #tpu.memory_space<hbm>>) target_semaphore(%run_scoped3A : memref<!tpu.dma_semaphore, #tpu.memory_space<semaphore_mem>>)
        %dma_wait3A_55 = tpu.memref_slice %arg6[%mul3A_30] : memref<1703936xf32, #tpu.memory_space<hbm>> -> memref<256xf32, #tpu.memory_space<hbm>>
        %dma_wait3A_56 = tpu.memref_slice %arg6[%mul3A_30] : memref<1703936xf32, #tpu.memory_space<hbm>> -> memref<256xf32, #tpu.memory_space<hbm>>
        tpu.wait_dma2 semaphore(%run_scoped3A : memref<!tpu.dma_semaphore, #tpu.memory_space<semaphore_mem>>) src(%arg12 : memref<256xf32, #tpu.memory_space<vmem>>) dst(%dma_wait3A_56 : memref<256xf32, #tpu.memory_space<hbm>>)
        tpu.yield
      }) : () -> ()
      "tpu.region"() ({
        %run_scoped3A = tpu.sem_alloc : memref<!tpu.dma_semaphore, #tpu.memory_space<semaphore_mem>>
        %dma_start3A_53 = arith.constant 0 : i32
        %dma_start3A_54 = arith.constant 0 : i32
        %dma_start3A_55 = tpu.memref_slice %arg16[%dma_start3A_53, %dma_start3A_54] : memref<100352x8xf32, #tpu.memory_space<vmem_shared>> -> memref<100352x8xf32, #tpu.memory_space<vmem_shared>>
        tpu.enqueue_indirect_dma source(%arg13 : memref<256x8xf32, #tpu.memory_space<vmem>>) target(%dma_start3A_55 : memref<100352x8xf32, #tpu.memory_space<vmem_shared>>) offsets(%arg9 : memref<256xi32, #tpu.memory_space<vmem>>) semaphore(%run_scoped3A : memref<!tpu.dma_semaphore, #tpu.memory_space<semaphore_mem>>) {add = true}
        %dma_wait3A_56 = arith.constant 0 : i32
        %dma_wait3A_57 = arith.constant 0 : i32
        %dma_wait3A_58 = tpu.memref_slice %arg16[%dma_wait3A_56, %dma_wait3A_57] : memref<100352x8xf32, #tpu.memory_space<vmem_shared>> -> memref<100352x8xf32, #tpu.memory_space<vmem_shared>>
        tpu.wait_indirect_dma semaphore(%run_scoped3A : memref<!tpu.dma_semaphore, #tpu.memory_space<semaphore_mem>>) src(%arg13 : memref<256x8xf32, #tpu.memory_space<vmem>>) dst(%dma_wait3A_58 : memref<100352x8xf32, #tpu.memory_space<vmem_shared>>)
        tpu.yield
      }) : () -> ()
    }
    %scan3A_17 = arith.constant 208 : i32
    %barrier3A_18 = arith.constant 0 : index
    tpu.barrier barrier_id(%barrier3A_18)
    %scan3A_19 = arith.constant 0 : i32
    %scan3A_20 = arith.constant 0 : i32
    %scan3A_21 = arith.constant 4 : i32
    %scan3A_22 = arith.addi %scan3A_20, %scan3A_21 : i32
    %scan3A_23 = arith.constant 1 : i32
    scf.for %scan3A_25 = %scan3A_20 to %scan3A_22 step %scan3A_23  : i32 {
      %mul3A_26 = arith.constant 6272 : i32
      %mul3A_27 = arith.muli %arg1, %mul3A_26 : i32
      %mul3A_28 = arith.constant 1568 : i32
      %mul3A_29 = arith.muli %scan3A_25, %mul3A_28 : i32
      %add3A_30 = arith.addi %mul3A_27, %mul3A_29 : i32
      "tpu.region"() ({
        %run_scoped3A = tpu.sem_alloc : memref<!tpu.dma_semaphore, #tpu.memory_space<semaphore_mem>>
        %dma_start3A = arith.constant 0 : i32
        %dma_start3A_31 = tpu.memref_slice %arg16[%add3A_30, %dma_start3A] : memref<100352x8xf32, #tpu.memory_space<vmem_shared>> -> memref<1568x8xf32, #tpu.memory_space<vmem_shared>>
        %dma_start3A_32 = arith.constant 0 : i32
        %dma_start3A_33 = tpu.memref_slice %arg16[%add3A_30, %dma_start3A_32] : memref<100352x8xf32, #tpu.memory_space<vmem_shared>> -> memref<1568x8xf32, #tpu.memory_space<vmem_shared>>
        tpu.enqueue_dma source(%dma_start3A_33 : memref<1568x8xf32, #tpu.memory_space<vmem_shared>>) target(%arg14 : memref<1568x8xf32, #tpu.memory_space<vmem>>) target_semaphore(%run_scoped3A : memref<!tpu.dma_semaphore, #tpu.memory_space<semaphore_mem>>)
        %dma_wait3A = arith.constant 0 : i32
        %dma_wait3A_34 = tpu.memref_slice %arg16[%add3A_30, %dma_wait3A] : memref<100352x8xf32, #tpu.memory_space<vmem_shared>> -> memref<1568x8xf32, #tpu.memory_space<vmem_shared>>
        %dma_wait3A_35 = arith.constant 0 : i32
        %dma_wait3A_36 = tpu.memref_slice %arg16[%add3A_30, %dma_wait3A_35] : memref<100352x8xf32, #tpu.memory_space<vmem_shared>> -> memref<1568x8xf32, #tpu.memory_space<vmem_shared>>
        tpu.wait_dma2 semaphore(%run_scoped3A : memref<!tpu.dma_semaphore, #tpu.memory_space<semaphore_mem>>) src(%dma_wait3A_36 : memref<1568x8xf32, #tpu.memory_space<vmem_shared>>) dst(%arg14 : memref<1568x8xf32, #tpu.memory_space<vmem>>)
        tpu.yield
      }) : () -> ()
      "tpu.region"() ({
        %run_scoped3A = tpu.sem_alloc : memref<!tpu.dma_semaphore, #tpu.memory_space<semaphore_mem>>
        %dma_start3A = arith.constant 0 : i32
        %dma_start3A_31 = tpu.memref_slice %arg7[%arg0, %add3A_30, %dma_start3A] : memref<2x100352x8xf32, #tpu.memory_space<hbm>> -> memref<1x1568x8xf32, #tpu.memory_space<hbm>>
        %dma_start3A_32 = tpu.memref_squeeze %dma_start3A_31 : memref<1x1568x8xf32, #tpu.memory_space<hbm>> -> memref<1568x8xf32, #tpu.memory_space<hbm>>
        %dma_start3A_33 = arith.constant 0 : i32
        %dma_start3A_34 = tpu.memref_slice %arg7[%arg0, %add3A_30, %dma_start3A_33] : memref<2x100352x8xf32, #tpu.memory_space<hbm>> -> memref<1x1568x8xf32, #tpu.memory_space<hbm>>
        %dma_start3A_35 = tpu.memref_squeeze %dma_start3A_34 : memref<1x1568x8xf32, #tpu.memory_space<hbm>> -> memref<1568x8xf32, #tpu.memory_space<hbm>>
        tpu.enqueue_dma source(%arg14 : memref<1568x8xf32, #tpu.memory_space<vmem>>) target(%dma_start3A_35 : memref<1568x8xf32, #tpu.memory_space<hbm>>) target_semaphore(%run_scoped3A : memref<!tpu.dma_semaphore, #tpu.memory_space<semaphore_mem>>)
        %dma_wait3A = arith.constant 0 : i32
        %dma_wait3A_36 = tpu.memref_slice %arg7[%arg0, %add3A_30, %dma_wait3A] : memref<2x100352x8xf32, #tpu.memory_space<hbm>> -> memref<1x1568x8xf32, #tpu.memory_space<hbm>>
        %dma_wait3A_37 = tpu.memref_squeeze %dma_wait3A_36 : memref<1x1568x8xf32, #tpu.memory_space<hbm>> -> memref<1568x8xf32, #tpu.memory_space<hbm>>
        %dma_wait3A_38 = arith.constant 0 : i32
        %dma_wait3A_39 = tpu.memref_slice %arg7[%arg0, %add3A_30, %dma_wait3A_38] : memref<2x100352x8xf32, #tpu.memory_space<hbm>> -> memref<1x1568x8xf32, #tpu.memory_space<hbm>>
        %dma_wait3A_40 = tpu.memref_squeeze %dma_wait3A_39 : memref<1x1568x8xf32, #tpu.memory_space<hbm>> -> memref<1568x8xf32, #tpu.memory_space<hbm>>
        tpu.wait_dma2 semaphore(%run_scoped3A : memref<!tpu.dma_semaphore, #tpu.memory_space<semaphore_mem>>) src(%arg14 : memref<1568x8xf32, #tpu.memory_space<vmem>>) dst(%dma_wait3A_40 : memref<1568x8xf32, #tpu.memory_space<hbm>>)
        tpu.yield
      }) : () -> ()
    }
    %scan3A_24 = arith.constant 4 : i32
    return
  }
}

#map = affine_map<(d0, d1) -> (0)>
#map1 = affine_map<(d0, d1) -> (0, 0)>
#map2 = affine_map<(d0, d1) -> (0, 0, 0)>
module attributes {stable_mosaic.version = 14 : i64} {
  func.func @k(%arg0: i32, %arg1: i32, %arg2: memref<1703936xi32, #tpu.memory_space<hbm>>, %arg3: memref<1703936xi32, #tpu.memory_space<hbm>>, %arg4: memref<100352x8xf32, #tpu.memory_space<hbm>>, %arg5: memref<100352x8xf32, #tpu.memory_space<hbm>>, %arg6: memref<1568x8xf32, #tpu.memory_space<hbm>>, %arg7: memref<1703936x8xf32, #tpu.memory_space<hbm>>, %arg8: memref<2x100352x8xf32, #tpu.memory_space<hbm>>, %arg9: memref<1024xi32, #tpu.memory_space<vmem>>, %arg10: memref<1024xi32, #tpu.memory_space<vmem>>, %arg11: memref<1024x8xf32, #tpu.memory_space<vmem>>, %arg12: memref<1024x8xf32, #tpu.memory_space<vmem>>, %arg13: memref<1024x8xf32, #tpu.memory_space<vmem>>, %arg14: memref<1568x8xf32, #tpu.memory_space<vmem>>, %arg15: memref<100352x8xf32, #tpu.memory_space<vmem_shared>>, %arg16: memref<!tpu.dma_semaphore, #tpu.memory_space<semaphore_mem>>, %arg17: memref<!tpu.dma_semaphore, #tpu.memory_space<semaphore_mem>>) attributes {dimension_semantics = [#tpu.dimension_semantics<core_parallel>, #tpu.dimension_semantics<subcore_parallel>], iteration_bounds = array<i64: 2, 16>, scalar_prefetch = 0 : i64, scratch_operands = 9 : i64, tpu.core_type = #tpu.core_type<sc_vector_subcore>, window_params = [{transform_indices = #map}, {transform_indices = #map}, {transform_indices = #map1}, {transform_indices = #map1}, {transform_indices = #map1}, {transform_indices = #map1}, {transform_indices = #map2}]} {
    %mul3A = arith.constant 2 : i32
    %mul3A_0 = arith.muli %arg1, %mul3A : i32
    %add3A = arith.addi %mul3A_0, %arg0 : i32
    %iota3A = tpu.iota {dimensions = array<i32: 0>} : vector<16xi32>
    "tpu.region"() ({
      %run_scoped3A = tpu.sem_alloc : memref<!tpu.dma_semaphore, #tpu.memory_space<semaphore_mem>>
      tpu.enqueue_dma source(%arg6 : memref<1568x8xf32, #tpu.memory_space<hbm>>) target(%arg14 : memref<1568x8xf32, #tpu.memory_space<vmem>>) target_semaphore(%run_scoped3A : memref<!tpu.dma_semaphore, #tpu.memory_space<semaphore_mem>>)
      tpu.wait_dma2 semaphore(%run_scoped3A : memref<!tpu.dma_semaphore, #tpu.memory_space<semaphore_mem>>) src(%arg6 : memref<1568x8xf32, #tpu.memory_space<hbm>>) dst(%arg14 : memref<1568x8xf32, #tpu.memory_space<vmem>>)
      tpu.yield
    }) : () -> ()
    %scan3A = arith.constant 0 : i32
    %scan3A_1 = arith.constant 0 : i32
    %scan3A_2 = arith.constant 4 : i32
    %scan3A_3 = arith.addi %scan3A_1, %scan3A_2 : i32
    %scan3A_4 = arith.constant 1 : i32
    scf.for %scan3A_19 = %scan3A_1 to %scan3A_3 step %scan3A_4  : i32 {
      %mul3A_20 = arith.constant 6272 : i32
      %mul3A_21 = arith.muli %arg1, %mul3A_20 : i32
      %mul3A_22 = arith.constant 1568 : i32
      %mul3A_23 = arith.muli %scan3A_19, %mul3A_22 : i32
      %add3A_24 = arith.addi %mul3A_21, %mul3A_23 : i32
      "tpu.region"() ({
        %run_scoped3A = tpu.sem_alloc : memref<!tpu.dma_semaphore, #tpu.memory_space<semaphore_mem>>
        %dma_start3A = arith.constant 0 : i32
        %dma_start3A_25 = tpu.memref_slice %arg15[%add3A_24, %dma_start3A] : memref<100352x8xf32, #tpu.memory_space<vmem_shared>> -> memref<1568x8xf32, #tpu.memory_space<vmem_shared>>
        %dma_start3A_26 = arith.constant 0 : i32
        %dma_start3A_27 = tpu.memref_slice %arg15[%add3A_24, %dma_start3A_26] : memref<100352x8xf32, #tpu.memory_space<vmem_shared>> -> memref<1568x8xf32, #tpu.memory_space<vmem_shared>>
        tpu.enqueue_dma source(%arg14 : memref<1568x8xf32, #tpu.memory_space<vmem>>) target(%dma_start3A_27 : memref<1568x8xf32, #tpu.memory_space<vmem_shared>>) target_semaphore(%run_scoped3A : memref<!tpu.dma_semaphore, #tpu.memory_space<semaphore_mem>>)
        %dma_wait3A = arith.constant 0 : i32
        %dma_wait3A_28 = tpu.memref_slice %arg15[%add3A_24, %dma_wait3A] : memref<100352x8xf32, #tpu.memory_space<vmem_shared>> -> memref<1568x8xf32, #tpu.memory_space<vmem_shared>>
        %dma_wait3A_29 = arith.constant 0 : i32
        %dma_wait3A_30 = tpu.memref_slice %arg15[%add3A_24, %dma_wait3A_29] : memref<100352x8xf32, #tpu.memory_space<vmem_shared>> -> memref<1568x8xf32, #tpu.memory_space<vmem_shared>>
        tpu.wait_dma2 semaphore(%run_scoped3A : memref<!tpu.dma_semaphore, #tpu.memory_space<semaphore_mem>>) src(%arg14 : memref<1568x8xf32, #tpu.memory_space<vmem>>) dst(%dma_wait3A_30 : memref<1568x8xf32, #tpu.memory_space<vmem_shared>>)
        tpu.yield
      }) : () -> ()
    }
    %scan3A_5 = arith.constant 4 : i32
    %barrier3A = arith.constant 0 : index
    tpu.barrier barrier_id(%barrier3A)
    %scan3A_6 = arith.constant 0 : i32
    %scan3A_7 = arith.constant 0 : i32
    %scan3A_8 = arith.constant 52 : i32
    %scan3A_9 = arith.addi %scan3A_7, %scan3A_8 : i32
    %scan3A_10 = arith.constant 1 : i32
    scf.for %scan3A_19 = %scan3A_7 to %scan3A_9 step %scan3A_10  : i32 {
      %mul3A_20 = arith.constant 52 : i32
      %mul3A_21 = arith.muli %add3A, %mul3A_20 : i32
      %add3A_22 = arith.addi %mul3A_21, %scan3A_19 : i32
      %mul3A_23 = arith.constant 1024 : i32
      %mul3A_24 = arith.muli %add3A_22, %mul3A_23 : i32
      "tpu.region"() ({
        %run_scoped3A = tpu.sem_alloc : memref<!tpu.dma_semaphore, #tpu.memory_space<semaphore_mem>>
        %dma_start3A_41 = tpu.memref_slice %arg2[%mul3A_24] : memref<1703936xi32, #tpu.memory_space<hbm>> -> memref<1024xi32, #tpu.memory_space<hbm>>
        %dma_start3A_42 = tpu.memref_slice %arg2[%mul3A_24] : memref<1703936xi32, #tpu.memory_space<hbm>> -> memref<1024xi32, #tpu.memory_space<hbm>>
        tpu.enqueue_dma source(%dma_start3A_42 : memref<1024xi32, #tpu.memory_space<hbm>>) target(%arg9 : memref<1024xi32, #tpu.memory_space<vmem>>) target_semaphore(%run_scoped3A : memref<!tpu.dma_semaphore, #tpu.memory_space<semaphore_mem>>)
        %dma_wait3A_43 = tpu.memref_slice %arg2[%mul3A_24] : memref<1703936xi32, #tpu.memory_space<hbm>> -> memref<1024xi32, #tpu.memory_space<hbm>>
        %dma_wait3A_44 = tpu.memref_slice %arg2[%mul3A_24] : memref<1703936xi32, #tpu.memory_space<hbm>> -> memref<1024xi32, #tpu.memory_space<hbm>>
        tpu.wait_dma2 semaphore(%run_scoped3A : memref<!tpu.dma_semaphore, #tpu.memory_space<semaphore_mem>>) src(%dma_wait3A_44 : memref<1024xi32, #tpu.memory_space<hbm>>) dst(%arg9 : memref<1024xi32, #tpu.memory_space<vmem>>)
        tpu.yield
      }) : () -> ()
      "tpu.region"() ({
        %run_scoped3A = tpu.sem_alloc : memref<!tpu.dma_semaphore, #tpu.memory_space<semaphore_mem>>
        %dma_start3A_41 = tpu.memref_slice %arg3[%mul3A_24] : memref<1703936xi32, #tpu.memory_space<hbm>> -> memref<1024xi32, #tpu.memory_space<hbm>>
        %dma_start3A_42 = tpu.memref_slice %arg3[%mul3A_24] : memref<1703936xi32, #tpu.memory_space<hbm>> -> memref<1024xi32, #tpu.memory_space<hbm>>
        tpu.enqueue_dma source(%dma_start3A_42 : memref<1024xi32, #tpu.memory_space<hbm>>) target(%arg10 : memref<1024xi32, #tpu.memory_space<vmem>>) target_semaphore(%run_scoped3A : memref<!tpu.dma_semaphore, #tpu.memory_space<semaphore_mem>>)
        %dma_wait3A_43 = tpu.memref_slice %arg3[%mul3A_24] : memref<1703936xi32, #tpu.memory_space<hbm>> -> memref<1024xi32, #tpu.memory_space<hbm>>
        %dma_wait3A_44 = tpu.memref_slice %arg3[%mul3A_24] : memref<1703936xi32, #tpu.memory_space<hbm>> -> memref<1024xi32, #tpu.memory_space<hbm>>
        tpu.wait_dma2 semaphore(%run_scoped3A : memref<!tpu.dma_semaphore, #tpu.memory_space<semaphore_mem>>) src(%dma_wait3A_44 : memref<1024xi32, #tpu.memory_space<hbm>>) dst(%arg10 : memref<1024xi32, #tpu.memory_space<vmem>>)
        tpu.yield
      }) : () -> ()
      %dma_start3A = arith.constant 0 : i32
      %dma_start3A_25 = arith.constant 0 : i32
      %dma_start3A_26 = tpu.memref_slice %arg4[%dma_start3A, %dma_start3A_25] : memref<100352x8xf32, #tpu.memory_space<hbm>> -> memref<100352x8xf32, #tpu.memory_space<hbm>>
      tpu.enqueue_indirect_dma source(%dma_start3A_26 : memref<100352x8xf32, #tpu.memory_space<hbm>>) target(%arg11 : memref<1024x8xf32, #tpu.memory_space<vmem>>) offsets(%arg9 : memref<1024xi32, #tpu.memory_space<vmem>>) semaphore(%arg16 : memref<!tpu.dma_semaphore, #tpu.memory_space<semaphore_mem>>)
      %dma_start3A_27 = arith.constant 0 : i32
      %dma_start3A_28 = arith.constant 0 : i32
      %dma_start3A_29 = tpu.memref_slice %arg5[%dma_start3A_27, %dma_start3A_28] : memref<100352x8xf32, #tpu.memory_space<hbm>> -> memref<100352x8xf32, #tpu.memory_space<hbm>>
      tpu.enqueue_indirect_dma source(%dma_start3A_29 : memref<100352x8xf32, #tpu.memory_space<hbm>>) target(%arg12 : memref<1024x8xf32, #tpu.memory_space<vmem>>) offsets(%arg10 : memref<1024xi32, #tpu.memory_space<vmem>>) semaphore(%arg17 : memref<!tpu.dma_semaphore, #tpu.memory_space<semaphore_mem>>)
      %dma_wait3A = arith.constant 0 : i32
      %dma_wait3A_30 = arith.constant 0 : i32
      %dma_wait3A_31 = tpu.memref_slice %arg4[%dma_wait3A, %dma_wait3A_30] : memref<100352x8xf32, #tpu.memory_space<hbm>> -> memref<100352x8xf32, #tpu.memory_space<hbm>>
      tpu.wait_indirect_dma semaphore(%arg16 : memref<!tpu.dma_semaphore, #tpu.memory_space<semaphore_mem>>) src(%dma_wait3A_31 : memref<100352x8xf32, #tpu.memory_space<hbm>>) dst(%arg11 : memref<1024x8xf32, #tpu.memory_space<vmem>>)
      %dma_wait3A_32 = arith.constant 0 : i32
      %dma_wait3A_33 = arith.constant 0 : i32
      %dma_wait3A_34 = tpu.memref_slice %arg5[%dma_wait3A_32, %dma_wait3A_33] : memref<100352x8xf32, #tpu.memory_space<hbm>> -> memref<100352x8xf32, #tpu.memory_space<hbm>>
      tpu.wait_indirect_dma semaphore(%arg17 : memref<!tpu.dma_semaphore, #tpu.memory_space<semaphore_mem>>) src(%dma_wait3A_34 : memref<100352x8xf32, #tpu.memory_space<hbm>>) dst(%arg12 : memref<1024x8xf32, #tpu.memory_space<vmem>>)
      %scan3A_35 = arith.constant 0 : i32
      %scan3A_36 = arith.constant 0 : i32
      %scan3A_37 = arith.constant 512 : i32
      %scan3A_38 = arith.addi %scan3A_36, %scan3A_37 : i32
      %scan3A_39 = arith.constant 4 : i32
      scf.for %scan3A_41 = %scan3A_36 to %scan3A_38 step %scan3A_39  : i32 {
        %mul3A_42 = arith.constant 2 : i32
        %mul3A_43 = arith.muli %mul3A_42, %scan3A_41 : i32
        %shift_right_arithmetic3A = arith.constant 3 : i32
        %shift_right_arithmetic3A_44 = vector.broadcast %shift_right_arithmetic3A : i32 to vector<16xi32>
        %shift_right_arithmetic3A_45 = arith.shrsi %iota3A, %shift_right_arithmetic3A_44 : vector<16xi32>
        %add3A_46 = vector.broadcast %mul3A_43 : i32 to vector<16xi32>
        %add3A_47 = arith.addi %add3A_46, %shift_right_arithmetic3A_45 : vector<16xi32>
        %and3A = arith.constant 7 : i32
        %and3A_48 = vector.broadcast %and3A : i32 to vector<16xi32>
        %and3A_49 = arith.andi %iota3A, %and3A_48 : vector<16xi32>
        %gather3A = tpu.vector_load_idx %arg11[%add3A_47, %and3A_49] : memref<1024x8xf32, #tpu.memory_space<vmem>>[vector<16xi32>, vector<16xi32>], vector<16xf32>,
        %gather3A_50 = tpu.vector_load_idx %arg12[%add3A_47, %and3A_49] : memref<1024x8xf32, #tpu.memory_space<vmem>>[vector<16xi32>, vector<16xi32>], vector<16xf32>,
        %add3A_51 = arith.addf %gather3A, %gather3A_50 : vector<16xf32>
        %mul3A_52 = arith.constant 2.000000e-01 : f32
        %mul3A_53 = vector.broadcast %mul3A_52 : f32 to vector<16xf32>
        %mul3A_54 = arith.mulf %mul3A_53, %add3A_51 : vector<16xf32>
        %max3A = arith.maximumf %add3A_51, %mul3A_54 : vector<16xf32>
        %exp3A = math.exp %max3A : vector<16xf32>
        tpu.vector_store_idx %arg13[%add3A_47, %and3A_49], %exp3A : memref<1024x8xf32, #tpu.memory_space<vmem>>[vector<16xi32>, vector<16xi32>], vector<16xf32>,
        %scan3A_55 = arith.constant 1 : i32
        %scan3A_56 = arith.addi %scan3A_41, %scan3A_55 : i32
        %mul3A_57 = arith.constant 2 : i32
        %mul3A_58 = arith.muli %mul3A_57, %scan3A_56 : i32
        %shift_right_arithmetic3A_59 = arith.constant 3 : i32
        %shift_right_arithmetic3A_60 = vector.broadcast %shift_right_arithmetic3A_59 : i32 to vector<16xi32>
        %shift_right_arithmetic3A_61 = arith.shrsi %iota3A, %shift_right_arithmetic3A_60 : vector<16xi32>
        %add3A_62 = vector.broadcast %mul3A_58 : i32 to vector<16xi32>
        %add3A_63 = arith.addi %add3A_62, %shift_right_arithmetic3A_61 : vector<16xi32>
        %and3A_64 = arith.constant 7 : i32
        %and3A_65 = vector.broadcast %and3A_64 : i32 to vector<16xi32>
        %and3A_66 = arith.andi %iota3A, %and3A_65 : vector<16xi32>
        %gather3A_67 = tpu.vector_load_idx %arg11[%add3A_63, %and3A_66] : memref<1024x8xf32, #tpu.memory_space<vmem>>[vector<16xi32>, vector<16xi32>], vector<16xf32>,
        %gather3A_68 = tpu.vector_load_idx %arg12[%add3A_63, %and3A_66] : memref<1024x8xf32, #tpu.memory_space<vmem>>[vector<16xi32>, vector<16xi32>], vector<16xf32>,
        %add3A_69 = arith.addf %gather3A_67, %gather3A_68 : vector<16xf32>
        %mul3A_70 = arith.constant 2.000000e-01 : f32
        %mul3A_71 = vector.broadcast %mul3A_70 : f32 to vector<16xf32>
        %mul3A_72 = arith.mulf %mul3A_71, %add3A_69 : vector<16xf32>
        %max3A_73 = arith.maximumf %add3A_69, %mul3A_72 : vector<16xf32>
        %exp3A_74 = math.exp %max3A_73 : vector<16xf32>
        tpu.vector_store_idx %arg13[%add3A_63, %and3A_66], %exp3A_74 : memref<1024x8xf32, #tpu.memory_space<vmem>>[vector<16xi32>, vector<16xi32>], vector<16xf32>,
        %scan3A_75 = arith.constant 2 : i32
        %scan3A_76 = arith.addi %scan3A_41, %scan3A_75 : i32
        %mul3A_77 = arith.constant 2 : i32
        %mul3A_78 = arith.muli %mul3A_77, %scan3A_76 : i32
        %shift_right_arithmetic3A_79 = arith.constant 3 : i32
        %shift_right_arithmetic3A_80 = vector.broadcast %shift_right_arithmetic3A_79 : i32 to vector<16xi32>
        %shift_right_arithmetic3A_81 = arith.shrsi %iota3A, %shift_right_arithmetic3A_80 : vector<16xi32>
        %add3A_82 = vector.broadcast %mul3A_78 : i32 to vector<16xi32>
        %add3A_83 = arith.addi %add3A_82, %shift_right_arithmetic3A_81 : vector<16xi32>
        %and3A_84 = arith.constant 7 : i32
        %and3A_85 = vector.broadcast %and3A_84 : i32 to vector<16xi32>
        %and3A_86 = arith.andi %iota3A, %and3A_85 : vector<16xi32>
        %gather3A_87 = tpu.vector_load_idx %arg11[%add3A_83, %and3A_86] : memref<1024x8xf32, #tpu.memory_space<vmem>>[vector<16xi32>, vector<16xi32>], vector<16xf32>,
        %gather3A_88 = tpu.vector_load_idx %arg12[%add3A_83, %and3A_86] : memref<1024x8xf32, #tpu.memory_space<vmem>>[vector<16xi32>, vector<16xi32>], vector<16xf32>,
        %add3A_89 = arith.addf %gather3A_87, %gather3A_88 : vector<16xf32>
        %mul3A_90 = arith.constant 2.000000e-01 : f32
        %mul3A_91 = vector.broadcast %mul3A_90 : f32 to vector<16xf32>
        %mul3A_92 = arith.mulf %mul3A_91, %add3A_89 : vector<16xf32>
        %max3A_93 = arith.maximumf %add3A_89, %mul3A_92 : vector<16xf32>
        %exp3A_94 = math.exp %max3A_93 : vector<16xf32>
        tpu.vector_store_idx %arg13[%add3A_83, %and3A_86], %exp3A_94 : memref<1024x8xf32, #tpu.memory_space<vmem>>[vector<16xi32>, vector<16xi32>], vector<16xf32>,
        %scan3A_95 = arith.constant 3 : i32
        %scan3A_96 = arith.addi %scan3A_41, %scan3A_95 : i32
        %mul3A_97 = arith.constant 2 : i32
        %mul3A_98 = arith.muli %mul3A_97, %scan3A_96 : i32
        %shift_right_arithmetic3A_99 = arith.constant 3 : i32
        %shift_right_arithmetic3A_100 = vector.broadcast %shift_right_arithmetic3A_99 : i32 to vector<16xi32>
        %shift_right_arithmetic3A_101 = arith.shrsi %iota3A, %shift_right_arithmetic3A_100 : vector<16xi32>
        %add3A_102 = vector.broadcast %mul3A_98 : i32 to vector<16xi32>
        %add3A_103 = arith.addi %add3A_102, %shift_right_arithmetic3A_101 : vector<16xi32>
        %and3A_104 = arith.constant 7 : i32
        %and3A_105 = vector.broadcast %and3A_104 : i32 to vector<16xi32>
        %and3A_106 = arith.andi %iota3A, %and3A_105 : vector<16xi32>
        %gather3A_107 = tpu.vector_load_idx %arg11[%add3A_103, %and3A_106] : memref<1024x8xf32, #tpu.memory_space<vmem>>[vector<16xi32>, vector<16xi32>], vector<16xf32>,
        %gather3A_108 = tpu.vector_load_idx %arg12[%add3A_103, %and3A_106] : memref<1024x8xf32, #tpu.memory_space<vmem>>[vector<16xi32>, vector<16xi32>], vector<16xf32>,
        %add3A_109 = arith.addf %gather3A_107, %gather3A_108 : vector<16xf32>
        %mul3A_110 = arith.constant 2.000000e-01 : f32
        %mul3A_111 = vector.broadcast %mul3A_110 : f32 to vector<16xf32>
        %mul3A_112 = arith.mulf %mul3A_111, %add3A_109 : vector<16xf32>
        %max3A_113 = arith.maximumf %add3A_109, %mul3A_112 : vector<16xf32>
        %exp3A_114 = math.exp %max3A_113 : vector<16xf32>
        tpu.vector_store_idx %arg13[%add3A_103, %and3A_106], %exp3A_114 : memref<1024x8xf32, #tpu.memory_space<vmem>>[vector<16xi32>, vector<16xi32>], vector<16xf32>,
      }
      %scan3A_40 = arith.constant 512 : i32
      "tpu.region"() ({
        %run_scoped3A = tpu.sem_alloc : memref<!tpu.dma_semaphore, #tpu.memory_space<semaphore_mem>>
        %dma_start3A_41 = arith.constant 0 : i32
        %dma_start3A_42 = tpu.memref_slice %arg7[%mul3A_24, %dma_start3A_41] : memref<1703936x8xf32, #tpu.memory_space<hbm>> -> memref<1024x8xf32, #tpu.memory_space<hbm>>
        %dma_start3A_43 = arith.constant 0 : i32
        %dma_start3A_44 = tpu.memref_slice %arg7[%mul3A_24, %dma_start3A_43] : memref<1703936x8xf32, #tpu.memory_space<hbm>> -> memref<1024x8xf32, #tpu.memory_space<hbm>>
        tpu.enqueue_dma source(%arg13 : memref<1024x8xf32, #tpu.memory_space<vmem>>) target(%dma_start3A_44 : memref<1024x8xf32, #tpu.memory_space<hbm>>) target_semaphore(%run_scoped3A : memref<!tpu.dma_semaphore, #tpu.memory_space<semaphore_mem>>)
        %dma_wait3A_45 = arith.constant 0 : i32
        %dma_wait3A_46 = tpu.memref_slice %arg7[%mul3A_24, %dma_wait3A_45] : memref<1703936x8xf32, #tpu.memory_space<hbm>> -> memref<1024x8xf32, #tpu.memory_space<hbm>>
        %dma_wait3A_47 = arith.constant 0 : i32
        %dma_wait3A_48 = tpu.memref_slice %arg7[%mul3A_24, %dma_wait3A_47] : memref<1703936x8xf32, #tpu.memory_space<hbm>> -> memref<1024x8xf32, #tpu.memory_space<hbm>>
        tpu.wait_dma2 semaphore(%run_scoped3A : memref<!tpu.dma_semaphore, #tpu.memory_space<semaphore_mem>>) src(%arg13 : memref<1024x8xf32, #tpu.memory_space<vmem>>) dst(%dma_wait3A_48 : memref<1024x8xf32, #tpu.memory_space<hbm>>)
        tpu.yield
      }) : () -> ()
      "tpu.region"() ({
        %run_scoped3A = tpu.sem_alloc : memref<!tpu.dma_semaphore, #tpu.memory_space<semaphore_mem>>
        %dma_start3A_41 = arith.constant 0 : i32
        %dma_start3A_42 = arith.constant 0 : i32
        %dma_start3A_43 = tpu.memref_slice %arg15[%dma_start3A_41, %dma_start3A_42] : memref<100352x8xf32, #tpu.memory_space<vmem_shared>> -> memref<100352x8xf32, #tpu.memory_space<vmem_shared>>
        tpu.enqueue_indirect_dma source(%arg13 : memref<1024x8xf32, #tpu.memory_space<vmem>>) target(%dma_start3A_43 : memref<100352x8xf32, #tpu.memory_space<vmem_shared>>) offsets(%arg10 : memref<1024xi32, #tpu.memory_space<vmem>>) semaphore(%run_scoped3A : memref<!tpu.dma_semaphore, #tpu.memory_space<semaphore_mem>>) {add = true}
        %dma_wait3A_44 = arith.constant 0 : i32
        %dma_wait3A_45 = arith.constant 0 : i32
        %dma_wait3A_46 = tpu.memref_slice %arg15[%dma_wait3A_44, %dma_wait3A_45] : memref<100352x8xf32, #tpu.memory_space<vmem_shared>> -> memref<100352x8xf32, #tpu.memory_space<vmem_shared>>
        tpu.wait_indirect_dma semaphore(%run_scoped3A : memref<!tpu.dma_semaphore, #tpu.memory_space<semaphore_mem>>) src(%arg13 : memref<1024x8xf32, #tpu.memory_space<vmem>>) dst(%dma_wait3A_46 : memref<100352x8xf32, #tpu.memory_space<vmem_shared>>)
        tpu.yield
      }) : () -> ()
    }
    %scan3A_11 = arith.constant 52 : i32
    %barrier3A_12 = arith.constant 0 : index
    tpu.barrier barrier_id(%barrier3A_12)
    %scan3A_13 = arith.constant 0 : i32
    %scan3A_14 = arith.constant 0 : i32
    %scan3A_15 = arith.constant 4 : i32
    %scan3A_16 = arith.addi %scan3A_14, %scan3A_15 : i32
    %scan3A_17 = arith.constant 1 : i32
    scf.for %scan3A_19 = %scan3A_14 to %scan3A_16 step %scan3A_17  : i32 {
      %mul3A_20 = arith.constant 6272 : i32
      %mul3A_21 = arith.muli %arg1, %mul3A_20 : i32
      %mul3A_22 = arith.constant 1568 : i32
      %mul3A_23 = arith.muli %scan3A_19, %mul3A_22 : i32
      %add3A_24 = arith.addi %mul3A_21, %mul3A_23 : i32
      "tpu.region"() ({
        %run_scoped3A = tpu.sem_alloc : memref<!tpu.dma_semaphore, #tpu.memory_space<semaphore_mem>>
        %dma_start3A = arith.constant 0 : i32
        %dma_start3A_25 = tpu.memref_slice %arg15[%add3A_24, %dma_start3A] : memref<100352x8xf32, #tpu.memory_space<vmem_shared>> -> memref<1568x8xf32, #tpu.memory_space<vmem_shared>>
        %dma_start3A_26 = arith.constant 0 : i32
        %dma_start3A_27 = tpu.memref_slice %arg15[%add3A_24, %dma_start3A_26] : memref<100352x8xf32, #tpu.memory_space<vmem_shared>> -> memref<1568x8xf32, #tpu.memory_space<vmem_shared>>
        tpu.enqueue_dma source(%dma_start3A_27 : memref<1568x8xf32, #tpu.memory_space<vmem_shared>>) target(%arg14 : memref<1568x8xf32, #tpu.memory_space<vmem>>) target_semaphore(%run_scoped3A : memref<!tpu.dma_semaphore, #tpu.memory_space<semaphore_mem>>)
        %dma_wait3A = arith.constant 0 : i32
        %dma_wait3A_28 = tpu.memref_slice %arg15[%add3A_24, %dma_wait3A] : memref<100352x8xf32, #tpu.memory_space<vmem_shared>> -> memref<1568x8xf32, #tpu.memory_space<vmem_shared>>
        %dma_wait3A_29 = arith.constant 0 : i32
        %dma_wait3A_30 = tpu.memref_slice %arg15[%add3A_24, %dma_wait3A_29] : memref<100352x8xf32, #tpu.memory_space<vmem_shared>> -> memref<1568x8xf32, #tpu.memory_space<vmem_shared>>
        tpu.wait_dma2 semaphore(%run_scoped3A : memref<!tpu.dma_semaphore, #tpu.memory_space<semaphore_mem>>) src(%dma_wait3A_30 : memref<1568x8xf32, #tpu.memory_space<vmem_shared>>) dst(%arg14 : memref<1568x8xf32, #tpu.memory_space<vmem>>)
        tpu.yield
      }) : () -> ()
      "tpu.region"() ({
        %run_scoped3A = tpu.sem_alloc : memref<!tpu.dma_semaphore, #tpu.memory_space<semaphore_mem>>
        %dma_start3A = arith.constant 0 : i32
        %dma_start3A_25 = tpu.memref_slice %arg8[%arg0, %add3A_24, %dma_start3A] : memref<2x100352x8xf32, #tpu.memory_space<hbm>> -> memref<1x1568x8xf32, #tpu.memory_space<hbm>>
        %dma_start3A_26 = tpu.memref_squeeze %dma_start3A_25 : memref<1x1568x8xf32, #tpu.memory_space<hbm>> -> memref<1568x8xf32, #tpu.memory_space<hbm>>
        %dma_start3A_27 = arith.constant 0 : i32
        %dma_start3A_28 = tpu.memref_slice %arg8[%arg0, %add3A_24, %dma_start3A_27] : memref<2x100352x8xf32, #tpu.memory_space<hbm>> -> memref<1x1568x8xf32, #tpu.memory_space<hbm>>
        %dma_start3A_29 = tpu.memref_squeeze %dma_start3A_28 : memref<1x1568x8xf32, #tpu.memory_space<hbm>> -> memref<1568x8xf32, #tpu.memory_space<hbm>>
        tpu.enqueue_dma source(%arg14 : memref<1568x8xf32, #tpu.memory_space<vmem>>) target(%dma_start3A_29 : memref<1568x8xf32, #tpu.memory_space<hbm>>) target_semaphore(%run_scoped3A : memref<!tpu.dma_semaphore, #tpu.memory_space<semaphore_mem>>)
        %dma_wait3A = arith.constant 0 : i32
        %dma_wait3A_30 = tpu.memref_slice %arg8[%arg0, %add3A_24, %dma_wait3A] : memref<2x100352x8xf32, #tpu.memory_space<hbm>> -> memref<1x1568x8xf32, #tpu.memory_space<hbm>>
        %dma_wait3A_31 = tpu.memref_squeeze %dma_wait3A_30 : memref<1x1568x8xf32, #tpu.memory_space<hbm>> -> memref<1568x8xf32, #tpu.memory_space<hbm>>
        %dma_wait3A_32 = arith.constant 0 : i32
        %dma_wait3A_33 = tpu.memref_slice %arg8[%arg0, %add3A_24, %dma_wait3A_32] : memref<2x100352x8xf32, #tpu.memory_space<hbm>> -> memref<1x1568x8xf32, #tpu.memory_space<hbm>>
        %dma_wait3A_34 = tpu.memref_squeeze %dma_wait3A_33 : memref<1x1568x8xf32, #tpu.memory_space<hbm>> -> memref<1568x8xf32, #tpu.memory_space<hbm>>
        tpu.wait_dma2 semaphore(%run_scoped3A : memref<!tpu.dma_semaphore, #tpu.memory_space<semaphore_mem>>) src(%arg14 : memref<1568x8xf32, #tpu.memory_space<vmem>>) dst(%dma_wait3A_34 : memref<1568x8xf32, #tpu.memory_space<hbm>>)
        tpu.yield
      }) : () -> ()
    }
    %scan3A_18 = arith.constant 4 : i32
    return
  }
}

#map = affine_map<(d0, d1) -> (0)>
#map1 = affine_map<(d0, d1) -> (0, 0)>
#map2 = affine_map<(d0, d1) -> (0, 0, 0)>
module attributes {stable_mosaic.version = 14 : i64} {
  func.func @k(%arg0: i32, %arg1: i32, %arg2: memref<1703936xi32, #tpu.memory_space<hbm>>, %arg3: memref<1703936xi32, #tpu.memory_space<hbm>>, %arg4: memref<1703936x8xf32, #tpu.memory_space<hbm>>, %arg5: memref<100352x8xf32, #tpu.memory_space<hbm>>, %arg6: memref<100352x8xf32, #tpu.memory_space<hbm>>, %arg7: memref<392x16xf32, #tpu.memory_space<hbm>>, %arg8: memref<13600000xf32, #tpu.memory_space<hbm>>, %arg9: memref<2x100352x16xf32, #tpu.memory_space<hbm>>, %arg10: memref<256xi32, #tpu.memory_space<vmem>>, %arg11: memref<256xi32, #tpu.memory_space<vmem>>, %arg12: memref<256x8xf32, #tpu.memory_space<vmem>>, %arg13: memref<256x8xf32, #tpu.memory_space<vmem>>, %arg14: memref<2048xf32, #tpu.memory_space<vmem>>, %arg15: memref<256x8xf32, #tpu.memory_space<vmem>>, %arg16: memref<256x16xf32, #tpu.memory_space<vmem>>, %arg17: memref<392x16xf32, #tpu.memory_space<vmem>>, %arg18: memref<100352x16xf32, #tpu.memory_space<vmem_shared>>, %arg19: memref<!tpu.dma_semaphore, #tpu.memory_space<semaphore_mem>>, %arg20: memref<!tpu.dma_semaphore, #tpu.memory_space<semaphore_mem>>) attributes {dimension_semantics = [#tpu.dimension_semantics<core_parallel>, #tpu.dimension_semantics<subcore_parallel>], iteration_bounds = array<i64: 2, 16>, scalar_prefetch = 0 : i64, scratch_operands = 11 : i64, tpu.core_type = #tpu.core_type<sc_vector_subcore>, window_params = [{transform_indices = #map}, {transform_indices = #map}, {transform_indices = #map1}, {transform_indices = #map1}, {transform_indices = #map1}, {transform_indices = #map1}, {transform_indices = #map}, {transform_indices = #map2}]} {
    %mul3A = arith.constant 2 : i32
    %mul3A_0 = arith.muli %arg1, %mul3A : i32
    %add3A = arith.addi %mul3A_0, %arg0 : i32
    %iota3A = tpu.iota {dimensions = array<i32: 0>} : vector<16xi32>
    "tpu.region"() ({
      %run_scoped3A = tpu.sem_alloc : memref<!tpu.dma_semaphore, #tpu.memory_space<semaphore_mem>>
      tpu.enqueue_dma source(%arg7 : memref<392x16xf32, #tpu.memory_space<hbm>>) target(%arg17 : memref<392x16xf32, #tpu.memory_space<vmem>>) target_semaphore(%run_scoped3A : memref<!tpu.dma_semaphore, #tpu.memory_space<semaphore_mem>>)
      tpu.wait_dma2 semaphore(%run_scoped3A : memref<!tpu.dma_semaphore, #tpu.memory_space<semaphore_mem>>) src(%arg7 : memref<392x16xf32, #tpu.memory_space<hbm>>) dst(%arg17 : memref<392x16xf32, #tpu.memory_space<vmem>>)
      tpu.yield
    }) : () -> ()
    %scan3A = arith.constant 0 : i32
    %scan3A_1 = arith.constant 0 : i32
    %scan3A_2 = arith.constant 16 : i32
    %scan3A_3 = arith.addi %scan3A_1, %scan3A_2 : i32
    %scan3A_4 = arith.constant 1 : i32
    scf.for %scan3A_19 = %scan3A_1 to %scan3A_3 step %scan3A_4  : i32 {
      %mul3A_20 = arith.constant 6272 : i32
      %mul3A_21 = arith.muli %arg1, %mul3A_20 : i32
      %mul3A_22 = arith.constant 392 : i32
      %mul3A_23 = arith.muli %scan3A_19, %mul3A_22 : i32
      %add3A_24 = arith.addi %mul3A_21, %mul3A_23 : i32
      "tpu.region"() ({
        %run_scoped3A = tpu.sem_alloc : memref<!tpu.dma_semaphore, #tpu.memory_space<semaphore_mem>>
        %dma_start3A = arith.constant 0 : i32
        %dma_start3A_25 = tpu.memref_slice %arg18[%add3A_24, %dma_start3A] : memref<100352x16xf32, #tpu.memory_space<vmem_shared>> -> memref<392x16xf32, #tpu.memory_space<vmem_shared>>
        %dma_start3A_26 = arith.constant 0 : i32
        %dma_start3A_27 = tpu.memref_slice %arg18[%add3A_24, %dma_start3A_26] : memref<100352x16xf32, #tpu.memory_space<vmem_shared>> -> memref<392x16xf32, #tpu.memory_space<vmem_shared>>
        tpu.enqueue_dma source(%arg17 : memref<392x16xf32, #tpu.memory_space<vmem>>) target(%dma_start3A_27 : memref<392x16xf32, #tpu.memory_space<vmem_shared>>) target_semaphore(%run_scoped3A : memref<!tpu.dma_semaphore, #tpu.memory_space<semaphore_mem>>)
        %dma_wait3A = arith.constant 0 : i32
        %dma_wait3A_28 = tpu.memref_slice %arg18[%add3A_24, %dma_wait3A] : memref<100352x16xf32, #tpu.memory_space<vmem_shared>> -> memref<392x16xf32, #tpu.memory_space<vmem_shared>>
        %dma_wait3A_29 = arith.constant 0 : i32
        %dma_wait3A_30 = tpu.memref_slice %arg18[%add3A_24, %dma_wait3A_29] : memref<100352x16xf32, #tpu.memory_space<vmem_shared>> -> memref<392x16xf32, #tpu.memory_space<vmem_shared>>
        tpu.wait_dma2 semaphore(%run_scoped3A : memref<!tpu.dma_semaphore, #tpu.memory_space<semaphore_mem>>) src(%arg17 : memref<392x16xf32, #tpu.memory_space<vmem>>) dst(%dma_wait3A_30 : memref<392x16xf32, #tpu.memory_space<vmem_shared>>)
        tpu.yield
      }) : () -> ()
    }
    %scan3A_5 = arith.constant 16 : i32
    %barrier3A = arith.constant 0 : index
    tpu.barrier barrier_id(%barrier3A)
    %scan3A_6 = arith.constant 0 : i32
    %scan3A_7 = arith.constant 0 : i32
    %scan3A_8 = arith.constant 208 : i32
    %scan3A_9 = arith.addi %scan3A_7, %scan3A_8 : i32
    %scan3A_10 = arith.constant 1 : i32
    scf.for %scan3A_19 = %scan3A_7 to %scan3A_9 step %scan3A_10  : i32 {
      %mul3A_20 = arith.constant 208 : i32
      %mul3A_21 = arith.muli %add3A, %mul3A_20 : i32
      %add3A_22 = arith.addi %mul3A_21, %scan3A_19 : i32
      %mul3A_23 = arith.constant 256 : i32
      %mul3A_24 = arith.muli %add3A_22, %mul3A_23 : i32
      "tpu.region"() ({
        %run_scoped3A = tpu.sem_alloc : memref<!tpu.dma_semaphore, #tpu.memory_space<semaphore_mem>>
        %dma_start3A_58 = tpu.memref_slice %arg2[%mul3A_24] : memref<1703936xi32, #tpu.memory_space<hbm>> -> memref<256xi32, #tpu.memory_space<hbm>>
        %dma_start3A_59 = tpu.memref_slice %arg2[%mul3A_24] : memref<1703936xi32, #tpu.memory_space<hbm>> -> memref<256xi32, #tpu.memory_space<hbm>>
        tpu.enqueue_dma source(%dma_start3A_59 : memref<256xi32, #tpu.memory_space<hbm>>) target(%arg10 : memref<256xi32, #tpu.memory_space<vmem>>) target_semaphore(%run_scoped3A : memref<!tpu.dma_semaphore, #tpu.memory_space<semaphore_mem>>)
        %dma_wait3A_60 = tpu.memref_slice %arg2[%mul3A_24] : memref<1703936xi32, #tpu.memory_space<hbm>> -> memref<256xi32, #tpu.memory_space<hbm>>
        %dma_wait3A_61 = tpu.memref_slice %arg2[%mul3A_24] : memref<1703936xi32, #tpu.memory_space<hbm>> -> memref<256xi32, #tpu.memory_space<hbm>>
        tpu.wait_dma2 semaphore(%run_scoped3A : memref<!tpu.dma_semaphore, #tpu.memory_space<semaphore_mem>>) src(%dma_wait3A_61 : memref<256xi32, #tpu.memory_space<hbm>>) dst(%arg10 : memref<256xi32, #tpu.memory_space<vmem>>)
        tpu.yield
      }) : () -> ()
      "tpu.region"() ({
        %run_scoped3A = tpu.sem_alloc : memref<!tpu.dma_semaphore, #tpu.memory_space<semaphore_mem>>
        %dma_start3A_58 = tpu.memref_slice %arg3[%mul3A_24] : memref<1703936xi32, #tpu.memory_space<hbm>> -> memref<256xi32, #tpu.memory_space<hbm>>
        %dma_start3A_59 = tpu.memref_slice %arg3[%mul3A_24] : memref<1703936xi32, #tpu.memory_space<hbm>> -> memref<256xi32, #tpu.memory_space<hbm>>
        tpu.enqueue_dma source(%dma_start3A_59 : memref<256xi32, #tpu.memory_space<hbm>>) target(%arg11 : memref<256xi32, #tpu.memory_space<vmem>>) target_semaphore(%run_scoped3A : memref<!tpu.dma_semaphore, #tpu.memory_space<semaphore_mem>>)
        %dma_wait3A_60 = tpu.memref_slice %arg3[%mul3A_24] : memref<1703936xi32, #tpu.memory_space<hbm>> -> memref<256xi32, #tpu.memory_space<hbm>>
        %dma_wait3A_61 = tpu.memref_slice %arg3[%mul3A_24] : memref<1703936xi32, #tpu.memory_space<hbm>> -> memref<256xi32, #tpu.memory_space<hbm>>
        tpu.wait_dma2 semaphore(%run_scoped3A : memref<!tpu.dma_semaphore, #tpu.memory_space<semaphore_mem>>) src(%dma_wait3A_61 : memref<256xi32, #tpu.memory_space<hbm>>) dst(%arg11 : memref<256xi32, #tpu.memory_space<vmem>>)
        tpu.yield
      }) : () -> ()
      "tpu.region"() ({
        %run_scoped3A = tpu.sem_alloc : memref<!tpu.dma_semaphore, #tpu.memory_space<semaphore_mem>>
        %dma_start3A_58 = arith.constant 0 : i32
        %dma_start3A_59 = tpu.memref_slice %arg4[%mul3A_24, %dma_start3A_58] : memref<1703936x8xf32, #tpu.memory_space<hbm>> -> memref<256x8xf32, #tpu.memory_space<hbm>>
        %dma_start3A_60 = arith.constant 0 : i32
        %dma_start3A_61 = tpu.memref_slice %arg4[%mul3A_24, %dma_start3A_60] : memref<1703936x8xf32, #tpu.memory_space<hbm>> -> memref<256x8xf32, #tpu.memory_space<hbm>>
        tpu.enqueue_dma source(%dma_start3A_61 : memref<256x8xf32, #tpu.memory_space<hbm>>) target(%arg12 : memref<256x8xf32, #tpu.memory_space<vmem>>) target_semaphore(%run_scoped3A : memref<!tpu.dma_semaphore, #tpu.memory_space<semaphore_mem>>)
        %dma_wait3A_62 = arith.constant 0 : i32
        %dma_wait3A_63 = tpu.memref_slice %arg4[%mul3A_24, %dma_wait3A_62] : memref<1703936x8xf32, #tpu.memory_space<hbm>> -> memref<256x8xf32, #tpu.memory_space<hbm>>
        %dma_wait3A_64 = arith.constant 0 : i32
        %dma_wait3A_65 = tpu.memref_slice %arg4[%mul3A_24, %dma_wait3A_64] : memref<1703936x8xf32, #tpu.memory_space<hbm>> -> memref<256x8xf32, #tpu.memory_space<hbm>>
        tpu.wait_dma2 semaphore(%run_scoped3A : memref<!tpu.dma_semaphore, #tpu.memory_space<semaphore_mem>>) src(%dma_wait3A_65 : memref<256x8xf32, #tpu.memory_space<hbm>>) dst(%arg12 : memref<256x8xf32, #tpu.memory_space<vmem>>)
        tpu.yield
      }) : () -> ()
      %dma_start3A = arith.constant 0 : i32
      %dma_start3A_25 = arith.constant 0 : i32
      %dma_start3A_26 = tpu.memref_slice %arg5[%dma_start3A, %dma_start3A_25] : memref<100352x8xf32, #tpu.memory_space<hbm>> -> memref<100352x8xf32, #tpu.memory_space<hbm>>
      tpu.enqueue_indirect_dma source(%dma_start3A_26 : memref<100352x8xf32, #tpu.memory_space<hbm>>) target(%arg13 : memref<256x8xf32, #tpu.memory_space<vmem>>) offsets(%arg11 : memref<256xi32, #tpu.memory_space<vmem>>) semaphore(%arg19 : memref<!tpu.dma_semaphore, #tpu.memory_space<semaphore_mem>>)
      %dma_start3A_27 = arith.constant 0 : i32
      %dma_start3A_28 = arith.constant 0 : i32
      %dma_start3A_29 = tpu.memref_slice %arg6[%dma_start3A_27, %dma_start3A_28] : memref<100352x8xf32, #tpu.memory_space<hbm>> -> memref<100352x8xf32, #tpu.memory_space<hbm>>
      tpu.enqueue_indirect_dma source(%dma_start3A_29 : memref<100352x8xf32, #tpu.memory_space<hbm>>) target(%arg15 : memref<256x8xf32, #tpu.memory_space<vmem>>) offsets(%arg10 : memref<256xi32, #tpu.memory_space<vmem>>) semaphore(%arg20 : memref<!tpu.dma_semaphore, #tpu.memory_space<semaphore_mem>>)
      %dma_wait3A = arith.constant 0 : i32
      %dma_wait3A_30 = arith.constant 0 : i32
      %dma_wait3A_31 = tpu.memref_slice %arg5[%dma_wait3A, %dma_wait3A_30] : memref<100352x8xf32, #tpu.memory_space<hbm>> -> memref<100352x8xf32, #tpu.memory_space<hbm>>
      tpu.wait_indirect_dma semaphore(%arg19 : memref<!tpu.dma_semaphore, #tpu.memory_space<semaphore_mem>>) src(%dma_wait3A_31 : memref<100352x8xf32, #tpu.memory_space<hbm>>) dst(%arg13 : memref<256x8xf32, #tpu.memory_space<vmem>>)
      %dma_wait3A_32 = arith.constant 0 : i32
      %dma_wait3A_33 = arith.constant 0 : i32
      %dma_wait3A_34 = tpu.memref_slice %arg6[%dma_wait3A_32, %dma_wait3A_33] : memref<100352x8xf32, #tpu.memory_space<hbm>> -> memref<100352x8xf32, #tpu.memory_space<hbm>>
      tpu.wait_indirect_dma semaphore(%arg20 : memref<!tpu.dma_semaphore, #tpu.memory_space<semaphore_mem>>) src(%dma_wait3A_34 : memref<100352x8xf32, #tpu.memory_space<hbm>>) dst(%arg15 : memref<256x8xf32, #tpu.memory_space<vmem>>)
      %scan3A_35 = arith.constant 0 : i32
      %scan3A_36 = arith.constant 0 : i32
      %scan3A_37 = arith.constant 128 : i32
      %scan3A_38 = arith.addi %scan3A_36, %scan3A_37 : i32
      %scan3A_39 = arith.constant 4 : i32
      scf.for %scan3A_58 = %scan3A_36 to %scan3A_38 step %scan3A_39  : i32 {
        %mul3A_59 = arith.constant 2 : i32
        %mul3A_60 = arith.muli %mul3A_59, %scan3A_58 : i32
        %shift_right_arithmetic3A = arith.constant 3 : i32
        %shift_right_arithmetic3A_61 = vector.broadcast %shift_right_arithmetic3A : i32 to vector<16xi32>
        %shift_right_arithmetic3A_62 = arith.shrsi %iota3A, %shift_right_arithmetic3A_61 : vector<16xi32>
        %add3A_63 = vector.broadcast %mul3A_60 : i32 to vector<16xi32>
        %add3A_64 = arith.addi %add3A_63, %shift_right_arithmetic3A_62 : vector<16xi32>
        %and3A = arith.constant 7 : i32
        %and3A_65 = vector.broadcast %and3A : i32 to vector<16xi32>
        %and3A_66 = arith.andi %iota3A, %and3A_65 : vector<16xi32>
        %gather3A = tpu.vector_load_idx %arg12[%add3A_64, %and3A_66] : memref<256x8xf32, #tpu.memory_space<vmem>>[vector<16xi32>, vector<16xi32>], vector<16xf32>,
        %gather3A_67 = tpu.vector_load_idx %arg13[%add3A_64, %and3A_66] : memref<256x8xf32, #tpu.memory_space<vmem>>[vector<16xi32>, vector<16xi32>], vector<16xf32>,
        %mul3A_68 = arith.mulf %gather3A, %gather3A_67 : vector<16xf32>
        %mul3A_69 = arith.constant 16 : i32
        %mul3A_70 = arith.muli %mul3A_69, %scan3A_58 : i32
        %swap3A = arith.index_cast %mul3A_70 : i32 to index
        %swap3A_71 = tpu.vector_load %arg14[%swap3A] {strides = array<i32>} : memref<2048xf32, #tpu.memory_space<vmem>>, vector<16xf32>,
        tpu.vector_store %arg14[%swap3A], %mul3A_68 {strides = array<i32>} : memref<2048xf32, #tpu.memory_space<vmem>>, vector<16xf32>,
        %scan3A_72 = arith.constant 1 : i32
        %scan3A_73 = arith.addi %scan3A_58, %scan3A_72 : i32
        %mul3A_74 = arith.constant 2 : i32
        %mul3A_75 = arith.muli %mul3A_74, %scan3A_73 : i32
        %shift_right_arithmetic3A_76 = arith.constant 3 : i32
        %shift_right_arithmetic3A_77 = vector.broadcast %shift_right_arithmetic3A_76 : i32 to vector<16xi32>
        %shift_right_arithmetic3A_78 = arith.shrsi %iota3A, %shift_right_arithmetic3A_77 : vector<16xi32>
        %add3A_79 = vector.broadcast %mul3A_75 : i32 to vector<16xi32>
        %add3A_80 = arith.addi %add3A_79, %shift_right_arithmetic3A_78 : vector<16xi32>
        %and3A_81 = arith.constant 7 : i32
        %and3A_82 = vector.broadcast %and3A_81 : i32 to vector<16xi32>
        %and3A_83 = arith.andi %iota3A, %and3A_82 : vector<16xi32>
        %gather3A_84 = tpu.vector_load_idx %arg12[%add3A_80, %and3A_83] : memref<256x8xf32, #tpu.memory_space<vmem>>[vector<16xi32>, vector<16xi32>], vector<16xf32>,
        %gather3A_85 = tpu.vector_load_idx %arg13[%add3A_80, %and3A_83] : memref<256x8xf32, #tpu.memory_space<vmem>>[vector<16xi32>, vector<16xi32>], vector<16xf32>,
        %mul3A_86 = arith.mulf %gather3A_84, %gather3A_85 : vector<16xf32>
        %mul3A_87 = arith.constant 16 : i32
        %mul3A_88 = arith.muli %mul3A_87, %scan3A_73 : i32
        %swap3A_89 = arith.index_cast %mul3A_88 : i32 to index
        %swap3A_90 = tpu.vector_load %arg14[%swap3A_89] {strides = array<i32>} : memref<2048xf32, #tpu.memory_space<vmem>>, vector<16xf32>,
        tpu.vector_store %arg14[%swap3A_89], %mul3A_86 {strides = array<i32>} : memref<2048xf32, #tpu.memory_space<vmem>>, vector<16xf32>,
        %scan3A_91 = arith.constant 2 : i32
        %scan3A_92 = arith.addi %scan3A_58, %scan3A_91 : i32
        %mul3A_93 = arith.constant 2 : i32
        %mul3A_94 = arith.muli %mul3A_93, %scan3A_92 : i32
        %shift_right_arithmetic3A_95 = arith.constant 3 : i32
        %shift_right_arithmetic3A_96 = vector.broadcast %shift_right_arithmetic3A_95 : i32 to vector<16xi32>
        %shift_right_arithmetic3A_97 = arith.shrsi %iota3A, %shift_right_arithmetic3A_96 : vector<16xi32>
        %add3A_98 = vector.broadcast %mul3A_94 : i32 to vector<16xi32>
        %add3A_99 = arith.addi %add3A_98, %shift_right_arithmetic3A_97 : vector<16xi32>
        %and3A_100 = arith.constant 7 : i32
        %and3A_101 = vector.broadcast %and3A_100 : i32 to vector<16xi32>
        %and3A_102 = arith.andi %iota3A, %and3A_101 : vector<16xi32>
        %gather3A_103 = tpu.vector_load_idx %arg12[%add3A_99, %and3A_102] : memref<256x8xf32, #tpu.memory_space<vmem>>[vector<16xi32>, vector<16xi32>], vector<16xf32>,
        %gather3A_104 = tpu.vector_load_idx %arg13[%add3A_99, %and3A_102] : memref<256x8xf32, #tpu.memory_space<vmem>>[vector<16xi32>, vector<16xi32>], vector<16xf32>,
        %mul3A_105 = arith.mulf %gather3A_103, %gather3A_104 : vector<16xf32>
        %mul3A_106 = arith.constant 16 : i32
        %mul3A_107 = arith.muli %mul3A_106, %scan3A_92 : i32
        %swap3A_108 = arith.index_cast %mul3A_107 : i32 to index
        %swap3A_109 = tpu.vector_load %arg14[%swap3A_108] {strides = array<i32>} : memref<2048xf32, #tpu.memory_space<vmem>>, vector<16xf32>,
        tpu.vector_store %arg14[%swap3A_108], %mul3A_105 {strides = array<i32>} : memref<2048xf32, #tpu.memory_space<vmem>>, vector<16xf32>,
        %scan3A_110 = arith.constant 3 : i32
        %scan3A_111 = arith.addi %scan3A_58, %scan3A_110 : i32
        %mul3A_112 = arith.constant 2 : i32
        %mul3A_113 = arith.muli %mul3A_112, %scan3A_111 : i32
        %shift_right_arithmetic3A_114 = arith.constant 3 : i32
        %shift_right_arithmetic3A_115 = vector.broadcast %shift_right_arithmetic3A_114 : i32 to vector<16xi32>
        %shift_right_arithmetic3A_116 = arith.shrsi %iota3A, %shift_right_arithmetic3A_115 : vector<16xi32>
        %add3A_117 = vector.broadcast %mul3A_113 : i32 to vector<16xi32>
        %add3A_118 = arith.addi %add3A_117, %shift_right_arithmetic3A_116 : vector<16xi32>
        %and3A_119 = arith.constant 7 : i32
        %and3A_120 = vector.broadcast %and3A_119 : i32 to vector<16xi32>
        %and3A_121 = arith.andi %iota3A, %and3A_120 : vector<16xi32>
        %gather3A_122 = tpu.vector_load_idx %arg12[%add3A_118, %and3A_121] : memref<256x8xf32, #tpu.memory_space<vmem>>[vector<16xi32>, vector<16xi32>], vector<16xf32>,
        %gather3A_123 = tpu.vector_load_idx %arg13[%add3A_118, %and3A_121] : memref<256x8xf32, #tpu.memory_space<vmem>>[vector<16xi32>, vector<16xi32>], vector<16xf32>,
        %mul3A_124 = arith.mulf %gather3A_122, %gather3A_123 : vector<16xf32>
        %mul3A_125 = arith.constant 16 : i32
        %mul3A_126 = arith.muli %mul3A_125, %scan3A_111 : i32
        %swap3A_127 = arith.index_cast %mul3A_126 : i32 to index
        %swap3A_128 = tpu.vector_load %arg14[%swap3A_127] {strides = array<i32>} : memref<2048xf32, #tpu.memory_space<vmem>>, vector<16xf32>,
        tpu.vector_store %arg14[%swap3A_127], %mul3A_124 {strides = array<i32>} : memref<2048xf32, #tpu.memory_space<vmem>>, vector<16xf32>,
      }
      %scan3A_40 = arith.constant 128 : i32
      %scan3A_41 = arith.constant 0 : i32
      %scan3A_42 = arith.constant 0 : i32
      %scan3A_43 = arith.constant 256 : i32
      %scan3A_44 = arith.addi %scan3A_42, %scan3A_43 : i32
      %scan3A_45 = arith.constant 4 : i32
      scf.for %scan3A_58 = %scan3A_42 to %scan3A_44 step %scan3A_45  : i32 {
        %mul3A_59 = arith.constant 0 : i32
        %mul3A_60 = vector.broadcast %mul3A_59 : i32 to vector<16xi32>
        %mul3A_61 = arith.muli %iota3A, %mul3A_60 : vector<16xi32>
        %add3A_62 = vector.broadcast %scan3A_58 : i32 to vector<16xi32>
        %add3A_63 = arith.addi %mul3A_61, %add3A_62 : vector<16xi32>
        %and3A = arith.constant 7 : i32
        %and3A_64 = vector.broadcast %and3A : i32 to vector<16xi32>
        %and3A_65 = arith.andi %iota3A, %and3A_64 : vector<16xi32>
        %gather3A = tpu.vector_load_idx %arg12[%add3A_63, %and3A_65] : memref<256x8xf32, #tpu.memory_space<vmem>>[vector<16xi32>, vector<16xi32>], vector<16xf32>,
        %shift_right_arithmetic3A = arith.constant 3 : i32
        %shift_right_arithmetic3A_66 = vector.broadcast %shift_right_arithmetic3A : i32 to vector<16xi32>
        %shift_right_arithmetic3A_67 = arith.shrsi %iota3A, %shift_right_arithmetic3A_66 : vector<16xi32>
        %gather3A_68 = tpu.vector_load_idx %arg15[%add3A_63, %shift_right_arithmetic3A_67] : memref<256x8xf32, #tpu.memory_space<vmem>>[vector<16xi32>, vector<16xi32>], vector<16xf32>,
        %mul3A_69 = arith.mulf %gather3A, %gather3A_68 : vector<16xf32>
        tpu.vector_store_idx %arg16[%add3A_63, %iota3A], %mul3A_69 : memref<256x16xf32, #tpu.memory_space<vmem>>[vector<16xi32>, vector<16xi32>], vector<16xf32>,
        %scan3A_70 = arith.constant 1 : i32
        %scan3A_71 = arith.addi %scan3A_58, %scan3A_70 : i32
        %mul3A_72 = arith.constant 0 : i32
        %mul3A_73 = vector.broadcast %mul3A_72 : i32 to vector<16xi32>
        %mul3A_74 = arith.muli %iota3A, %mul3A_73 : vector<16xi32>
        %add3A_75 = vector.broadcast %scan3A_71 : i32 to vector<16xi32>
        %add3A_76 = arith.addi %mul3A_74, %add3A_75 : vector<16xi32>
        %and3A_77 = arith.constant 7 : i32
        %and3A_78 = vector.broadcast %and3A_77 : i32 to vector<16xi32>
        %and3A_79 = arith.andi %iota3A, %and3A_78 : vector<16xi32>
        %gather3A_80 = tpu.vector_load_idx %arg12[%add3A_76, %and3A_79] : memref<256x8xf32, #tpu.memory_space<vmem>>[vector<16xi32>, vector<16xi32>], vector<16xf32>,
        %shift_right_arithmetic3A_81 = arith.constant 3 : i32
        %shift_right_arithmetic3A_82 = vector.broadcast %shift_right_arithmetic3A_81 : i32 to vector<16xi32>
        %shift_right_arithmetic3A_83 = arith.shrsi %iota3A, %shift_right_arithmetic3A_82 : vector<16xi32>
        %gather3A_84 = tpu.vector_load_idx %arg15[%add3A_76, %shift_right_arithmetic3A_83] : memref<256x8xf32, #tpu.memory_space<vmem>>[vector<16xi32>, vector<16xi32>], vector<16xf32>,
        %mul3A_85 = arith.mulf %gather3A_80, %gather3A_84 : vector<16xf32>
        tpu.vector_store_idx %arg16[%add3A_76, %iota3A], %mul3A_85 : memref<256x16xf32, #tpu.memory_space<vmem>>[vector<16xi32>, vector<16xi32>], vector<16xf32>,
        %scan3A_86 = arith.constant 2 : i32
        %scan3A_87 = arith.addi %scan3A_58, %scan3A_86 : i32
        %mul3A_88 = arith.constant 0 : i32
        %mul3A_89 = vector.broadcast %mul3A_88 : i32 to vector<16xi32>
        %mul3A_90 = arith.muli %iota3A, %mul3A_89 : vector<16xi32>
        %add3A_91 = vector.broadcast %scan3A_87 : i32 to vector<16xi32>
        %add3A_92 = arith.addi %mul3A_90, %add3A_91 : vector<16xi32>
        %and3A_93 = arith.constant 7 : i32
        %and3A_94 = vector.broadcast %and3A_93 : i32 to vector<16xi32>
        %and3A_95 = arith.andi %iota3A, %and3A_94 : vector<16xi32>
        %gather3A_96 = tpu.vector_load_idx %arg12[%add3A_92, %and3A_95] : memref<256x8xf32, #tpu.memory_space<vmem>>[vector<16xi32>, vector<16xi32>], vector<16xf32>,
        %shift_right_arithmetic3A_97 = arith.constant 3 : i32
        %shift_right_arithmetic3A_98 = vector.broadcast %shift_right_arithmetic3A_97 : i32 to vector<16xi32>
        %shift_right_arithmetic3A_99 = arith.shrsi %iota3A, %shift_right_arithmetic3A_98 : vector<16xi32>
        %gather3A_100 = tpu.vector_load_idx %arg15[%add3A_92, %shift_right_arithmetic3A_99] : memref<256x8xf32, #tpu.memory_space<vmem>>[vector<16xi32>, vector<16xi32>], vector<16xf32>,
        %mul3A_101 = arith.mulf %gather3A_96, %gather3A_100 : vector<16xf32>
        tpu.vector_store_idx %arg16[%add3A_92, %iota3A], %mul3A_101 : memref<256x16xf32, #tpu.memory_space<vmem>>[vector<16xi32>, vector<16xi32>], vector<16xf32>,
        %scan3A_102 = arith.constant 3 : i32
        %scan3A_103 = arith.addi %scan3A_58, %scan3A_102 : i32
        %mul3A_104 = arith.constant 0 : i32
        %mul3A_105 = vector.broadcast %mul3A_104 : i32 to vector<16xi32>
        %mul3A_106 = arith.muli %iota3A, %mul3A_105 : vector<16xi32>
        %add3A_107 = vector.broadcast %scan3A_103 : i32 to vector<16xi32>
        %add3A_108 = arith.addi %mul3A_106, %add3A_107 : vector<16xi32>
        %and3A_109 = arith.constant 7 : i32
        %and3A_110 = vector.broadcast %and3A_109 : i32 to vector<16xi32>
        %and3A_111 = arith.andi %iota3A, %and3A_110 : vector<16xi32>
        %gather3A_112 = tpu.vector_load_idx %arg12[%add3A_108, %and3A_111] : memref<256x8xf32, #tpu.memory_space<vmem>>[vector<16xi32>, vector<16xi32>], vector<16xf32>,
        %shift_right_arithmetic3A_113 = arith.constant 3 : i32
        %shift_right_arithmetic3A_114 = vector.broadcast %shift_right_arithmetic3A_113 : i32 to vector<16xi32>
        %shift_right_arithmetic3A_115 = arith.shrsi %iota3A, %shift_right_arithmetic3A_114 : vector<16xi32>
        %gather3A_116 = tpu.vector_load_idx %arg15[%add3A_108, %shift_right_arithmetic3A_115] : memref<256x8xf32, #tpu.memory_space<vmem>>[vector<16xi32>, vector<16xi32>], vector<16xf32>,
        %mul3A_117 = arith.mulf %gather3A_112, %gather3A_116 : vector<16xf32>
        tpu.vector_store_idx %arg16[%add3A_108, %iota3A], %mul3A_117 : memref<256x16xf32, #tpu.memory_space<vmem>>[vector<16xi32>, vector<16xi32>], vector<16xf32>,
      }
      %scan3A_46 = arith.constant 256 : i32
      %add3A_47 = arith.constant 256 : i32
      %add3A_48 = arith.addi %mul3A_24, %add3A_47 : i32
      %le3A = arith.constant 1700000 : i32
      %le3A_49 = arith.cmpi sle, %add3A_48, %le3A : i32
      %convert_element_type3A = arith.extui %le3A_49 : i1 to i32
      %cond3A = arith.constant 0 : i32
      %cond3A_50 = arith.cmpi ne, %convert_element_type3A, %cond3A : i32
      scf.if %cond3A_50 {
        %mul3A_58 = arith.constant 8 : i32
        %mul3A_59 = arith.muli %mul3A_24, %mul3A_58 : i32
        "tpu.region"() ({
          %run_scoped3A = tpu.sem_alloc : memref<!tpu.dma_semaphore, #tpu.memory_space<semaphore_mem>>
          %dma_start3A_60 = tpu.memref_slice %arg8[%mul3A_59] : memref<13600000xf32, #tpu.memory_space<hbm>> -> memref<2048xf32, #tpu.memory_space<hbm>>
          %dma_start3A_61 = tpu.memref_slice %arg8[%mul3A_59] : memref<13600000xf32, #tpu.memory_space<hbm>> -> memref<2048xf32, #tpu.memory_space<hbm>>
          tpu.enqueue_dma source(%arg14 : memref<2048xf32, #tpu.memory_space<vmem>>) target(%dma_start3A_61 : memref<2048xf32, #tpu.memory_space<hbm>>) target_semaphore(%run_scoped3A : memref<!tpu.dma_semaphore, #tpu.memory_space<semaphore_mem>>)
          %dma_wait3A_62 = tpu.memref_slice %arg8[%mul3A_59] : memref<13600000xf32, #tpu.memory_space<hbm>> -> memref<2048xf32, #tpu.memory_space<hbm>>
          %dma_wait3A_63 = tpu.memref_slice %arg8[%mul3A_59] : memref<13600000xf32, #tpu.memory_space<hbm>> -> memref<2048xf32, #tpu.memory_space<hbm>>
          tpu.wait_dma2 semaphore(%run_scoped3A : memref<!tpu.dma_semaphore, #tpu.memory_space<semaphore_mem>>) src(%arg14 : memref<2048xf32, #tpu.memory_space<vmem>>) dst(%dma_wait3A_63 : memref<2048xf32, #tpu.memory_space<hbm>>)
          tpu.yield
        }) : () -> ()
      } else {
      }
      %add3A_51 = arith.constant 256 : i32
      %add3A_52 = arith.addi %mul3A_24, %add3A_51 : i32
      %sub3A = arith.constant 1700000 : i32
      %sub3A_53 = arith.subi %add3A_52, %sub3A : i32
      %eq3A = arith.constant 96 : i32
      %eq3A_54 = arith.cmpi eq, %sub3A_53, %eq3A : i32
      %convert_element_type3A_55 = arith.extui %eq3A_54 : i1 to i32
      %cond3A_56 = arith.constant 0 : i32
      %cond3A_57 = arith.cmpi ne, %convert_element_type3A_55, %cond3A_56 : i32
      scf.if %cond3A_57 {
        "tpu.region"() ({
          %run_scoped3A = tpu.sem_alloc : memref<!tpu.dma_semaphore, #tpu.memory_space<semaphore_mem>>
          %dma_start3A_58 = arith.constant 0 : i32
          %dma_start3A_59 = tpu.memref_slice %arg14[%dma_start3A_58] : memref<2048xf32, #tpu.memory_space<vmem>> -> memref<1280xf32, #tpu.memory_space<vmem>>
          %dma_start3A_60 = arith.constant 13598720 : i32
          %dma_start3A_61 = tpu.memref_slice %arg8[%dma_start3A_60] : memref<13600000xf32, #tpu.memory_space<hbm>> -> memref<1280xf32, #tpu.memory_space<hbm>>
          %dma_start3A_62 = arith.constant 13598720 : i32
          %dma_start3A_63 = tpu.memref_slice %arg8[%dma_start3A_62] : memref<13600000xf32, #tpu.memory_space<hbm>> -> memref<1280xf32, #tpu.memory_space<hbm>>
          %dma_start3A_64 = arith.constant 0 : i32
          %dma_start3A_65 = tpu.memref_slice %arg14[%dma_start3A_64] : memref<2048xf32, #tpu.memory_space<vmem>> -> memref<1280xf32, #tpu.memory_space<vmem>>
          tpu.enqueue_dma source(%dma_start3A_65 : memref<1280xf32, #tpu.memory_space<vmem>>) target(%dma_start3A_63 : memref<1280xf32, #tpu.memory_space<hbm>>) target_semaphore(%run_scoped3A : memref<!tpu.dma_semaphore, #tpu.memory_space<semaphore_mem>>)
          %dma_wait3A_66 = arith.constant 0 : i32
          %dma_wait3A_67 = tpu.memref_slice %arg14[%dma_wait3A_66] : memref<2048xf32, #tpu.memory_space<vmem>> -> memref<1280xf32, #tpu.memory_space<vmem>>
          %dma_wait3A_68 = arith.constant 13598720 : i32
          %dma_wait3A_69 = tpu.memref_slice %arg8[%dma_wait3A_68] : memref<13600000xf32, #tpu.memory_space<hbm>> -> memref<1280xf32, #tpu.memory_space<hbm>>
          %dma_wait3A_70 = arith.constant 13598720 : i32
          %dma_wait3A_71 = tpu.memref_slice %arg8[%dma_wait3A_70] : memref<13600000xf32, #tpu.memory_space<hbm>> -> memref<1280xf32, #tpu.memory_space<hbm>>
          %dma_wait3A_72 = arith.constant 0 : i32
          %dma_wait3A_73 = tpu.memref_slice %arg14[%dma_wait3A_72] : memref<2048xf32, #tpu.memory_space<vmem>> -> memref<1280xf32, #tpu.memory_space<vmem>>
          tpu.wait_dma2 semaphore(%run_scoped3A : memref<!tpu.dma_semaphore, #tpu.memory_space<semaphore_mem>>) src(%dma_wait3A_73 : memref<1280xf32, #tpu.memory_space<vmem>>) dst(%dma_wait3A_71 : memref<1280xf32, #tpu.memory_space<hbm>>)
          tpu.yield
        }) : () -> ()
      } else {
      }
      "tpu.region"() ({
        %run_scoped3A = tpu.sem_alloc : memref<!tpu.dma_semaphore, #tpu.memory_space<semaphore_mem>>
        %dma_start3A_58 = arith.constant 0 : i32
        %dma_start3A_59 = arith.constant 0 : i32
        %dma_start3A_60 = tpu.memref_slice %arg18[%dma_start3A_58, %dma_start3A_59] : memref<100352x16xf32, #tpu.memory_space<vmem_shared>> -> memref<100352x16xf32, #tpu.memory_space<vmem_shared>>
        tpu.enqueue_indirect_dma source(%arg16 : memref<256x16xf32, #tpu.memory_space<vmem>>) target(%dma_start3A_60 : memref<100352x16xf32, #tpu.memory_space<vmem_shared>>) offsets(%arg11 : memref<256xi32, #tpu.memory_space<vmem>>) semaphore(%run_scoped3A : memref<!tpu.dma_semaphore, #tpu.memory_space<semaphore_mem>>) {add = true}
        %dma_wait3A_61 = arith.constant 0 : i32
        %dma_wait3A_62 = arith.constant 0 : i32
        %dma_wait3A_63 = tpu.memref_slice %arg18[%dma_wait3A_61, %dma_wait3A_62] : memref<100352x16xf32, #tpu.memory_space<vmem_shared>> -> memref<100352x16xf32, #tpu.memory_space<vmem_shared>>
        tpu.wait_indirect_dma semaphore(%run_scoped3A : memref<!tpu.dma_semaphore, #tpu.memory_space<semaphore_mem>>) src(%arg16 : memref<256x16xf32, #tpu.memory_space<vmem>>) dst(%dma_wait3A_63 : memref<100352x16xf32, #tpu.memory_space<vmem_shared>>)
        tpu.yield
      }) : () -> ()
    }
    %scan3A_11 = arith.constant 208 : i32
    %barrier3A_12 = arith.constant 0 : index
    tpu.barrier barrier_id(%barrier3A_12)
    %scan3A_13 = arith.constant 0 : i32
    %scan3A_14 = arith.constant 0 : i32
    %scan3A_15 = arith.constant 16 : i32
    %scan3A_16 = arith.addi %scan3A_14, %scan3A_15 : i32
    %scan3A_17 = arith.constant 1 : i32
    scf.for %scan3A_19 = %scan3A_14 to %scan3A_16 step %scan3A_17  : i32 {
      %mul3A_20 = arith.constant 6272 : i32
      %mul3A_21 = arith.muli %arg1, %mul3A_20 : i32
      %mul3A_22 = arith.constant 392 : i32
      %mul3A_23 = arith.muli %scan3A_19, %mul3A_22 : i32
      %add3A_24 = arith.addi %mul3A_21, %mul3A_23 : i32
      "tpu.region"() ({
        %run_scoped3A = tpu.sem_alloc : memref<!tpu.dma_semaphore, #tpu.memory_space<semaphore_mem>>
        %dma_start3A = arith.constant 0 : i32
        %dma_start3A_25 = tpu.memref_slice %arg18[%add3A_24, %dma_start3A] : memref<100352x16xf32, #tpu.memory_space<vmem_shared>> -> memref<392x16xf32, #tpu.memory_space<vmem_shared>>
        %dma_start3A_26 = arith.constant 0 : i32
        %dma_start3A_27 = tpu.memref_slice %arg18[%add3A_24, %dma_start3A_26] : memref<100352x16xf32, #tpu.memory_space<vmem_shared>> -> memref<392x16xf32, #tpu.memory_space<vmem_shared>>
        tpu.enqueue_dma source(%dma_start3A_27 : memref<392x16xf32, #tpu.memory_space<vmem_shared>>) target(%arg17 : memref<392x16xf32, #tpu.memory_space<vmem>>) target_semaphore(%run_scoped3A : memref<!tpu.dma_semaphore, #tpu.memory_space<semaphore_mem>>)
        %dma_wait3A = arith.constant 0 : i32
        %dma_wait3A_28 = tpu.memref_slice %arg18[%add3A_24, %dma_wait3A] : memref<100352x16xf32, #tpu.memory_space<vmem_shared>> -> memref<392x16xf32, #tpu.memory_space<vmem_shared>>
        %dma_wait3A_29 = arith.constant 0 : i32
        %dma_wait3A_30 = tpu.memref_slice %arg18[%add3A_24, %dma_wait3A_29] : memref<100352x16xf32, #tpu.memory_space<vmem_shared>> -> memref<392x16xf32, #tpu.memory_space<vmem_shared>>
        tpu.wait_dma2 semaphore(%run_scoped3A : memref<!tpu.dma_semaphore, #tpu.memory_space<semaphore_mem>>) src(%dma_wait3A_30 : memref<392x16xf32, #tpu.memory_space<vmem_shared>>) dst(%arg17 : memref<392x16xf32, #tpu.memory_space<vmem>>)
        tpu.yield
      }) : () -> ()
      "tpu.region"() ({
        %run_scoped3A = tpu.sem_alloc : memref<!tpu.dma_semaphore, #tpu.memory_space<semaphore_mem>>
        %dma_start3A = arith.constant 0 : i32
        %dma_start3A_25 = tpu.memref_slice %arg9[%arg0, %add3A_24, %dma_start3A] : memref<2x100352x16xf32, #tpu.memory_space<hbm>> -> memref<1x392x16xf32, #tpu.memory_space<hbm>>
        %dma_start3A_26 = tpu.memref_squeeze %dma_start3A_25 : memref<1x392x16xf32, #tpu.memory_space<hbm>> -> memref<392x16xf32, #tpu.memory_space<hbm>>
        %dma_start3A_27 = arith.constant 0 : i32
        %dma_start3A_28 = tpu.memref_slice %arg9[%arg0, %add3A_24, %dma_start3A_27] : memref<2x100352x16xf32, #tpu.memory_space<hbm>> -> memref<1x392x16xf32, #tpu.memory_space<hbm>>
        %dma_start3A_29 = tpu.memref_squeeze %dma_start3A_28 : memref<1x392x16xf32, #tpu.memory_space<hbm>> -> memref<392x16xf32, #tpu.memory_space<hbm>>
        tpu.enqueue_dma source(%arg17 : memref<392x16xf32, #tpu.memory_space<vmem>>) target(%dma_start3A_29 : memref<392x16xf32, #tpu.memory_space<hbm>>) target_semaphore(%run_scoped3A : memref<!tpu.dma_semaphore, #tpu.memory_space<semaphore_mem>>)
        %dma_wait3A = arith.constant 0 : i32
        %dma_wait3A_30 = tpu.memref_slice %arg9[%arg0, %add3A_24, %dma_wait3A] : memref<2x100352x16xf32, #tpu.memory_space<hbm>> -> memref<1x392x16xf32, #tpu.memory_space<hbm>>
        %dma_wait3A_31 = tpu.memref_squeeze %dma_wait3A_30 : memref<1x392x16xf32, #tpu.memory_space<hbm>> -> memref<392x16xf32, #tpu.memory_space<hbm>>
        %dma_wait3A_32 = arith.constant 0 : i32
        %dma_wait3A_33 = tpu.memref_slice %arg9[%arg0, %add3A_24, %dma_wait3A_32] : memref<2x100352x16xf32, #tpu.memory_space<hbm>> -> memref<1x392x16xf32, #tpu.memory_space<hbm>>
        %dma_wait3A_34 = tpu.memref_squeeze %dma_wait3A_33 : memref<1x392x16xf32, #tpu.memory_space<hbm>> -> memref<392x16xf32, #tpu.memory_space<hbm>>
        tpu.wait_dma2 semaphore(%run_scoped3A : memref<!tpu.dma_semaphore, #tpu.memory_space<semaphore_mem>>) src(%arg17 : memref<392x16xf32, #tpu.memory_space<vmem>>) dst(%dma_wait3A_34 : memref<392x16xf32, #tpu.memory_space<hbm>>)
        tpu.yield
      }) : () -> ()
    }
    %scan3A_18 = arith.constant 16 : i32
    return
  }
}

module attributes {stable_mosaic.version = 14 : i64} {
  func.func @body(%arg0: i32, %arg1: memref<2048x2xf32, #tpu.memory_space<vmem>>, %arg2: memref<2x64xf32, #tpu.memory_space<vmem>>, %arg3: memref<64x1xf32, #tpu.memory_space<vmem>>, %arg4: memref<64x1xf32, #tpu.memory_space<vmem>>, %arg5: memref<2048x8xf32, #tpu.memory_space<vmem>>, %arg6: memref<2048x8xf32, #tpu.memory_space<vmem>>) attributes {dimension_semantics = [#tpu.dimension_semantics<arbitrary>], iteration_bounds = array<i64: 49>, scalar_prefetch = 0 : i64, scratch_operands = 0 : i64, tpu.core_type = #tpu.core_type<tc>, window_params = [{transform_indices = @transform_0, window_bounds = array<i64: 2048, 2>}, {pipeline_mode = #tpu.pipeline_mode<synchronous>, transform_indices = @transform_1, window_bounds = array<i64: 2, 64>}, {pipeline_mode = #tpu.pipeline_mode<synchronous>, transform_indices = @transform_2, window_bounds = array<i64: 64, 1>}, {pipeline_mode = #tpu.pipeline_mode<synchronous>, transform_indices = @transform_3, window_bounds = array<i64: 64, 1>}, {transform_indices = @transform_4, window_bounds = array<i64: 2048, 8>}, {transform_indices = @transform_5, window_bounds = array<i64: 2048, 8>}]} {
    %get3A = arith.constant 0 : index
    %get3A_0 = arith.constant 0 : index
    %get3A_1 = vector.load %arg1[%get3A, %get3A_0] : memref<2048x2xf32, #tpu.memory_space<vmem>>, vector<2048x2xf32>
    %get3A_2 = arith.constant 0 : index
    %get3A_3 = arith.constant 0 : index
    %get3A_4 = vector.load %arg2[%get3A_2, %get3A_3] : memref<2x64xf32, #tpu.memory_space<vmem>>, vector<2x64xf32>
    %dot_general3A = arith.constant dense<0.000000e+00> : vector<2048x64xf32>
    %dot_general3A_5 = tpu.matmul %get3A_1, %get3A_4, %dot_general3A {dimension_numbers = #tpu.dot_dimension_numbers<[1], [0], [0], [1], [0, 0, 1, 1], [], []>, transpose_lhs_hint = false} : vector<2048x2xf32>, vector<2x64xf32>, vector<2048x64xf32> -> vector<2048x64xf32>
    %iota3A = tpu.iota {dimensions = array<i32: 0>} : vector<64x8xi32>
    %iota3A_6 = tpu.iota {dimensions = array<i32: 1>} : vector<64x8xi32>
    %shift_right_arithmetic3A = arith.constant 3 : i32
    %shift_right_arithmetic3A_7 = vector.broadcast %shift_right_arithmetic3A : i32 to vector<64x8xi32>
    %shift_right_arithmetic3A_8 = arith.shrsi %iota3A, %shift_right_arithmetic3A_7 : vector<64x8xi32>
    %eq3A = arith.cmpi eq, %iota3A_6, %shift_right_arithmetic3A_8 : vector<64x8xi32>
    %convert_element_type3A = arith.extui %eq3A : vector<64x8xi1> to vector<64x8xi32>
    %convert_element_type3A_9 = arith.sitofp %convert_element_type3A : vector<64x8xi32> to vector<64x8xf32>
    %get3A_10 = arith.constant 0 : index
    %get3A_11 = arith.constant 0 : index
    %get3A_12 = vector.load %arg3[%get3A_10, %get3A_11] : memref<64x1xf32, #tpu.memory_space<vmem>>, vector<64x1xf32>
    %mul3A = vector.broadcast %get3A_12 : vector<64x1xf32> to vector<64x8xf32>
    %mul3A_13 = arith.mulf %mul3A, %convert_element_type3A_9 : vector<64x8xf32>
    %dot_general3A_14 = arith.constant dense<0.000000e+00> : vector<2048x8xf32>
    %dot_general3A_15 = tpu.matmul %dot_general3A_5, %mul3A_13, %dot_general3A_14 {dimension_numbers = #tpu.dot_dimension_numbers<[1], [0], [0], [1], [0, 0, 1, 1], [], []>, transpose_lhs_hint = false} : vector<2048x64xf32>, vector<64x8xf32>, vector<2048x8xf32> -> vector<2048x8xf32>
    %swap3A = arith.constant 0 : index
    %swap3A_16 = arith.constant 0 : index
    %swap3A_17 = vector.load %arg5[%swap3A, %swap3A_16] : memref<2048x8xf32, #tpu.memory_space<vmem>>, vector<2048x8xf32>
    tpu.vector_store %arg5[%swap3A, %swap3A_16], %dot_general3A_15 {strides = array<i32>} : memref<2048x8xf32, #tpu.memory_space<vmem>>, vector<2048x8xf32>,
    %get3A_18 = arith.constant 0 : index
    %get3A_19 = arith.constant 0 : index
    %get3A_20 = vector.load %arg4[%get3A_18, %get3A_19] : memref<64x1xf32, #tpu.memory_space<vmem>>, vector<64x1xf32>
    %mul3A_21 = vector.broadcast %get3A_20 : vector<64x1xf32> to vector<64x8xf32>
    %mul3A_22 = arith.mulf %mul3A_21, %convert_element_type3A_9 : vector<64x8xf32>
    %dot_general3A_23 = arith.constant dense<0.000000e+00> : vector<2048x8xf32>
    %dot_general3A_24 = tpu.matmul %dot_general3A_5, %mul3A_22, %dot_general3A_23 {dimension_numbers = #tpu.dot_dimension_numbers<[1], [0], [0], [1], [0, 0, 1, 1], [], []>, transpose_lhs_hint = false} : vector<2048x64xf32>, vector<64x8xf32>, vector<2048x8xf32> -> vector<2048x8xf32>
    %swap3A_25 = arith.constant 0 : index
    %swap3A_26 = arith.constant 0 : index
    %swap3A_27 = vector.load %arg6[%swap3A_25, %swap3A_26] : memref<2048x8xf32, #tpu.memory_space<vmem>>, vector<2048x8xf32>
    tpu.vector_store %arg6[%swap3A_25, %swap3A_26], %dot_general3A_24 {strides = array<i32>} : memref<2048x8xf32, #tpu.memory_space<vmem>>, vector<2048x8xf32>,
    return
  }
  func.func @transform_0(%arg0: i32) -> (i32, i32) {
    %c0_i32 = arith.constant 0 : i32
    %c0_i32_0 = arith.constant 0 : i32
    return %arg0, %c0_i32 : i32, i32
  }
  func.func @transform_1(%arg0: i32) -> (i32, i32) {
    %c0_i32 = arith.constant 0 : i32
    %c0_i32_0 = arith.constant 0 : i32
    %c0_i32_1 = arith.constant 0 : i32
    return %c0_i32, %c0_i32_0 : i32, i32
  }
  func.func @transform_2(%arg0: i32) -> (i32, i32) {
    %c0_i32 = arith.constant 0 : i32
    %c0_i32_0 = arith.constant 0 : i32
    %c0_i32_1 = arith.constant 0 : i32
    return %c0_i32, %c0_i32_0 : i32, i32
  }
  func.func @transform_3(%arg0: i32) -> (i32, i32) {
    %c0_i32 = arith.constant 0 : i32
    %c0_i32_0 = arith.constant 0 : i32
    %c0_i32_1 = arith.constant 0 : i32
    return %c0_i32, %c0_i32_0 : i32, i32
  }
  func.func @transform_4(%arg0: i32) -> (i32, i32) {
    %c0_i32 = arith.constant 0 : i32
    %c0_i32_0 = arith.constant 0 : i32
    return %arg0, %c0_i32 : i32, i32
  }
  func.func @transform_5(%arg0: i32) -> (i32, i32) {
    %c0_i32 = arith.constant 0 : i32
    %c0_i32_0 = arith.constant 0 : i32
    return %arg0, %c0_i32 : i32, i32
  }
}

module attributes {stable_mosaic.version = 14 : i64} {
  func.func @body(%arg0: i32, %arg1: memref<2x2048x8xf32, #tpu.memory_space<vmem>>, %arg2: memref<2048x8xf32, #tpu.memory_space<vmem>>) attributes {dimension_semantics = [#tpu.dimension_semantics<arbitrary>], iteration_bounds = array<i64: 49>, scalar_prefetch = 0 : i64, scratch_operands = 0 : i64, tpu.core_type = #tpu.core_type<tc>, window_params = [{transform_indices = @transform_0, window_bounds = array<i64: 2, 2048, 8>}, {transform_indices = @transform_1, window_bounds = array<i64: 2048, 8>}]} {
    %get3A = arith.constant 0 : index
    %get3A_0 = arith.constant 0 : index
    %get3A_1 = arith.constant 0 : index
    %get3A_2 = vector.load %arg1[%get3A, %get3A_0, %get3A_1] : memref<2x2048x8xf32, #tpu.memory_space<vmem>>, vector<1x2048x8xf32>
    %get3A_3 = vector.shape_cast %get3A_2 : vector<1x2048x8xf32> to vector<2048x8xf32>
    %get3A_4 = arith.constant 1 : index
    %get3A_5 = arith.constant 0 : index
    %get3A_6 = arith.constant 0 : index
    %get3A_7 = vector.load %arg1[%get3A_4, %get3A_5, %get3A_6] : memref<2x2048x8xf32, #tpu.memory_space<vmem>>, vector<1x2048x8xf32>
    %get3A_8 = vector.shape_cast %get3A_7 : vector<1x2048x8xf32> to vector<2048x8xf32>
    %add3A = arith.addf %get3A_3, %get3A_8 : vector<2048x8xf32>
    %mul3A = arith.constant 2048 : i32
    %mul3A_9 = arith.muli %arg0, %mul3A : i32
    %iota3A = tpu.iota {dimensions = array<i32: 0>} : vector<2048x8xi32>
    %add3A_10 = vector.broadcast %mul3A_9 : i32 to vector<2048x8xi32>
    %add3A_11 = arith.addi %add3A_10, %iota3A : vector<2048x8xi32>
    %lt3A = arith.constant 100000 : i32
    %lt3A_12 = vector.broadcast %lt3A : i32 to vector<2048x8xi32>
    %lt3A_13 = arith.cmpi slt, %add3A_11, %lt3A_12 : vector<2048x8xi32>
    %add3A_14 = arith.constant 1.000000e-16 : f32
    %add3A_15 = vector.broadcast %add3A_14 : f32 to vector<2048x8xf32>
    %add3A_16 = arith.addf %add3A, %add3A_15 : vector<2048x8xf32>
    %div3A = arith.constant 1.000000e+00 : f32
    %div3A_17 = vector.broadcast %div3A : f32 to vector<2048x8xf32>
    %div3A_18 = arith.divf %div3A_17, %add3A_16 : vector<2048x8xf32>
    %jit3A = arith.constant 0.000000e+00 : f32
    %broadcast_in_dim3A = vector.broadcast %jit3A : f32 to vector<2048x8xf32>
    %select_n3A = arith.select %lt3A_13, %div3A_18, %broadcast_in_dim3A : vector<2048x8xi1>, vector<2048x8xf32>
    %swap3A = arith.constant 0 : index
    %swap3A_19 = arith.constant 0 : index
    %swap3A_20 = vector.load %arg2[%swap3A, %swap3A_19] : memref<2048x8xf32, #tpu.memory_space<vmem>>, vector<2048x8xf32>
    tpu.vector_store %arg2[%swap3A, %swap3A_19], %select_n3A {strides = array<i32>} : memref<2048x8xf32, #tpu.memory_space<vmem>>, vector<2048x8xf32>,
    return
  }
  func.func @transform_0(%arg0: i32) -> (i32, i32, i32) {
    %c0_i32 = arith.constant 0 : i32
    %c0_i32_0 = arith.constant 0 : i32
    %c0_i32_1 = arith.constant 0 : i32
    return %c0_i32, %arg0, %c0_i32_0 : i32, i32, i32
  }
  func.func @transform_1(%arg0: i32) -> (i32, i32) {
    %c0_i32 = arith.constant 0 : i32
    %c0_i32_0 = arith.constant 0 : i32
    return %arg0, %c0_i32 : i32, i32
  }
}

module attributes {stable_mosaic.version = 14 : i64} {
  func.func @body(%arg0: i32, %arg1: memref<2x2048x16xf32, #tpu.memory_space<vmem>>, %arg2: memref<2048x8xf32, #tpu.memory_space<vmem>>, %arg3: memref<2x64xf32, #tpu.memory_space<vmem>>, %arg4: memref<1x64xf32, #tpu.memory_space<vmem>>, %arg5: memref<64x2xf32, #tpu.memory_space<vmem>>, %arg6: memref<1x2xf32, #tpu.memory_space<vmem>>, %arg7: memref<1x2xf32, #tpu.memory_space<vmem>>, %arg8: memref<2048x8xf32, #tpu.memory_space<vmem>>) attributes {dimension_semantics = [#tpu.dimension_semantics<arbitrary>], iteration_bounds = array<i64: 49>, scalar_prefetch = 0 : i64, scratch_operands = 0 : i64, tpu.core_type = #tpu.core_type<tc>, window_params = [{transform_indices = @transform_0, window_bounds = array<i64: 2, 2048, 16>}, {transform_indices = @transform_1, window_bounds = array<i64: 2048, 8>}, {pipeline_mode = #tpu.pipeline_mode<synchronous>, transform_indices = @transform_2, window_bounds = array<i64: 2, 64>}, {pipeline_mode = #tpu.pipeline_mode<synchronous>, transform_indices = @transform_3, window_bounds = array<i64: 1, 64>}, {pipeline_mode = #tpu.pipeline_mode<synchronous>, transform_indices = @transform_4, window_bounds = array<i64: 64, 2>}, {pipeline_mode = #tpu.pipeline_mode<synchronous>, transform_indices = @transform_5, window_bounds = array<i64: 1, 2>}, {pipeline_mode = #tpu.pipeline_mode<synchronous>, transform_indices = @transform_6, window_bounds = array<i64: 1, 2>}, {transform_indices = @transform_7, window_bounds = array<i64: 2048, 8>}]} {
    %get3A = arith.constant 0 : index
    %get3A_0 = arith.constant 0 : index
    %get3A_1 = arith.constant 0 : index
    %get3A_2 = vector.load %arg1[%get3A, %get3A_0, %get3A_1] : memref<2x2048x16xf32, #tpu.memory_space<vmem>>, vector<1x2048x16xf32>
    %get3A_3 = vector.shape_cast %get3A_2 : vector<1x2048x16xf32> to vector<2048x16xf32>
    %get3A_4 = arith.constant 1 : index
    %get3A_5 = arith.constant 0 : index
    %get3A_6 = arith.constant 0 : index
    %get3A_7 = vector.load %arg1[%get3A_4, %get3A_5, %get3A_6] : memref<2x2048x16xf32, #tpu.memory_space<vmem>>, vector<1x2048x16xf32>
    %get3A_8 = vector.shape_cast %get3A_7 : vector<1x2048x16xf32> to vector<2048x16xf32>
    %add3A = arith.addf %get3A_3, %get3A_8 : vector<2048x16xf32>
    %get3A_9 = arith.constant 0 : index
    %get3A_10 = arith.constant 0 : index
    %get3A_11 = vector.load %arg2[%get3A_9, %get3A_10] : memref<2048x8xf32, #tpu.memory_space<vmem>>, vector<2048x8xf32>
    %slice3A = vector.extract_strided_slice %add3A {offsets = [0, 0], sizes = [2048, 8], strides = [1, 1]} : vector<2048x16xf32> to vector<2048x8xf32>
    %mul3A = arith.mulf %slice3A, %get3A_11 : vector<2048x8xf32>
    %slice3A_12 = vector.extract_strided_slice %add3A {offsets = [0, 8], sizes = [2048, 8], strides = [1, 1]} : vector<2048x16xf32> to vector<2048x8xf32>
    %mul3A_13 = arith.mulf %slice3A_12, %get3A_11 : vector<2048x8xf32>
    %iota3A = tpu.iota {dimensions = array<i32: 0>} : vector<8x64xi32>
    %iota3A_14 = tpu.iota {dimensions = array<i32: 1>} : vector<8x64xi32>
    %shift_right_arithmetic3A = arith.constant 3 : i32
    %shift_right_arithmetic3A_15 = vector.broadcast %shift_right_arithmetic3A : i32 to vector<8x64xi32>
    %shift_right_arithmetic3A_16 = arith.shrsi %iota3A_14, %shift_right_arithmetic3A_15 : vector<8x64xi32>
    %eq3A = arith.cmpi eq, %iota3A, %shift_right_arithmetic3A_16 : vector<8x64xi32>
    %convert_element_type3A = arith.extui %eq3A : vector<8x64xi1> to vector<8x64xi32>
    %convert_element_type3A_17 = arith.sitofp %convert_element_type3A : vector<8x64xi32> to vector<8x64xf32>
    %get3A_18 = arith.constant 0 : index
    %get3A_19 = arith.constant 0 : index
    %get3A_20 = vector.load %arg3[%get3A_18, %get3A_19] : memref<2x64xf32, #tpu.memory_space<vmem>>, vector<1x64xf32>
    %mul3A_21 = vector.broadcast %get3A_20 : vector<1x64xf32> to vector<8x64xf32>
    %mul3A_22 = arith.mulf %convert_element_type3A_17, %mul3A_21 : vector<8x64xf32>
    %dot_general3A = arith.constant dense<0.000000e+00> : vector<2048x64xf32>
    %dot_general3A_23 = tpu.matmul %mul3A, %mul3A_22, %dot_general3A {dimension_numbers = #tpu.dot_dimension_numbers<[1], [0], [0], [1], [0, 0, 1, 1], [], []>, transpose_lhs_hint = false} : vector<2048x8xf32>, vector<8x64xf32>, vector<2048x64xf32> -> vector<2048x64xf32>
    %get3A_24 = arith.constant 1 : index
    %get3A_25 = arith.constant 0 : index
    %get3A_26 = vector.load %arg3[%get3A_24, %get3A_25] : memref<2x64xf32, #tpu.memory_space<vmem>>, vector<1x64xf32>
    %mul3A_27 = vector.broadcast %get3A_26 : vector<1x64xf32> to vector<8x64xf32>
    %mul3A_28 = arith.mulf %convert_element_type3A_17, %mul3A_27 : vector<8x64xf32>
    %dot_general3A_29 = arith.constant dense<0.000000e+00> : vector<2048x64xf32>
    %dot_general3A_30 = tpu.matmul %mul3A_13, %mul3A_28, %dot_general3A_29 {dimension_numbers = #tpu.dot_dimension_numbers<[1], [0], [0], [1], [0, 0, 1, 1], [], []>, transpose_lhs_hint = false} : vector<2048x8xf32>, vector<8x64xf32>, vector<2048x64xf32> -> vector<2048x64xf32>
    %add3A_31 = arith.addf %dot_general3A_23, %dot_general3A_30 : vector<2048x64xf32>
    %get3A_32 = arith.constant 0 : index
    %get3A_33 = arith.constant 0 : index
    %get3A_34 = vector.load %arg4[%get3A_32, %get3A_33] : memref<1x64xf32, #tpu.memory_space<vmem>>, vector<1x64xf32>
    %add3A_35 = vector.broadcast %get3A_34 : vector<1x64xf32> to vector<2048x64xf32>
    %add3A_36 = arith.addf %add3A_31, %add3A_35 : vector<2048x64xf32>
    %gt3A = arith.constant 0.000000e+00 : f32
    %gt3A_37 = vector.broadcast %gt3A : f32 to vector<2048x64xf32>
    %gt3A_38 = arith.cmpf ogt, %add3A_36, %gt3A_37 : vector<2048x64xf32>
    %min3A = arith.constant 0.000000e+00 : f32
    %min3A_39 = vector.broadcast %min3A : f32 to vector<2048x64xf32>
    %min3A_40 = arith.minimumf %add3A_36, %min3A_39 : vector<2048x64xf32>
    %exp3A = math.exp %min3A_40 : vector<2048x64xf32>
    %sub3A = arith.constant 1.000000e+00 : f32
    %sub3A_41 = vector.broadcast %sub3A : f32 to vector<2048x64xf32>
    %sub3A_42 = arith.subf %exp3A, %sub3A_41 : vector<2048x64xf32>
    %select_n3A = arith.select %gt3A_38, %add3A_36, %sub3A_42 : vector<2048x64xi1>, vector<2048x64xf32>
    %get3A_43 = arith.constant 0 : index
    %get3A_44 = arith.constant 0 : index
    %get3A_45 = vector.load %arg5[%get3A_43, %get3A_44] : memref<64x2xf32, #tpu.memory_space<vmem>>, vector<64x2xf32>
    %dot_general3A_46 = arith.constant dense<0.000000e+00> : vector<2048x2xf32>
    %dot_general3A_47 = tpu.matmul %select_n3A, %get3A_45, %dot_general3A_46 {dimension_numbers = #tpu.dot_dimension_numbers<[1], [0], [0], [1], [0, 0, 1, 1], [], []>, transpose_lhs_hint = false} : vector<2048x64xf32>, vector<64x2xf32>, vector<2048x2xf32> -> vector<2048x2xf32>
    %get3A_48 = arith.constant 0 : index
    %get3A_49 = arith.constant 0 : index
    %get3A_50 = vector.load %arg6[%get3A_48, %get3A_49] : memref<1x2xf32, #tpu.memory_space<vmem>>, vector<1x2xf32>
    %mul3A_51 = vector.broadcast %get3A_50 : vector<1x2xf32> to vector<2048x2xf32>
    %mul3A_52 = arith.mulf %dot_general3A_47, %mul3A_51 : vector<2048x2xf32>
    %reduce_sum3A = arith.constant dense<0.000000e+00> : vector<2048xf32>
    %reduce_sum3A_53 = vector.multi_reduction <add>, %mul3A_52, %reduce_sum3A [1] : vector<2048x2xf32> to vector<2048xf32>
    %broadcast_in_dim3A = vector.shape_cast %reduce_sum3A_53 : vector<2048xf32> to vector<2048x1xf32>
    %get3A_54 = arith.constant 0 : index
    %get3A_55 = arith.constant 0 : index
    %get3A_56 = vector.load %arg7[%get3A_54, %get3A_55] : memref<1x2xf32, #tpu.memory_space<vmem>>, vector<1x2xf32>
    %mul3A_57 = vector.broadcast %get3A_56 : vector<1x2xf32> to vector<2048x2xf32>
    %mul3A_58 = arith.mulf %dot_general3A_47, %mul3A_57 : vector<2048x2xf32>
    %reduce_sum3A_59 = arith.constant dense<0.000000e+00> : vector<2048xf32>
    %reduce_sum3A_60 = vector.multi_reduction <add>, %mul3A_58, %reduce_sum3A_59 [1] : vector<2048x2xf32> to vector<2048xf32>
    %broadcast_in_dim3A_61 = vector.shape_cast %reduce_sum3A_60 : vector<2048xf32> to vector<2048x1xf32>
    %broadcast_in_dim3A_62 = arith.constant 0.000000e+00 : f32
    %broadcast_in_dim3A_63 = vector.broadcast %broadcast_in_dim3A_62 : f32 to vector<2048x2xf32>
    %broadcast_in_dim3A_64 = arith.constant 0.000000e+00 : f32
    %broadcast_in_dim3A_65 = vector.broadcast %broadcast_in_dim3A_64 : f32 to vector<2048x2xf32>
    %concatenate3A = tpu.concatenate %broadcast_in_dim3A, %broadcast_in_dim3A_61, %dot_general3A_47, %broadcast_in_dim3A_63, %broadcast_in_dim3A_65 in 1 : vector<2048x1xf32>, vector<2048x1xf32>, vector<2048x2xf32>, vector<2048x2xf32>, vector<2048x2xf32> -> vector<2048x8xf32>
    %swap3A = arith.constant 0 : index
    %swap3A_66 = arith.constant 0 : index
    %swap3A_67 = vector.load %arg8[%swap3A, %swap3A_66] : memref<2048x8xf32, #tpu.memory_space<vmem>>, vector<2048x8xf32>
    tpu.vector_store %arg8[%swap3A, %swap3A_66], %concatenate3A {strides = array<i32>} : memref<2048x8xf32, #tpu.memory_space<vmem>>, vector<2048x8xf32>,
    return
  }
  func.func @transform_0(%arg0: i32) -> (i32, i32, i32) {
    %c0_i32 = arith.constant 0 : i32
    %c0_i32_0 = arith.constant 0 : i32
    %c0_i32_1 = arith.constant 0 : i32
    return %c0_i32, %arg0, %c0_i32_0 : i32, i32, i32
  }
  func.func @transform_1(%arg0: i32) -> (i32, i32) {
    %c0_i32 = arith.constant 0 : i32
    %c0_i32_0 = arith.constant 0 : i32
    return %arg0, %c0_i32 : i32, i32
  }
  func.func @transform_2(%arg0: i32) -> (i32, i32) {
    %c0_i32 = arith.constant 0 : i32
    %c0_i32_0 = arith.constant 0 : i32
    %c0_i32_1 = arith.constant 0 : i32
    return %c0_i32, %c0_i32_0 : i32, i32
  }
  func.func @transform_3(%arg0: i32) -> (i32, i32) {
    %c0_i32 = arith.constant 0 : i32
    %c0_i32_0 = arith.constant 0 : i32
    %c0_i32_1 = arith.constant 0 : i32
    return %c0_i32, %c0_i32_0 : i32, i32
  }
  func.func @transform_4(%arg0: i32) -> (i32, i32) {
    %c0_i32 = arith.constant 0 : i32
    %c0_i32_0 = arith.constant 0 : i32
    %c0_i32_1 = arith.constant 0 : i32
    return %c0_i32, %c0_i32_0 : i32, i32
  }
  func.func @transform_5(%arg0: i32) -> (i32, i32) {
    %c0_i32 = arith.constant 0 : i32
    %c0_i32_0 = arith.constant 0 : i32
    %c0_i32_1 = arith.constant 0 : i32
    return %c0_i32, %c0_i32_0 : i32, i32
  }
  func.func @transform_6(%arg0: i32) -> (i32, i32) {
    %c0_i32 = arith.constant 0 : i32
    %c0_i32_0 = arith.constant 0 : i32
    %c0_i32_1 = arith.constant 0 : i32
    return %c0_i32, %c0_i32_0 : i32, i32
  }
  func.func @transform_7(%arg0: i32) -> (i32, i32) {
    %c0_i32 = arith.constant 0 : i32
    %c0_i32_0 = arith.constant 0 : i32
    return %arg0, %c0_i32 : i32, i32
  }
}

module attributes {stable_mosaic.version = 14 : i64} {
  func.func @body(%arg0: i32, %arg1: memref<2x2048x8xf32, #tpu.memory_space<vmem>>, %arg2: memref<1x2xf32, #tpu.memory_space<vmem>>, %arg3: memref<2048x2xf32, #tpu.memory_space<vmem>>, %arg4: memref<2048x8xf32, #tpu.memory_space<vmem>>) attributes {dimension_semantics = [#tpu.dimension_semantics<arbitrary>], iteration_bounds = array<i64: 49>, scalar_prefetch = 0 : i64, scratch_operands = 0 : i64, tpu.core_type = #tpu.core_type<tc>, window_params = [{transform_indices = @transform_0, window_bounds = array<i64: 2, 2048, 8>}, {pipeline_mode = #tpu.pipeline_mode<synchronous>, transform_indices = @transform_1, window_bounds = array<i64: 1, 2>}, {transform_indices = @transform_2, window_bounds = array<i64: 2048, 2>}, {transform_indices = @transform_3, window_bounds = array<i64: 2048, 8>}]} {
    %get3A = arith.constant 0 : index
    %get3A_0 = arith.constant 0 : index
    %get3A_1 = arith.constant 0 : index
    %get3A_2 = vector.load %arg1[%get3A, %get3A_0, %get3A_1] : memref<2x2048x8xf32, #tpu.memory_space<vmem>>, vector<1x2048x8xf32>
    %get3A_3 = vector.shape_cast %get3A_2 : vector<1x2048x8xf32> to vector<2048x8xf32>
    %get3A_4 = arith.constant 1 : index
    %get3A_5 = arith.constant 0 : index
    %get3A_6 = arith.constant 0 : index
    %get3A_7 = vector.load %arg1[%get3A_4, %get3A_5, %get3A_6] : memref<2x2048x8xf32, #tpu.memory_space<vmem>>, vector<1x2048x8xf32>
    %get3A_8 = vector.shape_cast %get3A_7 : vector<1x2048x8xf32> to vector<2048x8xf32>
    %add3A = arith.addf %get3A_3, %get3A_8 : vector<2048x8xf32>
    %mul3A = arith.constant 2048 : i32
    %mul3A_9 = arith.muli %arg0, %mul3A : i32
    %iota3A = tpu.iota {dimensions = array<i32: 0>} : vector<2048x1xi32>
    %add3A_10 = vector.broadcast %mul3A_9 : i32 to vector<2048x1xi32>
    %add3A_11 = arith.addi %add3A_10, %iota3A : vector<2048x1xi32>
    %lt3A = arith.constant 100000 : i32
    %lt3A_12 = vector.broadcast %lt3A : i32 to vector<2048x1xi32>
    %lt3A_13 = arith.cmpi slt, %add3A_11, %lt3A_12 : vector<2048x1xi32>
    %slice3A = vector.extract_strided_slice %add3A {offsets = [0, 0], sizes = [2048, 1], strides = [1, 1]} : vector<2048x8xf32> to vector<2048x1xf32>
    %add3A_14 = arith.constant 1.000000e-16 : f32
    %add3A_15 = vector.broadcast %add3A_14 : f32 to vector<2048x1xf32>
    %add3A_16 = arith.addf %slice3A, %add3A_15 : vector<2048x1xf32>
    %div3A = arith.constant 1.000000e+00 : f32
    %div3A_17 = vector.broadcast %div3A : f32 to vector<2048x1xf32>
    %div3A_18 = arith.divf %div3A_17, %add3A_16 : vector<2048x1xf32>
    %jit3A = arith.constant 0.000000e+00 : f32
    %broadcast_in_dim3A = vector.broadcast %jit3A : f32 to vector<2048x1xf32>
    %select_n3A = arith.select %lt3A_13, %div3A_18, %broadcast_in_dim3A : vector<2048x1xi1>, vector<2048x1xf32>
    %slice3A_19 = vector.extract_strided_slice %add3A {offsets = [0, 1], sizes = [2048, 2], strides = [1, 1]} : vector<2048x8xf32> to vector<2048x2xf32>
    %mul3A_20 = vector.broadcast %select_n3A : vector<2048x1xf32> to vector<2048x2xf32>
    %mul3A_21 = arith.mulf %slice3A_19, %mul3A_20 : vector<2048x2xf32>
    %get3A_22 = arith.constant 0 : index
    %get3A_23 = arith.constant 0 : index
    %get3A_24 = vector.load %arg2[%get3A_22, %get3A_23] : memref<1x2xf32, #tpu.memory_space<vmem>>, vector<1x2xf32>
    %add3A_25 = vector.broadcast %get3A_24 : vector<1x2xf32> to vector<2048x2xf32>
    %add3A_26 = arith.addf %mul3A_21, %add3A_25 : vector<2048x2xf32>
    %swap3A = arith.constant 0 : index
    %swap3A_27 = arith.constant 0 : index
    %swap3A_28 = vector.load %arg3[%swap3A, %swap3A_27] : memref<2048x2xf32, #tpu.memory_space<vmem>>, vector<2048x2xf32>
    tpu.vector_store %arg3[%swap3A, %swap3A_27], %add3A_26 {strides = array<i32>} : memref<2048x2xf32, #tpu.memory_space<vmem>>, vector<2048x2xf32>,
    %broadcast_in_dim3A_29 = vector.shape_cast %select_n3A : vector<2048x1xf32> to vector<2048x1xf32>
    %broadcast_in_dim3A_30 = vector.broadcast %broadcast_in_dim3A_29 : vector<2048x1xf32> to vector<2048x8xf32>
    %swap3A_31 = arith.constant 0 : index
    %swap3A_32 = arith.constant 0 : index
    %swap3A_33 = vector.load %arg4[%swap3A_31, %swap3A_32] : memref<2048x8xf32, #tpu.memory_space<vmem>>, vector<2048x8xf32>
    tpu.vector_store %arg4[%swap3A_31, %swap3A_32], %broadcast_in_dim3A_30 {strides = array<i32>} : memref<2048x8xf32, #tpu.memory_space<vmem>>, vector<2048x8xf32>,
    return
  }
  func.func @transform_0(%arg0: i32) -> (i32, i32, i32) {
    %c0_i32 = arith.constant 0 : i32
    %c0_i32_0 = arith.constant 0 : i32
    %c0_i32_1 = arith.constant 0 : i32
    return %c0_i32, %arg0, %c0_i32_0 : i32, i32, i32
  }
  func.func @transform_1(%arg0: i32) -> (i32, i32) {
    %c0_i32 = arith.constant 0 : i32
    %c0_i32_0 = arith.constant 0 : i32
    %c0_i32_1 = arith.constant 0 : i32
    return %c0_i32, %c0_i32_0 : i32, i32
  }
  func.func @transform_2(%arg0: i32) -> (i32, i32) {
    %c0_i32 = arith.constant 0 : i32
    %c0_i32_0 = arith.constant 0 : i32
    return %arg0, %c0_i32 : i32, i32
  }
  func.func @transform_3(%arg0: i32) -> (i32, i32) {
    %c0_i32 = arith.constant 0 : i32
    %c0_i32_0 = arith.constant 0 : i32
    return %arg0, %c0_i32 : i32, i32
  }
}

</mosaic_0001>

<sc_bundles>
// kernel: kernel.10.cloned.1.call-start
scs
__scs_entry_jumppad:
0x0: {  	(pc) =	sbr.rel $0x88, $3  }
0x1: {  	(tag) =	ssettag $0x0;
	lr =	simm.s32 $0x1  }
0x2: {  	[smem:$0x3F97] =	sst lr;
	_ =	strace $0xD0000000  }
0x3: {  	_ = 	snop  }
0x4: {  	_ = 	snop  }
0x5: {  	_ = 	snop  }
0x6: {  	_ = 	snop  }
0x7: {  	_ = 	snop  }
__scs_overlays_trampoline_lowered:
0x8: {  	[smem:$0x3FA6] =	sst s0  }
0x9: {  	[smem:$0x3FA7] =	sst s1  }
0xa: {  	[smem:$0x3FA8] =	sst s2  }
0xb: {  	[smem:$0x3FA9] =	sst s3  }
0xc: {  	[smem:$0x3FAA] =	sst s4  }
0xd: {  	[smem:$0x3FAB] =	sst s5  }
0xe: {  	[smem:$0x3FAC] =	sst s6  }
0xf: {  	[smem:$0x3FAD] =	sst s7  }
0x10: {  	[smem:$0x3FAE] =	sst s8  }
0x11: {  	[smem:$0x3FAF] =	sst s9;
	s0 =	simm.s32 @!p0 $0x0  }
0x12: {  	s1 =	sld [smem:$0x3F95];
	s0 =	simm.s32 @p0 $0x1  }
0x13: {  	[smem:$0x3FB0] =	sst s0;
	s0 =	simm.s32 @!p1 $0x0  }
0x14: {  	s2 =	sld [smem:$0x3F94];
	s0 =	simm.s32 @p1 $0x1  }
0x15: {  	[smem:$0x3FB1] =	sst s0;
	s0 =	simm.s32 @!p2 $0x0  }
0x16: {  	s3 =	sld [smem:$0x3FDB];
	s0 =	simm.s32 @p2 $0x1  }
0x17: {  	s4 =	simm.s32 $0x1BF5;
	[smem:$0x3FB3] =	sst s0  }
0x18: {  	s0 =	sld [smem:$0x3F96];
	_ =	swait.ge [sflag:s4], $0x0  }
0x19: {  	s7 =	sld [smem:$0x3F97]  }
0x1a: {  	s8 =	sadd.s32 $0xFFFFE003, lr  }
0x1b: {  	s9 =	sadd.s32 $0xFFFFFEF7, lr;
	s5 =	simm.s32 $0xFFFFFFFF;
	p2 =	slt.u32 s8, $0xFFFFF086  }
0x1c: {  	p1 =	slt.u32 s9, $0xF7A;
	s5 =	simm.s32 @!p2 $0x0  }
0x1d: {  	s5 =	simm.s32 @p1 $0x1;
	p0 =	seq.s32 s7, s2  }
0x1e: {  	s7 =	smul.u32 @!p0 $0xF7A, s2;
	p2 =	seq.s32 @!p0 s5, $0x0  }
0x1f: {  	s9 =	smul.u32 $0xF7A, s1;
	s8 =	simm.s32 @!p0 $0x1BF5;
	p2 =	por !p2, p0  }
0x20: {  	[sflag:s8] =	ssyncset.s32 @!p0 $0xFFFFF086;
	s6 =	sadd.s32 @!p0 s3, s7;
	s7 =	simm.s32 @!p0 $0x108  }
0x21: {  	s3 =	sadd.s32 s3, s9;
	s6 =	sadd.s32 @!p0 $0x88, s6;
	s7 =	simm.s32 @p2 $0x1082  }
0x22: {  	[simem:s7], [sflag:s8] =	dma.local @!p0 [hbm:s6], $0xF7A  }
0x23: {  	s9 =	sor.u32 $0xD0000000, s2;
	s6 =	simm.s32 $0x108;
	_ =	swait.ge @!p0 [sflag:s8], $0x0  }
0x24: {  	s3 =	sadd.s32 $0x88, s3;
	s6 =	simm.s32 @!p1 $0x1082;
	[sflag:s4] =	ssyncset.s32 $0xFFFFF086  }
0x25: {  	[simem:s6], [sflag:s4] =	dma.local [hbm:s3], $0xF7A  }
0x26: {  	[smem:$0x3F97] =	sst s1;
	(tag) =	ssettag s2;
	_ =	strace s9  }
0x27: {  	s1 =	sld [smem:$0x3FA7]  }
0x28: {  	s2 =	sld [smem:$0x3FA8]  }
0x29: {  	s4 =	sld [smem:$0x3FAA]  }
0x2a: {  	p0 =	seq.s32 s5, $0x0;
	s5 =	sld [smem:$0x3FAB]  }
0x2b: {  	s6 =	sld [smem:$0x3FAC]  }
0x2c: {  	s7 =	sld [smem:$0x3FAD]  }
0x2d: {  	s3 =	simm.s32 $0x108;
	s8 =	sld [smem:$0x3FAE]  }
0x2e: {  	s3 =	simm.s32 @!p0 $0x1082;
	s9 =	sld [smem:$0x3FAF]  }
0x2f: {  	lr =	sadd.s32 s0, s3;
	s0 =	sld [smem:$0x3FA6]  }
0x30: {  	s3 =	sld [smem:$0x3FA9]  }
0x31: {  	[smem:$0x3FB2] =	sst s10  }
0x32: {  	s10 =	sld [smem:$0x3FB0];
	_ =	sdelay $0x3  }
0x33: {  	p0 =	seq.s32 s10, $0x1;
	s10 =	sld [smem:$0x3FB2];
	_ =	sdelay $0x3  }
0x34: {  	[smem:$0x3FB2] =	sst s10  }
0x35: {  	s10 =	sld [smem:$0x3FB1];
	_ =	sdelay $0x3  }
0x36: {  	p1 =	seq.s32 s10, $0x1;
	s10 =	sld [smem:$0x3FB2];
	_ =	sdelay $0x3  }
0x37: {  	[smem:$0x3FB2] =	sst s10  }
0x38: {  	s10 =	sld [smem:$0x3FB3]  }
0x39: {  	_ = 	snop;
	(pc) =	sbr.ind lr, $3  }
0x3a: {  	_ = 	snop  }
0x3b: {  	_ = 	snop  }
0x3c: {  	p2 =	seq.s32 s10, $0x1;
	s10 =	sld [smem:$0x3FB2]  }
0x3d: {  	_ =	shalt  }
0x3e: {  	_ =	shalt  }
0x3f: {  	_ =	shalt  }
0x40: {  	_ =	shalt  }
0x41: {  	_ =	shalt  }
0x42: {  	_ =	shalt  }
0x43: {  	_ =	shalt  }
0x44: {  	_ =	shalt  }
0x45: {  	_ =	shalt  }
0x46: {  	_ =	shalt  }
0x47: {  	_ =	shalt  }
0x48: {  	_ =	shalt  }
0x49: {  	_ =	shalt  }
0x4a: {  	_ =	shalt  }
0x4b: {  	_ =	shalt  }
0x4c: {  	_ =	shalt  }
0x4d: {  	_ =	shalt  }
0x4e: {  	_ =	shalt  }
0x4f: {  	_ =	shalt  }
0x50: {  	_ =	shalt  }
0x51: {  	_ =	shalt  }
0x52: {  	_ =	shalt  }
0x53: {  	_ =	shalt  }
0x54: {  	_ =	shalt  }
0x55: {  	_ =	shalt  }
0x56: {  	_ =	shalt  }
0x57: {  	_ =	shalt  }
0x58: {  	_ =	shalt  }
0x59: {  	_ =	shalt  }
0x5a: {  	_ =	shalt  }
0x5b: {  	_ =	shalt  }
0x5c: {  	_ =	shalt  }
0x5d: {  	_ =	shalt  }
0x5e: {  	_ =	shalt  }
0x5f: {  	_ =	shalt  }
0x60: {  	_ =	shalt  }
0x61: {  	_ =	shalt  }
0x62: {  	_ =	shalt  }
0x63: {  	_ =	shalt  }
0x64: {  	_ =	shalt  }
0x65: {  	_ =	shalt  }
0x66: {  	_ =	shalt  }
0x67: {  	_ =	shalt  }
0x68: {  	_ =	shalt  }
0x69: {  	_ =	shalt  }
0x6a: {  	_ =	shalt  }
0x6b: {  	_ =	shalt  }
0x6c: {  	_ =	shalt  }
0x6d: {  	_ =	shalt  }
0x6e: {  	_ =	shalt  }
0x6f: {  	_ =	shalt  }
0x70: {  	_ =	shalt  }
0x71: {  	_ =	shalt  }
0x72: {  	_ =	shalt  }
0x73: {  	_ =	shalt  }
0x74: {  	_ =	shalt  }
0x75: {  	_ =	shalt  }
0x76: {  	_ =	shalt  }
0x77: {  	_ =	shalt  }
0x78: {  	_ =	shalt  }
0x79: {  	_ =	shalt  }
0x7a: {  	_ =	shalt  }
0x7b: {  	_ =	shalt  }
0x7c: {  	_ =	shalt  }
0x7d: {  	_ =	shalt  }
0x7e: {  	_ =	shalt  }
0x7f: {  	_ =	shalt  }
0x80: {  	_ =	shalt  }
0x81: {  	_ =	shalt  }
0x82: {  	_ =	shalt  }
0x83: {  	_ =	shalt  }
0x84: {  	_ =	shalt  }
0x85: {  	_ =	shalt  }
0x86: {  	_ =	shalt  }
0x87: {  	_ =	shalt  }
.Lfunc_end0:
.L_simem_size_0:
called_computation.1_lowered:
.L_overlay_start_0:
0x88: {  	s2 =	sld [smem:$0x3FD9]  }
0x89: {  	s3 =	sld [smem:$0x3FFE];
	_ =	sdelay $0x1  }
0x8a: {  	s1 =	srdreg.scid  }
0x8b: {  	s0 =	sand.u32 $0x1, s1  }
0x8c: {  	s14 =	sshll.u32 s0, $0xA;
	s2 =	sadd.s32 s3, s2  }
0x8d: {  	s2 =	sadd.s32 s2, s14  }
0x8e: {  	[smem:$0x3FBE] =	sst s2  }
0x8f: {  	_ = 	snop  }
0x90: {  	s2 =	sld [smem:$0x3FD0];
	_ =	sdelay $0x2  }
0x91: {  	s15 =	simm.s32 $0xB;
	s4 =	simm.s32 $0x10  }
0x92: {  	[smem:s4], [sflag:s15] =	dma.local [hbm:s2], $0x1  }
0x93: {  	_ =	swait.eq [sflag:s15], $0x1  }
0x94: {  	[sflag:s15] =	ssyncset.done $0x0  }
0x95: {  	s16 =	sld [smem:$0x10];
	[sflag:s15] =	ssyncadd.s32 $0xFFFFFFFF  }
0x96: {  	s17 =	sld [smem:$0x12];
	(tm) =	ssettm $0x1  }
0x97: {  	s18 =	sld [smem:$0x3FFB];
	_ =	sdelay $0x3  }
0x98: {  	_ =	strace s18  }
0x99: {  	s4 =	sld [smem:$0x3FFC];
	_ =	sdelay $0x3  }
0x9a: {  	_ =	strace s4  }
0x9b: {  	s4 =	sld [smem:$0x3FFD];
	_ =	sdelay $0x3  }
0x9c: {  	_ =	strace s4  }
0x9d: {  	_ =	strace $0x8FFFFFFF  }
0x9e: {  	s19 =	sld [smem:$0x3FDB];
	_ =	sdelay $0x1  }
0x9f: {  	s5 =	simm.s32 $_scs_section_size  }
0xa0: {  	s6 =	simm.s32 $_size__tile_overlayer_lowered;
	s7 =	simm.s32 $_tile_overlayer_lowered  }
0xa1: {  	s22 =	simm.s32 $0x1BFF;
	s21 =	sshll.u32 s7, $0x1;
	s4 =	sadd.s32 s5, s19  }
0xa2: {  	s8 =	simm.s32 $0x0;
	s20 =	sshll.u32 s6, $0x1;
	s6 =	sadd.s32 s21, s4  }
0xa3: {  	[timem:s8], [sflag:s22] =	dma.local [hbm:s6], s20  }
0xa4: {  	_ =	swait.ge [sflag:s22], s20  }
0xa5: {  	s5 =	ssub.s32 $0x0, s20;
	[sflag:s22] =	ssyncset.done $0x0  }
0xa6: {  	[sflag:s22] =	ssyncadd.s32 s5;
	_ =	sdelay $0x1  }
0xa7: {  	s23 =	simm.s32 $0x1B8B  }
0xa8: {  	_ =	swait.ge [sflag:s23], $0x1  }
0xa9: {  	[sflag:s23] =	ssyncset.done $0x0  }
0xaa: {  	s25 =	simm.s32 $0x1B8E;
	s24 =	sld [smem:$0x3FFE];
	[sflag:s23] =	ssyncadd.s32 $0xFFFFFFFF  }
0xab: {  	s26 =	simm.s32 $execute0_lowered;
	[smem:$0x3FD2] =	sst s25  }
0xac: {  	s6 =	sshll.u32 s26, $0x1;
	_ =	strace $0x80000046;
	[dreg:$0x1] =	wrdreg $0xFFFFFFFF  }
0xad: {  	s28 =	simm.s32 $_size_execute0_lowered;
	s4 =	sadd.s32 s4, s6;
	[dreg:$0x0] =	wrdreg $0x0  }
0xae: {  	s6 =	sshll.u32 s28, $0x1;
	[dreg:$0x2] =	wrdreg s4  }
0xaf: {  	[dreg:$0x3] =	wrdreg s6  }
0xb0: {  	[dreg:$0x4] =	wrdreg $0xC0  }
0xb1: {  	_ =	task [dreg:s8], $0x5FFFF  }
0xb2: {  	[dreg:$0x1] =	wrdreg $0xFFFFFFFF  }
0xb3: {  	[dreg:$0x0] =	wrdreg $0x60  }
0xb4: {  	[dreg:$0x2] =	wrdreg s24  }
0xb5: {  	[dreg:$0x3] =	wrdreg s16  }
0xb6: {  	[dreg:$0x4] =	wrdreg s17  }
0xb7: {  	[dreg:$0x5] =	wrdreg $0x99000  }
0xb8: {  	[dreg:$0x6] =	wrdreg $0x9  }
0xb9: {  	_ =	task.clear_ibuf [dreg:s8], $0x7FFFF;
	_ =	strace $0x90000046  }
0xba: {  	s29 =	simm.s32 $0x9;
	_ =	strace $0x80000048  }
0xbb: {  	_ =	swait.ge [sflag:s29], $0x1  }
0xbc: {  	[sflag:s29] =	ssyncadd.s32 $0xFFFFFFFF  }
0xbd: {  	_ =	strace $0x90000048  }
0xbe: {  	_ =	sfence  }
0xbf: {  	s30 =	sld [smem:$0x0];
	_ =	sdelay $0x2  }
0xc0: {  	s31 =	sshll.u32 s1, $0xD;
	s1 =	sshrl.u32 s1, $0x2  }
0xc1: {  	s3 =	sand.u32 $0x4000, s31;
	s1 =	sadd.s32 s1, s30  }
0xc2: {  	s0 =	sor.u32 s3, s0;
	s1 =	sshll.u32 s1, $0x11  }
0xc3: {  	s0 =	sor.u32 s1, s0  }
0xc4: {  	s0 =	sadd.s32 $0x8F2B, s0  }
0xc5: {  	[sflag:s0] =	ssyncadd.remote.s32 $0x1  }
0xc6: {  	_ =	sfence.sel $0xFFFF  }
0xc7: {  	[dreg:$0x0] =	wrdreg $0xFFFFFFFF;
	(pc) =	sbr.abs _section_cstart, $3  }
0xc8: {  	[dreg:$0x1] =	wrdreg $0xFFFFFFFF  }
0xc9: {  	_ =	task.clear_ibuf [dreg:s8], $0x2FFFF;
	_ =	strace $0x9FFFFFFF  }
0xca: {  	(tm) =	ssettm $0x7FFFFFFF  }
0xcb: {  	_ =	shalt  }
tec
execute0_lowered:
.L_overlay_start_1:
0x0: {  	(tag) =	ssettag $0x1  }
0x1: {  	s0 =	rddreg [dreg:$0x0]  }
0x2: {  	s7 =	rddreg [dreg:$0x2]  }
0x3: {  	s2 =	rddreg [dreg:$0x3];
	s3 =	simm.s32 $0x0  }
0x4: {  	s10 =	srdreg.scid;
	s1 =	stileid.u32;
	s20 =	simm.s32 $0x6800  }
0x5: {  	s22 =	simm.s32 $0x400;
	s28 =	simm.s32 $0x4800;
	[smem:$0x7FF] =	sst s3  }
0x6: {  	s21 =	simm.s32 $0x3;
	s4 =	sadd.s32 $0x1D5E00, s0;
	s5 =	sadd.s32 $0x1A1E00, s0  }
0x7: {  	s29 =	simm.s32 $0x0;
	s6 =	sadd.s32 $0x499600, s0;
	s8 =	sadd.s32 $0x189600, s0  }
0x8: {  	s9 =	sadd.s32 $0x209E00, s0;
	s23 =	sand.u32 $0x1, s10;
	s14 =	smul.u32 $0x31000, s1  }
0x9: {  	s13 =	sshll.u32 s1, $0x1;
	s16 =	smul.u32 $0x1880, s1;
	_ =	strace $0x80000047  }
0xa: {  	s10 =	ssub.s32 $0x2, s23;
	s11 =	smul.u32 $0x18800, s23;
	s0 =	sor.u32 s23, s13  }
0xb: {  	s23 =	simm.s32 $0x800;
	s12 =	sshrl.u32 s10, $0x1;
	s25 =	sshrl.u32 s14, $0x2  }
0xc: {  	s26 =	sadd.s32 $0x620, s16;
	s18 =	sadd.s32 $0xC40, s16;
	s19 =	sadd.s32 $0x1260, s16  }
0xd: {  	s12 =	ssub.s32 s10, s12;
	s10 =	smul.u32 $0x34, s0;
	s24 =	sadd.s32 s7, s11  }
0xe: {  	s11 =	sadd.s32 s25, s2;
	s30 =	sshll.u32 s26, $0x3;
	s31 =	sshll.u32 s18, $0x3  }
0xf: {  	s15 =	sshll.u32 s19, $0x3;
	s25 =	simm.s32 $0x1;
	s12 =	smax.u32 s12, $0x1  }
0x10: {  	v1 =	vlaneseq.u32;
	s13 =	sadd.s32 s30, s2;
	s14 =	sadd.s32 s31, s2;
	s15 =	sadd.s32 s15, s2  }
0x11: {  	v0 =	vshrl.u32 v1, $0x3;
	s16 =	sadd.s32 s16, s24;
	s17 =	sadd.s32 s26, s24;
	s18 =	sadd.s32 s18, s24  }
0x12: {  	v1 =	vand.u32 $0x7, v1;
	v0 =	vmul.u32 $0x8, v0;
	s19 =	sadd.s32 s19, s24;
	s24 =	simm.s32 $0x2800;
	s26 =	simm.s32 $0x2  }
.LBB2_1:
0x13: {  	s0 =	rddreg [dreg:$0x1]  }
0x14: {  	[tilespmem:s20], [sflag:$0x3] =	stream.linear.gather [hbm4b:s0+s3], $0x3100, $0x38;
	[tilespmem:$0x15D00] =	vst v63  }
0x15: {  	_ =	swait.ge [sflag:s21], $0x3100  }
0x16: {  	[sflag:s21] =	ssyncset.done $0x0  }
0x17: {  	[sflag:s21] =	ssyncadd.s32 $0xFFFFCF00  }
0x18: {  	[spmem:s11] =	stream.linear.scatter [tilespmem:s20], [sflag:$0x3], $0x3100, $0x38;
	[tilespmem:$0x15D00] =	vst v63  }
0x19: {  	_ =	swait.ge [sflag:s21], $0x3100  }
0x1a: {  	[sflag:s21] =	ssyncset.done $0x0  }
0x1b: {  	[sflag:s21] =	ssyncadd.s32 $0xFFFFCF00  }
0x1c: {  	[spmem:s13] =	stream.linear.scatter [tilespmem:s20], [sflag:$0x3], $0x3100, $0x38;
	[tilespmem:$0x15D00] =	vst v63  }
0x1d: {  	_ =	swait.ge [sflag:s21], $0x3100  }
0x1e: {  	[sflag:s21] =	ssyncset.done $0x0  }
0x1f: {  	[sflag:s21] =	ssyncadd.s32 $0xFFFFCF00  }
0x20: {  	[spmem:s14] =	stream.linear.scatter [tilespmem:s20], [sflag:$0x3], $0x3100, $0x38;
	[tilespmem:$0x15D00] =	vst v63  }
0x21: {  	_ =	swait.ge [sflag:s21], $0x3100  }
0x22: {  	[sflag:s21] =	ssyncset.done $0x0  }
0x23: {  	[sflag:s21] =	ssyncadd.s32 $0xFFFFCF00  }
0x24: {  	[spmem:s15] =	stream.linear.scatter [tilespmem:s20], [sflag:$0x3], $0x3100, $0x38;
	[tilespmem:$0x15D00] =	vst v63  }
0x25: {  	_ =	swait.ge [sflag:s21], $0x3100  }
0x26: {  	[sflag:s21] =	ssyncset.done $0x0  }
0x27: {  	[sflag:s21] =	ssyncadd.s32 $0xFFFFCF00  }
0x28: {  	s30 =	simm.s32 $0x0;
	[bflag:$0x0] =	sbarrier.arrive $0xFFFF  }
.LBB2_2:
0x29: {  	s31 =	sadd.s32 s10, s30  }
0x2a: {  	s0 =	sshll.u32 s31, $0x7  }
0x2b: {  	s7 =	sadd.s32 s4, s0  }
0x2c: {  	[tilespmem:s3], [sflag:$0x3] =	stream.linear.gather [hbm4b:s7+s3], $0x400, $0x38;
	[tilespmem:$0x15D00] =	vst v63  }
0x2d: {  	_ =	swait.ge [sflag:s21], $0x400  }
0x2e: {  	[sflag:s21] =	ssyncset.done $0x0  }
0x2f: {  	s0 =	sadd.s32 s5, s0;
	[sflag:s21] =	ssyncadd.s32 $0xFFFFFC00  }
0x30: {  	[tilespmem:s22], [sflag:$0x3] =	stream.linear.gather [hbm4b:s0+s3], $0x400, $0x38;
	[tilespmem:$0x15D00] =	vst v63  }
0x31: {  	_ =	swait.ge [sflag:s21], $0x400  }
0x32: {  	[sflag:s21] =	ssyncset.done $0x0  }
0x33: {  	s7 =	simm.s32 $0x0;
	[sflag:s21] =	ssyncadd.s32 $0xFFFFFC00  }
0x34: {  	[tilespmem:s23], [sflag:$0x1] =	stream.indirect.gather [hbm4b:s6+s22], $0x8, s3, s22, $0xb8;
	[tilespmem:$0x15D00] =	vst v63  }
0x35: {  	v2 =	vmov s7  }
0x36: {  	v2 =	vshll.u32 v2, $0x3;
	[tilespmem:s24], [sflag:$0x2] =	stream.indirect.gather [hbm4b:s8+s22], $0x8, s22, s22, $0xb8;
	[tilespmem:$0x15D00] =	vst v63  }
0x37: {  	v2 =	vor.u32 v0, v2;
	_ =	swait.ge [sflag:s25], $0x2000  }
0x38: {  	v2 =	vor.u32 v1, v2;
	[sflag:s25] =	ssyncset.done $0x0  }
0x39: {  	[sflag:s25] =	ssyncadd.s32 $0xFFFFE000  }
0x3a: {  	_ =	swait.ge [sflag:s26], $0x2000  }
0x3b: {  	[sflag:s26] =	ssyncset.done $0x0  }
0x3c: {  	[sflag:s26] =	ssyncadd.s32 $0xFFFFE000  }
0x3d: {  	v3 =	vld.idx.msk [tilespmem:v2+s23+$0x0], $0xffff  }
0x3e: {  	v4 =	vld.idx.msk [tilespmem:v2+s24+$0x0], $0xffff;
	_ =	sdelay $0x4  }
0x3f: {  	v3 =	vadd.f32 v4, v3;
	_ =	sdelay $0x1  }
0x40: {  	v4 =	vmul.f32 $2.000000030e-01, v3;
	_ =	sdelay $0x1  }
0x41: {  	v3 =	vmax.f32 v3, v4  }
0x42: {  	v3 =	vmul.f32 $1.442695020e+00, v3;
	_ =	sdelay $0x1  }
0x43: {  	(erf) = vpow2.f32 v3;
	_ =	sdelay $0x1  }
0x44: {  	s1 =	simm.s32 $0x2  }
0x45: {  	v3 =	vmov s1  }
0x46: {  	v3 =	vshll.u32 v3, $0x3  }
0x47: {  	v3 =	vor.u32 v0, v3  }
0x48: {  	v3 =	vor.u32 v1, v3;
	_ =	sdelay $0x2  }
0x49: {  	v4 =	vpop (erf)  }
0x4a: {  	[tilespmem:v2+s28+$0x0] =	vst.idx.msk $0xffff, v4  }
0x4b: {  	v2 =	vld.idx.msk [tilespmem:v3+s23+$0x0], $0xffff  }
0x4c: {  	v4 =	vld.idx.msk [tilespmem:v3+s24+$0x0], $0xffff;
	_ =	sdelay $0x4  }
0x4d: {  	v2 =	vadd.f32 v4, v2;
	_ =	sdelay $0x1  }
0x4e: {  	v4 =	vmul.f32 $2.000000030e-01, v2;
	_ =	sdelay $0x1  }
0x4f: {  	v2 =	vmax.f32 v2, v4  }
0x50: {  	v2 =	vmul.f32 $1.442695020e+00, v2;
	_ =	sdelay $0x1  }
0x51: {  	(erf) = vpow2.f32 v2;
	_ =	sdelay $0x1  }
0x52: {  	s7 =	simm.s32 $0x4  }
0x53: {  	v2 =	vmov s7  }
0x54: {  	v2 =	vshll.u32 v2, $0x3  }
0x55: {  	v2 =	vor.u32 v0, v2  }
0x56: {  	v4 =	vor.u32 v1, v2;
	_ =	sdelay $0x2  }
0x57: {  	v2 =	vpop (erf)  }
0x58: {  	[tilespmem:v3+s28+$0x0] =	vst.idx.msk $0xffff, v2  }
0x59: {  	v2 =	vld.idx.msk [tilespmem:v4+s23+$0x0], $0xffff  }
0x5a: {  	v3 =	vld.idx.msk [tilespmem:v4+s24+$0x0], $0xffff;
	_ =	sdelay $0x4  }
0x5b: {  	v2 =	vadd.f32 v3, v2;
	_ =	sdelay $0x1  }
0x5c: {  	v3 =	vmul.f32 $2.000000030e-01, v2;
	_ =	sdelay $0x1  }
0x5d: {  	v2 =	vmax.f32 v2, v3  }
0x5e: {  	v2 =	vmul.f32 $1.442695020e+00, v2;
	_ =	sdelay $0x1  }
0x5f: {  	(erf) = vpow2.f32 v2;
	_ =	sdelay $0x1  }
0x60: {  	s1 =	simm.s32 $0x6  }
0x61: {  	v2 =	vmov s1  }
0x62: {  	v2 =	vshll.u32 v2, $0x3  }
0x63: {  	v2 =	vor.u32 v0, v2  }
0x64: {  	v2 =	vor.u32 v1, v2;
	_ =	sdelay $0x2  }
0x65: {  	v3 =	vpop (erf)  }
0x66: {  	[tilespmem:v4+s28+$0x0] =	vst.idx.msk $0xffff, v3  }
0x67: {  	v3 =	vld.idx.msk [tilespmem:v2+s23+$0x0], $0xffff  }
0x68: {  	v4 =	vld.idx.msk [tilespmem:v2+s24+$0x0], $0xffff;
	_ =	sdelay $0x4  }
0x69: {  	v3 =	vadd.f32 v4, v3;
	_ =	sdelay $0x1  }
0x6a: {  	v4 =	vmul.f32 $2.000000030e-01, v3;
	_ =	sdelay $0x1  }
0x6b: {  	v3 =	vmax.f32 v3, v4  }
0x6c: {  	v3 =	vmul.f32 $1.442695020e+00, v3;
	_ =	sdelay $0x1  }
0x6d: {  	(erf) = vpow2.f32 v3;
	_ =	sdelay $0x1  }
0x6e: {  	s7 =	simm.s32 $0x8  }
0x6f: {  	v4 =	vmov s7  }
0x70: {  	v4 =	vshll.u32 v4, $0x3  }
0x71: {  	s0 =	simm.s32 $0xE;
	s7 =	simm.s32 $0x4;
	v3 =	vor.u32 v0, v4  }
.LBB2_3:
0x72: {  	s7 =	sadd.s32 $0x4, s7;
	v3 =	vor.u32 v1, v3  }
0x73: {  	p0 =	slt.u32 s7, $0x1FC;
	_ =	sdelay $0x1  }
0x74: {  	v4 =	vpop (erf)  }
0x75: {  	[tilespmem:v2+s28+$0x0] =	vst.idx.msk $0xffff, v4  }
0x76: {  	v2 =	vld.idx.msk [tilespmem:v3+s23+$0x0], $0xffff  }
0x77: {  	v4 =	vld.idx.msk [tilespmem:v3+s24+$0x0], $0xffff;
	_ =	sdelay $0x5  }
0x78: {  	v2 =	vadd.f32 v4, v2;
	_ =	sdelay $0x1  }
0x79: {  	v4 =	vmul.f32 $2.000000030e-01, v2;
	_ =	sdelay $0x1  }
0x7a: {  	v2 =	vmax.f32 v2, v4  }
0x7b: {  	v2 =	vmul.f32 $1.442695020e+00, v2;
	_ =	sdelay $0x1  }
0x7c: {  	(erf) = vpow2.f32 v2;
	_ =	sdelay $0x1  }
0x7d: {  	s1 =	sadd.s32 $0xFFFFFFFC, s0  }
0x7e: {  	v2 =	vmov s1  }
0x7f: {  	v2 =	vshll.u32 v2, $0x3  }
0x80: {  	v2 =	vor.u32 v0, v2  }
0x81: {  	v2 =	vor.u32 v1, v2;
	_ =	sdelay $0x2  }
0x82: {  	v4 =	vpop (erf)  }
0x83: {  	[tilespmem:v3+s28+$0x0] =	vst.idx.msk $0xffff, v4  }
0x84: {  	v3 =	vld.idx.msk [tilespmem:v2+s23+$0x0], $0xffff  }
0x85: {  	v4 =	vld.idx.msk [tilespmem:v2+s24+$0x0], $0xffff;
	_ =	sdelay $0x5  }
0x86: {  	v3 =	vadd.f32 v4, v3;
	_ =	sdelay $0x1  }
0x87: {  	v4 =	vmul.f32 $2.000000030e-01, v3;
	_ =	sdelay $0x1  }
0x88: {  	v3 =	vmax.f32 v3, v4  }
0x89: {  	v3 =	vmul.f32 $1.442695020e+00, v3;
	_ =	sdelay $0x1  }
0x8a: {  	(erf) = vpow2.f32 v3;
	_ =	sdelay $0x1  }
0x8b: {  	s1 =	sadd.s32 $0xFFFFFFFE, s0  }
0x8c: {  	v3 =	vmov s1  }
0x8d: {  	v3 =	vshll.u32 v3, $0x3  }
0x8e: {  	v3 =	vor.u32 v0, v3  }
0x8f: {  	v3 =	vor.u32 v1, v3;
	_ =	sdelay $0x2  }
0x90: {  	v4 =	vpop (erf)  }
0x91: {  	[tilespmem:v2+s28+$0x0] =	vst.idx.msk $0xffff, v4  }
0x92: {  	v2 =	vld.idx.msk [tilespmem:v3+s23+$0x0], $0xffff  }
0x93: {  	v4 =	vld.idx.msk [tilespmem:v3+s24+$0x0], $0xffff;
	_ =	sdelay $0x5  }
0x94: {  	v2 =	vadd.f32 v4, v2;
	_ =	sdelay $0x1  }
0x95: {  	v4 =	vmul.f32 $2.000000030e-01, v2;
	_ =	sdelay $0x1  }
0x96: {  	v2 =	vmax.f32 v2, v4  }
0x97: {  	v2 =	vmul.f32 $1.442695020e+00, v2;
	_ =	sdelay $0x1  }
0x98: {  	(erf) = vpow2.f32 v2;
	_ =	sdelay $0x2  }
0x99: {  	v2 =	vmov s0  }
0x9a: {  	v2 =	vshll.u32 v2, $0x3  }
0x9b: {  	v2 =	vor.u32 v0, v2  }
0x9c: {  	v2 =	vor.u32 v1, v2;
	_ =	sdelay $0x2  }
0x9d: {  	v4 =	vpop (erf)  }
0x9e: {  	[tilespmem:v3+s28+$0x0] =	vst.idx.msk $0xffff, v4  }
0x9f: {  	v3 =	vld.idx.msk [tilespmem:v2+s23+$0x0], $0xffff  }
0xa0: {  	v4 =	vld.idx.msk [tilespmem:v2+s24+$0x0], $0xffff;
	_ =	sdelay $0x5  }
0xa1: {  	v3 =	vadd.f32 v4, v3;
	_ =	sdelay $0x1  }
0xa2: {  	v4 =	vmul.f32 $2.000000030e-01, v3;
	_ =	sdelay $0x1  }
0xa3: {  	v3 =	vmax.f32 v3, v4  }
0xa4: {  	v3 =	vmul.f32 $1.442695020e+00, v3;
	_ =	sdelay $0x1  }
0xa5: {  	(erf) = vpow2.f32 v3  }
.Ltmp0:
0xa6: {  	s0 =	sadd.s32 $0x8, s0;
	(pc) =	sbr.rel @p0 .LBB2_3-.Ltmp0, $4  }
0xa7: {  	s1 =	sadd.s32 $0xFFFFFFFA, s0  }
0xa8: {  	v3 =	vmov s1  }
0xa9: {  	v3 =	vshll.u32 v3, $0x3  }
0xaa: {  	v3 =	vor.u32 v0, v3  }
0xab: {  	v3 =	vor.u32 v1, v3;
	_ =	sdelay $0x2  }
0xac: {  	v4 =	vpop (erf)  }
0xad: {  	[tilespmem:v2+s28+$0x0] =	vst.idx.msk $0xffff, v4  }
0xae: {  	v2 =	vld.idx.msk [tilespmem:v3+s23+$0x0], $0xffff  }
0xaf: {  	v4 =	vld.idx.msk [tilespmem:v3+s24+$0x0], $0xffff;
	_ =	sdelay $0x4  }
0xb0: {  	v2 =	vadd.f32 v4, v2;
	_ =	sdelay $0x1  }
0xb1: {  	v4 =	vmul.f32 $2.000000030e-01, v2;
	_ =	sdelay $0x1  }
0xb2: {  	v2 =	vmax.f32 v2, v4  }
0xb3: {  	v2 =	vmul.f32 $1.442695020e+00, v2;
	_ =	sdelay $0x1  }
0xb4: {  	(erf) = vpow2.f32 v2;
	_ =	sdelay $0x1  }
0xb5: {  	s1 =	sadd.s32 $0xFFFFFFFC, s0  }
0xb6: {  	v2 =	vmov s1  }
0xb7: {  	v2 =	vshll.u32 v2, $0x3  }
0xb8: {  	v2 =	vor.u32 v0, v2  }
0xb9: {  	v2 =	vor.u32 v1, v2;
	_ =	sdelay $0x2  }
0xba: {  	v61 =	vpop (erf)  }
0xbb: {  	[tilespmem:v3+s28+$0x0] =	vst.idx.msk $0xffff, v61  }
0xbc: {  	v3 =	vld.idx.msk [tilespmem:v2+s23+$0x0], $0xffff  }
0xbd: {  	v4 =	vld.idx.msk [tilespmem:v2+s24+$0x0], $0xffff;
	_ =	sdelay $0x4  }
0xbe: {  	v3 =	vadd.f32 v4, v3;
	_ =	sdelay $0x1  }
0xbf: {  	v4 =	vmul.f32 $2.000000030e-01, v3;
	_ =	sdelay $0x1  }
0xc0: {  	v3 =	vmax.f32 v3, v4  }
0xc1: {  	v3 =	vmul.f32 $1.442695020e+00, v3;
	_ =	sdelay $0x1  }
0xc2: {  	(erf) = vpow2.f32 v3;
	_ =	sdelay $0x1  }
0xc3: {  	s7 =	sadd.s32 $0xFFFFFFFE, s0  }
0xc4: {  	v3 =	vmov s7  }
0xc5: {  	v3 =	vshll.u32 v3, $0x3  }
0xc6: {  	v3 =	vor.u32 v0, v3  }
0xc7: {  	v3 =	vor.u32 v1, v3;
	_ =	sdelay $0x2  }
0xc8: {  	v62 =	vpop (erf)  }
0xc9: {  	[tilespmem:v2+s28+$0x0] =	vst.idx.msk $0xffff, v62  }
0xca: {  	v2 =	vld.idx.msk [tilespmem:v3+s23+$0x0], $0xffff  }
0xcb: {  	v4 =	vld.idx.msk [tilespmem:v3+s24+$0x0], $0xffff;
	_ =	sdelay $0x4  }
0xcc: {  	v2 =	vadd.f32 v4, v2;
	_ =	sdelay $0x1  }
0xcd: {  	v4 =	vmul.f32 $2.000000030e-01, v2;
	_ =	sdelay $0x1  }
0xce: {  	v2 =	vmax.f32 v2, v4  }
0xcf: {  	v2 =	vmul.f32 $1.442695020e+00, v2;
	_ =	sdelay $0x1  }
0xd0: {  	(erf) = vpow2.f32 v2;
	_ =	sdelay $0x2  }
0xd1: {  	v2 =	vmov s0  }
0xd2: {  	v2 =	vshll.u32 v2, $0x3  }
0xd3: {  	v2 =	vor.u32 v0, v2  }
0xd4: {  	v2 =	vor.u32 v1, v2;
	_ =	sdelay $0x2  }
0xd5: {  	v63 =	vpop (erf)  }
0xd6: {  	[tilespmem:v3+s28+$0x0] =	vst.idx.msk $0xffff, v63  }
0xd7: {  	v3 =	vld.idx.msk [tilespmem:v2+s23+$0x0], $0xffff  }
0xd8: {  	v4 =	vld.idx.msk [tilespmem:v2+s24+$0x0], $0xffff;
	_ =	sdelay $0x4  }
0xd9: {  	v3 =	vadd.f32 v4, v3;
	_ =	sdelay $0x1  }
0xda: {  	v4 =	vmul.f32 $2.000000030e-01, v3;
	_ =	sdelay $0x1  }
0xdb: {  	v3 =	vmax.f32 v3, v4  }
0xdc: {  	v3 =	vmul.f32 $1.442695020e+00, v3;
	_ =	sdelay $0x1  }
0xdd: {  	(erf) = vpow2.f32 v3;
	_ =	sdelay $0x8  }
0xde: {  	s31 =	sshll.u32 s31, $0xA;
	v3 =	vpop (erf)  }
0xdf: {  	s0 =	sadd.s32 s9, s31;
	[tilespmem:v2+s28+$0x0] =	vst.idx.msk $0xffff, v3  }
0xe0: {  	[hbm4b:s0+s3] =	stream.linear.scatter [tilespmem:s28], [sflag:$0x3], $0x2000, $0x38;
	[tilespmem:$0x15D00] =	vst v63  }
0xe1: {  	s30 =	sadd.s32 $0x1, s30;
	_ =	swait.ge [sflag:s21], $0x2000  }
0xe2: {  	p0 =	sne.s32 s30, $0x34;
	[sflag:s21] =	ssyncset.done $0x0  }
.Ltmp1:
0xe3: {  	[sflag:s21] =	ssyncadd.s32 $0xFFFFE000;
	(pc) =	sbr.rel @p0 .LBB2_2-.Ltmp1, $4  }
0xe4: {  	[spmem:s2] =	stream.indirect.scatter.add.f32 [tilespmem:s28], [sflag:$0x3], $0x8, s22, s22, $0xb8;
	[tilespmem:$0x15D00] =	vst v63  }
0xe5: {  	_ =	swait.ge [sflag:s21], $0x2000  }
0xe6: {  	[sflag:s21] =	ssyncset.done $0x0  }
0xe7: {  	[sflag:s21] =	ssyncadd.s32 $0xFFFFE000  }
0xe8: {  	[bflag:$0x0] =	sbarrier.arrive $0xFFFF  }
0xe9: {  	[tilespmem:s20], [sflag:$0x3] =	stream.linear.gather [spmem:s11], $0x3100, $0x38;
	[tilespmem:$0x15D00] =	vst v63  }
0xea: {  	_ =	swait.ge [sflag:s21], $0x3100  }
0xeb: {  	[sflag:s21] =	ssyncset.done $0x0  }
0xec: {  	[sflag:s21] =	ssyncadd.s32 $0xFFFFCF00  }
0xed: {  	[hbm4b:s16+s3] =	stream.linear.scatter [tilespmem:s20], [sflag:$0x3], $0x3100, $0x38;
	[tilespmem:$0x15D00] =	vst v63  }
0xee: {  	_ =	swait.ge [sflag:s21], $0x3100  }
0xef: {  	[sflag:s21] =	ssyncset.done $0x0  }
0xf0: {  	[sflag:s21] =	ssyncadd.s32 $0xFFFFCF00  }
0xf1: {  	[tilespmem:s20], [sflag:$0x3] =	stream.linear.gather [spmem:s13], $0x3100, $0x38;
	[tilespmem:$0x15D00] =	vst v63  }
0xf2: {  	_ =	swait.ge [sflag:s21], $0x3100  }
0xf3: {  	[sflag:s21] =	ssyncset.done $0x0  }
0xf4: {  	[sflag:s21] =	ssyncadd.s32 $0xFFFFCF00  }
0xf5: {  	[hbm4b:s17+s3] =	stream.linear.scatter [tilespmem:s20], [sflag:$0x3], $0x3100, $0x38;
	[tilespmem:$0x15D00] =	vst v63  }
0xf6: {  	_ =	swait.ge [sflag:s21], $0x3100  }
0xf7: {  	[sflag:s21] =	ssyncset.done $0x0  }
0xf8: {  	[sflag:s21] =	ssyncadd.s32 $0xFFFFCF00  }
0xf9: {  	[tilespmem:s20], [sflag:$0x3] =	stream.linear.gather [spmem:s14], $0x3100, $0x38;
	[tilespmem:$0x15D00] =	vst v63  }
0xfa: {  	_ =	swait.ge [sflag:s21], $0x3100  }
0xfb: {  	[sflag:s21] =	ssyncset.done $0x0  }
0xfc: {  	[sflag:s21] =	ssyncadd.s32 $0xFFFFCF00  }
0xfd: {  	[hbm4b:s18+s3] =	stream.linear.scatter [tilespmem:s20], [sflag:$0x3], $0x3100, $0x38;
	[tilespmem:$0x15D00] =	vst v63  }
0xfe: {  	_ =	swait.ge [sflag:s21], $0x3100  }
0xff: {  	[sflag:s21] =	ssyncset.done $0x0  }
0x100: {  	[sflag:s21] =	ssyncadd.s32 $0xFFFFCF00  }
0x101: {  	[tilespmem:s20], [sflag:$0x3] =	stream.linear.gather [spmem:s15], $0x3100, $0x38;
	[tilespmem:$0x15D00] =	vst v63  }
0x102: {  	s29 =	sadd.s32 $0x1, s29;
	_ =	swait.ge [sflag:s21], $0x3100  }
0x103: {  	p0 =	sne.s32 s29, s12;
	[sflag:s21] =	ssyncset.done $0x0  }
.Ltmp2:
0x104: {  	[sflag:s21] =	ssyncadd.s32 $0xFFFFCF00;
	(pc) =	sbr.rel @p0 .LBB2_1-.Ltmp2, $4  }
0x105: {  	[hbm4b:s19+s3] =	stream.linear.scatter [tilespmem:s20], [sflag:$0x3], $0x3100, $0x38;
	[tilespmem:$0x15D00] =	vst v63  }
0x106: {  	_ =	swait.ge [sflag:s21], $0x3100  }
0x107: {  	[sflag:s21] =	ssyncset.done $0x0  }
0x108: {  	[sflag:s21] =	ssyncadd.s32 $0xFFFFCF00  }
0x109: {  	_ =	sfence.sel $0x180000  }
0x10a: {  	[bflag:$0x0] =	sbarrier.arrive $0xFFFF  }
0x10b: {  	_ =	strace $0x90000047  }
0x10c: {  	s0 =	stileid.u32;
	[bflag:$0x2] =	sbarrier.arrive $0xFFFF  }
0x10d: {  	p0 =	sne.s32 s0, $0x0;
	s0 =	rddreg [dreg:$0x4]  }
0x10e: {  	s0 =	sadd.s32 @!p0 $0x100000, s0  }
0x10f: {  	[sflag:s0] =	ssyncadd.tile.s32 @!p0 $0x1;
	_ =	shalt  }
.Lfunc_end2:
_tile_overlayer_lowered:
.L_overlay_start_2:
0x110: {  	(tag) =	ssettag $0x2  }
0x111: {  	s0 =	rddreg [dreg:$0x0];
	s2 =	stileid.u32  }
0x112: {  	s1 =	rddreg [dreg:$0x1];
	p0 =	sne.s32 s2, $0x0  }
0x113: {  	s3 =	rddreg [dreg:$0x2];
	[bflag:$0x3] =	sbarrier.arrive $0xFFFF;
	s2 =	simm.s32 @!p0 $0x1C03  }
0x114: {  	[timem:s3], [sflag:s2] =	dma.local @!p0 [hbm:s0], s1  }
0x115: {  	s0 =	simm.s32 @!p0 $0x3  }
0x116: {  	_ =	swait.ge @!p0 [sflag:s0], s1  }
0x117: {  	s1 =	ssub.s32 @!p0 $0x0, s1;
	[sflag:s0] =	ssyncset.done @!p0 $0x0  }
0x118: {  	[sflag:s0] =	ssyncadd.s32 @!p0 s1  }
0x119: {  	[bflag:$0x3] =	sbarrier.arrive $0xFFFF  }
0x11a: {  	_ =	shalt  }

// kernel: kernel.13.cloned.1.call-start
scs
__scs_entry_jumppad:
0x0: {  	(pc) =	sbr.rel $0x88, $3  }
0x1: {  	(tag) =	ssettag $0x0;
	lr =	simm.s32 $0x1  }
0x2: {  	[smem:$0x3F97] =	sst lr;
	_ =	strace $0xD0000000  }
0x3: {  	_ = 	snop  }
0x4: {  	_ = 	snop  }
0x5: {  	_ = 	snop  }
0x6: {  	_ = 	snop  }
0x7: {  	_ = 	snop  }
__scs_overlays_trampoline_lowered:
0x8: {  	[smem:$0x3FA6] =	sst s0  }
0x9: {  	[smem:$0x3FA7] =	sst s1  }
0xa: {  	[smem:$0x3FA8] =	sst s2  }
0xb: {  	[smem:$0x3FA9] =	sst s3  }
0xc: {  	[smem:$0x3FAA] =	sst s4  }
0xd: {  	[smem:$0x3FAB] =	sst s5  }
0xe: {  	[smem:$0x3FAC] =	sst s6  }
0xf: {  	[smem:$0x3FAD] =	sst s7  }
0x10: {  	[smem:$0x3FAE] =	sst s8  }
0x11: {  	[smem:$0x3FAF] =	sst s9;
	s0 =	simm.s32 @!p0 $0x0  }
0x12: {  	s1 =	sld [smem:$0x3F95];
	s0 =	simm.s32 @p0 $0x1  }
0x13: {  	[smem:$0x3FB0] =	sst s0;
	s0 =	simm.s32 @!p1 $0x0  }
0x14: {  	s2 =	sld [smem:$0x3F94];
	s0 =	simm.s32 @p1 $0x1  }
0x15: {  	[smem:$0x3FB1] =	sst s0;
	s0 =	simm.s32 @!p2 $0x0  }
0x16: {  	s3 =	sld [smem:$0x3FDB];
	s0 =	simm.s32 @p2 $0x1  }
0x17: {  	s4 =	simm.s32 $0x1BF5;
	[smem:$0x3FB3] =	sst s0  }
0x18: {  	s0 =	sld [smem:$0x3F96];
	_ =	swait.ge [sflag:s4], $0x0  }
0x19: {  	s7 =	sld [smem:$0x3F97]  }
0x1a: {  	s8 =	sadd.s32 $0xFFFFE003, lr  }
0x1b: {  	s9 =	sadd.s32 $0xFFFFFEF7, lr;
	s5 =	simm.s32 $0xFFFFFFFF;
	p2 =	slt.u32 s8, $0xFFFFF086  }
0x1c: {  	p1 =	slt.u32 s9, $0xF7A;
	s5 =	simm.s32 @!p2 $0x0  }
0x1d: {  	s5 =	simm.s32 @p1 $0x1;
	p0 =	seq.s32 s7, s2  }
0x1e: {  	s7 =	smul.u32 @!p0 $0xF7A, s2;
	p2 =	seq.s32 @!p0 s5, $0x0  }
0x1f: {  	s9 =	smul.u32 $0xF7A, s1;
	s8 =	simm.s32 @!p0 $0x1BF5;
	p2 =	por !p2, p0  }
0x20: {  	[sflag:s8] =	ssyncset.s32 @!p0 $0xFFFFF086;
	s6 =	sadd.s32 @!p0 s3, s7;
	s7 =	simm.s32 @!p0 $0x108  }
0x21: {  	s3 =	sadd.s32 s3, s9;
	s6 =	sadd.s32 @!p0 $0x88, s6;
	s7 =	simm.s32 @p2 $0x1082  }
0x22: {  	[simem:s7], [sflag:s8] =	dma.local @!p0 [hbm:s6], $0xF7A  }
0x23: {  	s9 =	sor.u32 $0xD0000000, s2;
	s6 =	simm.s32 $0x108;
	_ =	swait.ge @!p0 [sflag:s8], $0x0  }
0x24: {  	s3 =	sadd.s32 $0x88, s3;
	s6 =	simm.s32 @!p1 $0x1082;
	[sflag:s4] =	ssyncset.s32 $0xFFFFF086  }
0x25: {  	[simem:s6], [sflag:s4] =	dma.local [hbm:s3], $0xF7A  }
0x26: {  	[smem:$0x3F97] =	sst s1;
	(tag) =	ssettag s2;
	_ =	strace s9  }
0x27: {  	s1 =	sld [smem:$0x3FA7]  }
0x28: {  	s2 =	sld [smem:$0x3FA8]  }
0x29: {  	s4 =	sld [smem:$0x3FAA]  }
0x2a: {  	p0 =	seq.s32 s5, $0x0;
	s5 =	sld [smem:$0x3FAB]  }
0x2b: {  	s6 =	sld [smem:$0x3FAC]  }
0x2c: {  	s7 =	sld [smem:$0x3FAD]  }
0x2d: {  	s3 =	simm.s32 $0x108;
	s8 =	sld [smem:$0x3FAE]  }
0x2e: {  	s3 =	simm.s32 @!p0 $0x1082;
	s9 =	sld [smem:$0x3FAF]  }
0x2f: {  	lr =	sadd.s32 s0, s3;
	s0 =	sld [smem:$0x3FA6]  }
0x30: {  	s3 =	sld [smem:$0x3FA9]  }
0x31: {  	[smem:$0x3FB2] =	sst s10  }
0x32: {  	s10 =	sld [smem:$0x3FB0];
	_ =	sdelay $0x3  }
0x33: {  	p0 =	seq.s32 s10, $0x1;
	s10 =	sld [smem:$0x3FB2];
	_ =	sdelay $0x3  }
0x34: {  	[smem:$0x3FB2] =	sst s10  }
0x35: {  	s10 =	sld [smem:$0x3FB1];
	_ =	sdelay $0x3  }
0x36: {  	p1 =	seq.s32 s10, $0x1;
	s10 =	sld [smem:$0x3FB2];
	_ =	sdelay $0x3  }
0x37: {  	[smem:$0x3FB2] =	sst s10  }
0x38: {  	s10 =	sld [smem:$0x3FB3]  }
0x39: {  	_ = 	snop;
	(pc) =	sbr.ind lr, $3  }
0x3a: {  	_ = 	snop  }
0x3b: {  	_ = 	snop  }
0x3c: {  	p2 =	seq.s32 s10, $0x1;
	s10 =	sld [smem:$0x3FB2]  }
0x3d: {  	_ =	shalt  }
0x3e: {  	_ =	shalt  }
0x3f: {  	_ =	shalt  }
0x40: {  	_ =	shalt  }
0x41: {  	_ =	shalt  }
0x42: {  	_ =	shalt  }
0x43: {  	_ =	shalt  }
0x44: {  	_ =	shalt  }
0x45: {  	_ =	shalt  }
0x46: {  	_ =	shalt  }
0x47: {  	_ =	shalt  }
0x48: {  	_ =	shalt  }
0x49: {  	_ =	shalt  }
0x4a: {  	_ =	shalt  }
0x4b: {  	_ =	shalt  }
0x4c: {  	_ =	shalt  }
0x4d: {  	_ =	shalt  }
0x4e: {  	_ =	shalt  }
0x4f: {  	_ =	shalt  }
0x50: {  	_ =	shalt  }
0x51: {  	_ =	shalt  }
0x52: {  	_ =	shalt  }
0x53: {  	_ =	shalt  }
0x54: {  	_ =	shalt  }
0x55: {  	_ =	shalt  }
0x56: {  	_ =	shalt  }
0x57: {  	_ =	shalt  }
0x58: {  	_ =	shalt  }
0x59: {  	_ =	shalt  }
0x5a: {  	_ =	shalt  }
0x5b: {  	_ =	shalt  }
0x5c: {  	_ =	shalt  }
0x5d: {  	_ =	shalt  }
0x5e: {  	_ =	shalt  }
0x5f: {  	_ =	shalt  }
0x60: {  	_ =	shalt  }
0x61: {  	_ =	shalt  }
0x62: {  	_ =	shalt  }
0x63: {  	_ =	shalt  }
0x64: {  	_ =	shalt  }
0x65: {  	_ =	shalt  }
0x66: {  	_ =	shalt  }
0x67: {  	_ =	shalt  }
0x68: {  	_ =	shalt  }
0x69: {  	_ =	shalt  }
0x6a: {  	_ =	shalt  }
0x6b: {  	_ =	shalt  }
0x6c: {  	_ =	shalt  }
0x6d: {  	_ =	shalt  }
0x6e: {  	_ =	shalt  }
0x6f: {  	_ =	shalt  }
0x70: {  	_ =	shalt  }
0x71: {  	_ =	shalt  }
0x72: {  	_ =	shalt  }
0x73: {  	_ =	shalt  }
0x74: {  	_ =	shalt  }
0x75: {  	_ =	shalt  }
0x76: {  	_ =	shalt  }
0x77: {  	_ =	shalt  }
0x78: {  	_ =	shalt  }
0x79: {  	_ =	shalt  }
0x7a: {  	_ =	shalt  }
0x7b: {  	_ =	shalt  }
0x7c: {  	_ =	shalt  }
0x7d: {  	_ =	shalt  }
0x7e: {  	_ =	shalt  }
0x7f: {  	_ =	shalt  }
0x80: {  	_ =	shalt  }
0x81: {  	_ =	shalt  }
0x82: {  	_ =	shalt  }
0x83: {  	_ =	shalt  }
0x84: {  	_ =	shalt  }
0x85: {  	_ =	shalt  }
0x86: {  	_ =	shalt  }
0x87: {  	_ =	shalt  }
.Lfunc_end0:
.L_simem_size_0:
called_computation.2_lowered:
.L_overlay_start_0:
0x88: {  	s2 =	sld [smem:$0x3FD9]  }
0x89: {  	s3 =	sld [smem:$0x3FFE];
	_ =	sdelay $0x1  }
0x8a: {  	s1 =	srdreg.scid  }
0x8b: {  	s0 =	sand.u32 $0x1, s1  }
0x8c: {  	s14 =	sshll.u32 s0, $0xA;
	s2 =	sadd.s32 s3, s2  }
0x8d: {  	s2 =	sadd.s32 s2, s14  }
0x8e: {  	[smem:$0x3FBE] =	sst s2  }
0x8f: {  	_ = 	snop  }
0x90: {  	s2 =	sld [smem:$0x3FD0];
	_ =	sdelay $0x2  }
0x91: {  	s15 =	simm.s32 $0xB;
	s4 =	simm.s32 $0x10  }
0x92: {  	[smem:s4], [sflag:s15] =	dma.local [hbm:s2], $0x1  }
0x93: {  	_ =	swait.eq [sflag:s15], $0x1  }
0x94: {  	[sflag:s15] =	ssyncset.done $0x0  }
0x95: {  	s16 =	sld [smem:$0x11];
	[sflag:s15] =	ssyncadd.s32 $0xFFFFFFFF  }
0x96: {  	s17 =	sld [smem:$0x12];
	(tm) =	ssettm $0x1  }
0x97: {  	s18 =	sld [smem:$0x3FFB];
	_ =	sdelay $0x3  }
0x98: {  	_ =	strace s18  }
0x99: {  	s4 =	sld [smem:$0x3FFC];
	_ =	sdelay $0x3  }
0x9a: {  	_ =	strace s4  }
0x9b: {  	s4 =	sld [smem:$0x3FFD];
	_ =	sdelay $0x3  }
0x9c: {  	_ =	strace s4  }
0x9d: {  	_ =	strace $0x8FFFFFFF  }
0x9e: {  	s19 =	sld [smem:$0x3FDB];
	_ =	sdelay $0x1  }
0x9f: {  	s5 =	simm.s32 $_scs_section_size  }
0xa0: {  	s6 =	simm.s32 $_size__tile_overlayer_lowered;
	s7 =	simm.s32 $_tile_overlayer_lowered  }
0xa1: {  	s22 =	simm.s32 $0x1BFF;
	s21 =	sshll.u32 s7, $0x1;
	s4 =	sadd.s32 s5, s19  }
0xa2: {  	s8 =	simm.s32 $0x0;
	s20 =	sshll.u32 s6, $0x1;
	s6 =	sadd.s32 s21, s4  }
0xa3: {  	[timem:s8], [sflag:s22] =	dma.local [hbm:s6], s20  }
0xa4: {  	_ =	swait.ge [sflag:s22], s20  }
0xa5: {  	s5 =	ssub.s32 $0x0, s20;
	[sflag:s22] =	ssyncset.done $0x0  }
0xa6: {  	[sflag:s22] =	ssyncadd.s32 s5;
	_ =	sdelay $0x1  }
0xa7: {  	s23 =	simm.s32 $0x1B8B  }
0xa8: {  	_ =	swait.ge [sflag:s23], $0x1  }
0xa9: {  	[sflag:s23] =	ssyncset.done $0x0  }
0xaa: {  	s25 =	simm.s32 $0x1B8E;
	s24 =	sld [smem:$0x3FFE];
	[sflag:s23] =	ssyncadd.s32 $0xFFFFFFFF  }
0xab: {  	s26 =	simm.s32 $execute0_lowered;
	[smem:$0x3FD2] =	sst s25  }
0xac: {  	s6 =	sshll.u32 s26, $0x1;
	_ =	strace $0x80000049;
	[dreg:$0x1] =	wrdreg $0xFFFFFFFF  }
0xad: {  	s28 =	simm.s32 $_size_execute0_lowered;
	s4 =	sadd.s32 s4, s6;
	[dreg:$0x0] =	wrdreg $0x0  }
0xae: {  	s6 =	sshll.u32 s28, $0x1;
	[dreg:$0x2] =	wrdreg s4  }
0xaf: {  	[dreg:$0x3] =	wrdreg s6  }
0xb0: {  	[dreg:$0x4] =	wrdreg $0xC0  }
0xb1: {  	_ =	task [dreg:s8], $0x5FFFF  }
0xb2: {  	[dreg:$0x1] =	wrdreg $0xFFFFFFFF  }
0xb3: {  	[dreg:$0x0] =	wrdreg $0x60  }
0xb4: {  	[dreg:$0x2] =	wrdreg s24  }
0xb5: {  	[dreg:$0x3] =	wrdreg s17  }
0xb6: {  	[dreg:$0x4] =	wrdreg s16  }
0xb7: {  	[dreg:$0x5] =	wrdreg $0x4A800  }
0xb8: {  	[dreg:$0x6] =	wrdreg $0x9  }
0xb9: {  	_ =	task.clear_ibuf [dreg:s8], $0x7FFFF;
	_ =	strace $0x90000049  }
0xba: {  	s29 =	simm.s32 $0x9;
	_ =	strace $0x8000004B  }
0xbb: {  	_ =	swait.ge [sflag:s29], $0x1  }
0xbc: {  	[sflag:s29] =	ssyncadd.s32 $0xFFFFFFFF  }
0xbd: {  	_ =	strace $0x9000004B  }
0xbe: {  	_ =	sfence  }
0xbf: {  	s30 =	sld [smem:$0x0];
	_ =	sdelay $0x2  }
0xc0: {  	s31 =	sshll.u32 s1, $0xD;
	s1 =	sshrl.u32 s1, $0x2  }
0xc1: {  	s3 =	sand.u32 $0x4000, s31;
	s1 =	sadd.s32 s1, s30  }
0xc2: {  	s0 =	sor.u32 s3, s0;
	s1 =	sshll.u32 s1, $0x11  }
0xc3: {  	s0 =	sor.u32 s1, s0  }
0xc4: {  	s0 =	sadd.s32 $0x8F2B, s0  }
0xc5: {  	[sflag:s0] =	ssyncadd.remote.s32 $0x1  }
0xc6: {  	_ =	sfence.sel $0xFFFF  }
0xc7: {  	[dreg:$0x0] =	wrdreg $0xFFFFFFFF;
	(pc) =	sbr.abs _section_cstart, $3  }
0xc8: {  	[dreg:$0x1] =	wrdreg $0xFFFFFFFF  }
0xc9: {  	_ =	task.clear_ibuf [dreg:s8], $0x2FFFF;
	_ =	strace $0x9FFFFFFF  }
0xca: {  	(tm) =	ssettm $0x7FFFFFFF  }
0xcb: {  	_ =	shalt  }
tec
execute0_lowered:
.L_overlay_start_1:
0x0: {  	(tag) =	ssettag $0x1  }
0x1: {  	s0 =	rddreg [dreg:$0x0]  }
0x2: {  	s1 =	rddreg [dreg:$0x1]  }
0x3: {  	s2 =	rddreg [dreg:$0x2]  }
0x4: {  	s3 =	rddreg [dreg:$0x3];
	s4 =	simm.s32 $0x0;
	s13 =	stileid.u32  }
0x5: {  	s5 =	srdreg.scid;
	s6 =	sadd.s32 $0x1D5E00, s0;
	s11 =	smul.u32 $0x18800, s13  }
0x6: {  	[smem:$0x7FF] =	sst s4;
	s7 =	sadd.s32 $0x1A1E00, s0;
	s29 =	smul.u32 $0x62000, s13  }
0x7: {  	s5 =	sand.u32 $0x1, s5;
	s8 =	sadd.s32 $0x209E00, s0;
	s9 =	sadd.s32 $0x3A9E00, s0  }
0x8: {  	s12 =	sadd.s32 $0x18AC00, s0;
	s13 =	sshll.u32 s13, $0x1;
	s31 =	sshrl.u32 s29, $0x2  }
0x9: {  	_ =	strace $0x8000004A;
	[dreg:$0x5] =	wrdreg s12;
	s23 =	sadd.s32 s31, s3  }
0xa: {  	s10 =	smul.u32 $0x188000, s5;
	s15 =	sadd.s32 $0x1880, s23;
	[dreg:$0x6] =	wrdreg s23  }
0xb: {  	s28 =	ssub.s32 $0x2, s5;
	s16 =	sadd.s32 $0x3100, s23;
	[dreg:$0x8] =	wrdreg s15  }
0xc: {  	s5 =	sor.u32 s5, s13;
	s17 =	sadd.s32 $0x4980, s23;
	[dreg:$0x9] =	wrdreg s16  }
0xd: {  	s12 =	sadd.s32 $0x19F000, s2;
	s18 =	sadd.s32 $0x6200, s23;
	[dreg:$0xa] =	wrdreg s17  }
0xe: {  	s30 =	sshrl.u32 s28, $0x1;
	s19 =	sadd.s32 $0x7A80, s23;
	[dreg:$0xb] =	wrdreg s18  }
0xf: {  	s10 =	sadd.s32 s11, s10;
	s20 =	sadd.s32 $0x9300, s23;
	[dreg:$0xc] =	wrdreg s19  }
0x10: {  	s11 =	smul.u32 $0xD0, s5;
	s21 =	sadd.s32 $0xAB80, s23;
	[dreg:$0xd] =	wrdreg s20  }
0x11: {  	s5 =	simm.s32 $0x3;
	s22 =	sadd.s32 $0xC400, s23;
	[dreg:$0xe] =	wrdreg s21  }
0x12: {  	s10 =	sshrl.u32 s10, $0x3;
	s24 =	sadd.s32 $0xDC80, s23;
	[dreg:$0xf] =	wrdreg s22  }
0x13: {  	s25 =	sadd.s32 $0xF500, s23;
	s26 =	sadd.s32 $0x10D80, s23;
	[dreg:$0x10] =	wrdreg s24  }
0x14: {  	s29 =	sadd.s32 $0x13E80, s23;
	s31 =	sadd.s32 $0x16F80, s23;
	[dreg:$0x11] =	wrdreg s25  }
0x15: {  	s0 =	sadd.s32 s10, s0;
	s10 =	ssub.s32 s28, s30;
	[dreg:$0x12] =	wrdreg s26  }
0x16: {  	s28 =	sadd.s32 $0x12600, s23;
	[dreg:$0x14] =	wrdreg s29;
	s30 =	sadd.s32 $0x15700, s23  }
0x17: {  	[dreg:$0x16] =	wrdreg s31;
	s15 =	simm.s32 $0xA00;
	s16 =	simm.s32 $0x1A00  }
0x18: {  	s17 =	simm.s32 $0x1;
	s18 =	simm.s32 $0x2;
	s19 =	simm.s32 $0x2200  }
0x19: {  	v0 =	vlaneseq.u32;
	s20 =	simm.s32 $0x0;
	s14 =	smax.u32 s10, $0x1;
	[dreg:$0x13] =	wrdreg s28  }
0x1a: {  	v1 =	vshrl.u32 v0, $0x3;
	s25 =	sadd.s32 $0x3C2600, s0;
	[dreg:$0x15] =	wrdreg s30;
	s0 =	simm.s32 $0x3200  }
0x1b: {  	v3 =	vand.u32 $0x7, v0;
	v2 =	vmul.u32 $0x8, v1;
	s10 =	simm.s32 $0x100;
	[dreg:$0x7] =	wrdreg s14;
	s14 =	simm.s32 $0x200  }
.LBB2_1:
0x1c: {  	s13 =	rddreg [dreg:$0x5]  }
0x1d: {  	[tilespmem:s0], [sflag:$0x3] =	stream.linear.gather [hbm4b:s13+s4], $0x1880, $0x38;
	[tilespmem:$0x1D280] =	vst v63  }
0x1e: {  	_ =	swait.ge [sflag:s5], $0x1880  }
0x1f: {  	[sflag:s5] =	ssyncset.done $0x0  }
0x20: {  	[sflag:s5] =	ssyncadd.s32 $0xFFFFE780  }
0x21: {  	[spmem:s23] =	stream.linear.scatter [tilespmem:s0], [sflag:$0x3], $0x1880, $0x38;
	[tilespmem:$0x1D280] =	vst v63  }
0x22: {  	_ =	swait.ge [sflag:s5], $0x1880  }
0x23: {  	[sflag:s5] =	ssyncset.done $0x0  }
0x24: {  	s24 =	rddreg [dreg:$0x8];
	[sflag:s5] =	ssyncadd.s32 $0xFFFFE780  }
0x25: {  	[spmem:s24] =	stream.linear.scatter [tilespmem:s0], [sflag:$0x3], $0x1880, $0x38;
	[tilespmem:$0x1D280] =	vst v63  }
0x26: {  	_ =	swait.ge [sflag:s5], $0x1880  }
0x27: {  	[sflag:s5] =	ssyncset.done $0x0  }
0x28: {  	s26 =	rddreg [dreg:$0x9];
	[sflag:s5] =	ssyncadd.s32 $0xFFFFE780  }
0x29: {  	[spmem:s26] =	stream.linear.scatter [tilespmem:s0], [sflag:$0x3], $0x1880, $0x38;
	[tilespmem:$0x1D280] =	vst v63  }
0x2a: {  	_ =	swait.ge [sflag:s5], $0x1880  }
0x2b: {  	[sflag:s5] =	ssyncset.done $0x0  }
0x2c: {  	s28 =	rddreg [dreg:$0xa];
	[sflag:s5] =	ssyncadd.s32 $0xFFFFE780  }
0x2d: {  	[spmem:s28] =	stream.linear.scatter [tilespmem:s0], [sflag:$0x3], $0x1880, $0x38;
	[tilespmem:$0x1D280] =	vst v63  }
0x2e: {  	_ =	swait.ge [sflag:s5], $0x1880  }
0x2f: {  	[sflag:s5] =	ssyncset.done $0x0  }
0x30: {  	s29 =	rddreg [dreg:$0xb];
	[sflag:s5] =	ssyncadd.s32 $0xFFFFE780  }
0x31: {  	[spmem:s29] =	stream.linear.scatter [tilespmem:s0], [sflag:$0x3], $0x1880, $0x38;
	[tilespmem:$0x1D280] =	vst v63  }
0x32: {  	_ =	swait.ge [sflag:s5], $0x1880  }
0x33: {  	[sflag:s5] =	ssyncset.done $0x0  }
0x34: {  	s30 =	rddreg [dreg:$0xc];
	[sflag:s5] =	ssyncadd.s32 $0xFFFFE780  }
0x35: {  	[spmem:s30] =	stream.linear.scatter [tilespmem:s0], [sflag:$0x3], $0x1880, $0x38;
	[tilespmem:$0x1D280] =	vst v63  }
0x36: {  	_ =	swait.ge [sflag:s5], $0x1880  }
0x37: {  	[sflag:s5] =	ssyncset.done $0x0  }
0x38: {  	s31 =	rddreg [dreg:$0xd];
	[sflag:s5] =	ssyncadd.s32 $0xFFFFE780  }
0x39: {  	[spmem:s31] =	stream.linear.scatter [tilespmem:s0], [sflag:$0x3], $0x1880, $0x38;
	[tilespmem:$0x1D280] =	vst v63  }
0x3a: {  	_ =	swait.ge [sflag:s5], $0x1880  }
0x3b: {  	[sflag:s5] =	ssyncset.done $0x0  }
0x3c: {  	s21 =	rddreg [dreg:$0xe];
	[sflag:s5] =	ssyncadd.s32 $0xFFFFE780  }
0x3d: {  	[spmem:s21] =	stream.linear.scatter [tilespmem:s0], [sflag:$0x3], $0x1880, $0x38;
	[tilespmem:$0x1D280] =	vst v63  }
0x3e: {  	_ =	swait.ge [sflag:s5], $0x1880  }
0x3f: {  	[sflag:s5] =	ssyncset.done $0x0  }
0x40: {  	s22 =	rddreg [dreg:$0xf];
	[sflag:s5] =	ssyncadd.s32 $0xFFFFE780  }
0x41: {  	[spmem:s22] =	stream.linear.scatter [tilespmem:s0], [sflag:$0x3], $0x1880, $0x38;
	[tilespmem:$0x1D280] =	vst v63  }
0x42: {  	_ =	swait.ge [sflag:s5], $0x1880  }
0x43: {  	[sflag:s5] =	ssyncset.done $0x0  }
0x44: {  	s23 =	rddreg [dreg:$0x10];
	[sflag:s5] =	ssyncadd.s32 $0xFFFFE780  }
0x45: {  	[spmem:s23] =	stream.linear.scatter [tilespmem:s0], [sflag:$0x3], $0x1880, $0x38;
	[tilespmem:$0x1D280] =	vst v63  }
0x46: {  	_ =	swait.ge [sflag:s5], $0x1880  }
0x47: {  	[sflag:s5] =	ssyncset.done $0x0  }
0x48: {  	s24 =	rddreg [dreg:$0x11];
	[sflag:s5] =	ssyncadd.s32 $0xFFFFE780  }
0x49: {  	[spmem:s24] =	stream.linear.scatter [tilespmem:s0], [sflag:$0x3], $0x1880, $0x38;
	[tilespmem:$0x1D280] =	vst v63  }
0x4a: {  	_ =	swait.ge [sflag:s5], $0x1880  }
0x4b: {  	[sflag:s5] =	ssyncset.done $0x0  }
0x4c: {  	s26 =	rddreg [dreg:$0x12];
	[sflag:s5] =	ssyncadd.s32 $0xFFFFE780  }
0x4d: {  	[spmem:s26] =	stream.linear.scatter [tilespmem:s0], [sflag:$0x3], $0x1880, $0x38;
	[tilespmem:$0x1D280] =	vst v63  }
0x4e: {  	_ =	swait.ge [sflag:s5], $0x1880  }
0x4f: {  	[sflag:s5] =	ssyncset.done $0x0  }
0x50: {  	s28 =	rddreg [dreg:$0x13];
	[sflag:s5] =	ssyncadd.s32 $0xFFFFE780  }
0x51: {  	[spmem:s28] =	stream.linear.scatter [tilespmem:s0], [sflag:$0x3], $0x1880, $0x38;
	[tilespmem:$0x1D280] =	vst v63  }
0x52: {  	_ =	swait.ge [sflag:s5], $0x1880  }
0x53: {  	[sflag:s5] =	ssyncset.done $0x0  }
0x54: {  	s29 =	rddreg [dreg:$0x14];
	[sflag:s5] =	ssyncadd.s32 $0xFFFFE780  }
0x55: {  	[spmem:s29] =	stream.linear.scatter [tilespmem:s0], [sflag:$0x3], $0x1880, $0x38;
	[tilespmem:$0x1D280] =	vst v63  }
0x56: {  	_ =	swait.ge [sflag:s5], $0x1880  }
0x57: {  	[sflag:s5] =	ssyncset.done $0x0  }
0x58: {  	s30 =	rddreg [dreg:$0x15];
	[sflag:s5] =	ssyncadd.s32 $0xFFFFE780  }
0x59: {  	[spmem:s30] =	stream.linear.scatter [tilespmem:s0], [sflag:$0x3], $0x1880, $0x38;
	[tilespmem:$0x1D280] =	vst v63  }
0x5a: {  	_ =	swait.ge [sflag:s5], $0x1880  }
0x5b: {  	[sflag:s5] =	ssyncset.done $0x0  }
0x5c: {  	s31 =	rddreg [dreg:$0x16];
	[sflag:s5] =	ssyncadd.s32 $0xFFFFE780  }
0x5d: {  	[spmem:s31] =	stream.linear.scatter [tilespmem:s0], [sflag:$0x3], $0x1880, $0x38;
	[tilespmem:$0x1D280] =	vst v63  }
0x5e: {  	_ =	swait.ge [sflag:s5], $0x1880  }
0x5f: {  	[sflag:s5] =	ssyncset.done $0x0  }
0x60: {  	[sflag:s5] =	ssyncadd.s32 $0xFFFFE780  }
0x61: {  	s21 =	simm.s32 $0x0;
	[bflag:$0x0] =	sbarrier.arrive $0xFFFF  }
.LBB2_2:
0x62: {  	s22 =	sadd.s32 s11, s21  }
0x63: {  	s23 =	sshll.u32 s22, $0x5  }
0x64: {  	s26 =	simm.s32 $0x0;
	s24 =	sadd.s32 s6, s23  }
0x65: {  	[tilespmem:s26], [sflag:$0x3] =	stream.linear.gather [hbm4b:s24+s26], $0x100, $0x38;
	[tilespmem:$0x1D280] =	vst v63  }
0x66: {  	_ =	swait.ge [sflag:s5], $0x100  }
0x67: {  	[sflag:s5] =	ssyncset.done $0x0  }
0x68: {  	s23 =	sadd.s32 s7, s23;
	[sflag:s5] =	ssyncadd.s32 $0xFFFFFF00  }
0x69: {  	[tilespmem:s10], [sflag:$0x3] =	stream.linear.gather [hbm4b:s23+s26], $0x100, $0x38;
	[tilespmem:$0x1D280] =	vst v63  }
0x6a: {  	_ =	swait.ge [sflag:s5], $0x100  }
0x6b: {  	s23 =	sshll.u32 s22, $0x8;
	[sflag:s5] =	ssyncset.done $0x0  }
0x6c: {  	s13 =	sadd.s32 s8, s23;
	[sflag:s5] =	ssyncadd.s32 $0xFFFFFF00  }
0x6d: {  	[tilespmem:s14], [sflag:$0x3] =	stream.linear.gather [hbm4b:s13+s26], $0x800, $0x38;
	[tilespmem:$0x1D280] =	vst v63  }
0x6e: {  	_ =	swait.ge [sflag:s5], $0x800  }
0x6f: {  	[sflag:s5] =	ssyncset.done $0x0  }
0x70: {  	[sflag:s5] =	ssyncadd.s32 $0xFFFFF800  }
0x71: {  	[tilespmem:s15], [sflag:$0x1] =	stream.indirect.gather [hbm4b:s1+s10], $0x8, s10, s10, $0xb8;
	[tilespmem:$0x1D280] =	vst v63  }
0x72: {  	v4 =	vmov s26  }
0x73: {  	v4 =	vshll.u32 v4, $0x3;
	[tilespmem:s16], [sflag:$0x2] =	stream.indirect.gather [hbm4b:s9+s10], $0x8, s26, s10, $0xb8;
	[tilespmem:$0x1D280] =	vst v63  }
0x74: {  	v4 =	vor.u32 v2, v4;
	_ =	swait.ge [sflag:s17], $0x800  }
0x75: {  	v4 =	vor.u32 v3, v4;
	[sflag:s17] =	ssyncset.done $0x0  }
0x76: {  	[sflag:s17] =	ssyncadd.s32 $0xFFFFF800  }
0x77: {  	_ =	swait.ge [sflag:s18], $0x800  }
0x78: {  	[sflag:s18] =	ssyncset.done $0x0  }
0x79: {  	[sflag:s18] =	ssyncadd.s32 $0xFFFFF800  }
0x7a: {  	s13 =	simm.s32 $0x2;
	v5 =	vld.idx.msk [tilespmem:v4+s14+$0x0], $0xffff  }
0x7b: {  	v6 =	vmov s13;
	v4 =	vld.idx.msk [tilespmem:v4+s15+$0x0], $0xffff  }
0x7c: {  	v6 =	vshll.u32 v6, $0x3  }
0x7d: {  	v6 =	vor.u32 v2, v6  }
0x7e: {  	v6 =	vor.u32 v3, v6;
	_ =	sdelay $0x1  }
0x7f: {  	v4 =	vmul.f32 v4, v5  }
0x80: {  	s28 =	simm.s32 $0x1220  }
0x81: {  	[tilespmem:s28+$0xFFFFFFE0] =	vst v4  }
0x82: {  	s24 =	simm.s32 $0x4;
	v4 =	vld.idx.msk [tilespmem:v6+s14+$0x0], $0xffff  }
0x83: {  	v5 =	vld.idx.msk [tilespmem:v6+s15+$0x0], $0xffff;
	v6 =	vmov s24  }
0x84: {  	v6 =	vshll.u32 v6, $0x3  }
0x85: {  	v6 =	vor.u32 v2, v6  }
0x86: {  	v6 =	vor.u32 v3, v6;
	_ =	sdelay $0x1  }
0x87: {  	v4 =	vmul.f32 v5, v4;
	_ =	sdelay $0x1  }
0x88: {  	[tilespmem:s28+$0xFFFFFFF0] =	vst v4  }
0x89: {  	s29 =	simm.s32 $0x6;
	v4 =	vld.idx.msk [tilespmem:v6+s14+$0x0], $0xffff  }
0x8a: {  	v5 =	vld.idx.msk [tilespmem:v6+s15+$0x0], $0xffff;
	v6 =	vmov s29  }
0x8b: {  	v6 =	vshll.u32 v6, $0x3  }
0x8c: {  	v6 =	vor.u32 v2, v6  }
0x8d: {  	v6 =	vor.u32 v3, v6;
	_ =	sdelay $0x1  }
0x8e: {  	v4 =	vmul.f32 v5, v4;
	_ =	sdelay $0x1  }
0x8f: {  	s29 =	simm.s32 $0x8;
	[tilespmem:s28+$0x0] =	vst v4  }
0x90: {  	v5 =	vmov s29;
	v4 =	vld.idx.msk [tilespmem:v6+s14+$0x0], $0xffff  }
0x91: {  	v7 =	vshll.u32 v5, $0x3;
	v5 =	vld.idx.msk [tilespmem:v6+s15+$0x0], $0xffff;
	_ =	sdelay $0x1  }
0x92: {  	s30 =	simm.s32 $0x4;
	s31 =	simm.s32 $0x1220;
	v6 =	vor.u32 v2, v7  }
.LBB2_3:
0x93: {  	s30 =	sadd.s32 $0x4, s30;
	v6 =	vor.u32 v3, v6;
	s28 =	sadd.s32 $0x40, s28  }
0x94: {  	p0 =	slt.u32 s30, $0x7C  }
0x95: {  	v4 =	vmul.f32 v5, v4;
	_ =	sdelay $0x1  }
0x96: {  	[tilespmem:s31+$0x10] =	vst v4;
	s31 =	smov.u32 s28  }
0x97: {  	v4 =	vld.idx.msk [tilespmem:v6+s14+$0x0], $0xffff  }
0x98: {  	s13 =	sadd.s32 $0x2, s29;
	v5 =	vld.idx.msk [tilespmem:v6+s15+$0x0], $0xffff  }
0x99: {  	v6 =	vmov s13  }
0x9a: {  	v6 =	vshll.u32 v6, $0x3  }
0x9b: {  	v6 =	vor.u32 v2, v6  }
0x9c: {  	v6 =	vor.u32 v3, v6;
	_ =	sdelay $0x1  }
0x9d: {  	v4 =	vmul.f32 v5, v4;
	_ =	sdelay $0x1  }
0x9e: {  	[tilespmem:s28+$0xFFFFFFE0] =	vst v4  }
0x9f: {  	v4 =	vld.idx.msk [tilespmem:v6+s14+$0x0], $0xffff  }
0xa0: {  	s13 =	sadd.s32 $0x4, s29;
	v5 =	vld.idx.msk [tilespmem:v6+s15+$0x0], $0xffff  }
0xa1: {  	v6 =	vmov s13  }
0xa2: {  	v6 =	vshll.u32 v6, $0x3  }
0xa3: {  	v6 =	vor.u32 v2, v6  }
0xa4: {  	v6 =	vor.u32 v3, v6;
	_ =	sdelay $0x1  }
0xa5: {  	v4 =	vmul.f32 v5, v4;
	_ =	sdelay $0x1  }
0xa6: {  	[tilespmem:s28+$0xFFFFFFF0] =	vst v4  }
0xa7: {  	v4 =	vld.idx.msk [tilespmem:v6+s14+$0x0], $0xffff  }
0xa8: {  	s13 =	sadd.s32 $0x6, s29;
	v5 =	vld.idx.msk [tilespmem:v6+s15+$0x0], $0xffff  }
0xa9: {  	v6 =	vmov s13  }
0xaa: {  	v6 =	vshll.u32 v6, $0x3  }
0xab: {  	v6 =	vor.u32 v2, v6  }
0xac: {  	v6 =	vor.u32 v3, v6;
	_ =	sdelay $0x1  }
0xad: {  	v4 =	vmul.f32 v5, v4;
	_ =	sdelay $0x1  }
0xae: {  	[tilespmem:s28+$0x0] =	vst v4  }
.Ltmp0:
0xaf: {  	v4 =	vld.idx.msk [tilespmem:v6+s14+$0x0], $0xffff;
	(pc) =	sbr.rel @p0 .LBB2_3-.Ltmp0, $4  }
0xb0: {  	s29 =	sadd.s32 $0x8, s29;
	v5 =	vld.idx.msk [tilespmem:v6+s15+$0x0], $0xffff  }
0xb1: {  	v6 =	vmov s29  }
0xb2: {  	v6 =	vshll.u32 v6, $0x3  }
0xb3: {  	v6 =	vor.u32 v2, v6  }
0xb4: {  	v6 =	vor.u32 v3, v6;
	_ =	sdelay $0x1  }
0xb5: {  	v4 =	vmul.f32 v5, v4;
	_ =	sdelay $0x1  }
0xb6: {  	[tilespmem:s31+$0x10] =	vst v4  }
0xb7: {  	s13 =	sadd.s32 $0x2, s29;
	v4 =	vld.idx.msk [tilespmem:v6+s14+$0x0], $0xffff  }
0xb8: {  	v5 =	vld.idx.msk [tilespmem:v6+s15+$0x0], $0xffff;
	v6 =	vmov s13  }
0xb9: {  	v6 =	vshll.u32 v6, $0x3  }
0xba: {  	v6 =	vor.u32 v2, v6  }
0xbb: {  	v6 =	vor.u32 v3, v6;
	_ =	sdelay $0x1  }
0xbc: {  	v4 =	vmul.f32 v5, v4  }
0xbd: {  	s13 =	sadd.s32 $0x40, s28  }
0xbe: {  	[tilespmem:s13+$0xFFFFFFE0] =	vst v4  }
0xbf: {  	s30 =	sadd.s32 $0x4, s29;
	v4 =	vld.idx.msk [tilespmem:v6+s14+$0x0], $0xffff  }
0xc0: {  	v5 =	vld.idx.msk [tilespmem:v6+s15+$0x0], $0xffff;
	v6 =	vmov s30  }
0xc1: {  	v6 =	vshll.u32 v6, $0x3  }
0xc2: {  	v6 =	vor.u32 v2, v6  }
0xc3: {  	v6 =	vor.u32 v3, v6;
	_ =	sdelay $0x1  }
0xc4: {  	v4 =	vmul.f32 v5, v4;
	_ =	sdelay $0x1  }
0xc5: {  	[tilespmem:s13+$0xFFFFFFF0] =	vst v4  }
0xc6: {  	s31 =	sadd.s32 $0x6, s29;
	v4 =	vld.idx.msk [tilespmem:v6+s14+$0x0], $0xffff  }
0xc7: {  	v5 =	vld.idx.msk [tilespmem:v6+s15+$0x0], $0xffff;
	v6 =	vmov s31  }
0xc8: {  	v6 =	vshll.u32 v6, $0x3  }
0xc9: {  	v6 =	vor.u32 v2, v6  }
0xca: {  	v6 =	vor.u32 v3, v6;
	_ =	sdelay $0x1  }
0xcb: {  	v4 =	vmul.f32 v5, v4;
	_ =	sdelay $0x1  }
0xcc: {  	[tilespmem:s13+$0x0] =	vst v4  }
0xcd: {  	v4 =	vld.idx.msk [tilespmem:v6+s14+$0x0], $0xffff  }
0xce: {  	v5 =	vld.idx.msk [tilespmem:v6+s15+$0x0], $0xffff  }
0xcf: {  	v6 =	vmov s26  }
0xd0: {  	v7 =	vshll.u32 v6, $0x3  }
0xd1: {  	v8 =	vor.u32 v3, v7  }
0xd2: {  	v7 =	vor.u32 v1, v7  }
0xd3: {  	v4 =	vmul.f32 v5, v4;
	_ =	sdelay $0x1  }
0xd4: {  	[tilespmem:s13+$0x10] =	vst v4  }
0xd5: {  	v4 =	vld.idx.msk [tilespmem:v8+s14+$0x0], $0xffff  }
0xd6: {  	s29 =	simm.s32 $0x1;
	v5 =	vld.idx.msk [tilespmem:v7+s16+$0x0], $0xffff  }
0xd7: {  	v6 =	vshll.u32 v6, $0x4;
	v7 =	vmov s29  }
0xd8: {  	v6 =	vor.u32 v0, v6;
	v8 =	vshll.u32 v7, $0x3  }
0xd9: {  	v9 =	vor.u32 v3, v8  }
0xda: {  	v8 =	vor.u32 v1, v8  }
0xdb: {  	v4 =	vmul.f32 v5, v4;
	_ =	sdelay $0x1  }
0xdc: {  	[tilespmem:v6+s19+$0x0] =	vst.idx.msk $0xffff, v4  }
0xdd: {  	v4 =	vld.idx.msk [tilespmem:v9+s14+$0x0], $0xffff  }
0xde: {  	s30 =	simm.s32 $0x2;
	v5 =	vld.idx.msk [tilespmem:v8+s16+$0x0], $0xffff  }
0xdf: {  	v6 =	vshll.u32 v7, $0x4;
	v7 =	vmov s30  }
0xe0: {  	v6 =	vor.u32 v0, v6;
	v8 =	vshll.u32 v7, $0x3  }
0xe1: {  	v9 =	vor.u32 v3, v8  }
0xe2: {  	v8 =	vor.u32 v1, v8  }
0xe3: {  	v4 =	vmul.f32 v5, v4;
	_ =	sdelay $0x1  }
0xe4: {  	[tilespmem:v6+s19+$0x0] =	vst.idx.msk $0xffff, v4  }
0xe5: {  	v4 =	vld.idx.msk [tilespmem:v9+s14+$0x0], $0xffff  }
0xe6: {  	s31 =	simm.s32 $0x3;
	v5 =	vld.idx.msk [tilespmem:v8+s16+$0x0], $0xffff  }
0xe7: {  	v6 =	vshll.u32 v7, $0x4;
	v7 =	vmov s31  }
0xe8: {  	v6 =	vor.u32 v0, v6;
	v8 =	vshll.u32 v7, $0x3  }
0xe9: {  	v9 =	vor.u32 v3, v8  }
0xea: {  	v8 =	vor.u32 v1, v8  }
0xeb: {  	v4 =	vmul.f32 v5, v4;
	_ =	sdelay $0x1  }
0xec: {  	[tilespmem:v6+s19+$0x0] =	vst.idx.msk $0xffff, v4  }
0xed: {  	v5 =	vld.idx.msk [tilespmem:v9+s14+$0x0], $0xffff  }
0xee: {  	v4 =	vshll.u32 v7, $0x4;
	v7 =	vld.idx.msk [tilespmem:v8+s16+$0x0], $0xffff  }
0xef: {  	v9 =	vmov s24  }
0xf0: {  	s26 =	simm.s32 $0x8;
	v6 =	vor.u32 v0, v4;
	v8 =	vshll.u32 v9, $0x3;
	v4 =	vshll.u32 v9, $0x4  }
.LBB2_5:
0xf1: {  	p0 =	slt.u32 s26, $0xFC;
	v9 =	vor.u32 v3, v8;
	v8 =	vor.u32 v1, v8;
	s13 =	smov.u32 s26;
	s26 =	sadd.s32 $0x4, s26  }
0xf2: {  	_ = 	snop  }
0xf3: {  	v5 =	vmul.f32 v7, v5;
	_ =	sdelay $0x1  }
0xf4: {  	[tilespmem:v6+s19+$0x0] =	vst.idx.msk $0xffff, v5  }
0xf5: {  	v5 =	vld.idx.msk [tilespmem:v9+s14+$0x0], $0xffff  }
0xf6: {  	v6 =	vld.idx.msk [tilespmem:v8+s16+$0x0], $0xffff  }
0xf7: {  	s28 =	sadd.s32 $0x1, s24  }
0xf8: {  	v4 =	vor.u32 v0, v4;
	v7 =	vmov s28  }
0xf9: {  	v8 =	vshll.u32 v7, $0x3;
	v7 =	vshll.u32 v7, $0x4  }
0xfa: {  	v9 =	vor.u32 v3, v8;
	v8 =	vor.u32 v1, v8;
	_ =	sdelay $0x1  }
0xfb: {  	v5 =	vmul.f32 v6, v5;
	_ =	sdelay $0x1  }
0xfc: {  	[tilespmem:v4+s19+$0x0] =	vst.idx.msk $0xffff, v5  }
0xfd: {  	v4 =	vld.idx.msk [tilespmem:v9+s14+$0x0], $0xffff  }
0xfe: {  	v5 =	vld.idx.msk [tilespmem:v8+s16+$0x0], $0xffff  }
0xff: {  	s28 =	sadd.s32 $0x2, s24;
	v6 =	vor.u32 v0, v7  }
0x100: {  	v7 =	vmov s28  }
0x101: {  	v8 =	vshll.u32 v7, $0x3;
	v7 =	vshll.u32 v7, $0x4  }
0x102: {  	v9 =	vor.u32 v3, v8;
	v8 =	vor.u32 v1, v8;
	_ =	sdelay $0x1  }
0x103: {  	v4 =	vmul.f32 v5, v4;
	_ =	sdelay $0x1  }
0x104: {  	[tilespmem:v6+s19+$0x0] =	vst.idx.msk $0xffff, v4  }
0x105: {  	v4 =	vld.idx.msk [tilespmem:v9+s14+$0x0], $0xffff  }
0x106: {  	v6 =	vor.u32 v0, v7;
	v5 =	vld.idx.msk [tilespmem:v8+s16+$0x0], $0xffff  }
0x107: {  	s28 =	sadd.s32 $0x3, s24;
	s24 =	smov.u32 s13  }
0x108: {  	v7 =	vmov s28  }
0x109: {  	v8 =	vshll.u32 v7, $0x3;
	v7 =	vshll.u32 v7, $0x4  }
0x10a: {  	v9 =	vor.u32 v3, v8;
	v8 =	vor.u32 v1, v8;
	_ =	sdelay $0x1  }
0x10b: {  	v4 =	vmul.f32 v5, v4;
	_ =	sdelay $0x1  }
0x10c: {  	[tilespmem:v6+s19+$0x0] =	vst.idx.msk $0xffff, v4  }
.Ltmp1:
0x10d: {  	v6 =	vor.u32 v0, v7;
	v5 =	vld.idx.msk [tilespmem:v9+s14+$0x0], $0xffff;
	(pc) =	sbr.rel @p0 .LBB2_5-.Ltmp1, $3  }
0x10e: {  	v7 =	vld.idx.msk [tilespmem:v8+s16+$0x0], $0xffff;
	_ =	sdelay $0x1  }
0x10f: {  	v4 =	vmov s24  }
0x110: {  	v8 =	vshll.u32 v4, $0x3;
	v4 =	vshll.u32 v4, $0x4  }
0x111: {  	v9 =	vor.u32 v3, v8  }
0x112: {  	v51 =	vor.u32 v1, v8  }
0x113: {  	v5 =	vmul.f32 v7, v5;
	_ =	sdelay $0x1  }
0x114: {  	[tilespmem:v6+s19+$0x0] =	vst.idx.msk $0xffff, v5  }
0x115: {  	v5 =	vld.idx.msk [tilespmem:v9+s14+$0x0], $0xffff  }
0x116: {  	s13 =	sadd.s32 $0x1, s24;
	v6 =	vld.idx.msk [tilespmem:v51+s16+$0x0], $0xffff  }
0x117: {  	v52 =	vmov s13  }
0x118: {  	v4 =	vor.u32 v0, v4;
	v53 =	vshll.u32 v52, $0x3  }
0x119: {  	v54 =	vor.u32 v3, v53  }
0x11a: {  	v8 =	vor.u32 v1, v53  }
0x11b: {  	v5 =	vmul.f32 v6, v5;
	_ =	sdelay $0x1  }
0x11c: {  	[tilespmem:v4+s19+$0x0] =	vst.idx.msk $0xffff, v5  }
0x11d: {  	v4 =	vld.idx.msk [tilespmem:v54+s14+$0x0], $0xffff  }
0x11e: {  	s30 =	sadd.s32 $0x2, s24;
	v5 =	vld.idx.msk [tilespmem:v8+s16+$0x0], $0xffff  }
0x11f: {  	v56 =	vmov s30;
	v55 =	vshll.u32 v52, $0x4  }
0x120: {  	v57 =	vshll.u32 v56, $0x3;
	v6 =	vor.u32 v0, v55  }
0x121: {  	v58 =	vor.u32 v3, v57  }
0x122: {  	v8 =	vor.u32 v1, v57  }
0x123: {  	v4 =	vmul.f32 v5, v4;
	_ =	sdelay $0x1  }
0x124: {  	[tilespmem:v6+s19+$0x0] =	vst.idx.msk $0xffff, v4  }
0x125: {  	v4 =	vld.idx.msk [tilespmem:v58+s14+$0x0], $0xffff  }
0x126: {  	s31 =	sadd.s32 $0x3, s24;
	v5 =	vld.idx.msk [tilespmem:v8+s16+$0x0], $0xffff  }
0x127: {  	v60 =	vmov s31;
	v59 =	vshll.u32 v56, $0x4  }
0x128: {  	v61 =	vshll.u32 v60, $0x3;
	v6 =	vor.u32 v0, v59  }
0x129: {  	v62 =	vor.u32 v3, v61  }
0x12a: {  	v8 =	vor.u32 v1, v61  }
0x12b: {  	v4 =	vmul.f32 v5, v4;
	_ =	sdelay $0x1  }
0x12c: {  	[tilespmem:v6+s19+$0x0] =	vst.idx.msk $0xffff, v4  }
0x12d: {  	v4 =	vld.idx.msk [tilespmem:v62+s14+$0x0], $0xffff  }
0x12e: {  	v5 =	vld.idx.msk [tilespmem:v8+s16+$0x0], $0xffff  }
0x12f: {  	v63 =	vshll.u32 v60, $0x4  }
0x130: {  	v6 =	vor.u32 v0, v63;
	_ =	sdelay $0x1  }
0x131: {  	p0 =	sgt.u32 s22, $0x19EF  }
0x132: {  	p1 =	sne.s32 @p0 s22, $0x19F0;
	v4 =	vmul.f32 v5, v4  }
0x133: {  	p1 =	por p1, !p0  }
0x134: {  	s13 =	simm.s32 @!p1 $0x0;
	s22 =	simm.s32 @!p1 $0x1200;
	[tilespmem:v6+s19+$0x0] =	vst.idx.msk $0xffff, v4  }
0x135: {  	[hbm4b:s12+s13] =	stream.linear.scatter @!p1 [tilespmem:s22], [sflag:$0x3], $0x500, $0x38;
	[tilespmem:$0x1D280] =	vst v63  }
0x136: {  	s13 =	simm.s32 @!p1 $0x3  }
0x137: {  	_ =	swait.ge @!p1 [sflag:s13], $0x500  }
0x138: {  	s22 =	simm.s32 @!p0 $0x0;
	[sflag:s13] =	ssyncset.done @!p1 $0x0  }
0x139: {  	[sflag:s13] =	ssyncadd.s32 @!p1 $0xFFFFFB00;
	s13 =	sadd.s32 @!p0 s2, s23;
	s23 =	simm.s32 @!p0 $0x1200  }
0x13a: {  	[hbm4b:s13+s22] =	stream.linear.scatter @!p0 [tilespmem:s23], [sflag:$0x3], $0x800, $0x38;
	[tilespmem:$0x1D280] =	vst v63  }
0x13b: {  	s13 =	simm.s32 @!p0 $0x3  }
0x13c: {  	_ =	swait.ge @!p0 [sflag:s13], $0x800  }
0x13d: {  	s21 =	sadd.s32 $0x1, s21;
	[sflag:s13] =	ssyncset.done @!p0 $0x0  }
0x13e: {  	[sflag:s13] =	ssyncadd.s32 @!p0 $0xFFFFF800;
	p0 =	sne.s32 s21, $0xD0  }
.Ltmp2:
0x13f: {  	_ = 	snop;
	(pc) =	sbr.rel @p0 .LBB2_2-.Ltmp2, $4  }
0x140: {  	[spmem:s3] =	stream.indirect.scatter.add.f32 [tilespmem:s19], [sflag:$0x3], $0x10, s10, s10, $0xb8;
	[tilespmem:$0x1D280] =	vst v63  }
0x141: {  	_ =	swait.ge [sflag:s5], $0x1000  }
0x142: {  	[sflag:s5] =	ssyncset.done $0x0  }
0x143: {  	[sflag:s5] =	ssyncadd.s32 $0xFFFFF000  }
0x144: {  	[bflag:$0x0] =	sbarrier.arrive $0xFFFF  }
0x145: {  	s23 =	rddreg [dreg:$0x6]  }
0x146: {  	[tilespmem:s0], [sflag:$0x3] =	stream.linear.gather [spmem:s23], $0x1880, $0x38;
	[tilespmem:$0x1D280] =	vst v63  }
0x147: {  	_ =	swait.ge [sflag:s5], $0x1880  }
0x148: {  	[sflag:s5] =	ssyncset.done $0x0  }
0x149: {  	s13 =	sadd.s32 $0x0, s25;
	[sflag:s5] =	ssyncadd.s32 $0xFFFFE780  }
0x14a: {  	[hbm4b:s13+s4] =	stream.linear.scatter [tilespmem:s0], [sflag:$0x3], $0x1880, $0x38;
	[tilespmem:$0x1D280] =	vst v63  }
0x14b: {  	_ =	swait.ge [sflag:s5], $0x1880  }
0x14c: {  	s21 =	simm.s32 $0x310;
	s22 =	smov.u32 s23;
	[sflag:s5] =	ssyncset.done $0x0  }
.LBB2_8:
0x14d: {  	p0 =	sne.s32 s21, $0x2DF0;
	[sflag:s5] =	ssyncadd.s32 $0xFFFFE780;
	s22 =	sadd.s32 $0x1880, s22  }
0x14e: {  	[tilespmem:s0], [sflag:$0x3] =	stream.linear.gather [spmem:s22], $0x1880, $0x38;
	[tilespmem:$0x1D280] =	vst v63  }
0x14f: {  	s13 =	smov.u32 s21;
	s21 =	sadd.s32 $0x310, s21;
	_ =	swait.ge [sflag:s5], $0x1880  }
.Ltmp3:
0x150: {  	[sflag:s5] =	ssyncset.done $0x0;
	(pc) =	sbr.rel @p0 .LBB2_8-.Ltmp3, $4  }
0x151: {  	s13 =	sadd.s32 s13, s25;
	[sflag:s5] =	ssyncadd.s32 $0xFFFFE780  }
0x152: {  	[hbm4b:s13+s4] =	stream.linear.scatter [tilespmem:s0], [sflag:$0x3], $0x1880, $0x38;
	[tilespmem:$0x1D280] =	vst v63  }
0x153: {  	_ =	swait.ge [sflag:s5], $0x1880  }
0x154: {  	[sflag:s5] =	ssyncset.done $0x0  }
0x155: {  	s20 =	sadd.s32 $0x1, s20;
	s13 =	rddreg [dreg:$0x7]  }
0x156: {  	p0 =	sne.s32 s20, s13  }
.Ltmp4:
0x157: {  	_ = 	snop;
	(pc) =	sbr.rel @p0 .LBB2_1-.Ltmp4, $2  }
0x158: {  	_ =	sdelay $0x2  }
0x159: {  	[sflag:s5] =	ssyncadd.s32 $0xFFFFE780  }
0x15a: {  	_ =	sfence.sel $0x180000  }
0x15b: {  	[bflag:$0x0] =	sbarrier.arrive $0xFFFF  }
0x15c: {  	_ =	strace $0x9000004A  }
0x15d: {  	s0 =	stileid.u32;
	[bflag:$0x2] =	sbarrier.arrive $0xFFFF  }
0x15e: {  	p0 =	sne.s32 s0, $0x0;
	s0 =	rddreg [dreg:$0x4]  }
0x15f: {  	s0 =	sadd.s32 @!p0 $0x100000, s0  }
0x160: {  	[sflag:s0] =	ssyncadd.tile.s32 @!p0 $0x1;
	_ =	shalt  }
.Lfunc_end2:
_tile_overlayer_lowered:
.L_overlay_start_2:
0x161: {  	(tag) =	ssettag $0x2  }
0x162: {  	s0 =	rddreg [dreg:$0x0];
	s2 =	stileid.u32  }
0x163: {  	s1 =	rddreg [dreg:$0x1];
	p0 =	sne.s32 s2, $0x0  }
0x164: {  	s3 =	rddreg [dreg:$0x2];
	[bflag:$0x3] =	sbarrier.arrive $0xFFFF;
	s2 =	simm.s32 @!p0 $0x1C03  }
0x165: {  	[timem:s3], [sflag:s2] =	dma.local @!p0 [hbm:s0], s1  }
0x166: {  	s0 =	simm.s32 @!p0 $0x3  }
0x167: {  	_ =	swait.ge @!p0 [sflag:s0], s1  }
0x168: {  	s1 =	ssub.s32 @!p0 $0x0, s1;
	[sflag:s0] =	ssyncset.done @!p0 $0x0  }
0x169: {  	[sflag:s0] =	ssyncadd.s32 @!p0 s1  }
0x16a: {  	[bflag:$0x3] =	sbarrier.arrive $0xFFFF  }
0x16b: {  	_ =	shalt  }

// kernel: kernel.16.cloned.1.call-start
scs
__scs_entry_jumppad:
0x0: {  	(pc) =	sbr.rel $0x88, $3  }
0x1: {  	(tag) =	ssettag $0x0;
	lr =	simm.s32 $0x1  }
0x2: {  	[smem:$0x3F97] =	sst lr;
	_ =	strace $0xD0000000  }
0x3: {  	_ = 	snop  }
0x4: {  	_ = 	snop  }
0x5: {  	_ = 	snop  }
0x6: {  	_ = 	snop  }
0x7: {  	_ = 	snop  }
__scs_overlays_trampoline_lowered:
0x8: {  	[smem:$0x3FA6] =	sst s0  }
0x9: {  	[smem:$0x3FA7] =	sst s1  }
0xa: {  	[smem:$0x3FA8] =	sst s2  }
0xb: {  	[smem:$0x3FA9] =	sst s3  }
0xc: {  	[smem:$0x3FAA] =	sst s4  }
0xd: {  	[smem:$0x3FAB] =	sst s5  }
0xe: {  	[smem:$0x3FAC] =	sst s6  }
0xf: {  	[smem:$0x3FAD] =	sst s7  }
0x10: {  	[smem:$0x3FAE] =	sst s8  }
0x11: {  	[smem:$0x3FAF] =	sst s9;
	s0 =	simm.s32 @!p0 $0x0  }
0x12: {  	s1 =	sld [smem:$0x3F95];
	s0 =	simm.s32 @p0 $0x1  }
0x13: {  	[smem:$0x3FB0] =	sst s0;
	s0 =	simm.s32 @!p1 $0x0  }
0x14: {  	s2 =	sld [smem:$0x3F94];
	s0 =	simm.s32 @p1 $0x1  }
0x15: {  	[smem:$0x3FB1] =	sst s0;
	s0 =	simm.s32 @!p2 $0x0  }
0x16: {  	s3 =	sld [smem:$0x3FDB];
	s0 =	simm.s32 @p2 $0x1  }
0x17: {  	s4 =	simm.s32 $0x1BF5;
	[smem:$0x3FB3] =	sst s0  }
0x18: {  	s0 =	sld [smem:$0x3F96];
	_ =	swait.ge [sflag:s4], $0x0  }
0x19: {  	s7 =	sld [smem:$0x3F97]  }
0x1a: {  	s8 =	sadd.s32 $0xFFFFE003, lr  }
0x1b: {  	s9 =	sadd.s32 $0xFFFFFEF7, lr;
	s5 =	simm.s32 $0xFFFFFFFF;
	p2 =	slt.u32 s8, $0xFFFFF086  }
0x1c: {  	p1 =	slt.u32 s9, $0xF7A;
	s5 =	simm.s32 @!p2 $0x0  }
0x1d: {  	s5 =	simm.s32 @p1 $0x1;
	p0 =	seq.s32 s7, s2  }
0x1e: {  	s7 =	smul.u32 @!p0 $0xF7A, s2;
	p2 =	seq.s32 @!p0 s5, $0x0  }
0x1f: {  	s9 =	smul.u32 $0xF7A, s1;
	s8 =	simm.s32 @!p0 $0x1BF5;
	p2 =	por !p2, p0  }
0x20: {  	[sflag:s8] =	ssyncset.s32 @!p0 $0xFFFFF086;
	s6 =	sadd.s32 @!p0 s3, s7;
	s7 =	simm.s32 @!p0 $0x108  }
0x21: {  	s3 =	sadd.s32 s3, s9;
	s6 =	sadd.s32 @!p0 $0x88, s6;
	s7 =	simm.s32 @p2 $0x1082  }
0x22: {  	[simem:s7], [sflag:s8] =	dma.local @!p0 [hbm:s6], $0xF7A  }
0x23: {  	s9 =	sor.u32 $0xD0000000, s2;
	s6 =	simm.s32 $0x108;
	_ =	swait.ge @!p0 [sflag:s8], $0x0  }
0x24: {  	s3 =	sadd.s32 $0x88, s3;
	s6 =	simm.s32 @!p1 $0x1082;
	[sflag:s4] =	ssyncset.s32 $0xFFFFF086  }
0x25: {  	[simem:s6], [sflag:s4] =	dma.local [hbm:s3], $0xF7A  }
0x26: {  	[smem:$0x3F97] =	sst s1;
	(tag) =	ssettag s2;
	_ =	strace s9  }
0x27: {  	s1 =	sld [smem:$0x3FA7]  }
0x28: {  	s2 =	sld [smem:$0x3FA8]  }
0x29: {  	s4 =	sld [smem:$0x3FAA]  }
0x2a: {  	p0 =	seq.s32 s5, $0x0;
	s5 =	sld [smem:$0x3FAB]  }
0x2b: {  	s6 =	sld [smem:$0x3FAC]  }
0x2c: {  	s7 =	sld [smem:$0x3FAD]  }
0x2d: {  	s3 =	simm.s32 $0x108;
	s8 =	sld [smem:$0x3FAE]  }
0x2e: {  	s3 =	simm.s32 @!p0 $0x1082;
	s9 =	sld [smem:$0x3FAF]  }
0x2f: {  	lr =	sadd.s32 s0, s3;
	s0 =	sld [smem:$0x3FA6]  }
0x30: {  	s3 =	sld [smem:$0x3FA9]  }
0x31: {  	[smem:$0x3FB2] =	sst s10  }
0x32: {  	s10 =	sld [smem:$0x3FB0];
	_ =	sdelay $0x3  }
0x33: {  	p0 =	seq.s32 s10, $0x1;
	s10 =	sld [smem:$0x3FB2];
	_ =	sdelay $0x3  }
0x34: {  	[smem:$0x3FB2] =	sst s10  }
0x35: {  	s10 =	sld [smem:$0x3FB1];
	_ =	sdelay $0x3  }
0x36: {  	p1 =	seq.s32 s10, $0x1;
	s10 =	sld [smem:$0x3FB2];
	_ =	sdelay $0x3  }
0x37: {  	[smem:$0x3FB2] =	sst s10  }
0x38: {  	s10 =	sld [smem:$0x3FB3]  }
0x39: {  	_ = 	snop;
	(pc) =	sbr.ind lr, $3  }
0x3a: {  	_ = 	snop  }
0x3b: {  	_ = 	snop  }
0x3c: {  	p2 =	seq.s32 s10, $0x1;
	s10 =	sld [smem:$0x3FB2]  }
0x3d: {  	_ =	shalt  }
0x3e: {  	_ =	shalt  }
0x3f: {  	_ =	shalt  }
0x40: {  	_ =	shalt  }
0x41: {  	_ =	shalt  }
0x42: {  	_ =	shalt  }
0x43: {  	_ =	shalt  }
0x44: {  	_ =	shalt  }
0x45: {  	_ =	shalt  }
0x46: {  	_ =	shalt  }
0x47: {  	_ =	shalt  }
0x48: {  	_ =	shalt  }
0x49: {  	_ =	shalt  }
0x4a: {  	_ =	shalt  }
0x4b: {  	_ =	shalt  }
0x4c: {  	_ =	shalt  }
0x4d: {  	_ =	shalt  }
0x4e: {  	_ =	shalt  }
0x4f: {  	_ =	shalt  }
0x50: {  	_ =	shalt  }
0x51: {  	_ =	shalt  }
0x52: {  	_ =	shalt  }
0x53: {  	_ =	shalt  }
0x54: {  	_ =	shalt  }
0x55: {  	_ =	shalt  }
0x56: {  	_ =	shalt  }
0x57: {  	_ =	shalt  }
0x58: {  	_ =	shalt  }
0x59: {  	_ =	shalt  }
0x5a: {  	_ =	shalt  }
0x5b: {  	_ =	shalt  }
0x5c: {  	_ =	shalt  }
0x5d: {  	_ =	shalt  }
0x5e: {  	_ =	shalt  }
0x5f: {  	_ =	shalt  }
0x60: {  	_ =	shalt  }
0x61: {  	_ =	shalt  }
0x62: {  	_ =	shalt  }
0x63: {  	_ =	shalt  }
0x64: {  	_ =	shalt  }
0x65: {  	_ =	shalt  }
0x66: {  	_ =	shalt  }
0x67: {  	_ =	shalt  }
0x68: {  	_ =	shalt  }
0x69: {  	_ =	shalt  }
0x6a: {  	_ =	shalt  }
0x6b: {  	_ =	shalt  }
0x6c: {  	_ =	shalt  }
0x6d: {  	_ =	shalt  }
0x6e: {  	_ =	shalt  }
0x6f: {  	_ =	shalt  }
0x70: {  	_ =	shalt  }
0x71: {  	_ =	shalt  }
0x72: {  	_ =	shalt  }
0x73: {  	_ =	shalt  }
0x74: {  	_ =	shalt  }
0x75: {  	_ =	shalt  }
0x76: {  	_ =	shalt  }
0x77: {  	_ =	shalt  }
0x78: {  	_ =	shalt  }
0x79: {  	_ =	shalt  }
0x7a: {  	_ =	shalt  }
0x7b: {  	_ =	shalt  }
0x7c: {  	_ =	shalt  }
0x7d: {  	_ =	shalt  }
0x7e: {  	_ =	shalt  }
0x7f: {  	_ =	shalt  }
0x80: {  	_ =	shalt  }
0x81: {  	_ =	shalt  }
0x82: {  	_ =	shalt  }
0x83: {  	_ =	shalt  }
0x84: {  	_ =	shalt  }
0x85: {  	_ =	shalt  }
0x86: {  	_ =	shalt  }
0x87: {  	_ =	shalt  }
.Lfunc_end0:
.L_simem_size_0:
called_computation.3_lowered:
.L_overlay_start_0:
0x88: {  	s2 =	sld [smem:$0x3FD9]  }
0x89: {  	s3 =	sld [smem:$0x3FFE];
	_ =	sdelay $0x1  }
0x8a: {  	s1 =	srdreg.scid  }
0x8b: {  	s0 =	sand.u32 $0x1, s1  }
0x8c: {  	s14 =	sshll.u32 s0, $0xA;
	s2 =	sadd.s32 s3, s2  }
0x8d: {  	s2 =	sadd.s32 s2, s14  }
0x8e: {  	[smem:$0x3FBE] =	sst s2  }
0x8f: {  	_ = 	snop  }
0x90: {  	s2 =	sld [smem:$0x3FD0];
	_ =	sdelay $0x2  }
0x91: {  	s15 =	simm.s32 $0xB;
	s4 =	simm.s32 $0x10  }
0x92: {  	[smem:s4], [sflag:s15] =	dma.local [hbm:s2], $0x1  }
0x93: {  	_ =	swait.eq [sflag:s15], $0x1  }
0x94: {  	[sflag:s15] =	ssyncset.done $0x0  }
0x95: {  	s16 =	sld [smem:$0x10];
	[sflag:s15] =	ssyncadd.s32 $0xFFFFFFFF  }
0x96: {  	s17 =	sld [smem:$0x12];
	(tm) =	ssettm $0x1  }
0x97: {  	s18 =	sld [smem:$0x3FFB];
	_ =	sdelay $0x3  }
0x98: {  	_ =	strace s18  }
0x99: {  	s4 =	sld [smem:$0x3FFC];
	_ =	sdelay $0x3  }
0x9a: {  	_ =	strace s4  }
0x9b: {  	s4 =	sld [smem:$0x3FFD];
	_ =	sdelay $0x3  }
0x9c: {  	_ =	strace s4  }
0x9d: {  	_ =	strace $0x8FFFFFFF  }
0x9e: {  	s19 =	sld [smem:$0x3FDB];
	_ =	sdelay $0x1  }
0x9f: {  	s5 =	simm.s32 $_scs_section_size  }
0xa0: {  	s6 =	simm.s32 $_size__tile_overlayer_lowered;
	s7 =	simm.s32 $_tile_overlayer_lowered  }
0xa1: {  	s22 =	simm.s32 $0x1BFF;
	s21 =	sshll.u32 s7, $0x1;
	s4 =	sadd.s32 s5, s19  }
0xa2: {  	s8 =	simm.s32 $0x0;
	s20 =	sshll.u32 s6, $0x1;
	s6 =	sadd.s32 s21, s4  }
0xa3: {  	[timem:s8], [sflag:s22] =	dma.local [hbm:s6], s20  }
0xa4: {  	_ =	swait.ge [sflag:s22], s20  }
0xa5: {  	s5 =	ssub.s32 $0x0, s20;
	[sflag:s22] =	ssyncset.done $0x0  }
0xa6: {  	[sflag:s22] =	ssyncadd.s32 s5;
	_ =	sdelay $0x1  }
0xa7: {  	s23 =	simm.s32 $0x1B8B  }
0xa8: {  	_ =	swait.ge [sflag:s23], $0x1  }
0xa9: {  	[sflag:s23] =	ssyncset.done $0x0  }
0xaa: {  	s25 =	simm.s32 $0x1B8E;
	s24 =	sld [smem:$0x3FFE];
	[sflag:s23] =	ssyncadd.s32 $0xFFFFFFFF  }
0xab: {  	s26 =	simm.s32 $execute0_lowered;
	[smem:$0x3FD2] =	sst s25  }
0xac: {  	s6 =	sshll.u32 s26, $0x1;
	_ =	strace $0x8000004C;
	[dreg:$0x1] =	wrdreg $0xFFFFFFFF  }
0xad: {  	s28 =	simm.s32 $_size_execute0_lowered;
	s4 =	sadd.s32 s4, s6;
	[dreg:$0x0] =	wrdreg $0x0  }
0xae: {  	s6 =	sshll.u32 s28, $0x1;
	[dreg:$0x2] =	wrdreg s4  }
0xaf: {  	[dreg:$0x3] =	wrdreg s6  }
0xb0: {  	[dreg:$0x4] =	wrdreg $0xC0  }
0xb1: {  	_ =	task [dreg:s8], $0x5FFFF  }
0xb2: {  	[dreg:$0x1] =	wrdreg $0xFFFFFFFF  }
0xb3: {  	[dreg:$0x0] =	wrdreg $0x60  }
0xb4: {  	[dreg:$0x2] =	wrdreg s24  }
0xb5: {  	[dreg:$0x3] =	wrdreg s16  }
0xb6: {  	[dreg:$0x4] =	wrdreg s17  }
0xb7: {  	[dreg:$0x5] =	wrdreg $0x110000  }
0xb8: {  	[dreg:$0x6] =	wrdreg $0x4C000  }
0xb9: {  	[dreg:$0x7] =	wrdreg $0x9  }
0xba: {  	_ =	task.clear_ibuf [dreg:s8], $0x8FFFF;
	_ =	strace $0x9000004C  }
0xbb: {  	s29 =	simm.s32 $0x9;
	_ =	strace $0x8000004E  }
0xbc: {  	_ =	swait.ge [sflag:s29], $0x1  }
0xbd: {  	[sflag:s29] =	ssyncadd.s32 $0xFFFFFFFF  }
0xbe: {  	_ =	strace $0x9000004E  }
0xbf: {  	_ =	sfence  }
0xc0: {  	s30 =	sld [smem:$0x0];
	_ =	sdelay $0x2  }
0xc1: {  	s31 =	sshll.u32 s1, $0xD;
	s1 =	sshrl.u32 s1, $0x2  }
0xc2: {  	s3 =	sand.u32 $0x4000, s31;
	s1 =	sadd.s32 s1, s30  }
0xc3: {  	s0 =	sor.u32 s3, s0;
	s1 =	sshll.u32 s1, $0x11  }
0xc4: {  	s0 =	sor.u32 s1, s0  }
0xc5: {  	s0 =	sadd.s32 $0x8F2B, s0  }
0xc6: {  	[sflag:s0] =	ssyncadd.remote.s32 $0x1  }
0xc7: {  	_ =	sfence.sel $0xFFFF  }
0xc8: {  	[dreg:$0x0] =	wrdreg $0xFFFFFFFF;
	(pc) =	sbr.abs _section_cstart, $3  }
0xc9: {  	[dreg:$0x1] =	wrdreg $0xFFFFFFFF  }
0xca: {  	_ =	task.clear_ibuf [dreg:s8], $0x2FFFF;
	_ =	strace $0x9FFFFFFF  }
0xcb: {  	(tm) =	ssettm $0x7FFFFFFF  }
tec
execute0_lowered:
.L_overlay_start_1:
0x0: {  	(tag) =	ssettag $0x1  }
0x1: {  	s0 =	rddreg [dreg:$0x0]  }
0x2: {  	s1 =	rddreg [dreg:$0x2]  }
0x3: {  	s2 =	rddreg [dreg:$0x3]  }
0x4: {  	s3 =	rddreg [dreg:$0x4];
	s4 =	simm.s32 $0x0;
	s7 =	srdreg.scid  }
0x5: {  	s14 =	stileid.u32;
	s28 =	simm.s32 $0x1B00;
	s29 =	simm.s32 $0x3  }
0x6: {  	s30 =	simm.s32 $0x100;
	s31 =	simm.s32 $0x200;
	s5 =	sadd.s32 $0x1D5E00, s0  }
0x7: {  	[smem:$0x7FF] =	sst s4;
	s6 =	sadd.s32 $0x1A1E00, s0;
	s11 =	sadd.s32 $0x2C00, s0  }
0x8: {  	s8 =	sadd.s32 $0x1B400, s0;
	s22 =	sand.u32 $0x1, s7;
	s13 =	smul.u32 $0x31000, s14  }
0x9: {  	s12 =	sshll.u32 s14, $0x1;
	s14 =	smul.u32 $0x1880, s14;
	_ =	strace $0x8000004D  }
0xa: {  	s7 =	ssub.s32 $0x2, s22;
	s10 =	smul.u32 $0x18800, s22;
	s0 =	sor.u32 s22, s12  }
0xb: {  	s9 =	sshrl.u32 s7, $0x1;
	s15 =	sadd.s32 $0x620, s14;
	s16 =	sadd.s32 $0xC40, s14  }
0xc: {  	s18 =	sadd.s32 $0x1260, s14;
	s19 =	sadd.s32 s11, s14;
	s7 =	ssub.s32 s7, s9  }
0xd: {  	s9 =	smul.u32 $0xD0, s0;
	s23 =	sadd.s32 s1, s10;
	s1 =	sshrl.u32 s13, $0x2  }
0xe: {  	s24 =	sshll.u32 s15, $0x3;
	[dreg:$0x7] =	wrdreg s19;
	s25 =	sadd.s32 s11, s15  }
0xf: {  	s17 =	sshll.u32 s16, $0x3;
	s26 =	sadd.s32 s11, s16;
	[dreg:$0x8] =	wrdreg s25  }
0x10: {  	s11 =	sadd.s32 s11, s18;
	s10 =	sadd.s32 s1, s2;
	[dreg:$0x9] =	wrdreg s26  }
0x11: {  	s7 =	smax.u32 s7, $0x1;
	s12 =	sadd.s32 s24, s2;
	[dreg:$0xa] =	wrdreg s11  }
0x12: {  	s13 =	sadd.s32 s17, s2;
	s20 =	sadd.s32 s14, s23;
	[dreg:$0x6] =	wrdreg s7  }
0x13: {  	s21 =	sadd.s32 s15, s23;
	s22 =	sadd.s32 s16, s23;
	[dreg:$0xb] =	wrdreg s20  }
0x14: {  	s0 =	sadd.s32 s18, s23;
	s23 =	sshll.u32 s18, $0x3;
	[dreg:$0xc] =	wrdreg s21  }
0x15: {  	v1 =	vimm.s32 $0x77654321;
	s1 =	sadd.s32 s1, s3;
	s26 =	sadd.s32 s24, s3;
	[dreg:$0xd] =	wrdreg s22  }
0x16: {  	v2 =	vunpack.c.l.s4.s8 v1;
	s24 =	sadd.s32 s17, s3;
	s11 =	simm.s32 $0x1200;
	[dreg:$0xe] =	wrdreg s0  }
0x17: {  	v3 =	vlaneseq.u32;
	vm0 =	vcmask $0x2320;
	s14 =	simm.s32 $0x1300;
	s15 =	simm.s32 $0x0;
	[dreg:$0xf] =	wrdreg s1  }
0x18: {  	vm1 =	vcmask $0x300;
	v0 =	vmul.u32 $0x8, v3;
	v2 =	vunpack.c.0.s8.s32 v2;
	[dreg:$0x10] =	wrdreg s26;
	s25 =	sadd.s32 s23, s2;
	s26 =	sadd.s32 s23, s3  }
0x19: {  	v1 =	vshrl.u32 v3, $0x3;
	vm0 =	vmor vm1, vm0;
	v3 =	vand.u32 $0x7, v3;
	s0 =	simm.s32 $0xA00;
	s7 =	simm.s32 $0x1;
	s1 =	simm.s32 $0x2  }
.LBB2_1:
0x1a: {  	s16 =	rddreg [dreg:$0x1]  }
0x1b: {  	[tilespmem:s28], [sflag:$0x3] =	stream.linear.gather [hbm4b:s16+s4], $0x3100, $0x38;
	[tilespmem:$0x1D400] =	vst v63  }
0x1c: {  	_ =	swait.ge [sflag:s29], $0x3100  }
0x1d: {  	[sflag:s29] =	ssyncset.done $0x0  }
0x1e: {  	[sflag:s29] =	ssyncadd.s32 $0xFFFFCF00  }
0x1f: {  	[spmem:s10] =	stream.linear.scatter [tilespmem:s28], [sflag:$0x3], $0x3100, $0x38;
	[tilespmem:$0x1D400] =	vst v63  }
0x20: {  	_ =	swait.ge [sflag:s29], $0x3100  }
0x21: {  	[sflag:s29] =	ssyncset.done $0x0  }
0x22: {  	[sflag:s29] =	ssyncadd.s32 $0xFFFFCF00  }
0x23: {  	[spmem:s12] =	stream.linear.scatter [tilespmem:s28], [sflag:$0x3], $0x3100, $0x38;
	[tilespmem:$0x1D400] =	vst v63  }
0x24: {  	_ =	swait.ge [sflag:s29], $0x3100  }
0x25: {  	[sflag:s29] =	ssyncset.done $0x0  }
0x26: {  	[sflag:s29] =	ssyncadd.s32 $0xFFFFCF00  }
0x27: {  	[spmem:s13] =	stream.linear.scatter [tilespmem:s28], [sflag:$0x3], $0x3100, $0x38;
	[tilespmem:$0x1D400] =	vst v63  }
0x28: {  	_ =	swait.ge [sflag:s29], $0x3100  }
0x29: {  	[sflag:s29] =	ssyncset.done $0x0  }
0x2a: {  	[sflag:s29] =	ssyncadd.s32 $0xFFFFCF00  }
0x2b: {  	[spmem:s25] =	stream.linear.scatter [tilespmem:s28], [sflag:$0x3], $0x3100, $0x38;
	[tilespmem:$0x1D400] =	vst v63  }
0x2c: {  	_ =	swait.ge [sflag:s29], $0x3100  }
0x2d: {  	[sflag:s29] =	ssyncset.done $0x0  }
0x2e: {  	s18 =	rddreg [dreg:$0x7];
	[sflag:s29] =	ssyncadd.s32 $0xFFFFCF00  }
0x2f: {  	[tilespmem:s28], [sflag:$0x3] =	stream.linear.gather [hbm4b:s18+s4], $0x3100, $0x38;
	[tilespmem:$0x1D400] =	vst v63  }
0x30: {  	_ =	swait.ge [sflag:s29], $0x3100  }
0x31: {  	[sflag:s29] =	ssyncset.done $0x0  }
0x32: {  	s19 =	rddreg [dreg:$0xf];
	[sflag:s29] =	ssyncadd.s32 $0xFFFFCF00  }
0x33: {  	[spmem:s19] =	stream.linear.scatter [tilespmem:s28], [sflag:$0x3], $0x3100, $0x38;
	[tilespmem:$0x1D400] =	vst v63  }
0x34: {  	_ =	swait.ge [sflag:s29], $0x3100  }
0x35: {  	[sflag:s29] =	ssyncset.done $0x0  }
0x36: {  	s20 =	rddreg [dreg:$0x8];
	[sflag:s29] =	ssyncadd.s32 $0xFFFFCF00  }
0x37: {  	[tilespmem:s28], [sflag:$0x3] =	stream.linear.gather [hbm4b:s20+s4], $0x3100, $0x38;
	[tilespmem:$0x1D400] =	vst v63  }
0x38: {  	_ =	swait.ge [sflag:s29], $0x3100  }
0x39: {  	[sflag:s29] =	ssyncset.done $0x0  }
0x3a: {  	s21 =	rddreg [dreg:$0x10];
	[sflag:s29] =	ssyncadd.s32 $0xFFFFCF00  }
0x3b: {  	[spmem:s21] =	stream.linear.scatter [tilespmem:s28], [sflag:$0x3], $0x3100, $0x38;
	[tilespmem:$0x1D400] =	vst v63  }
0x3c: {  	_ =	swait.ge [sflag:s29], $0x3100  }
0x3d: {  	[sflag:s29] =	ssyncset.done $0x0  }
0x3e: {  	s22 =	rddreg [dreg:$0x9];
	[sflag:s29] =	ssyncadd.s32 $0xFFFFCF00  }
0x3f: {  	[tilespmem:s28], [sflag:$0x3] =	stream.linear.gather [hbm4b:s22+s4], $0x3100, $0x38;
	[tilespmem:$0x1D400] =	vst v63  }
0x40: {  	_ =	swait.ge [sflag:s29], $0x3100  }
0x41: {  	[sflag:s29] =	ssyncset.done $0x0  }
0x42: {  	[sflag:s29] =	ssyncadd.s32 $0xFFFFCF00  }
0x43: {  	[spmem:s24] =	stream.linear.scatter [tilespmem:s28], [sflag:$0x3], $0x3100, $0x38;
	[tilespmem:$0x1D400] =	vst v63  }
0x44: {  	_ =	swait.ge [sflag:s29], $0x3100  }
0x45: {  	[sflag:s29] =	ssyncset.done $0x0  }
0x46: {  	s23 =	rddreg [dreg:$0xa];
	[sflag:s29] =	ssyncadd.s32 $0xFFFFCF00  }
0x47: {  	[tilespmem:s28], [sflag:$0x3] =	stream.linear.gather [hbm4b:s23+s4], $0x3100, $0x38;
	[tilespmem:$0x1D400] =	vst v63  }
0x48: {  	_ =	swait.ge [sflag:s29], $0x3100  }
0x49: {  	[sflag:s29] =	ssyncset.done $0x0  }
0x4a: {  	[sflag:s29] =	ssyncadd.s32 $0xFFFFCF00  }
0x4b: {  	[spmem:s26] =	stream.linear.scatter [tilespmem:s28], [sflag:$0x3], $0x3100, $0x38;
	[tilespmem:$0x1D400] =	vst v63  }
0x4c: {  	_ =	swait.ge [sflag:s29], $0x3100  }
0x4d: {  	[sflag:s29] =	ssyncset.done $0x0  }
0x4e: {  	[sflag:s29] =	ssyncadd.s32 $0xFFFFCF00  }
0x4f: {  	s16 =	simm.s32 $0x0;
	[bflag:$0x0] =	sbarrier.arrive $0xFFFF  }
.LBB2_2:
0x50: {  	s17 =	sadd.s32 s9, s16  }
0x51: {  	s17 =	sshll.u32 s17, $0x5  }
0x52: {  	s19 =	simm.s32 $0x0;
	s18 =	sadd.s32 s5, s17  }
0x53: {  	[tilespmem:s19], [sflag:$0x3] =	stream.linear.gather [hbm4b:s18+s19], $0x100, $0x38;
	[tilespmem:$0x1D400] =	vst v63  }
0x54: {  	_ =	swait.ge [sflag:s29], $0x100  }
0x55: {  	[sflag:s29] =	ssyncset.done $0x0  }
0x56: {  	s20 =	sadd.s32 s6, s17;
	[sflag:s29] =	ssyncadd.s32 $0xFFFFFF00  }
0x57: {  	[tilespmem:s30], [sflag:$0x3] =	stream.linear.gather [hbm4b:s20+s19], $0x100, $0x38;
	[tilespmem:$0x1D400] =	vst v63  }
0x58: {  	_ =	swait.ge [sflag:s29], $0x100  }
0x59: {  	[sflag:s29] =	ssyncset.done $0x0  }
0x5a: {  	[sflag:s29] =	ssyncadd.s32 $0xFFFFFF00  }
0x5b: {  	[tilespmem:s31], [sflag:$0x1] =	stream.indirect.gather [spmem:s3], $0x8, s19, s30, $0xb8;
	[tilespmem:$0x1D400] =	vst v63  }
0x5c: {  	_ = 	snop  }
0x5d: {  	v4 =	vmov s19;
	[tilespmem:s0], [sflag:$0x2] =	stream.indirect.gather [spmem:s3], $0x8, s30, s30, $0xb8;
	[tilespmem:$0x1D400] =	vst v63  }
0x5e: {  	v4 =	vshll.u32 v4, $0x3;
	_ =	swait.ge [sflag:s7], $0x800  }
0x5f: {  	v4 =	vor.u32 v0, v4;
	[sflag:s7] =	ssyncset.done $0x0  }
0x60: {  	v5 =	vor.u32 $0x1, v4;
	[sflag:s7] =	ssyncadd.s32 $0xFFFFF800  }
0x61: {  	_ =	swait.ge [sflag:s1], $0x800  }
0x62: {  	[sflag:s1] =	ssyncset.done $0x0  }
0x63: {  	[sflag:s1] =	ssyncadd.s32 $0xFFFFF800  }
0x64: {  	v4 =	vld.idx.msk [tilespmem:v4+s31+$0x0], $0xffff  }
0x65: {  	v5 =	vld.idx.msk [tilespmem:v5+s0+$0x0], $0xffff;
	_ =	sdelay $0x4  }
0x66: {  	v4 =	vadd.f32 v5, v4;
	_ =	sdelay $0x1  }
0x67: {  	v5 =	vmul.f32 $2.000000030e-01, v4;
	_ =	sdelay $0x1  }
0x68: {  	v4 =	vmax.f32 v4, v5  }
0x69: {  	v4 =	vmul.f32 $1.442695020e+00, v4;
	_ =	sdelay $0x1  }
0x6a: {  	(erf) = vpow2.f32 v4;
	_ =	sdelay $0x2  }
0x6b: {  	s21 =	simm.s32 $0x10  }
0x6c: {  	v4 =	vmov s21  }
0x6d: {  	v4 =	vshll.u32 v4, $0x3  }
0x6e: {  	v4 =	vor.u32 v0, v4  }
0x6f: {  	v5 =	vor.u32 $0x1, v4;
	_ =	sdelay $0x1  }
0x70: {  	s19 =	simm.s32 $0x1220;
	v6 =	vpop (erf)  }
0x71: {  	[tilespmem:s19+$0xFFFFFFE0] =	vst v6  }
0x72: {  	v4 =	vld.idx.msk [tilespmem:v4+s31+$0x0], $0xffff  }
0x73: {  	v5 =	vld.idx.msk [tilespmem:v5+s0+$0x0], $0xffff;
	_ =	sdelay $0x4  }
0x74: {  	v4 =	vadd.f32 v5, v4;
	_ =	sdelay $0x1  }
0x75: {  	v5 =	vmul.f32 $2.000000030e-01, v4;
	_ =	sdelay $0x1  }
0x76: {  	v4 =	vmax.f32 v4, v5  }
0x77: {  	v4 =	vmul.f32 $1.442695020e+00, v4;
	_ =	sdelay $0x1  }
0x78: {  	(erf) = vpow2.f32 v4;
	_ =	sdelay $0x2  }
0x79: {  	s22 =	simm.s32 $0x20  }
0x7a: {  	v4 =	vmov s22  }
0x7b: {  	v4 =	vshll.u32 v4, $0x3  }
0x7c: {  	v4 =	vor.u32 v0, v4  }
0x7d: {  	v5 =	vor.u32 $0x1, v4;
	_ =	sdelay $0x1  }
0x7e: {  	v6 =	vpop (erf)  }
0x7f: {  	[tilespmem:s19+$0xFFFFFFF0] =	vst v6  }
0x80: {  	v4 =	vld.idx.msk [tilespmem:v4+s31+$0x0], $0xffff  }
0x81: {  	v5 =	vld.idx.msk [tilespmem:v5+s0+$0x0], $0xffff;
	_ =	sdelay $0x4  }
0x82: {  	v4 =	vadd.f32 v5, v4;
	_ =	sdelay $0x1  }
0x83: {  	v5 =	vmul.f32 $2.000000030e-01, v4;
	_ =	sdelay $0x1  }
0x84: {  	v4 =	vmax.f32 v4, v5  }
0x85: {  	v4 =	vmul.f32 $1.442695020e+00, v4;
	_ =	sdelay $0x1  }
0x86: {  	(erf) = vpow2.f32 v4;
	_ =	sdelay $0x2  }
0x87: {  	s23 =	simm.s32 $0x30  }
0x88: {  	v4 =	vmov s23  }
0x89: {  	v4 =	vshll.u32 v4, $0x3  }
0x8a: {  	v4 =	vor.u32 v0, v4  }
0x8b: {  	v5 =	vor.u32 $0x1, v4;
	_ =	sdelay $0x1  }
0x8c: {  	v6 =	vpop (erf)  }
0x8d: {  	[tilespmem:s19+$0x0] =	vst v6  }
0x8e: {  	v4 =	vld.idx.msk [tilespmem:v4+s31+$0x0], $0xffff  }
0x8f: {  	v5 =	vld.idx.msk [tilespmem:v5+s0+$0x0], $0xffff;
	_ =	sdelay $0x4  }
0x90: {  	v4 =	vadd.f32 v5, v4;
	_ =	sdelay $0x1  }
0x91: {  	v5 =	vmul.f32 $2.000000030e-01, v4;
	_ =	sdelay $0x1  }
0x92: {  	v4 =	vmax.f32 v4, v5  }
0x93: {  	v4 =	vmul.f32 $1.442695020e+00, v4;
	_ =	sdelay $0x1  }
0x94: {  	(erf) = vpow2.f32 v4;
	_ =	sdelay $0x2  }
0x95: {  	s20 =	simm.s32 $0x40  }
0x96: {  	v5 =	vmov s20  }
0x97: {  	v5 =	vshll.u32 v5, $0x3  }
0x98: {  	s21 =	simm.s32 $0x4;
	s22 =	simm.s32 $0x1220;
	v4 =	vor.u32 v0, v5  }
.LBB2_3:
0x99: {  	s21 =	sadd.s32 $0x4, s21;
	v5 =	vor.u32 $0x1, v4;
	s19 =	sadd.s32 $0x40, s19;
	s18 =	simm.s32 $0x6  }
0x9a: {  	p0 =	slt.u32 s21, $0xC  }
0x9b: {  	v6 =	vpop (erf)  }
0x9c: {  	[tilespmem:s22+$0x10] =	vst v6;
	s22 =	smov.u32 s19  }
0x9d: {  	v4 =	vld.idx.msk [tilespmem:v4+s31+$0x0], $0xffff  }
0x9e: {  	v5 =	vld.idx.msk [tilespmem:v5+s0+$0x0], $0xffff;
	_ =	sdelay $0x5  }
0x9f: {  	v4 =	vadd.f32 v5, v4;
	_ =	sdelay $0x1  }
0xa0: {  	v5 =	vmul.f32 $2.000000030e-01, v4;
	_ =	sdelay $0x1  }
0xa1: {  	v4 =	vmax.f32 v4, v5  }
0xa2: {  	v4 =	vmul.f32 $1.442695020e+00, v4;
	_ =	sdelay $0x1  }
0xa3: {  	(erf) = vpow2.f32 v4;
	_ =	sdelay $0x1  }
0xa4: {  	s23 =	sadd.s32 $0x10, s20  }
0xa5: {  	v4 =	vmov s23  }
0xa6: {  	v4 =	vshll.u32 v4, $0x3  }
0xa7: {  	v4 =	vor.u32 v0, v4  }
0xa8: {  	v5 =	vor.u32 $0x1, v4;
	_ =	sdelay $0x2  }
0xa9: {  	v6 =	vpop (erf)  }
0xaa: {  	[tilespmem:s19+$0xFFFFFFE0] =	vst v6  }
0xab: {  	v4 =	vld.idx.msk [tilespmem:v4+s31+$0x0], $0xffff  }
0xac: {  	v5 =	vld.idx.msk [tilespmem:v5+s0+$0x0], $0xffff;
	_ =	sdelay $0x5  }
0xad: {  	v4 =	vadd.f32 v5, v4;
	_ =	sdelay $0x1  }
0xae: {  	v5 =	vmul.f32 $2.000000030e-01, v4;
	_ =	sdelay $0x1  }
0xaf: {  	v4 =	vmax.f32 v4, v5  }
0xb0: {  	v4 =	vmul.f32 $1.442695020e+00, v4;
	_ =	sdelay $0x1  }
0xb1: {  	(erf) = vpow2.f32 v4;
	_ =	sdelay $0x1  }
0xb2: {  	s23 =	sadd.s32 $0x20, s20  }
0xb3: {  	v4 =	vmov s23  }
0xb4: {  	v4 =	vshll.u32 v4, $0x3  }
0xb5: {  	v4 =	vor.u32 v0, v4  }
0xb6: {  	v5 =	vor.u32 $0x1, v4;
	_ =	sdelay $0x2  }
0xb7: {  	v6 =	vpop (erf)  }
0xb8: {  	[tilespmem:s19+$0xFFFFFFF0] =	vst v6  }
0xb9: {  	v4 =	vld.idx.msk [tilespmem:v4+s31+$0x0], $0xffff  }
0xba: {  	v5 =	vld.idx.msk [tilespmem:v5+s0+$0x0], $0xffff;
	_ =	sdelay $0x5  }
0xbb: {  	v4 =	vadd.f32 v5, v4;
	_ =	sdelay $0x1  }
0xbc: {  	v5 =	vmul.f32 $2.000000030e-01, v4;
	_ =	sdelay $0x1  }
0xbd: {  	v4 =	vmax.f32 v4, v5  }
0xbe: {  	v4 =	vmul.f32 $1.442695020e+00, v4;
	_ =	sdelay $0x1  }
0xbf: {  	(erf) = vpow2.f32 v4;
	_ =	sdelay $0x1  }
0xc0: {  	s23 =	sadd.s32 $0x30, s20  }
0xc1: {  	v4 =	vmov s23  }
0xc2: {  	v4 =	vshll.u32 v4, $0x3  }
0xc3: {  	v4 =	vor.u32 v0, v4  }
0xc4: {  	v5 =	vor.u32 $0x1, v4;
	_ =	sdelay $0x2  }
0xc5: {  	v6 =	vpop (erf)  }
0xc6: {  	[tilespmem:s19+$0x0] =	vst v6  }
0xc7: {  	v4 =	vld.idx.msk [tilespmem:v4+s31+$0x0], $0xffff  }
0xc8: {  	v5 =	vld.idx.msk [tilespmem:v5+s0+$0x0], $0xffff;
	_ =	sdelay $0x5  }
0xc9: {  	v4 =	vadd.f32 v5, v4;
	_ =	sdelay $0x1  }
0xca: {  	v5 =	vmul.f32 $2.000000030e-01, v4;
	_ =	sdelay $0x1  }
0xcb: {  	v4 =	vmax.f32 v4, v5  }
0xcc: {  	v4 =	vmul.f32 $1.442695020e+00, v4;
	_ =	sdelay $0x1  }
0xcd: {  	(erf) = vpow2.f32 v4;
	_ =	sdelay $0x1  }
.Ltmp0:
0xce: {  	(pc) =	sbr.rel @p0 .LBB2_3-.Ltmp0, $4  }
0xcf: {  	s20 =	sadd.s32 $0x40, s20  }
0xd0: {  	v4 =	vmov s20  }
0xd1: {  	v4 =	vshll.u32 v4, $0x3  }
0xd2: {  	v4 =	vor.u32 v0, v4  }
0xd3: {  	v5 =	vor.u32 $0x1, v4;
	_ =	sdelay $0x1  }
0xd4: {  	v6 =	vpop (erf)  }
0xd5: {  	[tilespmem:s22+$0x10] =	vst v6  }
0xd6: {  	v4 =	vld.idx.msk [tilespmem:v4+s31+$0x0], $0xffff  }
0xd7: {  	v5 =	vld.idx.msk [tilespmem:v5+s0+$0x0], $0xffff;
	_ =	sdelay $0x4  }
0xd8: {  	v4 =	vadd.f32 v5, v4;
	_ =	sdelay $0x1  }
0xd9: {  	v5 =	vmul.f32 $2.000000030e-01, v4;
	_ =	sdelay $0x1  }
0xda: {  	v4 =	vmax.f32 v4, v5  }
0xdb: {  	v4 =	vmul.f32 $1.442695020e+00, v4;
	_ =	sdelay $0x1  }
0xdc: {  	(erf) = vpow2.f32 v4;
	_ =	sdelay $0x2  }
0xdd: {  	s21 =	sadd.s32 $0x10, s20  }
0xde: {  	v4 =	vmov s21  }
0xdf: {  	v4 =	vshll.u32 v4, $0x3  }
0xe0: {  	v4 =	vor.u32 v0, v4  }
0xe1: {  	v5 =	vor.u32 $0x1, v4;
	_ =	sdelay $0x1  }
0xe2: {  	s19 =	sadd.s32 $0x40, s19;
	v6 =	vpop (erf)  }
0xe3: {  	[tilespmem:s19+$0xFFFFFFE0] =	vst v6  }
0xe4: {  	v4 =	vld.idx.msk [tilespmem:v4+s31+$0x0], $0xffff  }
0xe5: {  	v5 =	vld.idx.msk [tilespmem:v5+s0+$0x0], $0xffff;
	_ =	sdelay $0x4  }
0xe6: {  	v4 =	vadd.f32 v5, v4;
	_ =	sdelay $0x1  }
0xe7: {  	v5 =	vmul.f32 $2.000000030e-01, v4;
	_ =	sdelay $0x1  }
0xe8: {  	v4 =	vmax.f32 v4, v5  }
0xe9: {  	v4 =	vmul.f32 $1.442695020e+00, v4;
	_ =	sdelay $0x1  }
0xea: {  	(erf) = vpow2.f32 v4;
	_ =	sdelay $0x2  }
0xeb: {  	s23 =	sadd.s32 $0x20, s20  }
0xec: {  	v4 =	vmov s23  }
0xed: {  	v4 =	vshll.u32 v4, $0x3  }
0xee: {  	v4 =	vor.u32 v0, v4  }
0xef: {  	v5 =	vor.u32 $0x1, v4;
	_ =	sdelay $0x1  }
0xf0: {  	v6 =	vpop (erf)  }
0xf1: {  	[tilespmem:s19+$0xFFFFFFF0] =	vst v6  }
0xf2: {  	v4 =	vld.idx.msk [tilespmem:v4+s31+$0x0], $0xffff  }
0xf3: {  	v5 =	vld.idx.msk [tilespmem:v5+s0+$0x0], $0xffff;
	_ =	sdelay $0x4  }
0xf4: {  	v4 =	vadd.f32 v5, v4;
	_ =	sdelay $0x1  }
0xf5: {  	v5 =	vmul.f32 $2.000000030e-01, v4;
	_ =	sdelay $0x1  }
0xf6: {  	v4 =	vmax.f32 v4, v5  }
0xf7: {  	v4 =	vmul.f32 $1.442695020e+00, v4;
	_ =	sdelay $0x1  }
0xf8: {  	(erf) = vpow2.f32 v4;
	_ =	sdelay $0x2  }
0xf9: {  	s22 =	sadd.s32 $0x30, s20  }
0xfa: {  	v4 =	vmov s22  }
0xfb: {  	v4 =	vshll.u32 v4, $0x3  }
0xfc: {  	v4 =	vor.u32 v0, v4  }
0xfd: {  	v5 =	vor.u32 $0x1, v4;
	_ =	sdelay $0x1  }
0xfe: {  	v6 =	vpop (erf)  }
0xff: {  	[tilespmem:s19+$0x0] =	vst v6  }
0x100: {  	v4 =	vld.idx.msk [tilespmem:v4+s31+$0x0], $0xffff  }
0x101: {  	v5 =	vld.idx.msk [tilespmem:v5+s0+$0x0], $0xffff;
	_ =	sdelay $0x4  }
0x102: {  	v4 =	vadd.f32 v5, v4;
	_ =	sdelay $0x1  }
0x103: {  	v5 =	vmul.f32 $2.000000030e-01, v4;
	_ =	sdelay $0x1  }
0x104: {  	v4 =	vmax.f32 v4, v5  }
0x105: {  	v4 =	vmul.f32 $1.442695020e+00, v4;
	_ =	sdelay $0x1  }
0x106: {  	(erf) = vpow2.f32 v4;
	_ =	sdelay $0x3  }
0x107: {  	s23 =	simm.s32 $0x0  }
0x108: {  	v4 =	vor.u32 s23, v1  }
0x109: {  	v5 =	vshll.u32 v4, $0x3  }
0x10a: {  	v6 =	vor.u32 v2, v5;
	_ =	sdelay $0x1  }
0x10b: {  	v7 =	vpop (erf)  }
0x10c: {  	[tilespmem:s19+$0x10] =	vst v7  }
0x10d: {  	v4 =	vld.idx.msk [tilespmem:v4+s11+$0x0], $0xffff  }
0x10e: {  	v6 =	vld.idx.msk [tilespmem:v6+s31+$0x0], $0xffff;
	_ =	sdelay $0x1  }
0x10f: {  	s21 =	simm.s32 $0x2  }
0x110: {  	v5 =	vor.u32 v3, v5;
	v7 =	vor.u32 s21, v1  }
0x111: {  	v8 =	vshll.u32 v7, $0x3  }
0x112: {  	v9 =	vor.u32 v2, v8;
	v6 =	vmul.f32 v6, v4;
	_ =	sdelay $0x1  }
0x113: {  	v4 =	vsel vm0, v4, v6  }
0x114: {  	[tilespmem:v5+s14+$0x0] =	vst.idx.msk $0xffff, v4  }
0x115: {  	v4 =	vld.idx.msk [tilespmem:v7+s11+$0x0], $0xffff  }
0x116: {  	v5 =	vld.idx.msk [tilespmem:v9+s31+$0x0], $0xffff;
	_ =	sdelay $0x1  }
0x117: {  	s22 =	simm.s32 $0x4  }
0x118: {  	v6 =	vor.u32 v3, v8;
	v7 =	vor.u32 s22, v1  }
0x119: {  	v8 =	vshll.u32 v7, $0x3  }
0x11a: {  	v9 =	vor.u32 v2, v8;
	v5 =	vmul.f32 v5, v4;
	_ =	sdelay $0x1  }
0x11b: {  	v4 =	vsel vm0, v4, v5  }
0x11c: {  	[tilespmem:v6+s14+$0x0] =	vst.idx.msk $0xffff, v4  }
0x11d: {  	v4 =	vld.idx.msk [tilespmem:v7+s11+$0x0], $0xffff  }
0x11e: {  	v5 =	vld.idx.msk [tilespmem:v9+s31+$0x0], $0xffff;
	_ =	sdelay $0x2  }
0x11f: {  	v6 =	vor.u32 v3, v8;
	v7 =	vor.u32 s18, v1  }
0x120: {  	v9 =	vshll.u32 v7, $0x3  }
0x121: {  	v8 =	vor.u32 v2, v9;
	v5 =	vmul.f32 v5, v4;
	_ =	sdelay $0x1  }
0x122: {  	v4 =	vsel vm0, v4, v5  }
0x123: {  	[tilespmem:v6+s14+$0x0] =	vst.idx.msk $0xffff, v4  }
0x124: {  	v5 =	vld.idx.msk [tilespmem:v7+s11+$0x0], $0xffff  }
0x125: {  	v8 =	vld.idx.msk [tilespmem:v8+s31+$0x0], $0xffff;
	_ =	sdelay $0x1  }
0x126: {  	s23 =	simm.s32 $0x8  }
0x127: {  	v6 =	vor.u32 v3, v9;
	v7 =	vor.u32 s23, v1  }
0x128: {  	s19 =	simm.s32 $0x4;
	s18 =	simm.s32 $0xE;
	v4 =	vshll.u32 v7, $0x3  }
.LBB2_5:
0x129: {  	s19 =	sadd.s32 $0x4, s19;
	v9 =	vor.u32 v2, v4;
	v8 =	vmul.f32 v8, v5  }
0x12a: {  	p0 =	slt.u32 s19, $0x7C  }
0x12b: {  	v5 =	vsel vm0, v5, v8  }
0x12c: {  	[tilespmem:v6+s14+$0x0] =	vst.idx.msk $0xffff, v5  }
0x12d: {  	v5 =	vld.idx.msk [tilespmem:v7+s11+$0x0], $0xffff  }
0x12e: {  	v6 =	vld.idx.msk [tilespmem:v9+s31+$0x0], $0xffff;
	_ =	sdelay $0x1  }
0x12f: {  	s20 =	sadd.s32 $0xFFFFFFFC, s18  }
0x130: {  	v7 =	vor.u32 s20, v1  }
0x131: {  	v4 =	vor.u32 v3, v4;
	v8 =	vshll.u32 v7, $0x3  }
0x132: {  	v9 =	vor.u32 v2, v8  }
0x133: {  	v6 =	vmul.f32 v6, v5;
	_ =	sdelay $0x1  }
0x134: {  	v5 =	vsel vm0, v5, v6  }
0x135: {  	[tilespmem:v4+s14+$0x0] =	vst.idx.msk $0xffff, v5  }
0x136: {  	v4 =	vld.idx.msk [tilespmem:v7+s11+$0x0], $0xffff  }
0x137: {  	v5 =	vld.idx.msk [tilespmem:v9+s31+$0x0], $0xffff;
	_ =	sdelay $0x1  }
0x138: {  	s20 =	sadd.s32 $0xFFFFFFFE, s18  }
0x139: {  	v6 =	vor.u32 v3, v8;
	v7 =	vor.u32 s20, v1  }
0x13a: {  	v8 =	vshll.u32 v7, $0x3  }
0x13b: {  	v9 =	vor.u32 v2, v8  }
0x13c: {  	v5 =	vmul.f32 v5, v4;
	_ =	sdelay $0x1  }
0x13d: {  	v4 =	vsel vm0, v4, v5  }
0x13e: {  	[tilespmem:v6+s14+$0x0] =	vst.idx.msk $0xffff, v4  }
0x13f: {  	v4 =	vld.idx.msk [tilespmem:v7+s11+$0x0], $0xffff  }
0x140: {  	v5 =	vld.idx.msk [tilespmem:v9+s31+$0x0], $0xffff;
	_ =	sdelay $0x1  }
0x141: {  	v6 =	vor.u32 v3, v8  }
0x142: {  	v7 =	vor.u32 s18, v1  }
0x143: {  	v9 =	vshll.u32 v7, $0x3  }
0x144: {  	v8 =	vor.u32 v2, v9  }
0x145: {  	v5 =	vmul.f32 v5, v4;
	_ =	sdelay $0x1  }
0x146: {  	v4 =	vsel vm0, v4, v5  }
0x147: {  	[tilespmem:v6+s14+$0x0] =	vst.idx.msk $0xffff, v4  }
0x148: {  	v5 =	vld.idx.msk [tilespmem:v7+s11+$0x0], $0xffff  }
0x149: {  	v8 =	vld.idx.msk [tilespmem:v8+s31+$0x0], $0xffff  }
.Ltmp1:
0x14a: {  	v6 =	vor.u32 v3, v9;
	(pc) =	sbr.rel @p0 .LBB2_5-.Ltmp1, $4  }
0x14b: {  	s18 =	sadd.s32 $0x8, s18  }
0x14c: {  	s20 =	sadd.s32 $0xFFFFFFFA, s18  }
0x14d: {  	v7 =	vor.u32 s20, v1  }
0x14e: {  	v4 =	vshll.u32 v7, $0x3  }
0x14f: {  	_ = 	snop  }
0x150: {  	v9 =	vor.u32 v2, v4;
	v8 =	vmul.f32 v8, v5;
	_ =	sdelay $0x1  }
0x151: {  	v5 =	vsel vm0, v5, v8  }
0x152: {  	[tilespmem:v6+s14+$0x0] =	vst.idx.msk $0xffff, v5  }
0x153: {  	v5 =	vld.idx.msk [tilespmem:v7+s11+$0x0], $0xffff  }
0x154: {  	v6 =	vld.idx.msk [tilespmem:v9+s31+$0x0], $0xffff;
	_ =	sdelay $0x1  }
0x155: {  	s19 =	sadd.s32 $0xFFFFFFFC, s18  }
0x156: {  	v4 =	vor.u32 v3, v4;
	v52 =	vor.u32 s19, v1  }
0x157: {  	v53 =	vshll.u32 v52, $0x3  }
0x158: {  	v54 =	vor.u32 v2, v53;
	v6 =	vmul.f32 v6, v5;
	_ =	sdelay $0x1  }
0x159: {  	v5 =	vsel vm0, v5, v6  }
0x15a: {  	[tilespmem:v4+s14+$0x0] =	vst.idx.msk $0xffff, v5  }
0x15b: {  	v4 =	vld.idx.msk [tilespmem:v52+s11+$0x0], $0xffff  }
0x15c: {  	v5 =	vld.idx.msk [tilespmem:v54+s31+$0x0], $0xffff;
	_ =	sdelay $0x1  }
0x15d: {  	s23 =	sadd.s32 $0xFFFFFFFE, s18  }
0x15e: {  	v56 =	vor.u32 s23, v1;
	v55 =	vor.u32 v3, v53  }
0x15f: {  	v57 =	vshll.u32 v56, $0x3  }
0x160: {  	v58 =	vor.u32 v2, v57;
	v5 =	vmul.f32 v5, v4;
	_ =	sdelay $0x1  }
0x161: {  	v4 =	vsel vm0, v4, v5  }
0x162: {  	[tilespmem:v55+s14+$0x0] =	vst.idx.msk $0xffff, v4  }
0x163: {  	v4 =	vld.idx.msk [tilespmem:v56+s11+$0x0], $0xffff  }
0x164: {  	v5 =	vld.idx.msk [tilespmem:v58+s31+$0x0], $0xffff;
	_ =	sdelay $0x2  }
0x165: {  	v60 =	vor.u32 s18, v1;
	v59 =	vor.u32 v3, v57  }
0x166: {  	v61 =	vshll.u32 v60, $0x3  }
0x167: {  	v62 =	vor.u32 v2, v61;
	v5 =	vmul.f32 v5, v4;
	_ =	sdelay $0x1  }
0x168: {  	v4 =	vsel vm0, v4, v5  }
0x169: {  	[tilespmem:v59+s14+$0x0] =	vst.idx.msk $0xffff, v4  }
0x16a: {  	v4 =	vld.idx.msk [tilespmem:v60+s11+$0x0], $0xffff  }
0x16b: {  	v5 =	vld.idx.msk [tilespmem:v62+s31+$0x0], $0xffff;
	_ =	sdelay $0x2  }
0x16c: {  	v63 =	vor.u32 v3, v61;
	_ =	sdelay $0x1  }
0x16d: {  	v5 =	vmul.f32 v5, v4;
	_ =	sdelay $0x1  }
0x16e: {  	v4 =	vsel vm0, v4, v5  }
0x16f: {  	s17 =	sadd.s32 s8, s17;
	[tilespmem:v63+s14+$0x0] =	vst.idx.msk $0xffff, v4  }
0x170: {  	[hbm4b:s17+s4] =	stream.linear.scatter [tilespmem:s11], [sflag:$0x3], $0x100, $0x38;
	[tilespmem:$0x1D400] =	vst v63  }
0x171: {  	s16 =	sadd.s32 $0x1, s16;
	_ =	swait.ge [sflag:s29], $0x100  }
0x172: {  	p0 =	sne.s32 s16, $0xD0;
	[sflag:s29] =	ssyncset.done $0x0  }
.Ltmp2:
0x173: {  	[sflag:s29] =	ssyncadd.s32 $0xFFFFFF00;
	(pc) =	sbr.rel @p0 .LBB2_2-.Ltmp2, $4  }
0x174: {  	[spmem:s2] =	stream.indirect.scatter.add.f32 [tilespmem:s14], [sflag:$0x3], $0x8, s30, s30, $0xb8;
	[tilespmem:$0x1D400] =	vst v63  }
0x175: {  	_ =	swait.ge [sflag:s29], $0x800  }
0x176: {  	[sflag:s29] =	ssyncset.done $0x0  }
0x177: {  	[sflag:s29] =	ssyncadd.s32 $0xFFFFF800  }
0x178: {  	[bflag:$0x0] =	sbarrier.arrive $0xFFFF  }
0x179: {  	[tilespmem:s28], [sflag:$0x3] =	stream.linear.gather [spmem:s10], $0x3100, $0x38;
	[tilespmem:$0x1D400] =	vst v63  }
0x17a: {  	_ =	swait.ge [sflag:s29], $0x3100  }
0x17b: {  	[sflag:s29] =	ssyncset.done $0x0  }
0x17c: {  	s16 =	rddreg [dreg:$0xb];
	[sflag:s29] =	ssyncadd.s32 $0xFFFFCF00  }
0x17d: {  	[hbm4b:s16+s4] =	stream.linear.scatter [tilespmem:s28], [sflag:$0x3], $0x3100, $0x38;
	[tilespmem:$0x1D400] =	vst v63  }
0x17e: {  	_ =	swait.ge [sflag:s29], $0x3100  }
0x17f: {  	[sflag:s29] =	ssyncset.done $0x0  }
0x180: {  	[sflag:s29] =	ssyncadd.s32 $0xFFFFCF00  }
0x181: {  	[tilespmem:s28], [sflag:$0x3] =	stream.linear.gather [spmem:s12], $0x3100, $0x38;
	[tilespmem:$0x1D400] =	vst v63  }
0x182: {  	_ =	swait.ge [sflag:s29], $0x3100  }
0x183: {  	[sflag:s29] =	ssyncset.done $0x0  }
0x184: {  	s20 =	rddreg [dreg:$0xc];
	[sflag:s29] =	ssyncadd.s32 $0xFFFFCF00  }
0x185: {  	[hbm4b:s20+s4] =	stream.linear.scatter [tilespmem:s28], [sflag:$0x3], $0x3100, $0x38;
	[tilespmem:$0x1D400] =	vst v63  }
0x186: {  	_ =	swait.ge [sflag:s29], $0x3100  }
0x187: {  	[sflag:s29] =	ssyncset.done $0x0  }
0x188: {  	[sflag:s29] =	ssyncadd.s32 $0xFFFFCF00  }
0x189: {  	[tilespmem:s28], [sflag:$0x3] =	stream.linear.gather [spmem:s13], $0x3100, $0x38;
	[tilespmem:$0x1D400] =	vst v63  }
0x18a: {  	_ =	swait.ge [sflag:s29], $0x3100  }
0x18b: {  	[sflag:s29] =	ssyncset.done $0x0  }
0x18c: {  	s21 =	rddreg [dreg:$0xd];
	[sflag:s29] =	ssyncadd.s32 $0xFFFFCF00  }
0x18d: {  	[hbm4b:s21+s4] =	stream.linear.scatter [tilespmem:s28], [sflag:$0x3], $0x3100, $0x38;
	[tilespmem:$0x1D400] =	vst v63  }
0x18e: {  	_ =	swait.ge [sflag:s29], $0x3100  }
0x18f: {  	[sflag:s29] =	ssyncset.done $0x0  }
0x190: {  	[sflag:s29] =	ssyncadd.s32 $0xFFFFCF00  }
0x191: {  	[tilespmem:s28], [sflag:$0x3] =	stream.linear.gather [spmem:s25], $0x3100, $0x38;
	[tilespmem:$0x1D400] =	vst v63  }
0x192: {  	_ =	swait.ge [sflag:s29], $0x3100  }
0x193: {  	[sflag:s29] =	ssyncset.done $0x0  }
0x194: {  	s22 =	rddreg [dreg:$0xe];
	[sflag:s29] =	ssyncadd.s32 $0xFFFFCF00  }
0x195: {  	[hbm4b:s22+s4] =	stream.linear.scatter [tilespmem:s28], [sflag:$0x3], $0x3100, $0x38;
	[tilespmem:$0x1D400] =	vst v63  }
0x196: {  	_ =	swait.ge [sflag:s29], $0x3100  }
0x197: {  	s15 =	sadd.s32 $0x1, s15;
	s23 =	rddreg [dreg:$0x6]  }
0x198: {  	p0 =	sne.s32 s15, s23  }
.Ltmp3:
0x199: {  	_ = 	snop;
	(pc) =	sbr.rel @p0 .LBB2_1-.Ltmp3, $3  }
0x19a: {  	_ =	sdelay $0x1  }
0x19b: {  	[sflag:s29] =	ssyncset.done $0x0  }
0x19c: {  	[sflag:s29] =	ssyncadd.s32 $0xFFFFCF00  }
0x19d: {  	_ =	sfence.sel $0x180000  }
0x19e: {  	[bflag:$0x0] =	sbarrier.arrive $0xFFFF  }
0x19f: {  	_ =	strace $0x9000004D  }
0x1a0: {  	s0 =	stileid.u32;
	[bflag:$0x2] =	sbarrier.arrive $0xFFFF  }
0x1a1: {  	p0 =	sne.s32 s0, $0x0;
	s0 =	rddreg [dreg:$0x5]  }
0x1a2: {  	s0 =	sadd.s32 @!p0 $0x100000, s0  }
0x1a3: {  	[sflag:s0] =	ssyncadd.tile.s32 @!p0 $0x1;
	_ =	shalt  }
.Lfunc_end2:
_tile_overlayer_lowered:
.L_overlay_start_2:
0x1a4: {  	(tag) =	ssettag $0x2  }
0x1a5: {  	s0 =	rddreg [dreg:$0x0];
	s2 =	stileid.u32  }
0x1a6: {  	s1 =	rddreg [dreg:$0x1];
	p0 =	sne.s32 s2, $0x0  }
0x1a7: {  	s3 =	rddreg [dreg:$0x2];
	[bflag:$0x3] =	sbarrier.arrive $0xFFFF;
	s2 =	simm.s32 @!p0 $0x1C03  }
0x1a8: {  	[timem:s3], [sflag:s2] =	dma.local @!p0 [hbm:s0], s1  }
0x1a9: {  	s0 =	simm.s32 @!p0 $0x3  }
0x1aa: {  	_ =	swait.ge @!p0 [sflag:s0], s1  }
0x1ab: {  	s1 =	ssub.s32 @!p0 $0x0, s1;
	[sflag:s0] =	ssyncset.done @!p0 $0x0  }
0x1ac: {  	[sflag:s0] =	ssyncadd.s32 @!p0 s1  }
0x1ad: {  	[bflag:$0x3] =	sbarrier.arrive $0xFFFF  }
0x1ae: {  	_ =	shalt  }

// kernel: kernel.19.cloned.1.call-start
scs
__scs_entry_jumppad:
0x0: {  	(pc) =	sbr.rel $0x88, $3  }
0x1: {  	(tag) =	ssettag $0x0;
	lr =	simm.s32 $0x1  }
0x2: {  	[smem:$0x3F97] =	sst lr;
	_ =	strace $0xD0000000  }
0x3: {  	_ = 	snop  }
0x4: {  	_ = 	snop  }
0x5: {  	_ = 	snop  }
0x6: {  	_ = 	snop  }
0x7: {  	_ = 	snop  }
__scs_overlays_trampoline_lowered:
0x8: {  	[smem:$0x3FA6] =	sst s0  }
0x9: {  	[smem:$0x3FA7] =	sst s1  }
0xa: {  	[smem:$0x3FA8] =	sst s2  }
0xb: {  	[smem:$0x3FA9] =	sst s3  }
0xc: {  	[smem:$0x3FAA] =	sst s4  }
0xd: {  	[smem:$0x3FAB] =	sst s5  }
0xe: {  	[smem:$0x3FAC] =	sst s6  }
0xf: {  	[smem:$0x3FAD] =	sst s7  }
0x10: {  	[smem:$0x3FAE] =	sst s8  }
0x11: {  	[smem:$0x3FAF] =	sst s9;
	s0 =	simm.s32 @!p0 $0x0  }
0x12: {  	s1 =	sld [smem:$0x3F95];
	s0 =	simm.s32 @p0 $0x1  }
0x13: {  	[smem:$0x3FB0] =	sst s0;
	s0 =	simm.s32 @!p1 $0x0  }
0x14: {  	s2 =	sld [smem:$0x3F94];
	s0 =	simm.s32 @p1 $0x1  }
0x15: {  	[smem:$0x3FB1] =	sst s0;
	s0 =	simm.s32 @!p2 $0x0  }
0x16: {  	s3 =	sld [smem:$0x3FDB];
	s0 =	simm.s32 @p2 $0x1  }
0x17: {  	s4 =	simm.s32 $0x1BF5;
	[smem:$0x3FB3] =	sst s0  }
0x18: {  	s0 =	sld [smem:$0x3F96];
	_ =	swait.ge [sflag:s4], $0x0  }
0x19: {  	s7 =	sld [smem:$0x3F97]  }
0x1a: {  	s8 =	sadd.s32 $0xFFFFE003, lr  }
0x1b: {  	s9 =	sadd.s32 $0xFFFFFEF7, lr;
	s5 =	simm.s32 $0xFFFFFFFF;
	p2 =	slt.u32 s8, $0xFFFFF086  }
0x1c: {  	p1 =	slt.u32 s9, $0xF7A;
	s5 =	simm.s32 @!p2 $0x0  }
0x1d: {  	s5 =	simm.s32 @p1 $0x1;
	p0 =	seq.s32 s7, s2  }
0x1e: {  	s7 =	smul.u32 @!p0 $0xF7A, s2;
	p2 =	seq.s32 @!p0 s5, $0x0  }
0x1f: {  	s9 =	smul.u32 $0xF7A, s1;
	s8 =	simm.s32 @!p0 $0x1BF5;
	p2 =	por !p2, p0  }
0x20: {  	[sflag:s8] =	ssyncset.s32 @!p0 $0xFFFFF086;
	s6 =	sadd.s32 @!p0 s3, s7;
	s7 =	simm.s32 @!p0 $0x108  }
0x21: {  	s3 =	sadd.s32 s3, s9;
	s6 =	sadd.s32 @!p0 $0x88, s6;
	s7 =	simm.s32 @p2 $0x1082  }
0x22: {  	[simem:s7], [sflag:s8] =	dma.local @!p0 [hbm:s6], $0xF7A  }
0x23: {  	s9 =	sor.u32 $0xD0000000, s2;
	s6 =	simm.s32 $0x108;
	_ =	swait.ge @!p0 [sflag:s8], $0x0  }
0x24: {  	s3 =	sadd.s32 $0x88, s3;
	s6 =	simm.s32 @!p1 $0x1082;
	[sflag:s4] =	ssyncset.s32 $0xFFFFF086  }
0x25: {  	[simem:s6], [sflag:s4] =	dma.local [hbm:s3], $0xF7A  }
0x26: {  	[smem:$0x3F97] =	sst s1;
	(tag) =	ssettag s2;
	_ =	strace s9  }
0x27: {  	s1 =	sld [smem:$0x3FA7]  }
0x28: {  	s2 =	sld [smem:$0x3FA8]  }
0x29: {  	s4 =	sld [smem:$0x3FAA]  }
0x2a: {  	p0 =	seq.s32 s5, $0x0;
	s5 =	sld [smem:$0x3FAB]  }
0x2b: {  	s6 =	sld [smem:$0x3FAC]  }
0x2c: {  	s7 =	sld [smem:$0x3FAD]  }
0x2d: {  	s3 =	simm.s32 $0x108;
	s8 =	sld [smem:$0x3FAE]  }
0x2e: {  	s3 =	simm.s32 @!p0 $0x1082;
	s9 =	sld [smem:$0x3FAF]  }
0x2f: {  	lr =	sadd.s32 s0, s3;
	s0 =	sld [smem:$0x3FA6]  }
0x30: {  	s3 =	sld [smem:$0x3FA9]  }
0x31: {  	[smem:$0x3FB2] =	sst s10  }
0x32: {  	s10 =	sld [smem:$0x3FB0];
	_ =	sdelay $0x3  }
0x33: {  	p0 =	seq.s32 s10, $0x1;
	s10 =	sld [smem:$0x3FB2];
	_ =	sdelay $0x3  }
0x34: {  	[smem:$0x3FB2] =	sst s10  }
0x35: {  	s10 =	sld [smem:$0x3FB1];
	_ =	sdelay $0x3  }
0x36: {  	p1 =	seq.s32 s10, $0x1;
	s10 =	sld [smem:$0x3FB2];
	_ =	sdelay $0x3  }
0x37: {  	[smem:$0x3FB2] =	sst s10  }
0x38: {  	s10 =	sld [smem:$0x3FB3]  }
0x39: {  	_ = 	snop;
	(pc) =	sbr.ind lr, $3  }
0x3a: {  	_ = 	snop  }
0x3b: {  	_ = 	snop  }
0x3c: {  	p2 =	seq.s32 s10, $0x1;
	s10 =	sld [smem:$0x3FB2]  }
0x3d: {  	_ =	shalt  }
0x3e: {  	_ =	shalt  }
0x3f: {  	_ =	shalt  }
0x40: {  	_ =	shalt  }
0x41: {  	_ =	shalt  }
0x42: {  	_ =	shalt  }
0x43: {  	_ =	shalt  }
0x44: {  	_ =	shalt  }
0x45: {  	_ =	shalt  }
0x46: {  	_ =	shalt  }
0x47: {  	_ =	shalt  }
0x48: {  	_ =	shalt  }
0x49: {  	_ =	shalt  }
0x4a: {  	_ =	shalt  }
0x4b: {  	_ =	shalt  }
0x4c: {  	_ =	shalt  }
0x4d: {  	_ =	shalt  }
0x4e: {  	_ =	shalt  }
0x4f: {  	_ =	shalt  }
0x50: {  	_ =	shalt  }
0x51: {  	_ =	shalt  }
0x52: {  	_ =	shalt  }
0x53: {  	_ =	shalt  }
0x54: {  	_ =	shalt  }
0x55: {  	_ =	shalt  }
0x56: {  	_ =	shalt  }
0x57: {  	_ =	shalt  }
0x58: {  	_ =	shalt  }
0x59: {  	_ =	shalt  }
0x5a: {  	_ =	shalt  }
0x5b: {  	_ =	shalt  }
0x5c: {  	_ =	shalt  }
0x5d: {  	_ =	shalt  }
0x5e: {  	_ =	shalt  }
0x5f: {  	_ =	shalt  }
0x60: {  	_ =	shalt  }
0x61: {  	_ =	shalt  }
0x62: {  	_ =	shalt  }
0x63: {  	_ =	shalt  }
0x64: {  	_ =	shalt  }
0x65: {  	_ =	shalt  }
0x66: {  	_ =	shalt  }
0x67: {  	_ =	shalt  }
0x68: {  	_ =	shalt  }
0x69: {  	_ =	shalt  }
0x6a: {  	_ =	shalt  }
0x6b: {  	_ =	shalt  }
0x6c: {  	_ =	shalt  }
0x6d: {  	_ =	shalt  }
0x6e: {  	_ =	shalt  }
0x6f: {  	_ =	shalt  }
0x70: {  	_ =	shalt  }
0x71: {  	_ =	shalt  }
0x72: {  	_ =	shalt  }
0x73: {  	_ =	shalt  }
0x74: {  	_ =	shalt  }
0x75: {  	_ =	shalt  }
0x76: {  	_ =	shalt  }
0x77: {  	_ =	shalt  }
0x78: {  	_ =	shalt  }
0x79: {  	_ =	shalt  }
0x7a: {  	_ =	shalt  }
0x7b: {  	_ =	shalt  }
0x7c: {  	_ =	shalt  }
0x7d: {  	_ =	shalt  }
0x7e: {  	_ =	shalt  }
0x7f: {  	_ =	shalt  }
0x80: {  	_ =	shalt  }
0x81: {  	_ =	shalt  }
0x82: {  	_ =	shalt  }
0x83: {  	_ =	shalt  }
0x84: {  	_ =	shalt  }
0x85: {  	_ =	shalt  }
0x86: {  	_ =	shalt  }
0x87: {  	_ =	shalt  }
.Lfunc_end0:
.L_simem_size_0:
called_computation.4_lowered:
.L_overlay_start_0:
0x88: {  	s2 =	sld [smem:$0x3FD9]  }
0x89: {  	s3 =	sld [smem:$0x3FFE];
	_ =	sdelay $0x1  }
0x8a: {  	s1 =	srdreg.scid  }
0x8b: {  	s0 =	sand.u32 $0x1, s1  }
0x8c: {  	s14 =	sshll.u32 s0, $0xA;
	s2 =	sadd.s32 s3, s2  }
0x8d: {  	s2 =	sadd.s32 s2, s14  }
0x8e: {  	[smem:$0x3FBE] =	sst s2  }
0x8f: {  	_ = 	snop  }
0x90: {  	s2 =	sld [smem:$0x3FD0];
	_ =	sdelay $0x2  }
0x91: {  	s15 =	simm.s32 $0xB;
	s4 =	simm.s32 $0x10  }
0x92: {  	[smem:s4], [sflag:s15] =	dma.local [hbm:s2], $0x1  }
0x93: {  	_ =	swait.eq [sflag:s15], $0x1  }
0x94: {  	[sflag:s15] =	ssyncset.done $0x0  }
0x95: {  	[sflag:s15] =	ssyncadd.s32 $0xFFFFFFFF  }
0x96: {  	s16 =	sld [smem:$0x12];
	(tm) =	ssettm $0x1  }
0x97: {  	s17 =	sld [smem:$0x3FFB];
	_ =	sdelay $0x3  }
0x98: {  	_ =	strace s17  }
0x99: {  	s3 =	sld [smem:$0x3FFC];
	_ =	sdelay $0x3  }
0x9a: {  	_ =	strace s3  }
0x9b: {  	s3 =	sld [smem:$0x3FFD];
	_ =	sdelay $0x3  }
0x9c: {  	_ =	strace s3  }
0x9d: {  	_ =	strace $0x8FFFFFFF  }
0x9e: {  	s18 =	sld [smem:$0x3FDB];
	_ =	sdelay $0x1  }
0x9f: {  	s19 =	simm.s32 $_scs_section_size  }
0xa0: {  	s5 =	simm.s32 $_size__tile_overlayer_lowered;
	s6 =	simm.s32 $_tile_overlayer_lowered  }
0xa1: {  	s22 =	simm.s32 $0x1BFF;
	s21 =	sshll.u32 s6, $0x1;
	s3 =	sadd.s32 s19, s18  }
0xa2: {  	s7 =	simm.s32 $0x0;
	s20 =	sshll.u32 s5, $0x1;
	s5 =	sadd.s32 s21, s3  }
0xa3: {  	[timem:s7], [sflag:s22] =	dma.local [hbm:s5], s20  }
0xa4: {  	_ =	swait.ge [sflag:s22], s20  }
0xa5: {  	s4 =	ssub.s32 $0x0, s20;
	[sflag:s22] =	ssyncset.done $0x0  }
0xa6: {  	[sflag:s22] =	ssyncadd.s32 s4;
	_ =	sdelay $0x1  }
0xa7: {  	s23 =	simm.s32 $0x1B8B  }
0xa8: {  	_ =	swait.ge [sflag:s23], $0x1  }
0xa9: {  	[sflag:s23] =	ssyncset.done $0x0  }
0xaa: {  	s25 =	simm.s32 $0x1B8E;
	s24 =	sld [smem:$0x3FFE];
	[sflag:s23] =	ssyncadd.s32 $0xFFFFFFFF  }
0xab: {  	s26 =	simm.s32 $execute0_lowered;
	[smem:$0x3FD2] =	sst s25  }
0xac: {  	s5 =	sshll.u32 s26, $0x1;
	_ =	strace $0x8000004F;
	[dreg:$0x1] =	wrdreg $0xFFFFFFFF  }
0xad: {  	s28 =	simm.s32 $_size_execute0_lowered;
	s3 =	sadd.s32 s3, s5;
	[dreg:$0x0] =	wrdreg $0x0  }
0xae: {  	s5 =	sshll.u32 s28, $0x1;
	[dreg:$0x2] =	wrdreg s3  }
0xaf: {  	[dreg:$0x3] =	wrdreg s5  }
0xb0: {  	[dreg:$0x4] =	wrdreg $0xC0  }
0xb1: {  	_ =	task [dreg:s7], $0x5FFFF  }
0xb2: {  	[dreg:$0x1] =	wrdreg $0xFFFFFFFF  }
0xb3: {  	[dreg:$0x0] =	wrdreg $0x60  }
0xb4: {  	[dreg:$0x2] =	wrdreg s24  }
0xb5: {  	[dreg:$0x3] =	wrdreg s16  }
0xb6: {  	[dreg:$0x4] =	wrdreg $0x5D000  }
0xb7: {  	[dreg:$0x5] =	wrdreg $0xA  }
0xb8: {  	_ =	task.clear_ibuf [dreg:s7], $0x6FFFF;
	_ =	strace $0x9000004F  }
0xb9: {  	s29 =	simm.s32 $0xA;
	_ =	strace $0x80000051  }
0xba: {  	_ =	swait.ge [sflag:s29], $0x1  }
0xbb: {  	[sflag:s29] =	ssyncadd.s32 $0xFFFFFFFF  }
0xbc: {  	_ =	strace $0x90000051  }
0xbd: {  	_ =	sfence  }
0xbe: {  	s30 =	sld [smem:$0x0];
	_ =	sdelay $0x2  }
0xbf: {  	s31 =	sshll.u32 s1, $0xD;
	s1 =	sshrl.u32 s1, $0x2  }
0xc0: {  	s3 =	sand.u32 $0x4000, s31;
	s1 =	sadd.s32 s1, s30  }
0xc1: {  	s0 =	sor.u32 s3, s0;
	s1 =	sshll.u32 s1, $0x11  }
0xc2: {  	s0 =	sor.u32 s1, s0  }
0xc3: {  	s0 =	sadd.s32 $0x8F2B, s0  }
0xc4: {  	[sflag:s0] =	ssyncadd.remote.s32 $0x1  }
0xc5: {  	_ =	sfence.sel $0xFFFF  }
0xc6: {  	[dreg:$0x0] =	wrdreg $0xFFFFFFFF;
	(pc) =	sbr.abs _section_cstart, $3  }
0xc7: {  	[dreg:$0x1] =	wrdreg $0xFFFFFFFF  }
0xc8: {  	_ =	task.clear_ibuf [dreg:s7], $0x2FFFF;
	_ =	strace $0x9FFFFFFF  }
0xc9: {  	(tm) =	ssettm $0x7FFFFFFF  }
tec
execute0_lowered:
.L_overlay_start_1:
0x0: {  	(tag) =	ssettag $0x1  }
0x1: {  	s0 =	rddreg [dreg:$0x0]  }
0x2: {  	s16 =	rddreg [dreg:$0x1]  }
0x3: {  	s1 =	rddreg [dreg:$0x2];
	s2 =	simm.s32 $0x0;
	s6 =	srdreg.scid  }
0x4: {  	s3 =	stileid.u32;
	s18 =	simm.s32 $0x2C00;
	s19 =	simm.s32 $0x2  }
0x5: {  	s20 =	simm.s32 $0x3;
	s21 =	simm.s32 $0x400;
	s22 =	simm.s32 $0x800  }
0x6: {  	s23 =	simm.s32 $0x1;
	s24 =	simm.s32 $0x0;
	[smem:$0x7FF] =	sst s2  }
0x7: {  	s4 =	sadd.s32 $0x1A1E00, s0;
	s5 =	sadd.s32 $0x1B400, s0;
	s14 =	smul.u32 $0x1880, s3  }
0x8: {  	s6 =	sand.u32 $0x1, s6;
	s8 =	sshll.u32 s3, $0x1;
	s10 =	smul.u32 $0x31000, s3  }
0x9: {  	_ =	strace $0x80000050;
	s7 =	ssub.s32 $0x2, s6;
	s8 =	sor.u32 s6, s8  }
0xa: {  	s6 =	sadd.s32 $0x4F400, s0;
	s9 =	sshrl.u32 s7, $0x1;
	s28 =	sshrl.u32 s10, $0x2  }
0xb: {  	s10 =	sadd.s32 s16, s14;
	s29 =	sadd.s32 $0x620, s14;
	s15 =	sadd.s32 $0xC40, s14  }
0xc: {  	s17 =	sadd.s32 $0x1260, s14;
	s9 =	ssub.s32 s7, s9;
	s7 =	smul.u32 $0x34, s8  }
0xd: {  	s8 =	sadd.s32 $0x83200, s0;
	s11 =	sadd.s32 s28, s1;
	s12 =	sadd.s32 s16, s29  }
0xe: {  	s0 =	sshll.u32 s29, $0x3;
	s30 =	sshll.u32 s15, $0x3;
	s14 =	sadd.s32 s16, s15  }
0xf: {  	v0 =	vlaneseq.u32;
	s31 =	sshll.u32 s17, $0x3;
	s16 =	sadd.s32 s16, s17;
	s9 =	smax.u32 s9, $0x1  }
0x10: {  	v0 =	vmul.u32 $0x8, v0;
	s13 =	sadd.s32 s0, s1;
	s15 =	sadd.s32 s30, s1;
	s17 =	sadd.s32 s31, s1  }
.LBB2_1:
0x11: {  	[tilespmem:s18], [sflag:$0x2] =	stream.linear.gather [hbm4b:s10+s2], $0x3100, $0x38;
	[tilespmem:$0x12100] =	vst v63  }
0x12: {  	_ =	swait.ge [sflag:s19], $0x3100  }
0x13: {  	[sflag:s19] =	ssyncset.done $0x0  }
0x14: {  	[sflag:s19] =	ssyncadd.s32 $0xFFFFCF00  }
0x15: {  	[spmem:s11] =	stream.linear.scatter [tilespmem:s18], [sflag:$0x2], $0x3100, $0x38;
	[tilespmem:$0x12100] =	vst v63  }
0x16: {  	_ =	swait.ge [sflag:s19], $0x3100  }
0x17: {  	[sflag:s19] =	ssyncset.done $0x0  }
0x18: {  	[sflag:s19] =	ssyncadd.s32 $0xFFFFCF00  }
0x19: {  	[tilespmem:s18], [sflag:$0x2] =	stream.linear.gather [hbm4b:s12+s2], $0x3100, $0x38;
	[tilespmem:$0x12100] =	vst v63  }
0x1a: {  	_ =	swait.ge [sflag:s19], $0x3100  }
0x1b: {  	[sflag:s19] =	ssyncset.done $0x0  }
0x1c: {  	[sflag:s19] =	ssyncadd.s32 $0xFFFFCF00  }
0x1d: {  	[spmem:s13] =	stream.linear.scatter [tilespmem:s18], [sflag:$0x2], $0x3100, $0x38;
	[tilespmem:$0x12100] =	vst v63  }
0x1e: {  	_ =	swait.ge [sflag:s19], $0x3100  }
0x1f: {  	[sflag:s19] =	ssyncset.done $0x0  }
0x20: {  	[sflag:s19] =	ssyncadd.s32 $0xFFFFCF00  }
0x21: {  	[tilespmem:s18], [sflag:$0x2] =	stream.linear.gather [hbm4b:s14+s2], $0x3100, $0x38;
	[tilespmem:$0x12100] =	vst v63  }
0x22: {  	_ =	swait.ge [sflag:s19], $0x3100  }
0x23: {  	[sflag:s19] =	ssyncset.done $0x0  }
0x24: {  	[sflag:s19] =	ssyncadd.s32 $0xFFFFCF00  }
0x25: {  	[spmem:s15] =	stream.linear.scatter [tilespmem:s18], [sflag:$0x2], $0x3100, $0x38;
	[tilespmem:$0x12100] =	vst v63  }
0x26: {  	_ =	swait.ge [sflag:s19], $0x3100  }
0x27: {  	[sflag:s19] =	ssyncset.done $0x0  }
0x28: {  	[sflag:s19] =	ssyncadd.s32 $0xFFFFCF00  }
0x29: {  	[tilespmem:s18], [sflag:$0x2] =	stream.linear.gather [hbm4b:s16+s2], $0x3100, $0x38;
	[tilespmem:$0x12100] =	vst v63  }
0x2a: {  	_ =	swait.ge [sflag:s19], $0x3100  }
0x2b: {  	[sflag:s19] =	ssyncset.done $0x0  }
0x2c: {  	[sflag:s19] =	ssyncadd.s32 $0xFFFFCF00  }
0x2d: {  	[spmem:s17] =	stream.linear.scatter [tilespmem:s18], [sflag:$0x2], $0x3100, $0x38;
	[tilespmem:$0x12100] =	vst v63  }
0x2e: {  	_ =	swait.ge [sflag:s19], $0x3100  }
0x2f: {  	[sflag:s19] =	ssyncset.done $0x0  }
0x30: {  	[sflag:s19] =	ssyncadd.s32 $0xFFFFCF00  }
0x31: {  	s25 =	simm.s32 $0x0;
	[bflag:$0x0] =	sbarrier.arrive $0xFFFF  }
.LBB2_2:
0x32: {  	s28 =	sadd.s32 s7, s25  }
0x33: {  	s26 =	sshll.u32 s28, $0x7  }
0x34: {  	s29 =	simm.s32 $0x0;
	s0 =	sadd.s32 s4, s26  }
0x35: {  	[tilespmem:s29], [sflag:$0x3] =	stream.linear.gather [hbm4b:s0+s29], $0x400, $0x38;
	[tilespmem:$0x12100] =	vst v63  }
0x36: {  	_ =	swait.ge [sflag:s20], $0x400  }
0x37: {  	[sflag:s20] =	ssyncset.done $0x0  }
0x38: {  	s3 =	sadd.s32 s5, s26;
	[sflag:s20] =	ssyncadd.s32 $0xFFFFFC00  }
0x39: {  	[tilespmem:s21], [sflag:$0x3] =	stream.linear.gather [hbm4b:s3+s29], $0x400, $0x38;
	[tilespmem:$0x12100] =	vst v63  }
0x3a: {  	v1 =	vmov s29;
	_ =	swait.ge [sflag:s20], $0x400  }
0x3b: {  	v1 =	vshll.u32 v1, $0x3;
	[sflag:s20] =	ssyncset.done $0x0  }
0x3c: {  	v1 =	vor.u32 v0, v1;
	[sflag:s20] =	ssyncadd.s32 $0xFFFFFC00  }
0x3d: {  	[tilespmem:s22], [sflag:$0x1] =	stream.indirect.gather [spmem:s1], $0x8, s29, s21, $0xb8;
	[tilespmem:$0x12100] =	vst v63  }
0x3e: {  	_ =	swait.ge [sflag:s23], $0x2000  }
0x3f: {  	[sflag:s23] =	ssyncset.done $0x0  }
0x40: {  	[sflag:s23] =	ssyncadd.s32 $0xFFFFE000  }
0x41: {  	s29 =	simm.s32 $0x420;
	v1 =	vld.idx.msk [tilespmem:v1+s22+$0x0], $0xffff  }
0x42: {  	s3 =	simm.s32 $0x10;
	v2 =	vld [tilespmem:s29+$0xFFFFFFE0]  }
0x43: {  	v3 =	vmov s3  }
0x44: {  	v3 =	vshll.u32 v3, $0x3  }
0x45: {  	v3 =	vor.u32 v0, v3;
	_ =	sdelay $0x1  }
0x46: {  	v1 =	vmul.f32 v2, v1  }
0x47: {  	s30 =	simm.s32 $0x2820  }
0x48: {  	[tilespmem:s30+$0xFFFFFFE0] =	vst v1  }
0x49: {  	v1 =	vld.idx.msk [tilespmem:v3+s22+$0x0], $0xffff  }
0x4a: {  	s3 =	simm.s32 $0x20;
	v2 =	vld [tilespmem:s29+$0xFFFFFFF0]  }
0x4b: {  	v3 =	vmov s3  }
0x4c: {  	v3 =	vshll.u32 v3, $0x3  }
0x4d: {  	v3 =	vor.u32 v0, v3;
	_ =	sdelay $0x1  }
0x4e: {  	v1 =	vmul.f32 v2, v1;
	_ =	sdelay $0x1  }
0x4f: {  	[tilespmem:s30+$0xFFFFFFF0] =	vst v1  }
0x50: {  	v1 =	vld.idx.msk [tilespmem:v3+s22+$0x0], $0xffff  }
0x51: {  	s3 =	simm.s32 $0x30;
	v2 =	vld [tilespmem:s29+$0x0]  }
0x52: {  	v3 =	vmov s3  }
0x53: {  	v3 =	vshll.u32 v3, $0x3  }
0x54: {  	v3 =	vor.u32 v0, v3;
	_ =	sdelay $0x1  }
0x55: {  	v1 =	vmul.f32 v2, v1;
	_ =	sdelay $0x1  }
0x56: {  	[tilespmem:s30+$0x0] =	vst v1  }
0x57: {  	v1 =	vld.idx.msk [tilespmem:v3+s22+$0x0], $0xffff  }
0x58: {  	s31 =	simm.s32 $0x0;
	s0 =	simm.s32 $0x40;
	v2 =	vld [tilespmem:s29+$0x10]  }
.LBB2_3:
0x59: {  	v3 =	vmov s0;
	s31 =	sadd.s32 $0x4, s31  }
0x5a: {  	v3 =	vshll.u32 v3, $0x3;
	p0 =	slt.u32 s31, $0x3C  }
0x5b: {  	v3 =	vor.u32 v0, v3;
	_ =	sdelay $0x1  }
0x5c: {  	v1 =	vmul.f32 v2, v1;
	_ =	sdelay $0x1  }
0x5d: {  	[tilespmem:s30+$0x10] =	vst v1  }
0x5e: {  	s29 =	sadd.s32 $0x40, s29;
	v1 =	vld.idx.msk [tilespmem:v3+s22+$0x0], $0xffff  }
0x5f: {  	s3 =	sadd.s32 $0x10, s0;
	v2 =	vld [tilespmem:s29+$0xFFFFFFE0]  }
0x60: {  	v3 =	vmov s3  }
0x61: {  	v3 =	vshll.u32 v3, $0x3  }
0x62: {  	v3 =	vor.u32 v0, v3;
	_ =	sdelay $0x1  }
0x63: {  	v1 =	vmul.f32 v2, v1  }
0x64: {  	s30 =	sadd.s32 $0x40, s30  }
0x65: {  	[tilespmem:s30+$0xFFFFFFE0] =	vst v1  }
0x66: {  	v1 =	vld.idx.msk [tilespmem:v3+s22+$0x0], $0xffff  }
0x67: {  	s3 =	sadd.s32 $0x20, s0;
	v2 =	vld [tilespmem:s29+$0xFFFFFFF0]  }
0x68: {  	v3 =	vmov s3  }
0x69: {  	v3 =	vshll.u32 v3, $0x3  }
0x6a: {  	v3 =	vor.u32 v0, v3;
	_ =	sdelay $0x1  }
0x6b: {  	v1 =	vmul.f32 v2, v1;
	_ =	sdelay $0x1  }
0x6c: {  	[tilespmem:s30+$0xFFFFFFF0] =	vst v1  }
0x6d: {  	v1 =	vld.idx.msk [tilespmem:v3+s22+$0x0], $0xffff  }
0x6e: {  	s3 =	sadd.s32 $0x30, s0;
	v2 =	vld [tilespmem:s29+$0x0]  }
0x6f: {  	v3 =	vmov s3  }
0x70: {  	v3 =	vshll.u32 v3, $0x3  }
0x71: {  	v3 =	vor.u32 v0, v3;
	_ =	sdelay $0x1  }
.Ltmp0:
0x72: {  	v1 =	vmul.f32 v2, v1;
	(pc) =	sbr.rel @p0 .LBB2_3-.Ltmp0, $4  }
0x73: {  	_ = 	snop  }
0x74: {  	[tilespmem:s30+$0x0] =	vst v1  }
0x75: {  	v1 =	vld.idx.msk [tilespmem:v3+s22+$0x0], $0xffff  }
0x76: {  	s0 =	sadd.s32 $0x40, s0;
	v2 =	vld [tilespmem:s29+$0x10]  }
0x77: {  	_ =	sdelay $0x2  }
0x78: {  	p0 =	sgt.u32 s28, $0x67B  }
0x79: {  	p1 =	sne.s32 @p0 s28, $0x67C;
	v1 =	vmul.f32 v2, v1  }
0x7a: {  	p1 =	por p1, !p0  }
0x7b: {  	s0 =	simm.s32 @!p1 $0x0;
	s3 =	simm.s32 @!p1 $0x2800;
	[tilespmem:s30+$0x10] =	vst v1  }
0x7c: {  	[hbm4b:s8+s0] =	stream.linear.scatter @!p1 [tilespmem:s3], [sflag:$0x2], $0xA0, $0x38;
	[tilespmem:$0x12100] =	vst v63  }
0x7d: {  	s0 =	simm.s32 @!p1 $0x2  }
0x7e: {  	_ =	swait.ge @!p1 [sflag:s0], $0xA0  }
0x7f: {  	[sflag:s0] =	ssyncset.done @!p1 $0x0  }
0x80: {  	s25 =	sadd.s32 $0x1, s25;
	s3 =	simm.s32 @!p0 $0x0;
	[sflag:s0] =	ssyncadd.s32 @!p1 $0xFFFFFF60  }
0x81: {  	s0 =	sadd.s32 @!p0 s6, s26;
	s26 =	simm.s32 @!p0 $0x2800;
	p1 =	sne.s32 s25, $0x34  }
0x82: {  	[hbm4b:s0+s3] =	stream.linear.scatter @!p0 [tilespmem:s26], [sflag:$0x3], $0x400, $0x38;
	[tilespmem:$0x12100] =	vst v63  }
.Ltmp1:
0x83: {  	_ = 	snop;
	(pc) =	sbr.rel @p1 .LBB2_2-.Ltmp1, $4  }
0x84: {  	s0 =	simm.s32 @!p0 $0x3  }
0x85: {  	_ =	swait.ge @!p0 [sflag:s0], $0x400  }
0x86: {  	[sflag:s0] =	ssyncset.done @!p0 $0x0  }
0x87: {  	[sflag:s0] =	ssyncadd.s32 @!p0 $0xFFFFFC00  }
0x88: {  	s24 =	sadd.s32 $0x1, s24  }
0x89: {  	p0 =	sne.s32 s24, s9  }
.Ltmp2:
0x8a: {  	_ = 	snop;
	(pc) =	sbr.rel @p0 .LBB2_1-.Ltmp2, $1  }
0x8b: {  	_ =	sdelay $0x3  }
0x8c: {  	_ =	sfence.sel $0x180000  }
0x8d: {  	[bflag:$0x0] =	sbarrier.arrive $0xFFFF  }
0x8e: {  	_ =	strace $0x90000050  }
0x8f: {  	s0 =	stileid.u32;
	[bflag:$0x2] =	sbarrier.arrive $0xFFFF  }
0x90: {  	p0 =	sne.s32 s0, $0x0;
	s0 =	rddreg [dreg:$0x3]  }
0x91: {  	s0 =	sadd.s32 @!p0 $0x100000, s0  }
0x92: {  	[sflag:s0] =	ssyncadd.tile.s32 @!p0 $0x1;
	_ =	shalt  }
.Lfunc_end2:
_tile_overlayer_lowered:
.L_overlay_start_2:
0x93: {  	(tag) =	ssettag $0x2  }
0x94: {  	s0 =	rddreg [dreg:$0x0];
	s2 =	stileid.u32  }
0x95: {  	s1 =	rddreg [dreg:$0x1];
	p0 =	sne.s32 s2, $0x0  }
0x96: {  	s3 =	rddreg [dreg:$0x2];
	[bflag:$0x3] =	sbarrier.arrive $0xFFFF;
	s2 =	simm.s32 @!p0 $0x1C02  }
0x97: {  	[timem:s3], [sflag:s2] =	dma.local @!p0 [hbm:s0], s1  }
0x98: {  	s0 =	simm.s32 @!p0 $0x2  }
0x99: {  	_ =	swait.ge @!p0 [sflag:s0], s1  }
0x9a: {  	s1 =	ssub.s32 @!p0 $0x0, s1;
	[sflag:s0] =	ssyncset.done @!p0 $0x0  }
0x9b: {  	[sflag:s0] =	ssyncadd.s32 @!p0 s1  }
0x9c: {  	[bflag:$0x3] =	sbarrier.arrive $0xFFFF  }
0x9d: {  	_ =	shalt  }

// kernel: sparse-core-data-format-call.cloned.1.call-start
scs
called_computation_lowered:
.L_overlay_start_0:
0x0: {  	s2 =	sld [smem:$0x3FD9]  }
0x1: {  	s3 =	sld [smem:$0x3FFE];
	_ =	sdelay $0x1  }
0x2: {  	s1 =	srdreg.scid  }
0x3: {  	s0 =	sand.u32 $0x1, s1  }
0x4: {  	s16 =	sshll.u32 s0, $0xA;
	s2 =	sadd.s32 s3, s2  }
0x5: {  	s2 =	sadd.s32 s2, s16  }
0x6: {  	[smem:$0x3FBE] =	sst s2  }
0x7: {  	_ = 	snop  }
0x8: {  	s2 =	sld [smem:$0x3FD0];
	_ =	sdelay $0x2  }
0x9: {  	s17 =	simm.s32 $0xB;
	s4 =	simm.s32 $0x10  }
0xa: {  	[smem:s4], [sflag:s17] =	dma.local [hbm:s2], $0x1  }
0xb: {  	_ =	swait.eq [sflag:s17], $0x1  }
0xc: {  	[sflag:s17] =	ssyncset.done $0x0  }
0xd: {  	[sflag:s17] =	ssyncadd.s32 $0xFFFFFFFF  }
0xe: {  	s18 =	sld [smem:$0x11];
	(tm) =	ssettm $0x1  }
0xf: {  	s19 =	sld [smem:$0x3FFB];
	_ =	sdelay $0x3  }
0x10: {  	_ =	strace s19  }
0x11: {  	s2 =	sld [smem:$0x3FFC];
	_ =	sdelay $0x3  }
0x12: {  	_ =	strace s2  }
0x13: {  	s2 =	sld [smem:$0x3FFD];
	_ =	sdelay $0x3  }
0x14: {  	_ =	strace s2  }
0x15: {  	_ =	strace $0x8FFFFFFF  }
0x16: {  	s20 =	sld [smem:$0x3FDB];
	_ =	sdelay $0x1  }
0x17: {  	s21 =	simm.s32 $_scs_section_size  }
0x18: {  	s5 =	simm.s32 $_size__tile_overlayer_lowered;
	s6 =	simm.s32 $_tile_overlayer_lowered  }
0x19: {  	s7 =	simm.s32 $0x1BFF;
	s22 =	sshll.u32 s6, $0x1;
	s4 =	sadd.s32 s21, s20  }
0x1a: {  	s23 =	simm.s32 $0x0;
	s5 =	sshll.u32 s5, $0x1;
	s6 =	sadd.s32 s22, s4  }
0x1b: {  	[timem:s23], [sflag:s7] =	dma.local [hbm:s6], s5  }
0x1c: {  	_ =	swait.ge [sflag:s7], s5  }
0x1d: {  	s5 =	ssub.s32 $0x0, s5;
	[sflag:s7] =	ssyncset.done $0x0  }
0x1e: {  	[sflag:s7] =	ssyncadd.s32 s5;
	_ =	sdelay $0x1  }
0x1f: {  	s24 =	simm.s32 $0x1B8B  }
0x20: {  	_ =	swait.ge [sflag:s24], $0x1  }
0x21: {  	[sflag:s24] =	ssyncset.done $0x0  }
0x22: {  	[sflag:s24] =	ssyncadd.s32 $0xFFFFFFFF  }
0x23: {  	s5 =	sld [smem:$0x0]  }
0x24: {  	s6 =	sand.u32 $0xFFFFFFFE, s1  }
0x25: {  	p0 =	sne.s32 s1, s6  }
0x26: {  	s6 =	sshll.u32 @p0 s6, $0xE  }
0x27: {  	s6 =	sadd.s32 @p0 $0x11B8D, s6;
	s7 =	sshll.u32 @p0 s5, $0x11  }
0x28: {  	s6 =	sor.u32 @p0 s7, s6  }
0x29: {  	[sflag:s6] =	ssyncadd.remote.s32 @p0 $0x1;
	_ =	sdelay $0x1  }
0x2a: {  	s6 =	simm.s32 @p0 $0x1B8D  }
0x2b: {  	_ =	swait.eq @p0 [sflag:s6], $0x1  }
0x2c: {  	[sflag:s6] =	ssyncadd.s32 @p0 $0xFFFFFFFF  }
0x2d: {  	s7 =	sshll.u32 @!p0 s1, $0xE  }
0x2e: {  	s7 =	sor.u32 @!p0 $0x4000, s7;
	s6 =	simm.s32 @!p0 $0x1B8D  }
0x2f: {  	s5 =	sshll.u32 @!p0 s5, $0x11;
	s7 =	sadd.s32 @!p0 $0x11B8D, s7;
	_ =	swait.eq @!p0 [sflag:s6], $0x1  }
0x30: {  	s5 =	sor.u32 @!p0 s5, s7;
	[sflag:s6] =	ssyncadd.s32 @!p0 $0xFFFFFFFF  }
0x31: {  	s26 =	simm.s32 $0x1B8E;
	s25 =	sld [smem:$0x3FFE];
	[sflag:s5] =	ssyncadd.remote.s32 @!p0 $0x1  }
0x32: {  	s27 =	simm.s32 $execute0_lowered;
	[smem:$0x3FD2] =	sst s26  }
0x33: {  	s6 =	sshll.u32 s27, $0x1;
	_ =	strace $0x80000052;
	[dreg:$0x1] =	wrdreg $0xFFFFFFFF  }
0x34: {  	s28 =	simm.s32 $_size_execute0_lowered;
	s4 =	sadd.s32 s4, s6;
	[dreg:$0x0] =	wrdreg $0x0  }
0x35: {  	s6 =	sshll.u32 s28, $0x1;
	[dreg:$0x2] =	wrdreg s4  }
0x36: {  	[dreg:$0x3] =	wrdreg s6  }
0x37: {  	[dreg:$0x4] =	wrdreg $0xC0  }
0x38: {  	_ =	task [dreg:s23], $0x5FFFF  }
0x39: {  	[dreg:$0x1] =	wrdreg $0xFFFFFFFF  }
0x3a: {  	[dreg:$0x0] =	wrdreg $0x60  }
0x3b: {  	[dreg:$0x2] =	wrdreg s25  }
0x3c: {  	[dreg:$0x3] =	wrdreg s18  }
0x3d: {  	[dreg:$0x4] =	wrdreg $0x9  }
0x3e: {  	_ =	task.clear_ibuf [dreg:s23], $0x5FFFF;
	_ =	strace $0x90000052  }
0x3f: {  	s29 =	simm.s32 $0x9;
	_ =	strace $0x80000054  }
0x40: {  	_ =	swait.ge [sflag:s29], $0x1  }
0x41: {  	[sflag:s29] =	ssyncadd.s32 $0xFFFFFFFF  }
0x42: {  	_ =	strace $0x90000054  }
0x43: {  	_ =	sfence  }
0x44: {  	s30 =	sld [smem:$0x0];
	_ =	sdelay $0x2  }
0x45: {  	s31 =	sshll.u32 s1, $0xD;
	s1 =	sshrl.u32 s1, $0x2  }
0x46: {  	s4 =	sand.u32 $0x4000, s31;
	s1 =	sadd.s32 s1, s30  }
0x47: {  	s0 =	sor.u32 s4, s0;
	s1 =	sshll.u32 s1, $0x11  }
0x48: {  	s0 =	sor.u32 s1, s0  }
0x49: {  	s0 =	sadd.s32 $0x8F2B, s0  }
0x4a: {  	[sflag:s0] =	ssyncadd.remote.s32 $0x1  }
0x4b: {  	_ =	sfence.sel $0xFFFF  }
0x4c: {  	[dreg:$0x0] =	wrdreg $0xFFFFFFFF;
	(pc) =	sbr.abs _section_cstart, $3  }
0x4d: {  	[dreg:$0x1] =	wrdreg $0xFFFFFFFF  }
0x4e: {  	_ =	task.clear_ibuf [dreg:s23], $0x2FFFF;
	_ =	strace $0x9FFFFFFF  }
0x4f: {  	(tm) =	ssettm $0x7FFFFFFF  }
tec
execute0_lowered:
.L_overlay_start_1:
0x0: {  	(tag) =	ssettag $0x1  }
0x1: {  	s0 =	srdreg.scid;
	s6 =	rddreg [dreg:$0x0]  }
0x2: {  	s2 =	rddreg [dreg:$0x1];
	s4 =	simm.s32 $0x1;
	s1 =	sshll.u32 s0, $0x4  }
0x3: {  	s7 =	simm.s32 $0x2;
	s0 =	stileid.u32;
	s1 =	sand.u32 $0x10, s1  }
.Ltmp0:
0x4: {  	s10 =	simm.s32 $0x0;
	s3 =	sor.u32 s0, s1;
	(pc) =	sbr.rel .LBB1_1-.Ltmp0, $4  }
0x5: {  	p0 =	por $0x0, $0x0;
	s9 =	simm.s32 $0x0;
	s3 =	sshll.u32 s3, $0x7  }
0x6: {  	s1 =	rddreg [dreg:$0x2];
	_ =	strace $0x80000053;
	s5 =	ssub.s32 $0x19F080, s3  }
0x7: {  	s6 =	sadd.s32 $0x7F5E00, s6;
	[sflag:s4] =	ssyncpa.u1 $0x0;
	s5 =	sshrl.u32 s5, $0xC  }
0x8: {  	[sflag:s7] =	ssyncpa.u1 $0x0;
	s8 =	smov.u32 s3;
	s7 =	sadd.s32 $0x2, s5  }
.LBB1_5:
0x9: {  	s12 =	sadd.s32 $0x1000, s8  }
0xa: {  	p2 =	sgt.s32 s12, $0x19F09F  }
0xb: {  	s12 =	smov.u32 @p2 s3;
	p2 =	sne.s32 s9, s7  }
.Ltmp1:
0xc: {  	p1 =	slt.u32 s9, $0x2;
	(pc) =	sbr.rel @!p2 .LBB1_6-.Ltmp1, $4  }
0xd: {  	s11 =	simm.s32 @!p1 $0x2  }
0xe: {  	s13 =	sadd.s32 $0x1, s9;
	_ =	swait.ge @!p1 [sflag:s11], $0x400  }
0xf: {  	s10 =	smov.u32 s8;
	p0 =	por !p0, !p0;
	[sflag:s11] =	ssyncset.done @!p1 $0x0  }
0x10: {  	s9 =	smov.u32 s13;
	s8 =	smov.u32 s12;
	[sflag:s11] =	ssyncadd.s32 @!p1 $0xFFFFFC00  }
.LBB1_1:
0x11: {  	p1 =	sgt.u32 s9, s5  }
0x12: {  	s12 =	smov.u32 s8;
	p2 =	sgt.s32 @!p1 s8, $0x19F020  }
0x13: {  	s11 =	sand.u32 @!p1 $0x1FFFFFF, s8;
	s13 =	sshra.s32 @!p1 s8, $0x1F;
	p2 =	por !p2, p1  }
0x14: {  	s14 =	smulhi.u32 @!p1 $0x9DE739, s11;
	s13 =	sand.u32 @!p1 s13, s8;
	s12 =	simm.s32 @p2 $0x19F020  }
0x15: {  	s12 =	ssub.s32 @!p1 s12, s13  }
0x16: {  	s13 =	sshrl.u32 @!p1 s14, $0xC;
	s12 =	sadd.s32 @!p1 $0xFFE60FE0, s12  }
0x17: {  	s14 =	sxor.u32 @!p1 $0xFFFFFFFF, s9;
	s13 =	smul.u32 @!p1 $0x19F0A0, s13;
	s15 =	sshll.u32 @!p1 s12, $0x5  }
0x18: {  	s14 =	sshll.u32 @!p1 s14, $0xA;
	p2 =	sgt.s32 @!p1 s12, $0x7F;
	s12 =	ssub.s32 @!p1 $0x1000, s15  }
0x19: {  	s11 =	ssub.s32 @!p1 s11, s13;
	p2 =	por !p2, p1;
	s13 =	sand.u32 @!p1 $0x400, s14  }
0x1a: {  	s14 =	simm.s32 @!p1 $0x8;
	s12 =	sshrl.u32 @!p1 s12, $0x2;
	s11 =	sshll.u32 @!p1 s11, $0x4  }
0x1b: {  	s15 =	simm.s32 @!p1 $0x80;
	s12 =	simm.s32 @!p2 $0x0;
	s11 =	sadd.s32 @!p1 s6, s11  }
0x1c: {  	[tilespmem:s13], [sflag:$0x1] =	stream.strided.gather @!p1 [hbm4b:s11+s14], s12, s15, s14, $0x38;
	[tilespmem:$0x1010] =	vst v63  }
0x1d: {  	p1 =	seq.s32 s9, $0x0  }
0x1e: {  	p2 =	sge.u32 @!p1 s9, s7  }
0x1f: {  	p1 =	por p1, p2  }
.Ltmp2:
0x20: {  	_ = 	snop;
	(pc) =	sbr.rel @p1 .LBB1_5-.Ltmp2, $1  }
0x21: {  	_ =	sdelay $0x3  }
0x22: {  	p1 =	sgt.s32 s10, $0x19F020;
	s11 =	smov.u32 s10;
	s12 =	sshra.s32 s10, $0x1F  }
0x23: {  	s11 =	simm.s32 @!p1 $0x19F020;
	s12 =	sand.u32 s12, s10  }
0x24: {  	s11 =	ssub.s32 s11, s12  }
0x25: {  	s11 =	sadd.s32 $0xFFE60FE0, s11  }
0x26: {  	s30 =	sshll.u32 s11, $0x5  }
0x27: {  	s12 =	ssub.s32 $0x1000, s30  }
0x28: {  	p1 =	sgt.s32 s11, $0x7F;
	s11 =	sshrl.u32 s12, $0x2  }
0x29: {  	s12 =	simm.s32 $0x1;
	s11 =	simm.s32 @p1 $0x0  }
0x2a: {  	s12 =	simm.s32 @!p0 $0x0;
	_ =	swait.ge [sflag:s4], s11  }
0x2b: {  	s13 =	sshll.u32 s12, $0xA;
	s11 =	ssub.s32 $0x0, s11;
	[sflag:s4] =	ssyncset.done $0x0  }
0x2c: {  	s20 =	sor.u32 $0x20, s13;
	[sflag:s4] =	ssyncadd.s32 s11  }
0x2d: {  	v0 =	vld.msk [tilespmem:s20+$0xFFFFFFE0], $0xff  }
0x2e: {  	s31 =	smul.u32 $0x1020, s12;
	_ =	sdelay $0x1  }
0x2f: {  	s11 =	sshrl.u32 s31, $0x2  }
0x30: {  	s11 =	sor.u32 $0x807, s11  }
0x31: {  	[tilespmem:s11+$0xFFFFFFF9 ss:$0x81] =	vst.msk $0xff, v0  }
0x32: {  	v0 =	vld.msk [tilespmem:s20+$0xFFFFFFE8], $0xff  }
0x33: {  	s14 =	sadd.s32 $0x40, s20  }
0x34: {  	v1 =	vld.msk [tilespmem:s14+$0xFFFFFFE0], $0xff;
	_ =	sdelay $0x2  }
0x35: {  	[tilespmem:s11+$0xFFFFFFFA ss:$0x81] =	vst.msk $0xff, v0  }
0x36: {  	s12 =	sadd.s32 $0x8, s11;
	v0 =	vld.msk [tilespmem:s20+$0xFFFFFFF0], $0xff  }
0x37: {  	[tilespmem:s12+$0xFFFFFFF9 ss:$0x81] =	vst.msk $0xff, v1  }
0x38: {  	v1 =	vld.msk [tilespmem:s14+$0xFFFFFFE8], $0xff  }
0x39: {  	s15 =	sadd.s32 $0x40, s14  }
0x3a: {  	v2 =	vld.msk [tilespmem:s15+$0xFFFFFFE0], $0xff  }
0x3b: {  	[tilespmem:s11+$0xFFFFFFFB ss:$0x81] =	vst.msk $0xff, v0  }
0x3c: {  	v0 =	vld.msk [tilespmem:s20+$0xFFFFFFF8], $0xff  }
0x3d: {  	[tilespmem:s12+$0xFFFFFFFA ss:$0x81] =	vst.msk $0xff, v1  }
0x3e: {  	s13 =	sadd.s32 $0x8, s12;
	v1 =	vld.msk [tilespmem:s14+$0xFFFFFFF0], $0xff  }
0x3f: {  	[tilespmem:s13+$0xFFFFFFF9 ss:$0x81] =	vst.msk $0xff, v2  }
0x40: {  	s17 =	sadd.s32 $0x40, s15;
	v2 =	vld.msk [tilespmem:s15+$0xFFFFFFE8], $0xff  }
0x41: {  	[tilespmem:s11+$0xFFFFFFFC ss:$0x81] =	vst.msk $0xff, v0;
	v0 =	vld.msk [tilespmem:s17+$0xFFFFFFE0], $0xff  }
0x42: {  	v3 =	vld.msk [tilespmem:s20+$0x0], $0xff  }
0x43: {  	[tilespmem:s12+$0xFFFFFFFB ss:$0x81] =	vst.msk $0xff, v1  }
0x44: {  	v1 =	vld.msk [tilespmem:s14+$0xFFFFFFF8], $0xff  }
0x45: {  	s16 =	sadd.s32 $0x8, s13;
	[tilespmem:s13+$0xFFFFFFFA ss:$0x81] =	vst.msk $0xff, v2  }
0x46: {  	v2 =	vld.msk [tilespmem:s15+$0xFFFFFFF0], $0xff;
	[tilespmem:s16+$0xFFFFFFF9 ss:$0x81] =	vst.msk $0xff, v0  }
0x47: {  	v0 =	vld.msk [tilespmem:s17+$0xFFFFFFE8], $0xff;
	[tilespmem:s11+$0xFFFFFFFD ss:$0x81] =	vst.msk $0xff, v3  }
0x48: {  	s19 =	sadd.s32 $0x40, s17;
	v3 =	vld.msk [tilespmem:s20+$0x8], $0xff  }
0x49: {  	[tilespmem:s12+$0xFFFFFFFC ss:$0x81] =	vst.msk $0xff, v1;
	v1 =	vld.msk [tilespmem:s19+$0xFFFFFFE0], $0xff  }
0x4a: {  	v4 =	vld.msk [tilespmem:s14+$0x0], $0xff  }
0x4b: {  	[tilespmem:s13+$0xFFFFFFFB ss:$0x81] =	vst.msk $0xff, v2  }
0x4c: {  	v2 =	vld.msk [tilespmem:s15+$0xFFFFFFF8], $0xff;
	[tilespmem:s16+$0xFFFFFFFA ss:$0x81] =	vst.msk $0xff, v0  }
0x4d: {  	s18 =	sadd.s32 $0x8, s16;
	v0 =	vld.msk [tilespmem:s17+$0xFFFFFFF0], $0xff;
	[tilespmem:s11+$0xFFFFFFFE ss:$0x81] =	vst.msk $0xff, v3  }
0x4e: {  	[tilespmem:s18+$0xFFFFFFF9 ss:$0x81] =	vst.msk $0xff, v1;
	v1 =	vld.msk [tilespmem:s20+$0x10], $0xff  }
0x4f: {  	[tilespmem:s12+$0xFFFFFFFD ss:$0x81] =	vst.msk $0xff, v4;
	v3 =	vld.msk [tilespmem:s19+$0xFFFFFFE8], $0xff  }
0x50: {  	s21 =	sadd.s32 $0x40, s19;
	v4 =	vld.msk [tilespmem:s14+$0x8], $0xff  }
0x51: {  	[tilespmem:s13+$0xFFFFFFFC ss:$0x81] =	vst.msk $0xff, v2;
	v2 =	vld.msk [tilespmem:s21+$0xFFFFFFE0], $0xff  }
0x52: {  	v5 =	vld.msk [tilespmem:s15+$0x0], $0xff;
	[tilespmem:s16+$0xFFFFFFFB ss:$0x81] =	vst.msk $0xff, v0  }
0x53: {  	v6 =	vld.msk [tilespmem:s17+$0xFFFFFFF8], $0xff;
	[tilespmem:s11+$0xFFFFFFFF ss:$0x81] =	vst.msk $0xff, v1  }
0x54: {  	s22 =	sand.u32 $0x1, s9;
	[tilespmem:s18+$0xFFFFFFFA ss:$0x81] =	vst.msk $0xff, v3;
	v0 =	vld.msk [tilespmem:s20+$0x18], $0xff  }
0x55: {  	s22 =	smul.u32 $0x1020, s22;
	[tilespmem:s12+$0xFFFFFFFE ss:$0x81] =	vst.msk $0xff, v4;
	v3 =	vld.msk [tilespmem:s19+$0xFFFFFFF0], $0xff;
	s20 =	sadd.s32 $0x8, s18  }
0x56: {  	v1 =	vld.msk [tilespmem:s14+$0x10], $0xff;
	[tilespmem:s20+$0xFFFFFFF9 ss:$0x81] =	vst.msk $0xff, v2  }
0x57: {  	s22 =	sshrl.u32 s22, $0x2;
	[tilespmem:s13+$0xFFFFFFFD ss:$0x81] =	vst.msk $0xff, v5;
	v4 =	vld.msk [tilespmem:s21+$0xFFFFFFE8], $0xff  }
0x58: {  	s23 =	simm.s32 $0x28;
	s22 =	sor.u32 $0x800, s22;
	s24 =	sadd.s32 $0x40, s21;
	v2 =	vld.msk [tilespmem:s15+$0x8], $0xff;
	[tilespmem:s16+$0xFFFFFFFC ss:$0x81] =	vst.msk $0xff, v6  }
.LBB1_3:
0x59: {  	v5 =	vld.msk [tilespmem:s24+$0xFFFFFFE0], $0xff;
	[tilespmem:s11+$0x0 ss:$0x81] =	vst.msk $0xff, v0;
	s11 =	smov.u32 s12;
	s12 =	smov.u32 s13;
	s13 =	smov.u32 s16  }
0x5a: {  	s23 =	sadd.s32 $0x8, s23;
	s16 =	smov.u32 s18;
	[tilespmem:s18+$0xFFFFFFFB ss:$0x81] =	vst.msk $0xff, v3;
	v6 =	vld.msk [tilespmem:s17+$0x0], $0xff;
	s18 =	smov.u32 s20  }
0x5b: {  	p1 =	slt.u32 s23, $0x78;
	v7 =	vld.msk [tilespmem:s19+$0xFFFFFFF8], $0xff;
	[tilespmem:s11+$0xFFFFFFFF ss:$0x81] =	vst.msk $0xff, v1  }
.Ltmp3:
0x5c: {  	[tilespmem:s20+$0xFFFFFFFA ss:$0x81] =	vst.msk $0xff, v4;
	v0 =	vld.msk [tilespmem:s14+$0x18], $0xff;
	s14 =	smov.u32 s15;
	s15 =	smov.u32 s17;
	(pc) =	sbr.rel @p1 .LBB1_3-.Ltmp3, $4  }
0x5d: {  	s20 =	sadd.s32 $0x8, s20;
	s17 =	smov.u32 s19;
	s19 =	smov.u32 s21;
	v3 =	vld.msk [tilespmem:s21+$0xFFFFFFF0], $0xff;
	[tilespmem:s12+$0xFFFFFFFE ss:$0x81] =	vst.msk $0xff, v2  }
0x5e: {  	s21 =	smov.u32 s24;
	[tilespmem:s20+$0xFFFFFFF9 ss:$0x81] =	vst.msk $0xff, v5;
	v1 =	vld.msk [tilespmem:s14+$0x10], $0xff  }
0x5f: {  	v4 =	vld.msk [tilespmem:s24+$0xFFFFFFE8], $0xff;
	[tilespmem:s13+$0xFFFFFFFD ss:$0x81] =	vst.msk $0xff, v6  }
0x60: {  	s24 =	sadd.s32 $0x40, s24;
	[tilespmem:s16+$0xFFFFFFFC ss:$0x81] =	vst.msk $0xff, v7;
	v2 =	vld.msk [tilespmem:s15+$0x8], $0xff  }
0x61: {  	_ =	sdelay $0x2  }
0x62: {  	[tilespmem:s20+$0xFFFFFFFA ss:$0x81] =	vst.msk $0xff, v4  }
0x63: {  	v4 =	vld.msk [tilespmem:s21+$0xFFFFFFF0], $0xff;
	_ =	sdelay $0x3  }
0x64: {  	[tilespmem:s18+$0xFFFFFFFB ss:$0x81] =	vst.msk $0xff, v3  }
0x65: {  	v3 =	vld.msk [tilespmem:s19+$0xFFFFFFF8], $0xff;
	[tilespmem:s20+$0xFFFFFFFB ss:$0x81] =	vst.msk $0xff, v4  }
0x66: {  	v4 =	vld.msk [tilespmem:s21+$0xFFFFFFF8], $0xff;
	_ =	sdelay $0x3  }
0x67: {  	v5 =	vld.msk [tilespmem:s17+$0x0], $0xff;
	[tilespmem:s18+$0xFFFFFFFC ss:$0x81] =	vst.msk $0xff, v3  }
0x68: {  	v3 =	vld.msk [tilespmem:s19+$0x0], $0xff;
	[tilespmem:s20+$0xFFFFFFFC ss:$0x81] =	vst.msk $0xff, v4  }
0x69: {  	v4 =	vld.msk [tilespmem:s21+$0x0], $0xff;
	_ =	sdelay $0x2  }
0x6a: {  	[tilespmem:s16+$0xFFFFFFFD ss:$0x81] =	vst.msk $0xff, v5  }
0x6b: {  	v5 =	vld.msk [tilespmem:s17+$0x8], $0xff;
	[tilespmem:s18+$0xFFFFFFFD ss:$0x81] =	vst.msk $0xff, v3  }
0x6c: {  	v3 =	vld.msk [tilespmem:s19+$0x8], $0xff;
	[tilespmem:s20+$0xFFFFFFFD ss:$0x81] =	vst.msk $0xff, v4  }
0x6d: {  	v4 =	vld.msk [tilespmem:s21+$0x8], $0xff;
	_ =	sdelay $0x1  }
0x6e: {  	[tilespmem:s13+$0xFFFFFFFE ss:$0x81] =	vst.msk $0xff, v2  }
0x6f: {  	v2 =	vld.msk [tilespmem:s15+$0x10], $0xff;
	[tilespmem:s16+$0xFFFFFFFE ss:$0x81] =	vst.msk $0xff, v5  }
0x70: {  	v5 =	vld.msk [tilespmem:s17+$0x10], $0xff;
	[tilespmem:s18+$0xFFFFFFFE ss:$0x81] =	vst.msk $0xff, v3  }
0x71: {  	v3 =	vld.msk [tilespmem:s19+$0x10], $0xff;
	[tilespmem:s20+$0xFFFFFFFE ss:$0x81] =	vst.msk $0xff, v4  }
0x72: {  	s23 =	sshll.u32 s10, $0x3;
	v4 =	vld.msk [tilespmem:s21+$0x10], $0xff  }
0x73: {  	s23 =	sand.u32 $0xFFFFFC00, s23;
	[tilespmem:s12+$0xFFFFFFFF ss:$0x81] =	vst.msk $0xff, v1  }
0x74: {  	s27 =	sshrl.u32 s23, $0x8;
	v1 =	vld.msk [tilespmem:s14+$0x18], $0xff;
	[tilespmem:s13+$0xFFFFFFFF ss:$0x81] =	vst.msk $0xff, v2  }
0x75: {  	s14 =	smulhi.u32 $0x9DE4F1, s27;
	v2 =	vld.msk [tilespmem:s15+$0x18], $0xff;
	[tilespmem:s16+$0xFFFFFFFF ss:$0x81] =	vst.msk $0xff, v5  }
0x76: {  	v61 =	vld.msk [tilespmem:s17+$0x18], $0xff;
	[tilespmem:s18+$0xFFFFFFFF ss:$0x81] =	vst.msk $0xff, v3  }
0x77: {  	s14 =	sshrl.u32 s14, $0x4;
	v62 =	vld.msk [tilespmem:s19+$0x18], $0xff;
	[tilespmem:s20+$0xFFFFFFFF ss:$0x81] =	vst.msk $0xff, v4  }
0x78: {  	[tilespmem:s11+$0x0 ss:$0x81] =	vst.msk $0xff, v0;
	s28 =	sand.u32 $0x7F, s10;
	s29 =	smul.u32 $0x19F100, s14;
	v63 =	vld.msk [tilespmem:s21+$0x18], $0xff  }
0x79: {  	s10 =	sor.u32 s28, s23;
	[tilespmem:s12+$0x0 ss:$0x81] =	vst.msk $0xff, v1  }
.Ltmp4:
0x7a: {  	s30 =	sand.u32 $0x7, s14;
	s10 =	ssub.s32 s10, s29;
	[tilespmem:s13+$0x0 ss:$0x81] =	vst.msk $0xff, v2;
	(pc) =	sbr.rel .LBB1_5-.Ltmp4, $4  }
0x7b: {  	s11 =	smul.u32 $0x33E20, s30;
	s31 =	sshrl.u32 s10, $0x3;
	[tilespmem:s16+$0x0 ss:$0x81] =	vst.msk $0xff, v61  }
0x7c: {  	s12 =	sadd.s32 s2, s31;
	[tilespmem:s18+$0x0 ss:$0x81] =	vst.msk $0xff, v62  }
0x7d: {  	s10 =	sand.u32 $0x7, s10;
	s11 =	sadd.s32 s11, s12;
	[tilespmem:s20+$0x0 ss:$0x81] =	vst.msk $0xff, v63  }
0x7e: {  	[hbm4b:s11+s10] =	stream.linear.scatter [tilespmem:s22], [sflag:$0x2], $0x400, $0x20;
	[tilespmem:$0x1010] =	vst v63  }
.LBB1_6:
0x7f: {  	_ =	sfence.sel $0x180000  }
0x80: {  	s2 =	simm.s32 $0x1;
	[bflag:$0x0] =	sbarrier.arrive $0xFFFF  }
0x81: {  	s31 =	simm.s32 $0x2;
	[sflag:s2] =	ssyncpa.u1 $0x1  }
0x82: {  	[sflag:s31] =	ssyncpa.u1 $0x1  }
0x83: {  	p0 =	sne.s32 s0, $0x0;
	_ =	strace $0x90000053  }
0x84: {  	s0 =	sadd.s32 @!p0 $0x100000, s1;
	[bflag:$0x2] =	sbarrier.arrive $0xFFFF  }
0x85: {  	[sflag:s0] =	ssyncadd.tile.s32 @!p0 $0x1;
	_ =	shalt  }
.Lfunc_end1:
_tile_overlayer_lowered:
.L_overlay_start_2:
0x86: {  	(tag) =	ssettag $0x2  }
0x87: {  	s0 =	rddreg [dreg:$0x0];
	s2 =	stileid.u32  }
0x88: {  	s1 =	rddreg [dreg:$0x1];
	p0 =	sne.s32 s2, $0x0  }
0x89: {  	s3 =	rddreg [dreg:$0x2];
	[bflag:$0x3] =	sbarrier.arrive $0xFFFF;
	s2 =	simm.s32 @!p0 $0x1C01  }
0x8a: {  	[timem:s3], [sflag:s2] =	dma.local @!p0 [hbm:s0], s1  }
0x8b: {  	s0 =	simm.s32 @!p0 $0x1  }
0x8c: {  	_ =	swait.ge @!p0 [sflag:s0], s1  }
0x8d: {  	s1 =	ssub.s32 @!p0 $0x0, s1;
	[sflag:s0] =	ssyncset.done @!p0 $0x0  }
0x8e: {  	[sflag:s0] =	ssyncadd.s32 @!p0 s1  }
0x8f: {  	[bflag:$0x3] =	sbarrier.arrive $0xFFFF  }
0x90: {  	_ =	shalt  }

</sc_bundles>
